<compile_context>
chip_gen: v7x
topology: tpu7x:2x2x1
jax: 0.10.2.dev20260603
libtpu: 0.0.44.dev20260713+nightly
codegen_flags: <defaults>
</compile_context>

<pallas_src>
import functools

import jax
import jax.numpy as jnp
from jax import lax
from jax.experimental import pallas as pl
from jax.experimental.pallas import tpu as pltpu
from jax.experimental.pallas import tpu_sc as plsc

N_NODES = 10000
N_PAD = 10240
E_EDGES = 320000
GRP = 128
NGRP = 79
NWORK = 32
E_PAD = NWORK * NGRP * GRP
ROWS_PER_TILE = N_PAD // 16
H = 64
DEGW = 16

_sc_mesh = plsc.VectorSubcoreMesh(core_axis_name="c", subcore_axis_name="s")
_sc_params = pltpu.CompilerParams(use_tc_tiling_on_sc=False)


def _deg_body(dst_hbm, ones_hbm, zero_hbm, out_hbm, idx_v, ones_v, acc, dsem):
    c = lax.axis_index("c")
    s = lax.axis_index("s")
    wid = c * 16 + s
    rows = pl.ds(s * ROWS_PER_TILE, ROWS_PER_TILE)
    pltpu.sync_copy(zero_hbm.at[rows], acc.at[rows])
    pltpu.sync_copy(ones_hbm, ones_v)
    pltpu.sync_copy(dst_hbm.at[wid], idx_v)
    plsc.subcore_barrier()

    dt = pltpu.make_async_copy(ones_v, acc.at[idx_v.at[0]], dsem)

    def df(j):
        pltpu.async_copy(ones_v, acc.at[idx_v.at[j]], dsem, add=True)

    df(0)
    df(1)
    df(2)
    df(3)

    def body(j, carry):
        dt.wait()
        df(j + 4)
        return carry

    lax.fori_loop(0, NGRP - 4, body, 0)
    dt.wait()
    dt.wait()
    dt.wait()
    dt.wait()
    plsc.subcore_barrier()
    pltpu.sync_copy(acc.at[rows], out_hbm.at[c, rows])


_deg_kernel = functools.partial(
    pl.kernel,
    out_type=jax.ShapeDtypeStruct((2, N_PAD, DEGW), jnp.float32),
    mesh=_sc_mesh,
    scratch_types=[
        pltpu.VMEM((NGRP, GRP), jnp.int32),
        pltpu.VMEM((GRP, DEGW), jnp.float32),
        pltpu.VMEM_SHARED((N_PAD, DEGW), jnp.float32),
        pltpu.SemaphoreType.DMA,
    ],
    compiler_params=_sc_params,
)(_deg_body)


def _agg_body(u_hbm, src_hbm, dst_hbm, zero_hbm, out_hbm,
              idx_s, idx_d, rows_v, acc, gsem, ssem):
    c = lax.axis_index("c")
    s = lax.axis_index("s")
    wid = c * 16 + s
    rows = pl.ds(s * ROWS_PER_TILE, ROWS_PER_TILE)
    pltpu.sync_copy(zero_hbm.at[rows], acc.at[rows])
    pltpu.sync_copy(src_hbm.at[wid], idx_s)
    pltpu.sync_copy(dst_hbm.at[wid], idx_d)
    plsc.subcore_barrier()

    gt = pltpu.make_async_copy(u_hbm.at[idx_s.at[0]], rows_v.at[0], gsem)
    st = pltpu.make_async_copy(rows_v.at[0], acc.at[idx_d.at[0]], ssem)

    def fg(g, b):
        pltpu.async_copy(u_hbm.at[idx_s.at[g]], rows_v.at[b], gsem)

    def sf(g, b):
        pltpu.async_copy(rows_v.at[b], acc.at[idx_d.at[g]], ssem, add=True)

    fg(0, 0)
    fg(1, 1)
    fg(2, 2)
    fg(3, 3)
    gt.wait()
    sf(0, 0)
    gt.wait()
    sf(1, 1)
    st.wait()
    st.wait()
    fg(4, 0)
    fg(5, 1)
    gt.wait()
    sf(2, 2)
    gt.wait()
    sf(3, 3)

    def body(pp, carry):
        g0 = 4 * pp
        st.wait()
        st.wait()
        fg(g0 + 2, 2)
        fg(g0 + 3, 3)
        gt.wait()
        sf(g0, 0)
        gt.wait()
        sf(g0 + 1, 1)
        st.wait()
        st.wait()
        fg(g0 + 4, 0)
        fg(g0 + 5, 1)
        gt.wait()
        sf(g0 + 2, 2)
        gt.wait()
        sf(g0 + 3, 3)
        return carry

    lax.fori_loop(1, 19, body, 0)
    st.wait()
    st.wait()
    fg(78, 2)
    gt.wait()
    sf(76, 0)
    gt.wait()
    sf(77, 1)
    st.wait()
    st.wait()
    gt.wait()
    sf(78, 2)
    st.wait()

    plsc.subcore_barrier()
    pltpu.sync_copy(acc.at[rows], out_hbm.at[c, rows])


_agg_kernel = functools.partial(
    pl.kernel,
    out_type=jax.ShapeDtypeStruct((2, N_PAD, H), jnp.float32),
    mesh=_sc_mesh,
    scratch_types=[
        pltpu.VMEM((NGRP, GRP), jnp.int32),
        pltpu.VMEM((NGRP, GRP), jnp.int32),
        pltpu.VMEM((4, GRP, H), jnp.float32),
        pltpu.VMEM_SHARED((N_PAD, H), jnp.float32),
        pltpu.SemaphoreType.DMA,
        pltpu.SemaphoreType.DMA,
    ],
    compiler_params=_sc_params,
)(_agg_body)


def _dinv_of(degp_blk):
    deg = degp_blk[0, :, 0] + degp_blk[1, :, 0] + 1.0
    return lax.rsqrt(jnp.maximum(deg, 1.0))


def _tc_first_body(x_ref, degp_ref, w_in_ref, b_in_ref, w1_ref, u_ref):
    dinv = _dinv_of(degp_ref[...])
    h = jnp.dot(x_ref[...], w_in_ref[...], preferred_element_type=jnp.float32)
    h = jax.nn.relu(h + b_in_ref[...][None, :])
    u = jnp.dot(h, w1_ref[...], preferred_element_type=jnp.float32)
    u_ref[...] = u * dinv[:, None]


def _layer_norm(t, g, b, eps=1e-5):
    mu = jnp.mean(t, axis=-1, keepdims=True)
    var = jnp.mean((t - mu) ** 2, axis=-1, keepdims=True)
    return (t - mu) * lax.rsqrt(var + eps) * g[None, :] + b[None, :]


def _tc_mid_body(p_ref, u_ref, degp_ref, b_ref, g_ref, be_ref, w_ref,
                 un_ref):
    dinv = _dinv_of(degp_ref[...])
    p = p_ref[...]
    agg = p[0] + p[1] + u_ref[...]
    t = agg * dinv[:, None] + b_ref[...][None, :]
    t = _layer_norm(jax.nn.relu(t), g_ref[...], be_ref[...])
    un = jnp.dot(t, w_ref[...], preferred_element_type=jnp.float32)
    un_ref[...] = un * dinv[:, None]


def _tc_last_body(p_ref, u_ref, degp_ref, b_ref, g_ref, be_ref, w_out_ref,
                  b_out_ref, out_ref):
    dinv = _dinv_of(degp_ref[...])
    p = p_ref[...]
    agg = p[0] + p[1] + u_ref[...]
    t = agg * dinv[:, None] + b_ref[...][None, :]
    t = _layer_norm(jax.nn.relu(t), g_ref[...], be_ref[...])
    out = jnp.dot(t, w_out_ref[...], preferred_element_type=jnp.float32)
    out_ref[...] = out + b_out_ref[...][None, :]


_TCB = 1024
_GRID = (N_PAD // _TCB,)


def _rowblk(width):
    return pl.BlockSpec((_TCB, width), lambda i: (i, 0))


def _degblk():
    return pl.BlockSpec((2, _TCB, DEGW), lambda i: (0, i, 0))


def _pblk():
    return pl.BlockSpec((2, _TCB, H), lambda i: (0, i, 0))


def _full2(a, b):
    return pl.BlockSpec((a, b), lambda i: (0, 0))


def _full1(a):
    return pl.BlockSpec((a,), lambda i: (0,))


def _tc_first(x_pad, degp, w_in, b_in, w1):
    return pl.pallas_call(
        _tc_first_body,
        grid=_GRID,
        in_specs=[_rowblk(128), _degblk(), _full2(128, H), _full1(H),
                  _full2(H, H)],
        out_specs=_rowblk(H),
        out_shape=jax.ShapeDtypeStruct((N_PAD, H), jnp.float32),
    )(x_pad, degp, w_in, b_in, w1)


def _tc_mid(p, u, degp, b, g, be, w_next):
    return pl.pallas_call(
        _tc_mid_body,
        grid=_GRID,
        in_specs=[_pblk(), _rowblk(H), _degblk(), _full1(H), _full1(H),
                  _full1(H), _full2(H, H)],
        out_specs=_rowblk(H),
        out_shape=jax.ShapeDtypeStruct((N_PAD, H), jnp.float32),
    )(p, u, degp, b, g, be, w_next)


def _tc_last(p, u, degp, b, g, be, w_out, b_out):
    return pl.pallas_call(
        _tc_last_body,
        grid=_GRID,
        in_specs=[_pblk(), _rowblk(H), _degblk(), _full1(H), _full1(H),
                  _full1(H), _full2(H, 40), _full1(40)],
        out_specs=_rowblk(40),
        out_shape=jax.ShapeDtypeStruct((N_PAD, 40), jnp.float32),
    )(p, u, degp, b, g, be, w_out, b_out)


def kernel(x, edge_index, batch, W_in, b_in, W1, b1, g1, be1, W2, b2, g2,
           be2, W3, b3, g3, be3, W_out, b_out):
    x_pad = jnp.zeros((N_PAD, 128), jnp.float32).at[:N_NODES].set(x)
    pad_idx = (N_NODES + jnp.arange(E_PAD - E_EDGES, dtype=jnp.int32)
               % (N_PAD - N_NODES))
    src = jnp.concatenate([edge_index[0], pad_idx]).reshape(NWORK, NGRP, GRP)
    dst = jnp.concatenate([edge_index[1], pad_idx]).reshape(NWORK, NGRP, GRP)

    zeros_h = jnp.zeros((N_PAD, H), jnp.float32)
    zeros_d = jnp.zeros((N_PAD, DEGW), jnp.float32)
    ones_d = jnp.ones((GRP, DEGW), jnp.float32)

    degp = _deg_kernel(dst, ones_d, zeros_d)
    u1 = _tc_first(x_pad, degp, W_in, b_in, W1)
    p1 = _agg_kernel(u1, src, dst, zeros_h)
    u2 = _tc_mid(p1, u1, degp, b1, g1, be1, W2)
    p2 = _agg_kernel(u2, src, dst, zeros_h)
    u3 = _tc_mid(p2, u2, degp, b2, g2, be2, W3)
    p3 = _agg_kernel(u3, src, dst, zeros_h)
    out = _tc_last(p3, u3, degp, b3, g3, be3, W_out, b_out)
    return out[:N_NODES]

# --- scband reference (transcript-rebuilt; emitter-appended) ---
"""Pipeline reference for scband-gccn-41016937677374 (READ-ONLY COPY).

The authoritative reference and input builder live on the scoring server;
editing this copy changes nothing except your own understanding.
"""

import jax, jax.numpy as jnp
import numpy as np

N = 10000
E = 320000
D_IN = 128
H = 64
C = 40

def setup_inputs(seed: int = 0) -> dict:
    key = jax.random.key(seed)
    ks = jax.random.split(key, 20)
    inp = {}
    inp['x'] = jax.random.normal(ks[0], (N, D_IN), dtype=jnp.float32)
    inp['edge_index'] = jax.random.randint(ks[1], (2, E), 0, N, dtype=jnp.int32)
    inp['batch'] = jnp.zeros((N,), dtype=jnp.int32)
    def lin(k, fan_in, fan_out):
        return jax.random.normal(k, (fan_in, fan_out), dtype=jnp.float32) * (1.0 / np.sqrt(fan_in))
    inp['W_in'] = lin(ks[2], D_IN, H)
    inp['b_in'] = jnp.zeros((H,), dtype=jnp.float32)
    inp['W1'] = lin(ks[3], H, H)
    inp['b1'] = jnp.zeros((H,), dtype=jnp.float32)
    inp['g1'] = jnp.ones((H,), dtype=jnp.float32)
    inp['be1'] = jnp.zeros((H,), dtype=jnp.float32)
    inp['W2'] = lin(ks[4], H, H)
    inp['b2'] = jnp.zeros((H,), dtype=jnp.float32)
    inp['g2'] = jnp.ones((H,), dtype=jnp.float32)
    inp['be2'] = jnp.zeros((H,), dtype=jnp.float32)
    inp['W3'] = lin(ks[5], H, H)
    inp['b3'] = jnp.zeros((H,), dtype=jnp.float32)
    inp['g3'] = jnp.ones((H,), dtype=jnp.float32)
    inp['be3'] = jnp.zeros((H,), dtype=jnp.float32)
    inp['W_out'] = lin(ks[6], H, C)
    inp['b_out'] = jnp.zeros((C,), dtype=jnp.float32)
    return inp

def layer_norm(x, g, b, eps=1e-5):
    mu = jnp.mean(x, axis=-1, keepdims=True)
    var = jnp.var(x, axis=-1, keepdims=True)
    return (x - mu) / jnp.sqrt(var + eps) * g + b

def gcn_conv(x, edge_index, W, b):
    n = x.shape[0]
    loop = jnp.arange(n, dtype=edge_index.dtype)
    src = jnp.concatenate([edge_index[0], loop])
    dst = jnp.concatenate([edge_index[1], loop])
    h = x @ W
    deg = jnp.zeros((n,), dtype=x.dtype).at[dst].add(1.0)
    dinv = jax.lax.rsqrt(jnp.maximum(deg, 1.0))
    norm = dinv[src] * dinv[dst]
    msg = jnp.take(h, src, axis=0) * norm[:, None]
    return jax.ops.segment_sum(msg, dst, num_segments=n) + b

def reference(x, edge_index, batch, W_in, b_in, W1, b1, g1, be1, W2, b2, g2, be2, W3, b3, g3, be3, W_out, b_out):
    # eval mode: dropout is identity
    h = x @ W_in + b_in
    h = jax.nn.relu(h)
    h = gcn_conv(h, edge_index, W1, b1)
    h = jax.nn.relu(h)
    h = layer_norm(h, g1, be1)
    h = gcn_conv(h, edge_index, W2, b2)
    h = jax.nn.relu(h)
    h = layer_norm(h, g2, be2)
    h = gcn_conv(h, edge_index, W3, b3)
    h = jax.nn.relu(h)
    h = layer_norm(h, g3, be3)
    return h @ W_out + b_out

if __name__ == "__main__":
    import jax
    _d = setup_inputs()
    print(jax.jit(kernel)(*tuple(_d.values())))

</pallas_src>

<mosaic_0001>
#map = affine_map<(d0, d1) -> (0, 0)>
#map1 = affine_map<(d0, d1) -> (0, 0, 0)>
module attributes {stable_mosaic.version = 14 : i64} {
  func.func @_agg_body(%arg0: i32, %arg1: i32, %arg2: memref<10240x64xf32, #tpu.memory_space<hbm>>, %arg3: memref<32x79x128xi32, #tpu.memory_space<hbm>>, %arg4: memref<32x79x128xi32, #tpu.memory_space<hbm>>, %arg5: memref<10240x64xf32, #tpu.memory_space<hbm>>, %arg6: memref<2x10240x64xf32, #tpu.memory_space<hbm>>, %arg7: memref<79x128xi32, #tpu.memory_space<vmem>>, %arg8: memref<79x128xi32, #tpu.memory_space<vmem>>, %arg9: memref<4x128x64xf32, #tpu.memory_space<vmem>>, %arg10: memref<10240x64xf32, #tpu.memory_space<vmem_shared>>, %arg11: memref<!tpu.dma_semaphore, #tpu.memory_space<semaphore_mem>>, %arg12: memref<!tpu.dma_semaphore, #tpu.memory_space<semaphore_mem>>) attributes {dimension_semantics = [#tpu.dimension_semantics<core_parallel>, #tpu.dimension_semantics<subcore_parallel>], iteration_bounds = array<i64: 2, 16>, scalar_prefetch = 0 : i64, scratch_operands = 6 : i64, tpu.core_type = #tpu.core_type<sc_vector_subcore>, window_params = [{transform_indices = #map}, {transform_indices = #map1}, {transform_indices = #map1}, {transform_indices = #map}, {transform_indices = #map1}]} {
    %mul3A = arith.constant 16 : i32
    %mul3A_0 = arith.muli %arg0, %mul3A : i32
    %add3A = arith.addi %mul3A_0, %arg1 : i32
    %mul3A_1 = arith.constant 640 : i32
    %mul3A_2 = arith.muli %arg1, %mul3A_1 : i32
    "tpu.region"() ({
      %run_scoped3A = tpu.sem_alloc : memref<!tpu.dma_semaphore, #tpu.memory_space<semaphore_mem>>
      %dma_start3A_347 = arith.constant 0 : i32
      %dma_start3A_348 = tpu.memref_slice %arg10[%mul3A_2, %dma_start3A_347] : memref<10240x64xf32, #tpu.memory_space<vmem_shared>> -> memref<640x64xf32, #tpu.memory_space<vmem_shared>>
      %dma_start3A_349 = arith.constant 0 : i32
      %dma_start3A_350 = tpu.memref_slice %arg5[%mul3A_2, %dma_start3A_349] : memref<10240x64xf32, #tpu.memory_space<hbm>> -> memref<640x64xf32, #tpu.memory_space<hbm>>
      tpu.enqueue_dma source(%dma_start3A_350 : memref<640x64xf32, #tpu.memory_space<hbm>>) target(%dma_start3A_348 : memref<640x64xf32, #tpu.memory_space<vmem_shared>>) target_semaphore(%run_scoped3A : memref<!tpu.dma_semaphore, #tpu.memory_space<semaphore_mem>>)
      %dma_wait3A_351 = arith.constant 0 : i32
      %dma_wait3A_352 = tpu.memref_slice %arg10[%mul3A_2, %dma_wait3A_351] : memref<10240x64xf32, #tpu.memory_space<vmem_shared>> -> memref<640x64xf32, #tpu.memory_space<vmem_shared>>
      %dma_wait3A_353 = arith.constant 0 : i32
      %dma_wait3A_354 = tpu.memref_slice %arg5[%mul3A_2, %dma_wait3A_353] : memref<10240x64xf32, #tpu.memory_space<hbm>> -> memref<640x64xf32, #tpu.memory_space<hbm>>
      tpu.wait_dma2 semaphore(%run_scoped3A : memref<!tpu.dma_semaphore, #tpu.memory_space<semaphore_mem>>) src(%dma_wait3A_354 : memref<640x64xf32, #tpu.memory_space<hbm>>) dst(%dma_wait3A_352 : memref<640x64xf32, #tpu.memory_space<vmem_shared>>)
      tpu.yield
    }) : () -> ()
    "tpu.region"() ({
      %run_scoped3A = tpu.sem_alloc : memref<!tpu.dma_semaphore, #tpu.memory_space<semaphore_mem>>
      %dma_start3A_347 = arith.constant 0 : i32
      %dma_start3A_348 = arith.constant 0 : i32
      %dma_start3A_349 = tpu.memref_slice %arg3[%add3A, %dma_start3A_347, %dma_start3A_348] : memref<32x79x128xi32, #tpu.memory_space<hbm>> -> memref<1x79x128xi32, #tpu.memory_space<hbm>>
      %dma_start3A_350 = tpu.memref_squeeze %dma_start3A_349 : memref<1x79x128xi32, #tpu.memory_space<hbm>> -> memref<79x128xi32, #tpu.memory_space<hbm>>
      %dma_start3A_351 = arith.constant 0 : i32
      %dma_start3A_352 = arith.constant 0 : i32
      %dma_start3A_353 = tpu.memref_slice %arg3[%add3A, %dma_start3A_351, %dma_start3A_352] : memref<32x79x128xi32, #tpu.memory_space<hbm>> -> memref<1x79x128xi32, #tpu.memory_space<hbm>>
      %dma_start3A_354 = tpu.memref_squeeze %dma_start3A_353 : memref<1x79x128xi32, #tpu.memory_space<hbm>> -> memref<79x128xi32, #tpu.memory_space<hbm>>
      tpu.enqueue_dma source(%dma_start3A_354 : memref<79x128xi32, #tpu.memory_space<hbm>>) target(%arg7 : memref<79x128xi32, #tpu.memory_space<vmem>>) target_semaphore(%run_scoped3A : memref<!tpu.dma_semaphore, #tpu.memory_space<semaphore_mem>>)
      %dma_wait3A_355 = arith.constant 0 : i32
      %dma_wait3A_356 = arith.constant 0 : i32
      %dma_wait3A_357 = tpu.memref_slice %arg3[%add3A, %dma_wait3A_355, %dma_wait3A_356] : memref<32x79x128xi32, #tpu.memory_space<hbm>> -> memref<1x79x128xi32, #tpu.memory_space<hbm>>
      %dma_wait3A_358 = tpu.memref_squeeze %dma_wait3A_357 : memref<1x79x128xi32, #tpu.memory_space<hbm>> -> memref<79x128xi32, #tpu.memory_space<hbm>>
      %dma_wait3A_359 = arith.constant 0 : i32
      %dma_wait3A_360 = arith.constant 0 : i32
      %dma_wait3A_361 = tpu.memref_slice %arg3[%add3A, %dma_wait3A_359, %dma_wait3A_360] : memref<32x79x128xi32, #tpu.memory_space<hbm>> -> memref<1x79x128xi32, #tpu.memory_space<hbm>>
      %dma_wait3A_362 = tpu.memref_squeeze %dma_wait3A_361 : memref<1x79x128xi32, #tpu.memory_space<hbm>> -> memref<79x128xi32, #tpu.memory_space<hbm>>
      tpu.wait_dma2 semaphore(%run_scoped3A : memref<!tpu.dma_semaphore, #tpu.memory_space<semaphore_mem>>) src(%dma_wait3A_362 : memref<79x128xi32, #tpu.memory_space<hbm>>) dst(%arg7 : memref<79x128xi32, #tpu.memory_space<vmem>>)
      tpu.yield
    }) : () -> ()
    "tpu.region"() ({
      %run_scoped3A = tpu.sem_alloc : memref<!tpu.dma_semaphore, #tpu.memory_space<semaphore_mem>>
      %dma_start3A_347 = arith.constant 0 : i32
      %dma_start3A_348 = arith.constant 0 : i32
      %dma_start3A_349 = tpu.memref_slice %arg4[%add3A, %dma_start3A_347, %dma_start3A_348] : memref<32x79x128xi32, #tpu.memory_space<hbm>> -> memref<1x79x128xi32, #tpu.memory_space<hbm>>
      %dma_start3A_350 = tpu.memref_squeeze %dma_start3A_349 : memref<1x79x128xi32, #tpu.memory_space<hbm>> -> memref<79x128xi32, #tpu.memory_space<hbm>>
      %dma_start3A_351 = arith.constant 0 : i32
      %dma_start3A_352 = arith.constant 0 : i32
      %dma_start3A_353 = tpu.memref_slice %arg4[%add3A, %dma_start3A_351, %dma_start3A_352] : memref<32x79x128xi32, #tpu.memory_space<hbm>> -> memref<1x79x128xi32, #tpu.memory_space<hbm>>
      %dma_start3A_354 = tpu.memref_squeeze %dma_start3A_353 : memref<1x79x128xi32, #tpu.memory_space<hbm>> -> memref<79x128xi32, #tpu.memory_space<hbm>>
      tpu.enqueue_dma source(%dma_start3A_354 : memref<79x128xi32, #tpu.memory_space<hbm>>) target(%arg8 : memref<79x128xi32, #tpu.memory_space<vmem>>) target_semaphore(%run_scoped3A : memref<!tpu.dma_semaphore, #tpu.memory_space<semaphore_mem>>)
      %dma_wait3A_355 = arith.constant 0 : i32
      %dma_wait3A_356 = arith.constant 0 : i32
      %dma_wait3A_357 = tpu.memref_slice %arg4[%add3A, %dma_wait3A_355, %dma_wait3A_356] : memref<32x79x128xi32, #tpu.memory_space<hbm>> -> memref<1x79x128xi32, #tpu.memory_space<hbm>>
      %dma_wait3A_358 = tpu.memref_squeeze %dma_wait3A_357 : memref<1x79x128xi32, #tpu.memory_space<hbm>> -> memref<79x128xi32, #tpu.memory_space<hbm>>
      %dma_wait3A_359 = arith.constant 0 : i32
      %dma_wait3A_360 = arith.constant 0 : i32
      %dma_wait3A_361 = tpu.memref_slice %arg4[%add3A, %dma_wait3A_359, %dma_wait3A_360] : memref<32x79x128xi32, #tpu.memory_space<hbm>> -> memref<1x79x128xi32, #tpu.memory_space<hbm>>
      %dma_wait3A_362 = tpu.memref_squeeze %dma_wait3A_361 : memref<1x79x128xi32, #tpu.memory_space<hbm>> -> memref<79x128xi32, #tpu.memory_space<hbm>>
      tpu.wait_dma2 semaphore(%run_scoped3A : memref<!tpu.dma_semaphore, #tpu.memory_space<semaphore_mem>>) src(%dma_wait3A_362 : memref<79x128xi32, #tpu.memory_space<hbm>>) dst(%arg8 : memref<79x128xi32, #tpu.memory_space<vmem>>)
      tpu.yield
    }) : () -> ()
    %barrier3A = arith.constant 0 : index
    tpu.barrier barrier_id(%barrier3A)
    %dma_start3A = arith.constant 0 : i32
    %dma_start3A_3 = arith.constant 0 : i32
    %dma_start3A_4 = arith.constant 0 : i32
    %dma_start3A_5 = arith.constant 0 : i32
    %dma_start3A_6 = tpu.memref_slice %arg9[%dma_start3A_3, %dma_start3A_4, %dma_start3A_5] : memref<4x128x64xf32, #tpu.memory_space<vmem>> -> memref<1x128x64xf32, #tpu.memory_space<vmem>>
    %dma_start3A_7 = tpu.memref_squeeze %dma_start3A_6 : memref<1x128x64xf32, #tpu.memory_space<vmem>> -> memref<128x64xf32, #tpu.memory_space<vmem>>
    %dma_start3A_8 = arith.constant 0 : i32
    %dma_start3A_9 = tpu.memref_slice %arg7[%dma_start3A, %dma_start3A_8] : memref<79x128xi32, #tpu.memory_space<vmem>> -> memref<1x128xi32, #tpu.memory_space<vmem>>
    %dma_start3A_10 = tpu.memref_squeeze %dma_start3A_9 : memref<1x128xi32, #tpu.memory_space<vmem>> -> memref<128xi32, #tpu.memory_space<vmem>>
    %dma_start3A_11 = arith.constant 0 : i32
    %dma_start3A_12 = arith.constant 0 : i32
    %dma_start3A_13 = tpu.memref_slice %arg2[%dma_start3A_11, %dma_start3A_12] : memref<10240x64xf32, #tpu.memory_space<hbm>> -> memref<10240x64xf32, #tpu.memory_space<hbm>>
    tpu.enqueue_indirect_dma source(%dma_start3A_13 : memref<10240x64xf32, #tpu.memory_space<hbm>>) target(%dma_start3A_7 : memref<128x64xf32, #tpu.memory_space<vmem>>) offsets(%dma_start3A_10 : memref<128xi32, #tpu.memory_space<vmem>>) semaphore(%arg11 : memref<!tpu.dma_semaphore, #tpu.memory_space<semaphore_mem>>)
    %dma_start3A_14 = arith.constant 1 : i32
    %dma_start3A_15 = arith.constant 1 : i32
    %dma_start3A_16 = arith.constant 0 : i32
    %dma_start3A_17 = arith.constant 0 : i32
    %dma_start3A_18 = tpu.memref_slice %arg9[%dma_start3A_15, %dma_start3A_16, %dma_start3A_17] : memref<4x128x64xf32, #tpu.memory_space<vmem>> -> memref<1x128x64xf32, #tpu.memory_space<vmem>>
    %dma_start3A_19 = tpu.memref_squeeze %dma_start3A_18 : memref<1x128x64xf32, #tpu.memory_space<vmem>> -> memref<128x64xf32, #tpu.memory_space<vmem>>
    %dma_start3A_20 = arith.constant 0 : i32
    %dma_start3A_21 = tpu.memref_slice %arg7[%dma_start3A_14, %dma_start3A_20] : memref<79x128xi32, #tpu.memory_space<vmem>> -> memref<1x128xi32, #tpu.memory_space<vmem>>
    %dma_start3A_22 = tpu.memref_squeeze %dma_start3A_21 : memref<1x128xi32, #tpu.memory_space<vmem>> -> memref<128xi32, #tpu.memory_space<vmem>>
    %dma_start3A_23 = arith.constant 0 : i32
    %dma_start3A_24 = arith.constant 0 : i32
    %dma_start3A_25 = tpu.memref_slice %arg2[%dma_start3A_23, %dma_start3A_24] : memref<10240x64xf32, #tpu.memory_space<hbm>> -> memref<10240x64xf32, #tpu.memory_space<hbm>>
    tpu.enqueue_indirect_dma source(%dma_start3A_25 : memref<10240x64xf32, #tpu.memory_space<hbm>>) target(%dma_start3A_19 : memref<128x64xf32, #tpu.memory_space<vmem>>) offsets(%dma_start3A_22 : memref<128xi32, #tpu.memory_space<vmem>>) semaphore(%arg11 : memref<!tpu.dma_semaphore, #tpu.memory_space<semaphore_mem>>)
    %dma_start3A_26 = arith.constant 2 : i32
    %dma_start3A_27 = arith.constant 2 : i32
    %dma_start3A_28 = arith.constant 0 : i32
    %dma_start3A_29 = arith.constant 0 : i32
    %dma_start3A_30 = tpu.memref_slice %arg9[%dma_start3A_27, %dma_start3A_28, %dma_start3A_29] : memref<4x128x64xf32, #tpu.memory_space<vmem>> -> memref<1x128x64xf32, #tpu.memory_space<vmem>>
    %dma_start3A_31 = tpu.memref_squeeze %dma_start3A_30 : memref<1x128x64xf32, #tpu.memory_space<vmem>> -> memref<128x64xf32, #tpu.memory_space<vmem>>
    %dma_start3A_32 = arith.constant 0 : i32
    %dma_start3A_33 = tpu.memref_slice %arg7[%dma_start3A_26, %dma_start3A_32] : memref<79x128xi32, #tpu.memory_space<vmem>> -> memref<1x128xi32, #tpu.memory_space<vmem>>
    %dma_start3A_34 = tpu.memref_squeeze %dma_start3A_33 : memref<1x128xi32, #tpu.memory_space<vmem>> -> memref<128xi32, #tpu.memory_space<vmem>>
    %dma_start3A_35 = arith.constant 0 : i32
    %dma_start3A_36 = arith.constant 0 : i32
    %dma_start3A_37 = tpu.memref_slice %arg2[%dma_start3A_35, %dma_start3A_36] : memref<10240x64xf32, #tpu.memory_space<hbm>> -> memref<10240x64xf32, #tpu.memory_space<hbm>>
    tpu.enqueue_indirect_dma source(%dma_start3A_37 : memref<10240x64xf32, #tpu.memory_space<hbm>>) target(%dma_start3A_31 : memref<128x64xf32, #tpu.memory_space<vmem>>) offsets(%dma_start3A_34 : memref<128xi32, #tpu.memory_space<vmem>>) semaphore(%arg11 : memref<!tpu.dma_semaphore, #tpu.memory_space<semaphore_mem>>)
    %dma_start3A_38 = arith.constant 3 : i32
    %dma_start3A_39 = arith.constant 3 : i32
    %dma_start3A_40 = arith.constant 0 : i32
    %dma_start3A_41 = arith.constant 0 : i32
    %dma_start3A_42 = tpu.memref_slice %arg9[%dma_start3A_39, %dma_start3A_40, %dma_start3A_41] : memref<4x128x64xf32, #tpu.memory_space<vmem>> -> memref<1x128x64xf32, #tpu.memory_space<vmem>>
    %dma_start3A_43 = tpu.memref_squeeze %dma_start3A_42 : memref<1x128x64xf32, #tpu.memory_space<vmem>> -> memref<128x64xf32, #tpu.memory_space<vmem>>
    %dma_start3A_44 = arith.constant 0 : i32
    %dma_start3A_45 = tpu.memref_slice %arg7[%dma_start3A_38, %dma_start3A_44] : memref<79x128xi32, #tpu.memory_space<vmem>> -> memref<1x128xi32, #tpu.memory_space<vmem>>
    %dma_start3A_46 = tpu.memref_squeeze %dma_start3A_45 : memref<1x128xi32, #tpu.memory_space<vmem>> -> memref<128xi32, #tpu.memory_space<vmem>>
    %dma_start3A_47 = arith.constant 0 : i32
    %dma_start3A_48 = arith.constant 0 : i32
    %dma_start3A_49 = tpu.memref_slice %arg2[%dma_start3A_47, %dma_start3A_48] : memref<10240x64xf32, #tpu.memory_space<hbm>> -> memref<10240x64xf32, #tpu.memory_space<hbm>>
    tpu.enqueue_indirect_dma source(%dma_start3A_49 : memref<10240x64xf32, #tpu.memory_space<hbm>>) target(%dma_start3A_43 : memref<128x64xf32, #tpu.memory_space<vmem>>) offsets(%dma_start3A_46 : memref<128xi32, #tpu.memory_space<vmem>>) semaphore(%arg11 : memref<!tpu.dma_semaphore, #tpu.memory_space<semaphore_mem>>)
    %dma_wait3A = arith.constant 0 : i32
    %dma_wait3A_50 = arith.constant 0 : i32
    %dma_wait3A_51 = arith.constant 0 : i32
    %dma_wait3A_52 = arith.constant 0 : i32
    %dma_wait3A_53 = tpu.memref_slice %arg9[%dma_wait3A_50, %dma_wait3A_51, %dma_wait3A_52] : memref<4x128x64xf32, #tpu.memory_space<vmem>> -> memref<1x128x64xf32, #tpu.memory_space<vmem>>
    %dma_wait3A_54 = tpu.memref_squeeze %dma_wait3A_53 : memref<1x128x64xf32, #tpu.memory_space<vmem>> -> memref<128x64xf32, #tpu.memory_space<vmem>>
    %dma_wait3A_55 = arith.constant 0 : i32
    %dma_wait3A_56 = tpu.memref_slice %arg7[%dma_wait3A, %dma_wait3A_55] : memref<79x128xi32, #tpu.memory_space<vmem>> -> memref<1x128xi32, #tpu.memory_space<vmem>>
    %dma_wait3A_57 = tpu.memref_squeeze %dma_wait3A_56 : memref<1x128xi32, #tpu.memory_space<vmem>> -> memref<128xi32, #tpu.memory_space<vmem>>
    %dma_wait3A_58 = arith.constant 0 : i32
    %dma_wait3A_59 = arith.constant 0 : i32
    %dma_wait3A_60 = tpu.memref_slice %arg2[%dma_wait3A_58, %dma_wait3A_59] : memref<10240x64xf32, #tpu.memory_space<hbm>> -> memref<10240x64xf32, #tpu.memory_space<hbm>>
    tpu.wait_indirect_dma semaphore(%arg11 : memref<!tpu.dma_semaphore, #tpu.memory_space<semaphore_mem>>) src(%dma_wait3A_60 : memref<10240x64xf32, #tpu.memory_space<hbm>>) dst(%dma_wait3A_54 : memref<128x64xf32, #tpu.memory_space<vmem>>)
    %dma_start3A_61 = arith.constant 0 : i32
    %dma_start3A_62 = arith.constant 0 : i32
    %dma_start3A_63 = arith.constant 0 : i32
    %dma_start3A_64 = arith.constant 0 : i32
    %dma_start3A_65 = tpu.memref_slice %arg9[%dma_start3A_61, %dma_start3A_63, %dma_start3A_64] : memref<4x128x64xf32, #tpu.memory_space<vmem>> -> memref<1x128x64xf32, #tpu.memory_space<vmem>>
    %dma_start3A_66 = tpu.memref_squeeze %dma_start3A_65 : memref<1x128x64xf32, #tpu.memory_space<vmem>> -> memref<128x64xf32, #tpu.memory_space<vmem>>
    %dma_start3A_67 = arith.constant 0 : i32
    %dma_start3A_68 = tpu.memref_slice %arg8[%dma_start3A_62, %dma_start3A_67] : memref<79x128xi32, #tpu.memory_space<vmem>> -> memref<1x128xi32, #tpu.memory_space<vmem>>
    %dma_start3A_69 = tpu.memref_squeeze %dma_start3A_68 : memref<1x128xi32, #tpu.memory_space<vmem>> -> memref<128xi32, #tpu.memory_space<vmem>>
    %dma_start3A_70 = arith.constant 0 : i32
    %dma_start3A_71 = arith.constant 0 : i32
    %dma_start3A_72 = tpu.memref_slice %arg10[%dma_start3A_70, %dma_start3A_71] : memref<10240x64xf32, #tpu.memory_space<vmem_shared>> -> memref<10240x64xf32, #tpu.memory_space<vmem_shared>>
    tpu.enqueue_indirect_dma source(%dma_start3A_66 : memref<128x64xf32, #tpu.memory_space<vmem>>) target(%dma_start3A_72 : memref<10240x64xf32, #tpu.memory_space<vmem_shared>>) offsets(%dma_start3A_69 : memref<128xi32, #tpu.memory_space<vmem>>) semaphore(%arg12 : memref<!tpu.dma_semaphore, #tpu.memory_space<semaphore_mem>>) {add = true}
    %dma_wait3A_73 = arith.constant 0 : i32
    %dma_wait3A_74 = arith.constant 0 : i32
    %dma_wait3A_75 = arith.constant 0 : i32
    %dma_wait3A_76 = arith.constant 0 : i32
    %dma_wait3A_77 = tpu.memref_slice %arg9[%dma_wait3A_74, %dma_wait3A_75, %dma_wait3A_76] : memref<4x128x64xf32, #tpu.memory_space<vmem>> -> memref<1x128x64xf32, #tpu.memory_space<vmem>>
    %dma_wait3A_78 = tpu.memref_squeeze %dma_wait3A_77 : memref<1x128x64xf32, #tpu.memory_space<vmem>> -> memref<128x64xf32, #tpu.memory_space<vmem>>
    %dma_wait3A_79 = arith.constant 0 : i32
    %dma_wait3A_80 = tpu.memref_slice %arg7[%dma_wait3A_73, %dma_wait3A_79] : memref<79x128xi32, #tpu.memory_space<vmem>> -> memref<1x128xi32, #tpu.memory_space<vmem>>
    %dma_wait3A_81 = tpu.memref_squeeze %dma_wait3A_80 : memref<1x128xi32, #tpu.memory_space<vmem>> -> memref<128xi32, #tpu.memory_space<vmem>>
    %dma_wait3A_82 = arith.constant 0 : i32
    %dma_wait3A_83 = arith.constant 0 : i32
    %dma_wait3A_84 = tpu.memref_slice %arg2[%dma_wait3A_82, %dma_wait3A_83] : memref<10240x64xf32, #tpu.memory_space<hbm>> -> memref<10240x64xf32, #tpu.memory_space<hbm>>
    tpu.wait_indirect_dma semaphore(%arg11 : memref<!tpu.dma_semaphore, #tpu.memory_space<semaphore_mem>>) src(%dma_wait3A_84 : memref<10240x64xf32, #tpu.memory_space<hbm>>) dst(%dma_wait3A_78 : memref<128x64xf32, #tpu.memory_space<vmem>>)
    %dma_start3A_85 = arith.constant 1 : i32
    %dma_start3A_86 = arith.constant 1 : i32
    %dma_start3A_87 = arith.constant 0 : i32
    %dma_start3A_88 = arith.constant 0 : i32
    %dma_start3A_89 = tpu.memref_slice %arg9[%dma_start3A_85, %dma_start3A_87, %dma_start3A_88] : memref<4x128x64xf32, #tpu.memory_space<vmem>> -> memref<1x128x64xf32, #tpu.memory_space<vmem>>
    %dma_start3A_90 = tpu.memref_squeeze %dma_start3A_89 : memref<1x128x64xf32, #tpu.memory_space<vmem>> -> memref<128x64xf32, #tpu.memory_space<vmem>>
    %dma_start3A_91 = arith.constant 0 : i32
    %dma_start3A_92 = tpu.memref_slice %arg8[%dma_start3A_86, %dma_start3A_91] : memref<79x128xi32, #tpu.memory_space<vmem>> -> memref<1x128xi32, #tpu.memory_space<vmem>>
    %dma_start3A_93 = tpu.memref_squeeze %dma_start3A_92 : memref<1x128xi32, #tpu.memory_space<vmem>> -> memref<128xi32, #tpu.memory_space<vmem>>
    %dma_start3A_94 = arith.constant 0 : i32
    %dma_start3A_95 = arith.constant 0 : i32
    %dma_start3A_96 = tpu.memref_slice %arg10[%dma_start3A_94, %dma_start3A_95] : memref<10240x64xf32, #tpu.memory_space<vmem_shared>> -> memref<10240x64xf32, #tpu.memory_space<vmem_shared>>
    tpu.enqueue_indirect_dma source(%dma_start3A_90 : memref<128x64xf32, #tpu.memory_space<vmem>>) target(%dma_start3A_96 : memref<10240x64xf32, #tpu.memory_space<vmem_shared>>) offsets(%dma_start3A_93 : memref<128xi32, #tpu.memory_space<vmem>>) semaphore(%arg12 : memref<!tpu.dma_semaphore, #tpu.memory_space<semaphore_mem>>) {add = true}
    %dma_wait3A_97 = arith.constant 0 : i32
    %dma_wait3A_98 = arith.constant 0 : i32
    %dma_wait3A_99 = arith.constant 0 : i32
    %dma_wait3A_100 = arith.constant 0 : i32
    %dma_wait3A_101 = tpu.memref_slice %arg9[%dma_wait3A_97, %dma_wait3A_99, %dma_wait3A_100] : memref<4x128x64xf32, #tpu.memory_space<vmem>> -> memref<1x128x64xf32, #tpu.memory_space<vmem>>
    %dma_wait3A_102 = tpu.memref_squeeze %dma_wait3A_101 : memref<1x128x64xf32, #tpu.memory_space<vmem>> -> memref<128x64xf32, #tpu.memory_space<vmem>>
    %dma_wait3A_103 = arith.constant 0 : i32
    %dma_wait3A_104 = tpu.memref_slice %arg8[%dma_wait3A_98, %dma_wait3A_103] : memref<79x128xi32, #tpu.memory_space<vmem>> -> memref<1x128xi32, #tpu.memory_space<vmem>>
    %dma_wait3A_105 = tpu.memref_squeeze %dma_wait3A_104 : memref<1x128xi32, #tpu.memory_space<vmem>> -> memref<128xi32, #tpu.memory_space<vmem>>
    %dma_wait3A_106 = arith.constant 0 : i32
    %dma_wait3A_107 = arith.constant 0 : i32
    %dma_wait3A_108 = tpu.memref_slice %arg10[%dma_wait3A_106, %dma_wait3A_107] : memref<10240x64xf32, #tpu.memory_space<vmem_shared>> -> memref<10240x64xf32, #tpu.memory_space<vmem_shared>>
    tpu.wait_indirect_dma semaphore(%arg12 : memref<!tpu.dma_semaphore, #tpu.memory_space<semaphore_mem>>) src(%dma_wait3A_102 : memref<128x64xf32, #tpu.memory_space<vmem>>) dst(%dma_wait3A_108 : memref<10240x64xf32, #tpu.memory_space<vmem_shared>>)
    %dma_wait3A_109 = arith.constant 0 : i32
    %dma_wait3A_110 = arith.constant 0 : i32
    %dma_wait3A_111 = arith.constant 0 : i32
    %dma_wait3A_112 = arith.constant 0 : i32
    %dma_wait3A_113 = tpu.memref_slice %arg9[%dma_wait3A_109, %dma_wait3A_111, %dma_wait3A_112] : memref<4x128x64xf32, #tpu.memory_space<vmem>> -> memref<1x128x64xf32, #tpu.memory_space<vmem>>
    %dma_wait3A_114 = tpu.memref_squeeze %dma_wait3A_113 : memref<1x128x64xf32, #tpu.memory_space<vmem>> -> memref<128x64xf32, #tpu.memory_space<vmem>>
    %dma_wait3A_115 = arith.constant 0 : i32
    %dma_wait3A_116 = tpu.memref_slice %arg8[%dma_wait3A_110, %dma_wait3A_115] : memref<79x128xi32, #tpu.memory_space<vmem>> -> memref<1x128xi32, #tpu.memory_space<vmem>>
    %dma_wait3A_117 = tpu.memref_squeeze %dma_wait3A_116 : memref<1x128xi32, #tpu.memory_space<vmem>> -> memref<128xi32, #tpu.memory_space<vmem>>
    %dma_wait3A_118 = arith.constant 0 : i32
    %dma_wait3A_119 = arith.constant 0 : i32
    %dma_wait3A_120 = tpu.memref_slice %arg10[%dma_wait3A_118, %dma_wait3A_119] : memref<10240x64xf32, #tpu.memory_space<vmem_shared>> -> memref<10240x64xf32, #tpu.memory_space<vmem_shared>>
    tpu.wait_indirect_dma semaphore(%arg12 : memref<!tpu.dma_semaphore, #tpu.memory_space<semaphore_mem>>) src(%dma_wait3A_114 : memref<128x64xf32, #tpu.memory_space<vmem>>) dst(%dma_wait3A_120 : memref<10240x64xf32, #tpu.memory_space<vmem_shared>>)
    %dma_start3A_121 = arith.constant 4 : i32
    %dma_start3A_122 = arith.constant 0 : i32
    %dma_start3A_123 = arith.constant 0 : i32
    %dma_start3A_124 = arith.constant 0 : i32
    %dma_start3A_125 = tpu.memref_slice %arg9[%dma_start3A_122, %dma_start3A_123, %dma_start3A_124] : memref<4x128x64xf32, #tpu.memory_space<vmem>> -> memref<1x128x64xf32, #tpu.memory_space<vmem>>
    %dma_start3A_126 = tpu.memref_squeeze %dma_start3A_125 : memref<1x128x64xf32, #tpu.memory_space<vmem>> -> memref<128x64xf32, #tpu.memory_space<vmem>>
    %dma_start3A_127 = arith.constant 0 : i32
    %dma_start3A_128 = tpu.memref_slice %arg7[%dma_start3A_121, %dma_start3A_127] : memref<79x128xi32, #tpu.memory_space<vmem>> -> memref<1x128xi32, #tpu.memory_space<vmem>>
    %dma_start3A_129 = tpu.memref_squeeze %dma_start3A_128 : memref<1x128xi32, #tpu.memory_space<vmem>> -> memref<128xi32, #tpu.memory_space<vmem>>
    %dma_start3A_130 = arith.constant 0 : i32
    %dma_start3A_131 = arith.constant 0 : i32
    %dma_start3A_132 = tpu.memref_slice %arg2[%dma_start3A_130, %dma_start3A_131] : memref<10240x64xf32, #tpu.memory_space<hbm>> -> memref<10240x64xf32, #tpu.memory_space<hbm>>
    tpu.enqueue_indirect_dma source(%dma_start3A_132 : memref<10240x64xf32, #tpu.memory_space<hbm>>) target(%dma_start3A_126 : memref<128x64xf32, #tpu.memory_space<vmem>>) offsets(%dma_start3A_129 : memref<128xi32, #tpu.memory_space<vmem>>) semaphore(%arg11 : memref<!tpu.dma_semaphore, #tpu.memory_space<semaphore_mem>>)
    %dma_start3A_133 = arith.constant 5 : i32
    %dma_start3A_134 = arith.constant 1 : i32
    %dma_start3A_135 = arith.constant 0 : i32
    %dma_start3A_136 = arith.constant 0 : i32
    %dma_start3A_137 = tpu.memref_slice %arg9[%dma_start3A_134, %dma_start3A_135, %dma_start3A_136] : memref<4x128x64xf32, #tpu.memory_space<vmem>> -> memref<1x128x64xf32, #tpu.memory_space<vmem>>
    %dma_start3A_138 = tpu.memref_squeeze %dma_start3A_137 : memref<1x128x64xf32, #tpu.memory_space<vmem>> -> memref<128x64xf32, #tpu.memory_space<vmem>>
    %dma_start3A_139 = arith.constant 0 : i32
    %dma_start3A_140 = tpu.memref_slice %arg7[%dma_start3A_133, %dma_start3A_139] : memref<79x128xi32, #tpu.memory_space<vmem>> -> memref<1x128xi32, #tpu.memory_space<vmem>>
    %dma_start3A_141 = tpu.memref_squeeze %dma_start3A_140 : memref<1x128xi32, #tpu.memory_space<vmem>> -> memref<128xi32, #tpu.memory_space<vmem>>
    %dma_start3A_142 = arith.constant 0 : i32
    %dma_start3A_143 = arith.constant 0 : i32
    %dma_start3A_144 = tpu.memref_slice %arg2[%dma_start3A_142, %dma_start3A_143] : memref<10240x64xf32, #tpu.memory_space<hbm>> -> memref<10240x64xf32, #tpu.memory_space<hbm>>
    tpu.enqueue_indirect_dma source(%dma_start3A_144 : memref<10240x64xf32, #tpu.memory_space<hbm>>) target(%dma_start3A_138 : memref<128x64xf32, #tpu.memory_space<vmem>>) offsets(%dma_start3A_141 : memref<128xi32, #tpu.memory_space<vmem>>) semaphore(%arg11 : memref<!tpu.dma_semaphore, #tpu.memory_space<semaphore_mem>>)
    %dma_wait3A_145 = arith.constant 0 : i32
    %dma_wait3A_146 = arith.constant 0 : i32
    %dma_wait3A_147 = arith.constant 0 : i32
    %dma_wait3A_148 = arith.constant 0 : i32
    %dma_wait3A_149 = tpu.memref_slice %arg9[%dma_wait3A_146, %dma_wait3A_147, %dma_wait3A_148] : memref<4x128x64xf32, #tpu.memory_space<vmem>> -> memref<1x128x64xf32, #tpu.memory_space<vmem>>
    %dma_wait3A_150 = tpu.memref_squeeze %dma_wait3A_149 : memref<1x128x64xf32, #tpu.memory_space<vmem>> -> memref<128x64xf32, #tpu.memory_space<vmem>>
    %dma_wait3A_151 = arith.constant 0 : i32
    %dma_wait3A_152 = tpu.memref_slice %arg7[%dma_wait3A_145, %dma_wait3A_151] : memref<79x128xi32, #tpu.memory_space<vmem>> -> memref<1x128xi32, #tpu.memory_space<vmem>>
    %dma_wait3A_153 = tpu.memref_squeeze %dma_wait3A_152 : memref<1x128xi32, #tpu.memory_space<vmem>> -> memref<128xi32, #tpu.memory_space<vmem>>
    %dma_wait3A_154 = arith.constant 0 : i32
    %dma_wait3A_155 = arith.constant 0 : i32
    %dma_wait3A_156 = tpu.memref_slice %arg2[%dma_wait3A_154, %dma_wait3A_155] : memref<10240x64xf32, #tpu.memory_space<hbm>> -> memref<10240x64xf32, #tpu.memory_space<hbm>>
    tpu.wait_indirect_dma semaphore(%arg11 : memref<!tpu.dma_semaphore, #tpu.memory_space<semaphore_mem>>) src(%dma_wait3A_156 : memref<10240x64xf32, #tpu.memory_space<hbm>>) dst(%dma_wait3A_150 : memref<128x64xf32, #tpu.memory_space<vmem>>)
    %dma_start3A_157 = arith.constant 2 : i32
    %dma_start3A_158 = arith.constant 2 : i32
    %dma_start3A_159 = arith.constant 0 : i32
    %dma_start3A_160 = arith.constant 0 : i32
    %dma_start3A_161 = tpu.memref_slice %arg9[%dma_start3A_157, %dma_start3A_159, %dma_start3A_160] : memref<4x128x64xf32, #tpu.memory_space<vmem>> -> memref<1x128x64xf32, #tpu.memory_space<vmem>>
    %dma_start3A_162 = tpu.memref_squeeze %dma_start3A_161 : memref<1x128x64xf32, #tpu.memory_space<vmem>> -> memref<128x64xf32, #tpu.memory_space<vmem>>
    %dma_start3A_163 = arith.constant 0 : i32
    %dma_start3A_164 = tpu.memref_slice %arg8[%dma_start3A_158, %dma_start3A_163] : memref<79x128xi32, #tpu.memory_space<vmem>> -> memref<1x128xi32, #tpu.memory_space<vmem>>
    %dma_start3A_165 = tpu.memref_squeeze %dma_start3A_164 : memref<1x128xi32, #tpu.memory_space<vmem>> -> memref<128xi32, #tpu.memory_space<vmem>>
    %dma_start3A_166 = arith.constant 0 : i32
    %dma_start3A_167 = arith.constant 0 : i32
    %dma_start3A_168 = tpu.memref_slice %arg10[%dma_start3A_166, %dma_start3A_167] : memref<10240x64xf32, #tpu.memory_space<vmem_shared>> -> memref<10240x64xf32, #tpu.memory_space<vmem_shared>>
    tpu.enqueue_indirect_dma source(%dma_start3A_162 : memref<128x64xf32, #tpu.memory_space<vmem>>) target(%dma_start3A_168 : memref<10240x64xf32, #tpu.memory_space<vmem_shared>>) offsets(%dma_start3A_165 : memref<128xi32, #tpu.memory_space<vmem>>) semaphore(%arg12 : memref<!tpu.dma_semaphore, #tpu.memory_space<semaphore_mem>>) {add = true}
    %dma_wait3A_169 = arith.constant 0 : i32
    %dma_wait3A_170 = arith.constant 0 : i32
    %dma_wait3A_171 = arith.constant 0 : i32
    %dma_wait3A_172 = arith.constant 0 : i32
    %dma_wait3A_173 = tpu.memref_slice %arg9[%dma_wait3A_170, %dma_wait3A_171, %dma_wait3A_172] : memref<4x128x64xf32, #tpu.memory_space<vmem>> -> memref<1x128x64xf32, #tpu.memory_space<vmem>>
    %dma_wait3A_174 = tpu.memref_squeeze %dma_wait3A_173 : memref<1x128x64xf32, #tpu.memory_space<vmem>> -> memref<128x64xf32, #tpu.memory_space<vmem>>
    %dma_wait3A_175 = arith.constant 0 : i32
    %dma_wait3A_176 = tpu.memref_slice %arg7[%dma_wait3A_169, %dma_wait3A_175] : memref<79x128xi32, #tpu.memory_space<vmem>> -> memref<1x128xi32, #tpu.memory_space<vmem>>
    %dma_wait3A_177 = tpu.memref_squeeze %dma_wait3A_176 : memref<1x128xi32, #tpu.memory_space<vmem>> -> memref<128xi32, #tpu.memory_space<vmem>>
    %dma_wait3A_178 = arith.constant 0 : i32
    %dma_wait3A_179 = arith.constant 0 : i32
    %dma_wait3A_180 = tpu.memref_slice %arg2[%dma_wait3A_178, %dma_wait3A_179] : memref<10240x64xf32, #tpu.memory_space<hbm>> -> memref<10240x64xf32, #tpu.memory_space<hbm>>
    tpu.wait_indirect_dma semaphore(%arg11 : memref<!tpu.dma_semaphore, #tpu.memory_space<semaphore_mem>>) src(%dma_wait3A_180 : memref<10240x64xf32, #tpu.memory_space<hbm>>) dst(%dma_wait3A_174 : memref<128x64xf32, #tpu.memory_space<vmem>>)
    %dma_start3A_181 = arith.constant 3 : i32
    %dma_start3A_182 = arith.constant 3 : i32
    %dma_start3A_183 = arith.constant 0 : i32
    %dma_start3A_184 = arith.constant 0 : i32
    %dma_start3A_185 = tpu.memref_slice %arg9[%dma_start3A_181, %dma_start3A_183, %dma_start3A_184] : memref<4x128x64xf32, #tpu.memory_space<vmem>> -> memref<1x128x64xf32, #tpu.memory_space<vmem>>
    %dma_start3A_186 = tpu.memref_squeeze %dma_start3A_185 : memref<1x128x64xf32, #tpu.memory_space<vmem>> -> memref<128x64xf32, #tpu.memory_space<vmem>>
    %dma_start3A_187 = arith.constant 0 : i32
    %dma_start3A_188 = tpu.memref_slice %arg8[%dma_start3A_182, %dma_start3A_187] : memref<79x128xi32, #tpu.memory_space<vmem>> -> memref<1x128xi32, #tpu.memory_space<vmem>>
    %dma_start3A_189 = tpu.memref_squeeze %dma_start3A_188 : memref<1x128xi32, #tpu.memory_space<vmem>> -> memref<128xi32, #tpu.memory_space<vmem>>
    %dma_start3A_190 = arith.constant 0 : i32
    %dma_start3A_191 = arith.constant 0 : i32
    %dma_start3A_192 = tpu.memref_slice %arg10[%dma_start3A_190, %dma_start3A_191] : memref<10240x64xf32, #tpu.memory_space<vmem_shared>> -> memref<10240x64xf32, #tpu.memory_space<vmem_shared>>
    tpu.enqueue_indirect_dma source(%dma_start3A_186 : memref<128x64xf32, #tpu.memory_space<vmem>>) target(%dma_start3A_192 : memref<10240x64xf32, #tpu.memory_space<vmem_shared>>) offsets(%dma_start3A_189 : memref<128xi32, #tpu.memory_space<vmem>>) semaphore(%arg12 : memref<!tpu.dma_semaphore, #tpu.memory_space<semaphore_mem>>) {add = true}
    %scan3A = arith.constant 0 : i32
    %scan3A_193 = arith.constant 0 : i32
    %scan3A_194 = arith.constant 0 : i32
    %scan3A_195 = arith.constant 0 : i32
    %scan3A_196 = arith.constant 0 : i32
    %scan3A_197 = arith.constant 1 : i32
    %scan3A_198 = arith.constant 18 : i32
    %scan3A_199 = arith.addi %scan3A_197, %scan3A_198 : i32
    %scan3A_200 = arith.constant 1 : i32
    scf.for %scan3A_347 = %scan3A_197 to %scan3A_199 step %scan3A_200  : i32 {
      %mul3A_348 = arith.constant 4 : i32
      %mul3A_349 = arith.muli %mul3A_348, %scan3A_347 : i32
      %dma_wait3A_350 = arith.constant 0 : i32
      %dma_wait3A_351 = arith.constant 0 : i32
      %dma_wait3A_352 = tpu.memref_slice %arg9[%scan3A_193, %dma_wait3A_350, %dma_wait3A_351] : memref<4x128x64xf32, #tpu.memory_space<vmem>> -> memref<1x128x64xf32, #tpu.memory_space<vmem>>
      %dma_wait3A_353 = tpu.memref_squeeze %dma_wait3A_352 : memref<1x128x64xf32, #tpu.memory_space<vmem>> -> memref<128x64xf32, #tpu.memory_space<vmem>>
      %dma_wait3A_354 = arith.constant 0 : i32
      %dma_wait3A_355 = tpu.memref_slice %arg8[%scan3A_194, %dma_wait3A_354] : memref<79x128xi32, #tpu.memory_space<vmem>> -> memref<1x128xi32, #tpu.memory_space<vmem>>
      %dma_wait3A_356 = tpu.memref_squeeze %dma_wait3A_355 : memref<1x128xi32, #tpu.memory_space<vmem>> -> memref<128xi32, #tpu.memory_space<vmem>>
      %dma_wait3A_357 = arith.constant 0 : i32
      %dma_wait3A_358 = arith.constant 0 : i32
      %dma_wait3A_359 = tpu.memref_slice %arg10[%dma_wait3A_357, %dma_wait3A_358] : memref<10240x64xf32, #tpu.memory_space<vmem_shared>> -> memref<10240x64xf32, #tpu.memory_space<vmem_shared>>
      tpu.wait_indirect_dma semaphore(%arg12 : memref<!tpu.dma_semaphore, #tpu.memory_space<semaphore_mem>>) src(%dma_wait3A_353 : memref<128x64xf32, #tpu.memory_space<vmem>>) dst(%dma_wait3A_359 : memref<10240x64xf32, #tpu.memory_space<vmem_shared>>)
      %dma_wait3A_360 = arith.constant 0 : i32
      %dma_wait3A_361 = arith.constant 0 : i32
      %dma_wait3A_362 = tpu.memref_slice %arg9[%scan3A_193, %dma_wait3A_360, %dma_wait3A_361] : memref<4x128x64xf32, #tpu.memory_space<vmem>> -> memref<1x128x64xf32, #tpu.memory_space<vmem>>
      %dma_wait3A_363 = tpu.memref_squeeze %dma_wait3A_362 : memref<1x128x64xf32, #tpu.memory_space<vmem>> -> memref<128x64xf32, #tpu.memory_space<vmem>>
      %dma_wait3A_364 = arith.constant 0 : i32
      %dma_wait3A_365 = tpu.memref_slice %arg8[%scan3A_194, %dma_wait3A_364] : memref<79x128xi32, #tpu.memory_space<vmem>> -> memref<1x128xi32, #tpu.memory_space<vmem>>
      %dma_wait3A_366 = tpu.memref_squeeze %dma_wait3A_365 : memref<1x128xi32, #tpu.memory_space<vmem>> -> memref<128xi32, #tpu.memory_space<vmem>>
      %dma_wait3A_367 = arith.constant 0 : i32
      %dma_wait3A_368 = arith.constant 0 : i32
      %dma_wait3A_369 = tpu.memref_slice %arg10[%dma_wait3A_367, %dma_wait3A_368] : memref<10240x64xf32, #tpu.memory_space<vmem_shared>> -> memref<10240x64xf32, #tpu.memory_space<vmem_shared>>
      tpu.wait_indirect_dma semaphore(%arg12 : memref<!tpu.dma_semaphore, #tpu.memory_space<semaphore_mem>>) src(%dma_wait3A_363 : memref<128x64xf32, #tpu.memory_space<vmem>>) dst(%dma_wait3A_369 : memref<10240x64xf32, #tpu.memory_space<vmem_shared>>)
      %add3A_370 = arith.constant 2 : i32
      %add3A_371 = arith.addi %mul3A_349, %add3A_370 : i32
      %dma_start3A_372 = arith.constant 2 : i32
      %dma_start3A_373 = arith.constant 0 : i32
      %dma_start3A_374 = arith.constant 0 : i32
      %dma_start3A_375 = tpu.memref_slice %arg9[%dma_start3A_372, %dma_start3A_373, %dma_start3A_374] : memref<4x128x64xf32, #tpu.memory_space<vmem>> -> memref<1x128x64xf32, #tpu.memory_space<vmem>>
      %dma_start3A_376 = tpu.memref_squeeze %dma_start3A_375 : memref<1x128x64xf32, #tpu.memory_space<vmem>> -> memref<128x64xf32, #tpu.memory_space<vmem>>
      %dma_start3A_377 = arith.constant 0 : i32
      %dma_start3A_378 = tpu.memref_slice %arg7[%add3A_371, %dma_start3A_377] : memref<79x128xi32, #tpu.memory_space<vmem>> -> memref<1x128xi32, #tpu.memory_space<vmem>>
      %dma_start3A_379 = tpu.memref_squeeze %dma_start3A_378 : memref<1x128xi32, #tpu.memory_space<vmem>> -> memref<128xi32, #tpu.memory_space<vmem>>
      %dma_start3A_380 = arith.constant 0 : i32
      %dma_start3A_381 = arith.constant 0 : i32
      %dma_start3A_382 = tpu.memref_slice %arg2[%dma_start3A_380, %dma_start3A_381] : memref<10240x64xf32, #tpu.memory_space<hbm>> -> memref<10240x64xf32, #tpu.memory_space<hbm>>
      tpu.enqueue_indirect_dma source(%dma_start3A_382 : memref<10240x64xf32, #tpu.memory_space<hbm>>) target(%dma_start3A_376 : memref<128x64xf32, #tpu.memory_space<vmem>>) offsets(%dma_start3A_379 : memref<128xi32, #tpu.memory_space<vmem>>) semaphore(%arg11 : memref<!tpu.dma_semaphore, #tpu.memory_space<semaphore_mem>>)
      %add3A_383 = arith.constant 3 : i32
      %add3A_384 = arith.addi %mul3A_349, %add3A_383 : i32
      %dma_start3A_385 = arith.constant 3 : i32
      %dma_start3A_386 = arith.constant 0 : i32
      %dma_start3A_387 = arith.constant 0 : i32
      %dma_start3A_388 = tpu.memref_slice %arg9[%dma_start3A_385, %dma_start3A_386, %dma_start3A_387] : memref<4x128x64xf32, #tpu.memory_space<vmem>> -> memref<1x128x64xf32, #tpu.memory_space<vmem>>
      %dma_start3A_389 = tpu.memref_squeeze %dma_start3A_388 : memref<1x128x64xf32, #tpu.memory_space<vmem>> -> memref<128x64xf32, #tpu.memory_space<vmem>>
      %dma_start3A_390 = arith.constant 0 : i32
      %dma_start3A_391 = tpu.memref_slice %arg7[%add3A_384, %dma_start3A_390] : memref<79x128xi32, #tpu.memory_space<vmem>> -> memref<1x128xi32, #tpu.memory_space<vmem>>
      %dma_start3A_392 = tpu.memref_squeeze %dma_start3A_391 : memref<1x128xi32, #tpu.memory_space<vmem>> -> memref<128xi32, #tpu.memory_space<vmem>>
      %dma_start3A_393 = arith.constant 0 : i32
      %dma_start3A_394 = arith.constant 0 : i32
      %dma_start3A_395 = tpu.memref_slice %arg2[%dma_start3A_393, %dma_start3A_394] : memref<10240x64xf32, #tpu.memory_space<hbm>> -> memref<10240x64xf32, #tpu.memory_space<hbm>>
      tpu.enqueue_indirect_dma source(%dma_start3A_395 : memref<10240x64xf32, #tpu.memory_space<hbm>>) target(%dma_start3A_389 : memref<128x64xf32, #tpu.memory_space<vmem>>) offsets(%dma_start3A_392 : memref<128xi32, #tpu.memory_space<vmem>>) semaphore(%arg11 : memref<!tpu.dma_semaphore, #tpu.memory_space<semaphore_mem>>)
      %dma_wait3A_396 = arith.constant 0 : i32
      %dma_wait3A_397 = arith.constant 0 : i32
      %dma_wait3A_398 = tpu.memref_slice %arg9[%scan3A_196, %dma_wait3A_396, %dma_wait3A_397] : memref<4x128x64xf32, #tpu.memory_space<vmem>> -> memref<1x128x64xf32, #tpu.memory_space<vmem>>
      %dma_wait3A_399 = tpu.memref_squeeze %dma_wait3A_398 : memref<1x128x64xf32, #tpu.memory_space<vmem>> -> memref<128x64xf32, #tpu.memory_space<vmem>>
      %dma_wait3A_400 = arith.constant 0 : i32
      %dma_wait3A_401 = tpu.memref_slice %arg7[%scan3A_195, %dma_wait3A_400] : memref<79x128xi32, #tpu.memory_space<vmem>> -> memref<1x128xi32, #tpu.memory_space<vmem>>
      %dma_wait3A_402 = tpu.memref_squeeze %dma_wait3A_401 : memref<1x128xi32, #tpu.memory_space<vmem>> -> memref<128xi32, #tpu.memory_space<vmem>>
      %dma_wait3A_403 = arith.constant 0 : i32
      %dma_wait3A_404 = arith.constant 0 : i32
      %dma_wait3A_405 = tpu.memref_slice %arg2[%dma_wait3A_403, %dma_wait3A_404] : memref<10240x64xf32, #tpu.memory_space<hbm>> -> memref<10240x64xf32, #tpu.memory_space<hbm>>
      tpu.wait_indirect_dma semaphore(%arg11 : memref<!tpu.dma_semaphore, #tpu.memory_space<semaphore_mem>>) src(%dma_wait3A_405 : memref<10240x64xf32, #tpu.memory_space<hbm>>) dst(%dma_wait3A_399 : memref<128x64xf32, #tpu.memory_space<vmem>>)
      %dma_start3A_406 = arith.constant 0 : i32
      %dma_start3A_407 = arith.constant 0 : i32
      %dma_start3A_408 = arith.constant 0 : i32
      %dma_start3A_409 = tpu.memref_slice %arg9[%dma_start3A_406, %dma_start3A_407, %dma_start3A_408] : memref<4x128x64xf32, #tpu.memory_space<vmem>> -> memref<1x128x64xf32, #tpu.memory_space<vmem>>
      %dma_start3A_410 = tpu.memref_squeeze %dma_start3A_409 : memref<1x128x64xf32, #tpu.memory_space<vmem>> -> memref<128x64xf32, #tpu.memory_space<vmem>>
      %dma_start3A_411 = arith.constant 0 : i32
      %dma_start3A_412 = tpu.memref_slice %arg8[%mul3A_349, %dma_start3A_411] : memref<79x128xi32, #tpu.memory_space<vmem>> -> memref<1x128xi32, #tpu.memory_space<vmem>>
      %dma_start3A_413 = tpu.memref_squeeze %dma_start3A_412 : memref<1x128xi32, #tpu.memory_space<vmem>> -> memref<128xi32, #tpu.memory_space<vmem>>
      %dma_start3A_414 = arith.constant 0 : i32
      %dma_start3A_415 = arith.constant 0 : i32
      %dma_start3A_416 = tpu.memref_slice %arg10[%dma_start3A_414, %dma_start3A_415] : memref<10240x64xf32, #tpu.memory_space<vmem_shared>> -> memref<10240x64xf32, #tpu.memory_space<vmem_shared>>
      tpu.enqueue_indirect_dma source(%dma_start3A_410 : memref<128x64xf32, #tpu.memory_space<vmem>>) target(%dma_start3A_416 : memref<10240x64xf32, #tpu.memory_space<vmem_shared>>) offsets(%dma_start3A_413 : memref<128xi32, #tpu.memory_space<vmem>>) semaphore(%arg12 : memref<!tpu.dma_semaphore, #tpu.memory_space<semaphore_mem>>) {add = true}
      %dma_wait3A_417 = arith.constant 0 : i32
      %dma_wait3A_418 = arith.constant 0 : i32
      %dma_wait3A_419 = tpu.memref_slice %arg9[%scan3A_196, %dma_wait3A_417, %dma_wait3A_418] : memref<4x128x64xf32, #tpu.memory_space<vmem>> -> memref<1x128x64xf32, #tpu.memory_space<vmem>>
      %dma_wait3A_420 = tpu.memref_squeeze %dma_wait3A_419 : memref<1x128x64xf32, #tpu.memory_space<vmem>> -> memref<128x64xf32, #tpu.memory_space<vmem>>
      %dma_wait3A_421 = arith.constant 0 : i32
      %dma_wait3A_422 = tpu.memref_slice %arg7[%scan3A_195, %dma_wait3A_421] : memref<79x128xi32, #tpu.memory_space<vmem>> -> memref<1x128xi32, #tpu.memory_space<vmem>>
      %dma_wait3A_423 = tpu.memref_squeeze %dma_wait3A_422 : memref<1x128xi32, #tpu.memory_space<vmem>> -> memref<128xi32, #tpu.memory_space<vmem>>
      %dma_wait3A_424 = arith.constant 0 : i32
      %dma_wait3A_425 = arith.constant 0 : i32
      %dma_wait3A_426 = tpu.memref_slice %arg2[%dma_wait3A_424, %dma_wait3A_425] : memref<10240x64xf32, #tpu.memory_space<hbm>> -> memref<10240x64xf32, #tpu.memory_space<hbm>>
      tpu.wait_indirect_dma semaphore(%arg11 : memref<!tpu.dma_semaphore, #tpu.memory_space<semaphore_mem>>) src(%dma_wait3A_426 : memref<10240x64xf32, #tpu.memory_space<hbm>>) dst(%dma_wait3A_420 : memref<128x64xf32, #tpu.memory_space<vmem>>)
      %add3A_427 = arith.constant 1 : i32
      %add3A_428 = arith.addi %mul3A_349, %add3A_427 : i32
      %dma_start3A_429 = arith.constant 1 : i32
      %dma_start3A_430 = arith.constant 0 : i32
      %dma_start3A_431 = arith.constant 0 : i32
      %dma_start3A_432 = tpu.memref_slice %arg9[%dma_start3A_429, %dma_start3A_430, %dma_start3A_431] : memref<4x128x64xf32, #tpu.memory_space<vmem>> -> memref<1x128x64xf32, #tpu.memory_space<vmem>>
      %dma_start3A_433 = tpu.memref_squeeze %dma_start3A_432 : memref<1x128x64xf32, #tpu.memory_space<vmem>> -> memref<128x64xf32, #tpu.memory_space<vmem>>
      %dma_start3A_434 = arith.constant 0 : i32
      %dma_start3A_435 = tpu.memref_slice %arg8[%add3A_428, %dma_start3A_434] : memref<79x128xi32, #tpu.memory_space<vmem>> -> memref<1x128xi32, #tpu.memory_space<vmem>>
      %dma_start3A_436 = tpu.memref_squeeze %dma_start3A_435 : memref<1x128xi32, #tpu.memory_space<vmem>> -> memref<128xi32, #tpu.memory_space<vmem>>
      %dma_start3A_437 = arith.constant 0 : i32
      %dma_start3A_438 = arith.constant 0 : i32
      %dma_start3A_439 = tpu.memref_slice %arg10[%dma_start3A_437, %dma_start3A_438] : memref<10240x64xf32, #tpu.memory_space<vmem_shared>> -> memref<10240x64xf32, #tpu.memory_space<vmem_shared>>
      tpu.enqueue_indirect_dma source(%dma_start3A_433 : memref<128x64xf32, #tpu.memory_space<vmem>>) target(%dma_start3A_439 : memref<10240x64xf32, #tpu.memory_space<vmem_shared>>) offsets(%dma_start3A_436 : memref<128xi32, #tpu.memory_space<vmem>>) semaphore(%arg12 : memref<!tpu.dma_semaphore, #tpu.memory_space<semaphore_mem>>) {add = true}
      %dma_wait3A_440 = arith.constant 0 : i32
      %dma_wait3A_441 = arith.constant 0 : i32
      %dma_wait3A_442 = tpu.memref_slice %arg9[%scan3A_193, %dma_wait3A_440, %dma_wait3A_441] : memref<4x128x64xf32, #tpu.memory_space<vmem>> -> memref<1x128x64xf32, #tpu.memory_space<vmem>>
      %dma_wait3A_443 = tpu.memref_squeeze %dma_wait3A_442 : memref<1x128x64xf32, #tpu.memory_space<vmem>> -> memref<128x64xf32, #tpu.memory_space<vmem>>
      %dma_wait3A_444 = arith.constant 0 : i32
      %dma_wait3A_445 = tpu.memref_slice %arg8[%scan3A_194, %dma_wait3A_444] : memref<79x128xi32, #tpu.memory_space<vmem>> -> memref<1x128xi32, #tpu.memory_space<vmem>>
      %dma_wait3A_446 = tpu.memref_squeeze %dma_wait3A_445 : memref<1x128xi32, #tpu.memory_space<vmem>> -> memref<128xi32, #tpu.memory_space<vmem>>
      %dma_wait3A_447 = arith.constant 0 : i32
      %dma_wait3A_448 = arith.constant 0 : i32
      %dma_wait3A_449 = tpu.memref_slice %arg10[%dma_wait3A_447, %dma_wait3A_448] : memref<10240x64xf32, #tpu.memory_space<vmem_shared>> -> memref<10240x64xf32, #tpu.memory_space<vmem_shared>>
      tpu.wait_indirect_dma semaphore(%arg12 : memref<!tpu.dma_semaphore, #tpu.memory_space<semaphore_mem>>) src(%dma_wait3A_443 : memref<128x64xf32, #tpu.memory_space<vmem>>) dst(%dma_wait3A_449 : memref<10240x64xf32, #tpu.memory_space<vmem_shared>>)
      %dma_wait3A_450 = arith.constant 0 : i32
      %dma_wait3A_451 = arith.constant 0 : i32
      %dma_wait3A_452 = tpu.memref_slice %arg9[%scan3A_193, %dma_wait3A_450, %dma_wait3A_451] : memref<4x128x64xf32, #tpu.memory_space<vmem>> -> memref<1x128x64xf32, #tpu.memory_space<vmem>>
      %dma_wait3A_453 = tpu.memref_squeeze %dma_wait3A_452 : memref<1x128x64xf32, #tpu.memory_space<vmem>> -> memref<128x64xf32, #tpu.memory_space<vmem>>
      %dma_wait3A_454 = arith.constant 0 : i32
      %dma_wait3A_455 = tpu.memref_slice %arg8[%scan3A_194, %dma_wait3A_454] : memref<79x128xi32, #tpu.memory_space<vmem>> -> memref<1x128xi32, #tpu.memory_space<vmem>>
      %dma_wait3A_456 = tpu.memref_squeeze %dma_wait3A_455 : memref<1x128xi32, #tpu.memory_space<vmem>> -> memref<128xi32, #tpu.memory_space<vmem>>
      %dma_wait3A_457 = arith.constant 0 : i32
      %dma_wait3A_458 = arith.constant 0 : i32
      %dma_wait3A_459 = tpu.memref_slice %arg10[%dma_wait3A_457, %dma_wait3A_458] : memref<10240x64xf32, #tpu.memory_space<vmem_shared>> -> memref<10240x64xf32, #tpu.memory_space<vmem_shared>>
      tpu.wait_indirect_dma semaphore(%arg12 : memref<!tpu.dma_semaphore, #tpu.memory_space<semaphore_mem>>) src(%dma_wait3A_453 : memref<128x64xf32, #tpu.memory_space<vmem>>) dst(%dma_wait3A_459 : memref<10240x64xf32, #tpu.memory_space<vmem_shared>>)
      %add3A_460 = arith.constant 4 : i32
      %add3A_461 = arith.addi %mul3A_349, %add3A_460 : i32
      %dma_start3A_462 = arith.constant 0 : i32
      %dma_start3A_463 = arith.constant 0 : i32
      %dma_start3A_464 = arith.constant 0 : i32
      %dma_start3A_465 = tpu.memref_slice %arg9[%dma_start3A_462, %dma_start3A_463, %dma_start3A_464] : memref<4x128x64xf32, #tpu.memory_space<vmem>> -> memref<1x128x64xf32, #tpu.memory_space<vmem>>
      %dma_start3A_466 = tpu.memref_squeeze %dma_start3A_465 : memref<1x128x64xf32, #tpu.memory_space<vmem>> -> memref<128x64xf32, #tpu.memory_space<vmem>>
      %dma_start3A_467 = arith.constant 0 : i32
      %dma_start3A_468 = tpu.memref_slice %arg7[%add3A_461, %dma_start3A_467] : memref<79x128xi32, #tpu.memory_space<vmem>> -> memref<1x128xi32, #tpu.memory_space<vmem>>
      %dma_start3A_469 = tpu.memref_squeeze %dma_start3A_468 : memref<1x128xi32, #tpu.memory_space<vmem>> -> memref<128xi32, #tpu.memory_space<vmem>>
      %dma_start3A_470 = arith.constant 0 : i32
      %dma_start3A_471 = arith.constant 0 : i32
      %dma_start3A_472 = tpu.memref_slice %arg2[%dma_start3A_470, %dma_start3A_471] : memref<10240x64xf32, #tpu.memory_space<hbm>> -> memref<10240x64xf32, #tpu.memory_space<hbm>>
      tpu.enqueue_indirect_dma source(%dma_start3A_472 : memref<10240x64xf32, #tpu.memory_space<hbm>>) target(%dma_start3A_466 : memref<128x64xf32, #tpu.memory_space<vmem>>) offsets(%dma_start3A_469 : memref<128xi32, #tpu.memory_space<vmem>>) semaphore(%arg11 : memref<!tpu.dma_semaphore, #tpu.memory_space<semaphore_mem>>)
      %add3A_473 = arith.constant 5 : i32
      %add3A_474 = arith.addi %mul3A_349, %add3A_473 : i32
      %dma_start3A_475 = arith.constant 1 : i32
      %dma_start3A_476 = arith.constant 0 : i32
      %dma_start3A_477 = arith.constant 0 : i32
      %dma_start3A_478 = tpu.memref_slice %arg9[%dma_start3A_475, %dma_start3A_476, %dma_start3A_477] : memref<4x128x64xf32, #tpu.memory_space<vmem>> -> memref<1x128x64xf32, #tpu.memory_space<vmem>>
      %dma_start3A_479 = tpu.memref_squeeze %dma_start3A_478 : memref<1x128x64xf32, #tpu.memory_space<vmem>> -> memref<128x64xf32, #tpu.memory_space<vmem>>
      %dma_start3A_480 = arith.constant 0 : i32
      %dma_start3A_481 = tpu.memref_slice %arg7[%add3A_474, %dma_start3A_480] : memref<79x128xi32, #tpu.memory_space<vmem>> -> memref<1x128xi32, #tpu.memory_space<vmem>>
      %dma_start3A_482 = tpu.memref_squeeze %dma_start3A_481 : memref<1x128xi32, #tpu.memory_space<vmem>> -> memref<128xi32, #tpu.memory_space<vmem>>
      %dma_start3A_483 = arith.constant 0 : i32
      %dma_start3A_484 = arith.constant 0 : i32
      %dma_start3A_485 = tpu.memref_slice %arg2[%dma_start3A_483, %dma_start3A_484] : memref<10240x64xf32, #tpu.memory_space<hbm>> -> memref<10240x64xf32, #tpu.memory_space<hbm>>
      tpu.enqueue_indirect_dma source(%dma_start3A_485 : memref<10240x64xf32, #tpu.memory_space<hbm>>) target(%dma_start3A_479 : memref<128x64xf32, #tpu.memory_space<vmem>>) offsets(%dma_start3A_482 : memref<128xi32, #tpu.memory_space<vmem>>) semaphore(%arg11 : memref<!tpu.dma_semaphore, #tpu.memory_space<semaphore_mem>>)
      %dma_wait3A_486 = arith.constant 0 : i32
      %dma_wait3A_487 = arith.constant 0 : i32
      %dma_wait3A_488 = tpu.memref_slice %arg9[%scan3A_196, %dma_wait3A_486, %dma_wait3A_487] : memref<4x128x64xf32, #tpu.memory_space<vmem>> -> memref<1x128x64xf32, #tpu.memory_space<vmem>>
      %dma_wait3A_489 = tpu.memref_squeeze %dma_wait3A_488 : memref<1x128x64xf32, #tpu.memory_space<vmem>> -> memref<128x64xf32, #tpu.memory_space<vmem>>
      %dma_wait3A_490 = arith.constant 0 : i32
      %dma_wait3A_491 = tpu.memref_slice %arg7[%scan3A_195, %dma_wait3A_490] : memref<79x128xi32, #tpu.memory_space<vmem>> -> memref<1x128xi32, #tpu.memory_space<vmem>>
      %dma_wait3A_492 = tpu.memref_squeeze %dma_wait3A_491 : memref<1x128xi32, #tpu.memory_space<vmem>> -> memref<128xi32, #tpu.memory_space<vmem>>
      %dma_wait3A_493 = arith.constant 0 : i32
      %dma_wait3A_494 = arith.constant 0 : i32
      %dma_wait3A_495 = tpu.memref_slice %arg2[%dma_wait3A_493, %dma_wait3A_494] : memref<10240x64xf32, #tpu.memory_space<hbm>> -> memref<10240x64xf32, #tpu.memory_space<hbm>>
      tpu.wait_indirect_dma semaphore(%arg11 : memref<!tpu.dma_semaphore, #tpu.memory_space<semaphore_mem>>) src(%dma_wait3A_495 : memref<10240x64xf32, #tpu.memory_space<hbm>>) dst(%dma_wait3A_489 : memref<128x64xf32, #tpu.memory_space<vmem>>)
      %add3A_496 = arith.constant 2 : i32
      %add3A_497 = arith.addi %mul3A_349, %add3A_496 : i32
      %dma_start3A_498 = arith.constant 2 : i32
      %dma_start3A_499 = arith.constant 0 : i32
      %dma_start3A_500 = arith.constant 0 : i32
      %dma_start3A_501 = tpu.memref_slice %arg9[%dma_start3A_498, %dma_start3A_499, %dma_start3A_500] : memref<4x128x64xf32, #tpu.memory_space<vmem>> -> memref<1x128x64xf32, #tpu.memory_space<vmem>>
      %dma_start3A_502 = tpu.memref_squeeze %dma_start3A_501 : memref<1x128x64xf32, #tpu.memory_space<vmem>> -> memref<128x64xf32, #tpu.memory_space<vmem>>
      %dma_start3A_503 = arith.constant 0 : i32
      %dma_start3A_504 = tpu.memref_slice %arg8[%add3A_497, %dma_start3A_503] : memref<79x128xi32, #tpu.memory_space<vmem>> -> memref<1x128xi32, #tpu.memory_space<vmem>>
      %dma_start3A_505 = tpu.memref_squeeze %dma_start3A_504 : memref<1x128xi32, #tpu.memory_space<vmem>> -> memref<128xi32, #tpu.memory_space<vmem>>
      %dma_start3A_506 = arith.constant 0 : i32
      %dma_start3A_507 = arith.constant 0 : i32
      %dma_start3A_508 = tpu.memref_slice %arg10[%dma_start3A_506, %dma_start3A_507] : memref<10240x64xf32, #tpu.memory_space<vmem_shared>> -> memref<10240x64xf32, #tpu.memory_space<vmem_shared>>
      tpu.enqueue_indirect_dma source(%dma_start3A_502 : memref<128x64xf32, #tpu.memory_space<vmem>>) target(%dma_start3A_508 : memref<10240x64xf32, #tpu.memory_space<vmem_shared>>) offsets(%dma_start3A_505 : memref<128xi32, #tpu.memory_space<vmem>>) semaphore(%arg12 : memref<!tpu.dma_semaphore, #tpu.memory_space<semaphore_mem>>) {add = true}
      %dma_wait3A_509 = arith.constant 0 : i32
      %dma_wait3A_510 = arith.constant 0 : i32
      %dma_wait3A_511 = tpu.memref_slice %arg9[%scan3A_196, %dma_wait3A_509, %dma_wait3A_510] : memref<4x128x64xf32, #tpu.memory_space<vmem>> -> memref<1x128x64xf32, #tpu.memory_space<vmem>>
      %dma_wait3A_512 = tpu.memref_squeeze %dma_wait3A_511 : memref<1x128x64xf32, #tpu.memory_space<vmem>> -> memref<128x64xf32, #tpu.memory_space<vmem>>
      %dma_wait3A_513 = arith.constant 0 : i32
      %dma_wait3A_514 = tpu.memref_slice %arg7[%scan3A_195, %dma_wait3A_513] : memref<79x128xi32, #tpu.memory_space<vmem>> -> memref<1x128xi32, #tpu.memory_space<vmem>>
      %dma_wait3A_515 = tpu.memref_squeeze %dma_wait3A_514 : memref<1x128xi32, #tpu.memory_space<vmem>> -> memref<128xi32, #tpu.memory_space<vmem>>
      %dma_wait3A_516 = arith.constant 0 : i32
      %dma_wait3A_517 = arith.constant 0 : i32
      %dma_wait3A_518 = tpu.memref_slice %arg2[%dma_wait3A_516, %dma_wait3A_517] : memref<10240x64xf32, #tpu.memory_space<hbm>> -> memref<10240x64xf32, #tpu.memory_space<hbm>>
      tpu.wait_indirect_dma semaphore(%arg11 : memref<!tpu.dma_semaphore, #tpu.memory_space<semaphore_mem>>) src(%dma_wait3A_518 : memref<10240x64xf32, #tpu.memory_space<hbm>>) dst(%dma_wait3A_512 : memref<128x64xf32, #tpu.memory_space<vmem>>)
      %add3A_519 = arith.constant 3 : i32
      %add3A_520 = arith.addi %mul3A_349, %add3A_519 : i32
      %dma_start3A_521 = arith.constant 3 : i32
      %dma_start3A_522 = arith.constant 0 : i32
      %dma_start3A_523 = arith.constant 0 : i32
      %dma_start3A_524 = tpu.memref_slice %arg9[%dma_start3A_521, %dma_start3A_522, %dma_start3A_523] : memref<4x128x64xf32, #tpu.memory_space<vmem>> -> memref<1x128x64xf32, #tpu.memory_space<vmem>>
      %dma_start3A_525 = tpu.memref_squeeze %dma_start3A_524 : memref<1x128x64xf32, #tpu.memory_space<vmem>> -> memref<128x64xf32, #tpu.memory_space<vmem>>
      %dma_start3A_526 = arith.constant 0 : i32
      %dma_start3A_527 = tpu.memref_slice %arg8[%add3A_520, %dma_start3A_526] : memref<79x128xi32, #tpu.memory_space<vmem>> -> memref<1x128xi32, #tpu.memory_space<vmem>>
      %dma_start3A_528 = tpu.memref_squeeze %dma_start3A_527 : memref<1x128xi32, #tpu.memory_space<vmem>> -> memref<128xi32, #tpu.memory_space<vmem>>
      %dma_start3A_529 = arith.constant 0 : i32
      %dma_start3A_530 = arith.constant 0 : i32
      %dma_start3A_531 = tpu.memref_slice %arg10[%dma_start3A_529, %dma_start3A_530] : memref<10240x64xf32, #tpu.memory_space<vmem_shared>> -> memref<10240x64xf32, #tpu.memory_space<vmem_shared>>
      tpu.enqueue_indirect_dma source(%dma_start3A_525 : memref<128x64xf32, #tpu.memory_space<vmem>>) target(%dma_start3A_531 : memref<10240x64xf32, #tpu.memory_space<vmem_shared>>) offsets(%dma_start3A_528 : memref<128xi32, #tpu.memory_space<vmem>>) semaphore(%arg12 : memref<!tpu.dma_semaphore, #tpu.memory_space<semaphore_mem>>) {add = true}
    }
    %scan3A_201 = arith.constant 18 : i32
    %dma_wait3A_202 = arith.constant 0 : i32
    %dma_wait3A_203 = arith.constant 0 : i32
    %dma_wait3A_204 = arith.constant 0 : i32
    %dma_wait3A_205 = arith.constant 0 : i32
    %dma_wait3A_206 = tpu.memref_slice %arg9[%dma_wait3A_202, %dma_wait3A_204, %dma_wait3A_205] : memref<4x128x64xf32, #tpu.memory_space<vmem>> -> memref<1x128x64xf32, #tpu.memory_space<vmem>>
    %dma_wait3A_207 = tpu.memref_squeeze %dma_wait3A_206 : memref<1x128x64xf32, #tpu.memory_space<vmem>> -> memref<128x64xf32, #tpu.memory_space<vmem>>
    %dma_wait3A_208 = arith.constant 0 : i32
    %dma_wait3A_209 = tpu.memref_slice %arg8[%dma_wait3A_203, %dma_wait3A_208] : memref<79x128xi32, #tpu.memory_space<vmem>> -> memref<1x128xi32, #tpu.memory_space<vmem>>
    %dma_wait3A_210 = tpu.memref_squeeze %dma_wait3A_209 : memref<1x128xi32, #tpu.memory_space<vmem>> -> memref<128xi32, #tpu.memory_space<vmem>>
    %dma_wait3A_211 = arith.constant 0 : i32
    %dma_wait3A_212 = arith.constant 0 : i32
    %dma_wait3A_213 = tpu.memref_slice %arg10[%dma_wait3A_211, %dma_wait3A_212] : memref<10240x64xf32, #tpu.memory_space<vmem_shared>> -> memref<10240x64xf32, #tpu.memory_space<vmem_shared>>
    tpu.wait_indirect_dma semaphore(%arg12 : memref<!tpu.dma_semaphore, #tpu.memory_space<semaphore_mem>>) src(%dma_wait3A_207 : memref<128x64xf32, #tpu.memory_space<vmem>>) dst(%dma_wait3A_213 : memref<10240x64xf32, #tpu.memory_space<vmem_shared>>)
    %dma_wait3A_214 = arith.constant 0 : i32
    %dma_wait3A_215 = arith.constant 0 : i32
    %dma_wait3A_216 = arith.constant 0 : i32
    %dma_wait3A_217 = arith.constant 0 : i32
    %dma_wait3A_218 = tpu.memref_slice %arg9[%dma_wait3A_214, %dma_wait3A_216, %dma_wait3A_217] : memref<4x128x64xf32, #tpu.memory_space<vmem>> -> memref<1x128x64xf32, #tpu.memory_space<vmem>>
    %dma_wait3A_219 = tpu.memref_squeeze %dma_wait3A_218 : memref<1x128x64xf32, #tpu.memory_space<vmem>> -> memref<128x64xf32, #tpu.memory_space<vmem>>
    %dma_wait3A_220 = arith.constant 0 : i32
    %dma_wait3A_221 = tpu.memref_slice %arg8[%dma_wait3A_215, %dma_wait3A_220] : memref<79x128xi32, #tpu.memory_space<vmem>> -> memref<1x128xi32, #tpu.memory_space<vmem>>
    %dma_wait3A_222 = tpu.memref_squeeze %dma_wait3A_221 : memref<1x128xi32, #tpu.memory_space<vmem>> -> memref<128xi32, #tpu.memory_space<vmem>>
    %dma_wait3A_223 = arith.constant 0 : i32
    %dma_wait3A_224 = arith.constant 0 : i32
    %dma_wait3A_225 = tpu.memref_slice %arg10[%dma_wait3A_223, %dma_wait3A_224] : memref<10240x64xf32, #tpu.memory_space<vmem_shared>> -> memref<10240x64xf32, #tpu.memory_space<vmem_shared>>
    tpu.wait_indirect_dma semaphore(%arg12 : memref<!tpu.dma_semaphore, #tpu.memory_space<semaphore_mem>>) src(%dma_wait3A_219 : memref<128x64xf32, #tpu.memory_space<vmem>>) dst(%dma_wait3A_225 : memref<10240x64xf32, #tpu.memory_space<vmem_shared>>)
    %dma_start3A_226 = arith.constant 78 : i32
    %dma_start3A_227 = arith.constant 2 : i32
    %dma_start3A_228 = arith.constant 0 : i32
    %dma_start3A_229 = arith.constant 0 : i32
    %dma_start3A_230 = tpu.memref_slice %arg9[%dma_start3A_227, %dma_start3A_228, %dma_start3A_229] : memref<4x128x64xf32, #tpu.memory_space<vmem>> -> memref<1x128x64xf32, #tpu.memory_space<vmem>>
    %dma_start3A_231 = tpu.memref_squeeze %dma_start3A_230 : memref<1x128x64xf32, #tpu.memory_space<vmem>> -> memref<128x64xf32, #tpu.memory_space<vmem>>
    %dma_start3A_232 = arith.constant 0 : i32
    %dma_start3A_233 = tpu.memref_slice %arg7[%dma_start3A_226, %dma_start3A_232] : memref<79x128xi32, #tpu.memory_space<vmem>> -> memref<1x128xi32, #tpu.memory_space<vmem>>
    %dma_start3A_234 = tpu.memref_squeeze %dma_start3A_233 : memref<1x128xi32, #tpu.memory_space<vmem>> -> memref<128xi32, #tpu.memory_space<vmem>>
    %dma_start3A_235 = arith.constant 0 : i32
    %dma_start3A_236 = arith.constant 0 : i32
    %dma_start3A_237 = tpu.memref_slice %arg2[%dma_start3A_235, %dma_start3A_236] : memref<10240x64xf32, #tpu.memory_space<hbm>> -> memref<10240x64xf32, #tpu.memory_space<hbm>>
    tpu.enqueue_indirect_dma source(%dma_start3A_237 : memref<10240x64xf32, #tpu.memory_space<hbm>>) target(%dma_start3A_231 : memref<128x64xf32, #tpu.memory_space<vmem>>) offsets(%dma_start3A_234 : memref<128xi32, #tpu.memory_space<vmem>>) semaphore(%arg11 : memref<!tpu.dma_semaphore, #tpu.memory_space<semaphore_mem>>)
    %dma_wait3A_238 = arith.constant 0 : i32
    %dma_wait3A_239 = arith.constant 0 : i32
    %dma_wait3A_240 = arith.constant 0 : i32
    %dma_wait3A_241 = arith.constant 0 : i32
    %dma_wait3A_242 = tpu.memref_slice %arg9[%dma_wait3A_239, %dma_wait3A_240, %dma_wait3A_241] : memref<4x128x64xf32, #tpu.memory_space<vmem>> -> memref<1x128x64xf32, #tpu.memory_space<vmem>>
    %dma_wait3A_243 = tpu.memref_squeeze %dma_wait3A_242 : memref<1x128x64xf32, #tpu.memory_space<vmem>> -> memref<128x64xf32, #tpu.memory_space<vmem>>
    %dma_wait3A_244 = arith.constant 0 : i32
    %dma_wait3A_245 = tpu.memref_slice %arg7[%dma_wait3A_238, %dma_wait3A_244] : memref<79x128xi32, #tpu.memory_space<vmem>> -> memref<1x128xi32, #tpu.memory_space<vmem>>
    %dma_wait3A_246 = tpu.memref_squeeze %dma_wait3A_245 : memref<1x128xi32, #tpu.memory_space<vmem>> -> memref<128xi32, #tpu.memory_space<vmem>>
    %dma_wait3A_247 = arith.constant 0 : i32
    %dma_wait3A_248 = arith.constant 0 : i32
    %dma_wait3A_249 = tpu.memref_slice %arg2[%dma_wait3A_247, %dma_wait3A_248] : memref<10240x64xf32, #tpu.memory_space<hbm>> -> memref<10240x64xf32, #tpu.memory_space<hbm>>
    tpu.wait_indirect_dma semaphore(%arg11 : memref<!tpu.dma_semaphore, #tpu.memory_space<semaphore_mem>>) src(%dma_wait3A_249 : memref<10240x64xf32, #tpu.memory_space<hbm>>) dst(%dma_wait3A_243 : memref<128x64xf32, #tpu.memory_space<vmem>>)
    %dma_start3A_250 = arith.constant 0 : i32
    %dma_start3A_251 = arith.constant 76 : i32
    %dma_start3A_252 = arith.constant 0 : i32
    %dma_start3A_253 = arith.constant 0 : i32
    %dma_start3A_254 = tpu.memref_slice %arg9[%dma_start3A_250, %dma_start3A_252, %dma_start3A_253] : memref<4x128x64xf32, #tpu.memory_space<vmem>> -> memref<1x128x64xf32, #tpu.memory_space<vmem>>
    %dma_start3A_255 = tpu.memref_squeeze %dma_start3A_254 : memref<1x128x64xf32, #tpu.memory_space<vmem>> -> memref<128x64xf32, #tpu.memory_space<vmem>>
    %dma_start3A_256 = arith.constant 0 : i32
    %dma_start3A_257 = tpu.memref_slice %arg8[%dma_start3A_251, %dma_start3A_256] : memref<79x128xi32, #tpu.memory_space<vmem>> -> memref<1x128xi32, #tpu.memory_space<vmem>>
    %dma_start3A_258 = tpu.memref_squeeze %dma_start3A_257 : memref<1x128xi32, #tpu.memory_space<vmem>> -> memref<128xi32, #tpu.memory_space<vmem>>
    %dma_start3A_259 = arith.constant 0 : i32
    %dma_start3A_260 = arith.constant 0 : i32
    %dma_start3A_261 = tpu.memref_slice %arg10[%dma_start3A_259, %dma_start3A_260] : memref<10240x64xf32, #tpu.memory_space<vmem_shared>> -> memref<10240x64xf32, #tpu.memory_space<vmem_shared>>
    tpu.enqueue_indirect_dma source(%dma_start3A_255 : memref<128x64xf32, #tpu.memory_space<vmem>>) target(%dma_start3A_261 : memref<10240x64xf32, #tpu.memory_space<vmem_shared>>) offsets(%dma_start3A_258 : memref<128xi32, #tpu.memory_space<vmem>>) semaphore(%arg12 : memref<!tpu.dma_semaphore, #tpu.memory_space<semaphore_mem>>) {add = true}
    %dma_wait3A_262 = arith.constant 0 : i32
    %dma_wait3A_263 = arith.constant 0 : i32
    %dma_wait3A_264 = arith.constant 0 : i32
    %dma_wait3A_265 = arith.constant 0 : i32
    %dma_wait3A_266 = tpu.memref_slice %arg9[%dma_wait3A_263, %dma_wait3A_264, %dma_wait3A_265] : memref<4x128x64xf32, #tpu.memory_space<vmem>> -> memref<1x128x64xf32, #tpu.memory_space<vmem>>
    %dma_wait3A_267 = tpu.memref_squeeze %dma_wait3A_266 : memref<1x128x64xf32, #tpu.memory_space<vmem>> -> memref<128x64xf32, #tpu.memory_space<vmem>>
    %dma_wait3A_268 = arith.constant 0 : i32
    %dma_wait3A_269 = tpu.memref_slice %arg7[%dma_wait3A_262, %dma_wait3A_268] : memref<79x128xi32, #tpu.memory_space<vmem>> -> memref<1x128xi32, #tpu.memory_space<vmem>>
    %dma_wait3A_270 = tpu.memref_squeeze %dma_wait3A_269 : memref<1x128xi32, #tpu.memory_space<vmem>> -> memref<128xi32, #tpu.memory_space<vmem>>
    %dma_wait3A_271 = arith.constant 0 : i32
    %dma_wait3A_272 = arith.constant 0 : i32
    %dma_wait3A_273 = tpu.memref_slice %arg2[%dma_wait3A_271, %dma_wait3A_272] : memref<10240x64xf32, #tpu.memory_space<hbm>> -> memref<10240x64xf32, #tpu.memory_space<hbm>>
    tpu.wait_indirect_dma semaphore(%arg11 : memref<!tpu.dma_semaphore, #tpu.memory_space<semaphore_mem>>) src(%dma_wait3A_273 : memref<10240x64xf32, #tpu.memory_space<hbm>>) dst(%dma_wait3A_267 : memref<128x64xf32, #tpu.memory_space<vmem>>)
    %dma_start3A_274 = arith.constant 1 : i32
    %dma_start3A_275 = arith.constant 77 : i32
    %dma_start3A_276 = arith.constant 0 : i32
    %dma_start3A_277 = arith.constant 0 : i32
    %dma_start3A_278 = tpu.memref_slice %arg9[%dma_start3A_274, %dma_start3A_276, %dma_start3A_277] : memref<4x128x64xf32, #tpu.memory_space<vmem>> -> memref<1x128x64xf32, #tpu.memory_space<vmem>>
    %dma_start3A_279 = tpu.memref_squeeze %dma_start3A_278 : memref<1x128x64xf32, #tpu.memory_space<vmem>> -> memref<128x64xf32, #tpu.memory_space<vmem>>
    %dma_start3A_280 = arith.constant 0 : i32
    %dma_start3A_281 = tpu.memref_slice %arg8[%dma_start3A_275, %dma_start3A_280] : memref<79x128xi32, #tpu.memory_space<vmem>> -> memref<1x128xi32, #tpu.memory_space<vmem>>
    %dma_start3A_282 = tpu.memref_squeeze %dma_start3A_281 : memref<1x128xi32, #tpu.memory_space<vmem>> -> memref<128xi32, #tpu.memory_space<vmem>>
    %dma_start3A_283 = arith.constant 0 : i32
    %dma_start3A_284 = arith.constant 0 : i32
    %dma_start3A_285 = tpu.memref_slice %arg10[%dma_start3A_283, %dma_start3A_284] : memref<10240x64xf32, #tpu.memory_space<vmem_shared>> -> memref<10240x64xf32, #tpu.memory_space<vmem_shared>>
    tpu.enqueue_indirect_dma source(%dma_start3A_279 : memref<128x64xf32, #tpu.memory_space<vmem>>) target(%dma_start3A_285 : memref<10240x64xf32, #tpu.memory_space<vmem_shared>>) offsets(%dma_start3A_282 : memref<128xi32, #tpu.memory_space<vmem>>) semaphore(%arg12 : memref<!tpu.dma_semaphore, #tpu.memory_space<semaphore_mem>>) {add = true}
    %dma_wait3A_286 = arith.constant 0 : i32
    %dma_wait3A_287 = arith.constant 0 : i32
    %dma_wait3A_288 = arith.constant 0 : i32
    %dma_wait3A_289 = arith.constant 0 : i32
    %dma_wait3A_290 = tpu.memref_slice %arg9[%dma_wait3A_286, %dma_wait3A_288, %dma_wait3A_289] : memref<4x128x64xf32, #tpu.memory_space<vmem>> -> memref<1x128x64xf32, #tpu.memory_space<vmem>>
    %dma_wait3A_291 = tpu.memref_squeeze %dma_wait3A_290 : memref<1x128x64xf32, #tpu.memory_space<vmem>> -> memref<128x64xf32, #tpu.memory_space<vmem>>
    %dma_wait3A_292 = arith.constant 0 : i32
    %dma_wait3A_293 = tpu.memref_slice %arg8[%dma_wait3A_287, %dma_wait3A_292] : memref<79x128xi32, #tpu.memory_space<vmem>> -> memref<1x128xi32, #tpu.memory_space<vmem>>
    %dma_wait3A_294 = tpu.memref_squeeze %dma_wait3A_293 : memref<1x128xi32, #tpu.memory_space<vmem>> -> memref<128xi32, #tpu.memory_space<vmem>>
    %dma_wait3A_295 = arith.constant 0 : i32
    %dma_wait3A_296 = arith.constant 0 : i32
    %dma_wait3A_297 = tpu.memref_slice %arg10[%dma_wait3A_295, %dma_wait3A_296] : memref<10240x64xf32, #tpu.memory_space<vmem_shared>> -> memref<10240x64xf32, #tpu.memory_space<vmem_shared>>
    tpu.wait_indirect_dma semaphore(%arg12 : memref<!tpu.dma_semaphore, #tpu.memory_space<semaphore_mem>>) src(%dma_wait3A_291 : memref<128x64xf32, #tpu.memory_space<vmem>>) dst(%dma_wait3A_297 : memref<10240x64xf32, #tpu.memory_space<vmem_shared>>)
    %dma_wait3A_298 = arith.constant 0 : i32
    %dma_wait3A_299 = arith.constant 0 : i32
    %dma_wait3A_300 = arith.constant 0 : i32
    %dma_wait3A_301 = arith.constant 0 : i32
    %dma_wait3A_302 = tpu.memref_slice %arg9[%dma_wait3A_298, %dma_wait3A_300, %dma_wait3A_301] : memref<4x128x64xf32, #tpu.memory_space<vmem>> -> memref<1x128x64xf32, #tpu.memory_space<vmem>>
    %dma_wait3A_303 = tpu.memref_squeeze %dma_wait3A_302 : memref<1x128x64xf32, #tpu.memory_space<vmem>> -> memref<128x64xf32, #tpu.memory_space<vmem>>
    %dma_wait3A_304 = arith.constant 0 : i32
    %dma_wait3A_305 = tpu.memref_slice %arg8[%dma_wait3A_299, %dma_wait3A_304] : memref<79x128xi32, #tpu.memory_space<vmem>> -> memref<1x128xi32, #tpu.memory_space<vmem>>
    %dma_wait3A_306 = tpu.memref_squeeze %dma_wait3A_305 : memref<1x128xi32, #tpu.memory_space<vmem>> -> memref<128xi32, #tpu.memory_space<vmem>>
    %dma_wait3A_307 = arith.constant 0 : i32
    %dma_wait3A_308 = arith.constant 0 : i32
    %dma_wait3A_309 = tpu.memref_slice %arg10[%dma_wait3A_307, %dma_wait3A_308] : memref<10240x64xf32, #tpu.memory_space<vmem_shared>> -> memref<10240x64xf32, #tpu.memory_space<vmem_shared>>
    tpu.wait_indirect_dma semaphore(%arg12 : memref<!tpu.dma_semaphore, #tpu.memory_space<semaphore_mem>>) src(%dma_wait3A_303 : memref<128x64xf32, #tpu.memory_space<vmem>>) dst(%dma_wait3A_309 : memref<10240x64xf32, #tpu.memory_space<vmem_shared>>)
    %dma_wait3A_310 = arith.constant 0 : i32
    %dma_wait3A_311 = arith.constant 0 : i32
    %dma_wait3A_312 = arith.constant 0 : i32
    %dma_wait3A_313 = arith.constant 0 : i32
    %dma_wait3A_314 = tpu.memref_slice %arg9[%dma_wait3A_311, %dma_wait3A_312, %dma_wait3A_313] : memref<4x128x64xf32, #tpu.memory_space<vmem>> -> memref<1x128x64xf32, #tpu.memory_space<vmem>>
    %dma_wait3A_315 = tpu.memref_squeeze %dma_wait3A_314 : memref<1x128x64xf32, #tpu.memory_space<vmem>> -> memref<128x64xf32, #tpu.memory_space<vmem>>
    %dma_wait3A_316 = arith.constant 0 : i32
    %dma_wait3A_317 = tpu.memref_slice %arg7[%dma_wait3A_310, %dma_wait3A_316] : memref<79x128xi32, #tpu.memory_space<vmem>> -> memref<1x128xi32, #tpu.memory_space<vmem>>
    %dma_wait3A_318 = tpu.memref_squeeze %dma_wait3A_317 : memref<1x128xi32, #tpu.memory_space<vmem>> -> memref<128xi32, #tpu.memory_space<vmem>>
    %dma_wait3A_319 = arith.constant 0 : i32
    %dma_wait3A_320 = arith.constant 0 : i32
    %dma_wait3A_321 = tpu.memref_slice %arg2[%dma_wait3A_319, %dma_wait3A_320] : memref<10240x64xf32, #tpu.memory_space<hbm>> -> memref<10240x64xf32, #tpu.memory_space<hbm>>
    tpu.wait_indirect_dma semaphore(%arg11 : memref<!tpu.dma_semaphore, #tpu.memory_space<semaphore_mem>>) src(%dma_wait3A_321 : memref<10240x64xf32, #tpu.memory_space<hbm>>) dst(%dma_wait3A_315 : memref<128x64xf32, #tpu.memory_space<vmem>>)
    %dma_start3A_322 = arith.constant 2 : i32
    %dma_start3A_323 = arith.constant 78 : i32
    %dma_start3A_324 = arith.constant 0 : i32
    %dma_start3A_325 = arith.constant 0 : i32
    %dma_start3A_326 = tpu.memref_slice %arg9[%dma_start3A_322, %dma_start3A_324, %dma_start3A_325] : memref<4x128x64xf32, #tpu.memory_space<vmem>> -> memref<1x128x64xf32, #tpu.memory_space<vmem>>
    %dma_start3A_327 = tpu.memref_squeeze %dma_start3A_326 : memref<1x128x64xf32, #tpu.memory_space<vmem>> -> memref<128x64xf32, #tpu.memory_space<vmem>>
    %dma_start3A_328 = arith.constant 0 : i32
    %dma_start3A_329 = tpu.memref_slice %arg8[%dma_start3A_323, %dma_start3A_328] : memref<79x128xi32, #tpu.memory_space<vmem>> -> memref<1x128xi32, #tpu.memory_space<vmem>>
    %dma_start3A_330 = tpu.memref_squeeze %dma_start3A_329 : memref<1x128xi32, #tpu.memory_space<vmem>> -> memref<128xi32, #tpu.memory_space<vmem>>
    %dma_start3A_331 = arith.constant 0 : i32
    %dma_start3A_332 = arith.constant 0 : i32
    %dma_start3A_333 = tpu.memref_slice %arg10[%dma_start3A_331, %dma_start3A_332] : memref<10240x64xf32, #tpu.memory_space<vmem_shared>> -> memref<10240x64xf32, #tpu.memory_space<vmem_shared>>
    tpu.enqueue_indirect_dma source(%dma_start3A_327 : memref<128x64xf32, #tpu.memory_space<vmem>>) target(%dma_start3A_333 : memref<10240x64xf32, #tpu.memory_space<vmem_shared>>) offsets(%dma_start3A_330 : memref<128xi32, #tpu.memory_space<vmem>>) semaphore(%arg12 : memref<!tpu.dma_semaphore, #tpu.memory_space<semaphore_mem>>) {add = true}
    %dma_wait3A_334 = arith.constant 0 : i32
    %dma_wait3A_335 = arith.constant 0 : i32
    %dma_wait3A_336 = arith.constant 0 : i32
    %dma_wait3A_337 = arith.constant 0 : i32
    %dma_wait3A_338 = tpu.memref_slice %arg9[%dma_wait3A_334, %dma_wait3A_336, %dma_wait3A_337] : memref<4x128x64xf32, #tpu.memory_space<vmem>> -> memref<1x128x64xf32, #tpu.memory_space<vmem>>
    %dma_wait3A_339 = tpu.memref_squeeze %dma_wait3A_338 : memref<1x128x64xf32, #tpu.memory_space<vmem>> -> memref<128x64xf32, #tpu.memory_space<vmem>>
    %dma_wait3A_340 = arith.constant 0 : i32
    %dma_wait3A_341 = tpu.memref_slice %arg8[%dma_wait3A_335, %dma_wait3A_340] : memref<79x128xi32, #tpu.memory_space<vmem>> -> memref<1x128xi32, #tpu.memory_space<vmem>>
    %dma_wait3A_342 = tpu.memref_squeeze %dma_wait3A_341 : memref<1x128xi32, #tpu.memory_space<vmem>> -> memref<128xi32, #tpu.memory_space<vmem>>
    %dma_wait3A_343 = arith.constant 0 : i32
    %dma_wait3A_344 = arith.constant 0 : i32
    %dma_wait3A_345 = tpu.memref_slice %arg10[%dma_wait3A_343, %dma_wait3A_344] : memref<10240x64xf32, #tpu.memory_space<vmem_shared>> -> memref<10240x64xf32, #tpu.memory_space<vmem_shared>>
    tpu.wait_indirect_dma semaphore(%arg12 : memref<!tpu.dma_semaphore, #tpu.memory_space<semaphore_mem>>) src(%dma_wait3A_339 : memref<128x64xf32, #tpu.memory_space<vmem>>) dst(%dma_wait3A_345 : memref<10240x64xf32, #tpu.memory_space<vmem_shared>>)
    %barrier3A_346 = arith.constant 0 : index
    tpu.barrier barrier_id(%barrier3A_346)
    "tpu.region"() ({
      %run_scoped3A = tpu.sem_alloc : memref<!tpu.dma_semaphore, #tpu.memory_space<semaphore_mem>>
      %dma_start3A_347 = arith.constant 0 : i32
      %dma_start3A_348 = tpu.memref_slice %arg6[%arg0, %mul3A_2, %dma_start3A_347] : memref<2x10240x64xf32, #tpu.memory_space<hbm>> -> memref<1x640x64xf32, #tpu.memory_space<hbm>>
      %dma_start3A_349 = tpu.memref_squeeze %dma_start3A_348 : memref<1x640x64xf32, #tpu.memory_space<hbm>> -> memref<640x64xf32, #tpu.memory_space<hbm>>
      %dma_start3A_350 = arith.constant 0 : i32
      %dma_start3A_351 = tpu.memref_slice %arg10[%mul3A_2, %dma_start3A_350] : memref<10240x64xf32, #tpu.memory_space<vmem_shared>> -> memref<640x64xf32, #tpu.memory_space<vmem_shared>>
      tpu.enqueue_dma source(%dma_start3A_351 : memref<640x64xf32, #tpu.memory_space<vmem_shared>>) target(%dma_start3A_349 : memref<640x64xf32, #tpu.memory_space<hbm>>) target_semaphore(%run_scoped3A : memref<!tpu.dma_semaphore, #tpu.memory_space<semaphore_mem>>)
      %dma_wait3A_352 = arith.constant 0 : i32
      %dma_wait3A_353 = tpu.memref_slice %arg6[%arg0, %mul3A_2, %dma_wait3A_352] : memref<2x10240x64xf32, #tpu.memory_space<hbm>> -> memref<1x640x64xf32, #tpu.memory_space<hbm>>
      %dma_wait3A_354 = tpu.memref_squeeze %dma_wait3A_353 : memref<1x640x64xf32, #tpu.memory_space<hbm>> -> memref<640x64xf32, #tpu.memory_space<hbm>>
      %dma_wait3A_355 = arith.constant 0 : i32
      %dma_wait3A_356 = tpu.memref_slice %arg10[%mul3A_2, %dma_wait3A_355] : memref<10240x64xf32, #tpu.memory_space<vmem_shared>> -> memref<640x64xf32, #tpu.memory_space<vmem_shared>>
      tpu.wait_dma2 semaphore(%run_scoped3A : memref<!tpu.dma_semaphore, #tpu.memory_space<semaphore_mem>>) src(%dma_wait3A_356 : memref<640x64xf32, #tpu.memory_space<vmem_shared>>) dst(%dma_wait3A_354 : memref<640x64xf32, #tpu.memory_space<hbm>>)
      tpu.yield
    }) : () -> ()
    return
  }
}

#map = affine_map<(d0, d1) -> (0, 0)>
#map1 = affine_map<(d0, d1) -> (0, 0, 0)>
module attributes {stable_mosaic.version = 14 : i64} {
  func.func @_agg_body(%arg0: i32, %arg1: i32, %arg2: memref<10240x64xf32, #tpu.memory_space<hbm>>, %arg3: memref<32x79x128xi32, #tpu.memory_space<hbm>>, %arg4: memref<32x79x128xi32, #tpu.memory_space<hbm>>, %arg5: memref<10240x64xf32, #tpu.memory_space<hbm>>, %arg6: memref<2x10240x64xf32, #tpu.memory_space<hbm>>, %arg7: memref<79x128xi32, #tpu.memory_space<vmem>>, %arg8: memref<79x128xi32, #tpu.memory_space<vmem>>, %arg9: memref<4x128x64xf32, #tpu.memory_space<vmem>>, %arg10: memref<10240x64xf32, #tpu.memory_space<vmem_shared>>, %arg11: memref<!tpu.dma_semaphore, #tpu.memory_space<semaphore_mem>>, %arg12: memref<!tpu.dma_semaphore, #tpu.memory_space<semaphore_mem>>) attributes {dimension_semantics = [#tpu.dimension_semantics<core_parallel>, #tpu.dimension_semantics<subcore_parallel>], iteration_bounds = array<i64: 2, 16>, scalar_prefetch = 0 : i64, scratch_operands = 6 : i64, tpu.core_type = #tpu.core_type<sc_vector_subcore>, window_params = [{transform_indices = #map}, {transform_indices = #map1}, {transform_indices = #map1}, {transform_indices = #map}, {transform_indices = #map1}]} {
    %mul3A = arith.constant 16 : i32
    %mul3A_0 = arith.muli %arg0, %mul3A : i32
    %add3A = arith.addi %mul3A_0, %arg1 : i32
    %mul3A_1 = arith.constant 640 : i32
    %mul3A_2 = arith.muli %arg1, %mul3A_1 : i32
    "tpu.region"() ({
      %run_scoped3A = tpu.sem_alloc : memref<!tpu.dma_semaphore, #tpu.memory_space<semaphore_mem>>
      %dma_start3A_347 = arith.constant 0 : i32
      %dma_start3A_348 = tpu.memref_slice %arg10[%mul3A_2, %dma_start3A_347] : memref<10240x64xf32, #tpu.memory_space<vmem_shared>> -> memref<640x64xf32, #tpu.memory_space<vmem_shared>>
      %dma_start3A_349 = arith.constant 0 : i32
      %dma_start3A_350 = tpu.memref_slice %arg5[%mul3A_2, %dma_start3A_349] : memref<10240x64xf32, #tpu.memory_space<hbm>> -> memref<640x64xf32, #tpu.memory_space<hbm>>
      tpu.enqueue_dma source(%dma_start3A_350 : memref<640x64xf32, #tpu.memory_space<hbm>>) target(%dma_start3A_348 : memref<640x64xf32, #tpu.memory_space<vmem_shared>>) target_semaphore(%run_scoped3A : memref<!tpu.dma_semaphore, #tpu.memory_space<semaphore_mem>>)
      %dma_wait3A_351 = arith.constant 0 : i32
      %dma_wait3A_352 = tpu.memref_slice %arg10[%mul3A_2, %dma_wait3A_351] : memref<10240x64xf32, #tpu.memory_space<vmem_shared>> -> memref<640x64xf32, #tpu.memory_space<vmem_shared>>
      %dma_wait3A_353 = arith.constant 0 : i32
      %dma_wait3A_354 = tpu.memref_slice %arg5[%mul3A_2, %dma_wait3A_353] : memref<10240x64xf32, #tpu.memory_space<hbm>> -> memref<640x64xf32, #tpu.memory_space<hbm>>
      tpu.wait_dma2 semaphore(%run_scoped3A : memref<!tpu.dma_semaphore, #tpu.memory_space<semaphore_mem>>) src(%dma_wait3A_354 : memref<640x64xf32, #tpu.memory_space<hbm>>) dst(%dma_wait3A_352 : memref<640x64xf32, #tpu.memory_space<vmem_shared>>)
      tpu.yield
    }) : () -> ()
    "tpu.region"() ({
      %run_scoped3A = tpu.sem_alloc : memref<!tpu.dma_semaphore, #tpu.memory_space<semaphore_mem>>
      %dma_start3A_347 = arith.constant 0 : i32
      %dma_start3A_348 = arith.constant 0 : i32
      %dma_start3A_349 = tpu.memref_slice %arg3[%add3A, %dma_start3A_347, %dma_start3A_348] : memref<32x79x128xi32, #tpu.memory_space<hbm>> -> memref<1x79x128xi32, #tpu.memory_space<hbm>>
      %dma_start3A_350 = tpu.memref_squeeze %dma_start3A_349 : memref<1x79x128xi32, #tpu.memory_space<hbm>> -> memref<79x128xi32, #tpu.memory_space<hbm>>
      %dma_start3A_351 = arith.constant 0 : i32
      %dma_start3A_352 = arith.constant 0 : i32
      %dma_start3A_353 = tpu.memref_slice %arg3[%add3A, %dma_start3A_351, %dma_start3A_352] : memref<32x79x128xi32, #tpu.memory_space<hbm>> -> memref<1x79x128xi32, #tpu.memory_space<hbm>>
      %dma_start3A_354 = tpu.memref_squeeze %dma_start3A_353 : memref<1x79x128xi32, #tpu.memory_space<hbm>> -> memref<79x128xi32, #tpu.memory_space<hbm>>
      tpu.enqueue_dma source(%dma_start3A_354 : memref<79x128xi32, #tpu.memory_space<hbm>>) target(%arg7 : memref<79x128xi32, #tpu.memory_space<vmem>>) target_semaphore(%run_scoped3A : memref<!tpu.dma_semaphore, #tpu.memory_space<semaphore_mem>>)
      %dma_wait3A_355 = arith.constant 0 : i32
      %dma_wait3A_356 = arith.constant 0 : i32
      %dma_wait3A_357 = tpu.memref_slice %arg3[%add3A, %dma_wait3A_355, %dma_wait3A_356] : memref<32x79x128xi32, #tpu.memory_space<hbm>> -> memref<1x79x128xi32, #tpu.memory_space<hbm>>
      %dma_wait3A_358 = tpu.memref_squeeze %dma_wait3A_357 : memref<1x79x128xi32, #tpu.memory_space<hbm>> -> memref<79x128xi32, #tpu.memory_space<hbm>>
      %dma_wait3A_359 = arith.constant 0 : i32
      %dma_wait3A_360 = arith.constant 0 : i32
      %dma_wait3A_361 = tpu.memref_slice %arg3[%add3A, %dma_wait3A_359, %dma_wait3A_360] : memref<32x79x128xi32, #tpu.memory_space<hbm>> -> memref<1x79x128xi32, #tpu.memory_space<hbm>>
      %dma_wait3A_362 = tpu.memref_squeeze %dma_wait3A_361 : memref<1x79x128xi32, #tpu.memory_space<hbm>> -> memref<79x128xi32, #tpu.memory_space<hbm>>
      tpu.wait_dma2 semaphore(%run_scoped3A : memref<!tpu.dma_semaphore, #tpu.memory_space<semaphore_mem>>) src(%dma_wait3A_362 : memref<79x128xi32, #tpu.memory_space<hbm>>) dst(%arg7 : memref<79x128xi32, #tpu.memory_space<vmem>>)
      tpu.yield
    }) : () -> ()
    "tpu.region"() ({
      %run_scoped3A = tpu.sem_alloc : memref<!tpu.dma_semaphore, #tpu.memory_space<semaphore_mem>>
      %dma_start3A_347 = arith.constant 0 : i32
      %dma_start3A_348 = arith.constant 0 : i32
      %dma_start3A_349 = tpu.memref_slice %arg4[%add3A, %dma_start3A_347, %dma_start3A_348] : memref<32x79x128xi32, #tpu.memory_space<hbm>> -> memref<1x79x128xi32, #tpu.memory_space<hbm>>
      %dma_start3A_350 = tpu.memref_squeeze %dma_start3A_349 : memref<1x79x128xi32, #tpu.memory_space<hbm>> -> memref<79x128xi32, #tpu.memory_space<hbm>>
      %dma_start3A_351 = arith.constant 0 : i32
      %dma_start3A_352 = arith.constant 0 : i32
      %dma_start3A_353 = tpu.memref_slice %arg4[%add3A, %dma_start3A_351, %dma_start3A_352] : memref<32x79x128xi32, #tpu.memory_space<hbm>> -> memref<1x79x128xi32, #tpu.memory_space<hbm>>
      %dma_start3A_354 = tpu.memref_squeeze %dma_start3A_353 : memref<1x79x128xi32, #tpu.memory_space<hbm>> -> memref<79x128xi32, #tpu.memory_space<hbm>>
      tpu.enqueue_dma source(%dma_start3A_354 : memref<79x128xi32, #tpu.memory_space<hbm>>) target(%arg8 : memref<79x128xi32, #tpu.memory_space<vmem>>) target_semaphore(%run_scoped3A : memref<!tpu.dma_semaphore, #tpu.memory_space<semaphore_mem>>)
      %dma_wait3A_355 = arith.constant 0 : i32
      %dma_wait3A_356 = arith.constant 0 : i32
      %dma_wait3A_357 = tpu.memref_slice %arg4[%add3A, %dma_wait3A_355, %dma_wait3A_356] : memref<32x79x128xi32, #tpu.memory_space<hbm>> -> memref<1x79x128xi32, #tpu.memory_space<hbm>>
      %dma_wait3A_358 = tpu.memref_squeeze %dma_wait3A_357 : memref<1x79x128xi32, #tpu.memory_space<hbm>> -> memref<79x128xi32, #tpu.memory_space<hbm>>
      %dma_wait3A_359 = arith.constant 0 : i32
      %dma_wait3A_360 = arith.constant 0 : i32
      %dma_wait3A_361 = tpu.memref_slice %arg4[%add3A, %dma_wait3A_359, %dma_wait3A_360] : memref<32x79x128xi32, #tpu.memory_space<hbm>> -> memref<1x79x128xi32, #tpu.memory_space<hbm>>
      %dma_wait3A_362 = tpu.memref_squeeze %dma_wait3A_361 : memref<1x79x128xi32, #tpu.memory_space<hbm>> -> memref<79x128xi32, #tpu.memory_space<hbm>>
      tpu.wait_dma2 semaphore(%run_scoped3A : memref<!tpu.dma_semaphore, #tpu.memory_space<semaphore_mem>>) src(%dma_wait3A_362 : memref<79x128xi32, #tpu.memory_space<hbm>>) dst(%arg8 : memref<79x128xi32, #tpu.memory_space<vmem>>)
      tpu.yield
    }) : () -> ()
    %barrier3A = arith.constant 0 : index
    tpu.barrier barrier_id(%barrier3A)
    %dma_start3A = arith.constant 0 : i32
    %dma_start3A_3 = arith.constant 0 : i32
    %dma_start3A_4 = arith.constant 0 : i32
    %dma_start3A_5 = arith.constant 0 : i32
    %dma_start3A_6 = tpu.memref_slice %arg9[%dma_start3A_3, %dma_start3A_4, %dma_start3A_5] : memref<4x128x64xf32, #tpu.memory_space<vmem>> -> memref<1x128x64xf32, #tpu.memory_space<vmem>>
    %dma_start3A_7 = tpu.memref_squeeze %dma_start3A_6 : memref<1x128x64xf32, #tpu.memory_space<vmem>> -> memref<128x64xf32, #tpu.memory_space<vmem>>
    %dma_start3A_8 = arith.constant 0 : i32
    %dma_start3A_9 = tpu.memref_slice %arg7[%dma_start3A, %dma_start3A_8] : memref<79x128xi32, #tpu.memory_space<vmem>> -> memref<1x128xi32, #tpu.memory_space<vmem>>
    %dma_start3A_10 = tpu.memref_squeeze %dma_start3A_9 : memref<1x128xi32, #tpu.memory_space<vmem>> -> memref<128xi32, #tpu.memory_space<vmem>>
    %dma_start3A_11 = arith.constant 0 : i32
    %dma_start3A_12 = arith.constant 0 : i32
    %dma_start3A_13 = tpu.memref_slice %arg2[%dma_start3A_11, %dma_start3A_12] : memref<10240x64xf32, #tpu.memory_space<hbm>> -> memref<10240x64xf32, #tpu.memory_space<hbm>>
    tpu.enqueue_indirect_dma source(%dma_start3A_13 : memref<10240x64xf32, #tpu.memory_space<hbm>>) target(%dma_start3A_7 : memref<128x64xf32, #tpu.memory_space<vmem>>) offsets(%dma_start3A_10 : memref<128xi32, #tpu.memory_space<vmem>>) semaphore(%arg11 : memref<!tpu.dma_semaphore, #tpu.memory_space<semaphore_mem>>)
    %dma_start3A_14 = arith.constant 1 : i32
    %dma_start3A_15 = arith.constant 1 : i32
    %dma_start3A_16 = arith.constant 0 : i32
    %dma_start3A_17 = arith.constant 0 : i32
    %dma_start3A_18 = tpu.memref_slice %arg9[%dma_start3A_15, %dma_start3A_16, %dma_start3A_17] : memref<4x128x64xf32, #tpu.memory_space<vmem>> -> memref<1x128x64xf32, #tpu.memory_space<vmem>>
    %dma_start3A_19 = tpu.memref_squeeze %dma_start3A_18 : memref<1x128x64xf32, #tpu.memory_space<vmem>> -> memref<128x64xf32, #tpu.memory_space<vmem>>
    %dma_start3A_20 = arith.constant 0 : i32
    %dma_start3A_21 = tpu.memref_slice %arg7[%dma_start3A_14, %dma_start3A_20] : memref<79x128xi32, #tpu.memory_space<vmem>> -> memref<1x128xi32, #tpu.memory_space<vmem>>
    %dma_start3A_22 = tpu.memref_squeeze %dma_start3A_21 : memref<1x128xi32, #tpu.memory_space<vmem>> -> memref<128xi32, #tpu.memory_space<vmem>>
    %dma_start3A_23 = arith.constant 0 : i32
    %dma_start3A_24 = arith.constant 0 : i32
    %dma_start3A_25 = tpu.memref_slice %arg2[%dma_start3A_23, %dma_start3A_24] : memref<10240x64xf32, #tpu.memory_space<hbm>> -> memref<10240x64xf32, #tpu.memory_space<hbm>>
    tpu.enqueue_indirect_dma source(%dma_start3A_25 : memref<10240x64xf32, #tpu.memory_space<hbm>>) target(%dma_start3A_19 : memref<128x64xf32, #tpu.memory_space<vmem>>) offsets(%dma_start3A_22 : memref<128xi32, #tpu.memory_space<vmem>>) semaphore(%arg11 : memref<!tpu.dma_semaphore, #tpu.memory_space<semaphore_mem>>)
    %dma_start3A_26 = arith.constant 2 : i32
    %dma_start3A_27 = arith.constant 2 : i32
    %dma_start3A_28 = arith.constant 0 : i32
    %dma_start3A_29 = arith.constant 0 : i32
    %dma_start3A_30 = tpu.memref_slice %arg9[%dma_start3A_27, %dma_start3A_28, %dma_start3A_29] : memref<4x128x64xf32, #tpu.memory_space<vmem>> -> memref<1x128x64xf32, #tpu.memory_space<vmem>>
    %dma_start3A_31 = tpu.memref_squeeze %dma_start3A_30 : memref<1x128x64xf32, #tpu.memory_space<vmem>> -> memref<128x64xf32, #tpu.memory_space<vmem>>
    %dma_start3A_32 = arith.constant 0 : i32
    %dma_start3A_33 = tpu.memref_slice %arg7[%dma_start3A_26, %dma_start3A_32] : memref<79x128xi32, #tpu.memory_space<vmem>> -> memref<1x128xi32, #tpu.memory_space<vmem>>
    %dma_start3A_34 = tpu.memref_squeeze %dma_start3A_33 : memref<1x128xi32, #tpu.memory_space<vmem>> -> memref<128xi32, #tpu.memory_space<vmem>>
    %dma_start3A_35 = arith.constant 0 : i32
    %dma_start3A_36 = arith.constant 0 : i32
    %dma_start3A_37 = tpu.memref_slice %arg2[%dma_start3A_35, %dma_start3A_36] : memref<10240x64xf32, #tpu.memory_space<hbm>> -> memref<10240x64xf32, #tpu.memory_space<hbm>>
    tpu.enqueue_indirect_dma source(%dma_start3A_37 : memref<10240x64xf32, #tpu.memory_space<hbm>>) target(%dma_start3A_31 : memref<128x64xf32, #tpu.memory_space<vmem>>) offsets(%dma_start3A_34 : memref<128xi32, #tpu.memory_space<vmem>>) semaphore(%arg11 : memref<!tpu.dma_semaphore, #tpu.memory_space<semaphore_mem>>)
    %dma_start3A_38 = arith.constant 3 : i32
    %dma_start3A_39 = arith.constant 3 : i32
    %dma_start3A_40 = arith.constant 0 : i32
    %dma_start3A_41 = arith.constant 0 : i32
    %dma_start3A_42 = tpu.memref_slice %arg9[%dma_start3A_39, %dma_start3A_40, %dma_start3A_41] : memref<4x128x64xf32, #tpu.memory_space<vmem>> -> memref<1x128x64xf32, #tpu.memory_space<vmem>>
    %dma_start3A_43 = tpu.memref_squeeze %dma_start3A_42 : memref<1x128x64xf32, #tpu.memory_space<vmem>> -> memref<128x64xf32, #tpu.memory_space<vmem>>
    %dma_start3A_44 = arith.constant 0 : i32
    %dma_start3A_45 = tpu.memref_slice %arg7[%dma_start3A_38, %dma_start3A_44] : memref<79x128xi32, #tpu.memory_space<vmem>> -> memref<1x128xi32, #tpu.memory_space<vmem>>
    %dma_start3A_46 = tpu.memref_squeeze %dma_start3A_45 : memref<1x128xi32, #tpu.memory_space<vmem>> -> memref<128xi32, #tpu.memory_space<vmem>>
    %dma_start3A_47 = arith.constant 0 : i32
    %dma_start3A_48 = arith.constant 0 : i32
    %dma_start3A_49 = tpu.memref_slice %arg2[%dma_start3A_47, %dma_start3A_48] : memref<10240x64xf32, #tpu.memory_space<hbm>> -> memref<10240x64xf32, #tpu.memory_space<hbm>>
    tpu.enqueue_indirect_dma source(%dma_start3A_49 : memref<10240x64xf32, #tpu.memory_space<hbm>>) target(%dma_start3A_43 : memref<128x64xf32, #tpu.memory_space<vmem>>) offsets(%dma_start3A_46 : memref<128xi32, #tpu.memory_space<vmem>>) semaphore(%arg11 : memref<!tpu.dma_semaphore, #tpu.memory_space<semaphore_mem>>)
    %dma_wait3A = arith.constant 0 : i32
    %dma_wait3A_50 = arith.constant 0 : i32
    %dma_wait3A_51 = arith.constant 0 : i32
    %dma_wait3A_52 = arith.constant 0 : i32
    %dma_wait3A_53 = tpu.memref_slice %arg9[%dma_wait3A_50, %dma_wait3A_51, %dma_wait3A_52] : memref<4x128x64xf32, #tpu.memory_space<vmem>> -> memref<1x128x64xf32, #tpu.memory_space<vmem>>
    %dma_wait3A_54 = tpu.memref_squeeze %dma_wait3A_53 : memref<1x128x64xf32, #tpu.memory_space<vmem>> -> memref<128x64xf32, #tpu.memory_space<vmem>>
    %dma_wait3A_55 = arith.constant 0 : i32
    %dma_wait3A_56 = tpu.memref_slice %arg7[%dma_wait3A, %dma_wait3A_55] : memref<79x128xi32, #tpu.memory_space<vmem>> -> memref<1x128xi32, #tpu.memory_space<vmem>>
    %dma_wait3A_57 = tpu.memref_squeeze %dma_wait3A_56 : memref<1x128xi32, #tpu.memory_space<vmem>> -> memref<128xi32, #tpu.memory_space<vmem>>
    %dma_wait3A_58 = arith.constant 0 : i32
    %dma_wait3A_59 = arith.constant 0 : i32
    %dma_wait3A_60 = tpu.memref_slice %arg2[%dma_wait3A_58, %dma_wait3A_59] : memref<10240x64xf32, #tpu.memory_space<hbm>> -> memref<10240x64xf32, #tpu.memory_space<hbm>>
    tpu.wait_indirect_dma semaphore(%arg11 : memref<!tpu.dma_semaphore, #tpu.memory_space<semaphore_mem>>) src(%dma_wait3A_60 : memref<10240x64xf32, #tpu.memory_space<hbm>>) dst(%dma_wait3A_54 : memref<128x64xf32, #tpu.memory_space<vmem>>)
    %dma_start3A_61 = arith.constant 0 : i32
    %dma_start3A_62 = arith.constant 0 : i32
    %dma_start3A_63 = arith.constant 0 : i32
    %dma_start3A_64 = arith.constant 0 : i32
    %dma_start3A_65 = tpu.memref_slice %arg9[%dma_start3A_61, %dma_start3A_63, %dma_start3A_64] : memref<4x128x64xf32, #tpu.memory_space<vmem>> -> memref<1x128x64xf32, #tpu.memory_space<vmem>>
    %dma_start3A_66 = tpu.memref_squeeze %dma_start3A_65 : memref<1x128x64xf32, #tpu.memory_space<vmem>> -> memref<128x64xf32, #tpu.memory_space<vmem>>
    %dma_start3A_67 = arith.constant 0 : i32
    %dma_start3A_68 = tpu.memref_slice %arg8[%dma_start3A_62, %dma_start3A_67] : memref<79x128xi32, #tpu.memory_space<vmem>> -> memref<1x128xi32, #tpu.memory_space<vmem>>
    %dma_start3A_69 = tpu.memref_squeeze %dma_start3A_68 : memref<1x128xi32, #tpu.memory_space<vmem>> -> memref<128xi32, #tpu.memory_space<vmem>>
    %dma_start3A_70 = arith.constant 0 : i32
    %dma_start3A_71 = arith.constant 0 : i32
    %dma_start3A_72 = tpu.memref_slice %arg10[%dma_start3A_70, %dma_start3A_71] : memref<10240x64xf32, #tpu.memory_space<vmem_shared>> -> memref<10240x64xf32, #tpu.memory_space<vmem_shared>>
    tpu.enqueue_indirect_dma source(%dma_start3A_66 : memref<128x64xf32, #tpu.memory_space<vmem>>) target(%dma_start3A_72 : memref<10240x64xf32, #tpu.memory_space<vmem_shared>>) offsets(%dma_start3A_69 : memref<128xi32, #tpu.memory_space<vmem>>) semaphore(%arg12 : memref<!tpu.dma_semaphore, #tpu.memory_space<semaphore_mem>>) {add = true}
    %dma_wait3A_73 = arith.constant 0 : i32
    %dma_wait3A_74 = arith.constant 0 : i32
    %dma_wait3A_75 = arith.constant 0 : i32
    %dma_wait3A_76 = arith.constant 0 : i32
    %dma_wait3A_77 = tpu.memref_slice %arg9[%dma_wait3A_74, %dma_wait3A_75, %dma_wait3A_76] : memref<4x128x64xf32, #tpu.memory_space<vmem>> -> memref<1x128x64xf32, #tpu.memory_space<vmem>>
    %dma_wait3A_78 = tpu.memref_squeeze %dma_wait3A_77 : memref<1x128x64xf32, #tpu.memory_space<vmem>> -> memref<128x64xf32, #tpu.memory_space<vmem>>
    %dma_wait3A_79 = arith.constant 0 : i32
    %dma_wait3A_80 = tpu.memref_slice %arg7[%dma_wait3A_73, %dma_wait3A_79] : memref<79x128xi32, #tpu.memory_space<vmem>> -> memref<1x128xi32, #tpu.memory_space<vmem>>
    %dma_wait3A_81 = tpu.memref_squeeze %dma_wait3A_80 : memref<1x128xi32, #tpu.memory_space<vmem>> -> memref<128xi32, #tpu.memory_space<vmem>>
    %dma_wait3A_82 = arith.constant 0 : i32
    %dma_wait3A_83 = arith.constant 0 : i32
    %dma_wait3A_84 = tpu.memref_slice %arg2[%dma_wait3A_82, %dma_wait3A_83] : memref<10240x64xf32, #tpu.memory_space<hbm>> -> memref<10240x64xf32, #tpu.memory_space<hbm>>
    tpu.wait_indirect_dma semaphore(%arg11 : memref<!tpu.dma_semaphore, #tpu.memory_space<semaphore_mem>>) src(%dma_wait3A_84 : memref<10240x64xf32, #tpu.memory_space<hbm>>) dst(%dma_wait3A_78 : memref<128x64xf32, #tpu.memory_space<vmem>>)
    %dma_start3A_85 = arith.constant 1 : i32
    %dma_start3A_86 = arith.constant 1 : i32
    %dma_start3A_87 = arith.constant 0 : i32
    %dma_start3A_88 = arith.constant 0 : i32
    %dma_start3A_89 = tpu.memref_slice %arg9[%dma_start3A_85, %dma_start3A_87, %dma_start3A_88] : memref<4x128x64xf32, #tpu.memory_space<vmem>> -> memref<1x128x64xf32, #tpu.memory_space<vmem>>
    %dma_start3A_90 = tpu.memref_squeeze %dma_start3A_89 : memref<1x128x64xf32, #tpu.memory_space<vmem>> -> memref<128x64xf32, #tpu.memory_space<vmem>>
    %dma_start3A_91 = arith.constant 0 : i32
    %dma_start3A_92 = tpu.memref_slice %arg8[%dma_start3A_86, %dma_start3A_91] : memref<79x128xi32, #tpu.memory_space<vmem>> -> memref<1x128xi32, #tpu.memory_space<vmem>>
    %dma_start3A_93 = tpu.memref_squeeze %dma_start3A_92 : memref<1x128xi32, #tpu.memory_space<vmem>> -> memref<128xi32, #tpu.memory_space<vmem>>
    %dma_start3A_94 = arith.constant 0 : i32
    %dma_start3A_95 = arith.constant 0 : i32
    %dma_start3A_96 = tpu.memref_slice %arg10[%dma_start3A_94, %dma_start3A_95] : memref<10240x64xf32, #tpu.memory_space<vmem_shared>> -> memref<10240x64xf32, #tpu.memory_space<vmem_shared>>
    tpu.enqueue_indirect_dma source(%dma_start3A_90 : memref<128x64xf32, #tpu.memory_space<vmem>>) target(%dma_start3A_96 : memref<10240x64xf32, #tpu.memory_space<vmem_shared>>) offsets(%dma_start3A_93 : memref<128xi32, #tpu.memory_space<vmem>>) semaphore(%arg12 : memref<!tpu.dma_semaphore, #tpu.memory_space<semaphore_mem>>) {add = true}
    %dma_wait3A_97 = arith.constant 0 : i32
    %dma_wait3A_98 = arith.constant 0 : i32
    %dma_wait3A_99 = arith.constant 0 : i32
    %dma_wait3A_100 = arith.constant 0 : i32
    %dma_wait3A_101 = tpu.memref_slice %arg9[%dma_wait3A_97, %dma_wait3A_99, %dma_wait3A_100] : memref<4x128x64xf32, #tpu.memory_space<vmem>> -> memref<1x128x64xf32, #tpu.memory_space<vmem>>
    %dma_wait3A_102 = tpu.memref_squeeze %dma_wait3A_101 : memref<1x128x64xf32, #tpu.memory_space<vmem>> -> memref<128x64xf32, #tpu.memory_space<vmem>>
    %dma_wait3A_103 = arith.constant 0 : i32
    %dma_wait3A_104 = tpu.memref_slice %arg8[%dma_wait3A_98, %dma_wait3A_103] : memref<79x128xi32, #tpu.memory_space<vmem>> -> memref<1x128xi32, #tpu.memory_space<vmem>>
    %dma_wait3A_105 = tpu.memref_squeeze %dma_wait3A_104 : memref<1x128xi32, #tpu.memory_space<vmem>> -> memref<128xi32, #tpu.memory_space<vmem>>
    %dma_wait3A_106 = arith.constant 0 : i32
    %dma_wait3A_107 = arith.constant 0 : i32
    %dma_wait3A_108 = tpu.memref_slice %arg10[%dma_wait3A_106, %dma_wait3A_107] : memref<10240x64xf32, #tpu.memory_space<vmem_shared>> -> memref<10240x64xf32, #tpu.memory_space<vmem_shared>>
    tpu.wait_indirect_dma semaphore(%arg12 : memref<!tpu.dma_semaphore, #tpu.memory_space<semaphore_mem>>) src(%dma_wait3A_102 : memref<128x64xf32, #tpu.memory_space<vmem>>) dst(%dma_wait3A_108 : memref<10240x64xf32, #tpu.memory_space<vmem_shared>>)
    %dma_wait3A_109 = arith.constant 0 : i32
    %dma_wait3A_110 = arith.constant 0 : i32
    %dma_wait3A_111 = arith.constant 0 : i32
    %dma_wait3A_112 = arith.constant 0 : i32
    %dma_wait3A_113 = tpu.memref_slice %arg9[%dma_wait3A_109, %dma_wait3A_111, %dma_wait3A_112] : memref<4x128x64xf32, #tpu.memory_space<vmem>> -> memref<1x128x64xf32, #tpu.memory_space<vmem>>
    %dma_wait3A_114 = tpu.memref_squeeze %dma_wait3A_113 : memref<1x128x64xf32, #tpu.memory_space<vmem>> -> memref<128x64xf32, #tpu.memory_space<vmem>>
    %dma_wait3A_115 = arith.constant 0 : i32
    %dma_wait3A_116 = tpu.memref_slice %arg8[%dma_wait3A_110, %dma_wait3A_115] : memref<79x128xi32, #tpu.memory_space<vmem>> -> memref<1x128xi32, #tpu.memory_space<vmem>>
    %dma_wait3A_117 = tpu.memref_squeeze %dma_wait3A_116 : memref<1x128xi32, #tpu.memory_space<vmem>> -> memref<128xi32, #tpu.memory_space<vmem>>
    %dma_wait3A_118 = arith.constant 0 : i32
    %dma_wait3A_119 = arith.constant 0 : i32
    %dma_wait3A_120 = tpu.memref_slice %arg10[%dma_wait3A_118, %dma_wait3A_119] : memref<10240x64xf32, #tpu.memory_space<vmem_shared>> -> memref<10240x64xf32, #tpu.memory_space<vmem_shared>>
    tpu.wait_indirect_dma semaphore(%arg12 : memref<!tpu.dma_semaphore, #tpu.memory_space<semaphore_mem>>) src(%dma_wait3A_114 : memref<128x64xf32, #tpu.memory_space<vmem>>) dst(%dma_wait3A_120 : memref<10240x64xf32, #tpu.memory_space<vmem_shared>>)
    %dma_start3A_121 = arith.constant 4 : i32
    %dma_start3A_122 = arith.constant 0 : i32
    %dma_start3A_123 = arith.constant 0 : i32
    %dma_start3A_124 = arith.constant 0 : i32
    %dma_start3A_125 = tpu.memref_slice %arg9[%dma_start3A_122, %dma_start3A_123, %dma_start3A_124] : memref<4x128x64xf32, #tpu.memory_space<vmem>> -> memref<1x128x64xf32, #tpu.memory_space<vmem>>
    %dma_start3A_126 = tpu.memref_squeeze %dma_start3A_125 : memref<1x128x64xf32, #tpu.memory_space<vmem>> -> memref<128x64xf32, #tpu.memory_space<vmem>>
    %dma_start3A_127 = arith.constant 0 : i32
    %dma_start3A_128 = tpu.memref_slice %arg7[%dma_start3A_121, %dma_start3A_127] : memref<79x128xi32, #tpu.memory_space<vmem>> -> memref<1x128xi32, #tpu.memory_space<vmem>>
    %dma_start3A_129 = tpu.memref_squeeze %dma_start3A_128 : memref<1x128xi32, #tpu.memory_space<vmem>> -> memref<128xi32, #tpu.memory_space<vmem>>
    %dma_start3A_130 = arith.constant 0 : i32
    %dma_start3A_131 = arith.constant 0 : i32
    %dma_start3A_132 = tpu.memref_slice %arg2[%dma_start3A_130, %dma_start3A_131] : memref<10240x64xf32, #tpu.memory_space<hbm>> -> memref<10240x64xf32, #tpu.memory_space<hbm>>
    tpu.enqueue_indirect_dma source(%dma_start3A_132 : memref<10240x64xf32, #tpu.memory_space<hbm>>) target(%dma_start3A_126 : memref<128x64xf32, #tpu.memory_space<vmem>>) offsets(%dma_start3A_129 : memref<128xi32, #tpu.memory_space<vmem>>) semaphore(%arg11 : memref<!tpu.dma_semaphore, #tpu.memory_space<semaphore_mem>>)
    %dma_start3A_133 = arith.constant 5 : i32
    %dma_start3A_134 = arith.constant 1 : i32
    %dma_start3A_135 = arith.constant 0 : i32
    %dma_start3A_136 = arith.constant 0 : i32
    %dma_start3A_137 = tpu.memref_slice %arg9[%dma_start3A_134, %dma_start3A_135, %dma_start3A_136] : memref<4x128x64xf32, #tpu.memory_space<vmem>> -> memref<1x128x64xf32, #tpu.memory_space<vmem>>
    %dma_start3A_138 = tpu.memref_squeeze %dma_start3A_137 : memref<1x128x64xf32, #tpu.memory_space<vmem>> -> memref<128x64xf32, #tpu.memory_space<vmem>>
    %dma_start3A_139 = arith.constant 0 : i32
    %dma_start3A_140 = tpu.memref_slice %arg7[%dma_start3A_133, %dma_start3A_139] : memref<79x128xi32, #tpu.memory_space<vmem>> -> memref<1x128xi32, #tpu.memory_space<vmem>>
    %dma_start3A_141 = tpu.memref_squeeze %dma_start3A_140 : memref<1x128xi32, #tpu.memory_space<vmem>> -> memref<128xi32, #tpu.memory_space<vmem>>
    %dma_start3A_142 = arith.constant 0 : i32
    %dma_start3A_143 = arith.constant 0 : i32
    %dma_start3A_144 = tpu.memref_slice %arg2[%dma_start3A_142, %dma_start3A_143] : memref<10240x64xf32, #tpu.memory_space<hbm>> -> memref<10240x64xf32, #tpu.memory_space<hbm>>
    tpu.enqueue_indirect_dma source(%dma_start3A_144 : memref<10240x64xf32, #tpu.memory_space<hbm>>) target(%dma_start3A_138 : memref<128x64xf32, #tpu.memory_space<vmem>>) offsets(%dma_start3A_141 : memref<128xi32, #tpu.memory_space<vmem>>) semaphore(%arg11 : memref<!tpu.dma_semaphore, #tpu.memory_space<semaphore_mem>>)
    %dma_wait3A_145 = arith.constant 0 : i32
    %dma_wait3A_146 = arith.constant 0 : i32
    %dma_wait3A_147 = arith.constant 0 : i32
    %dma_wait3A_148 = arith.constant 0 : i32
    %dma_wait3A_149 = tpu.memref_slice %arg9[%dma_wait3A_146, %dma_wait3A_147, %dma_wait3A_148] : memref<4x128x64xf32, #tpu.memory_space<vmem>> -> memref<1x128x64xf32, #tpu.memory_space<vmem>>
    %dma_wait3A_150 = tpu.memref_squeeze %dma_wait3A_149 : memref<1x128x64xf32, #tpu.memory_space<vmem>> -> memref<128x64xf32, #tpu.memory_space<vmem>>
    %dma_wait3A_151 = arith.constant 0 : i32
    %dma_wait3A_152 = tpu.memref_slice %arg7[%dma_wait3A_145, %dma_wait3A_151] : memref<79x128xi32, #tpu.memory_space<vmem>> -> memref<1x128xi32, #tpu.memory_space<vmem>>
    %dma_wait3A_153 = tpu.memref_squeeze %dma_wait3A_152 : memref<1x128xi32, #tpu.memory_space<vmem>> -> memref<128xi32, #tpu.memory_space<vmem>>
    %dma_wait3A_154 = arith.constant 0 : i32
    %dma_wait3A_155 = arith.constant 0 : i32
    %dma_wait3A_156 = tpu.memref_slice %arg2[%dma_wait3A_154, %dma_wait3A_155] : memref<10240x64xf32, #tpu.memory_space<hbm>> -> memref<10240x64xf32, #tpu.memory_space<hbm>>
    tpu.wait_indirect_dma semaphore(%arg11 : memref<!tpu.dma_semaphore, #tpu.memory_space<semaphore_mem>>) src(%dma_wait3A_156 : memref<10240x64xf32, #tpu.memory_space<hbm>>) dst(%dma_wait3A_150 : memref<128x64xf32, #tpu.memory_space<vmem>>)
    %dma_start3A_157 = arith.constant 2 : i32
    %dma_start3A_158 = arith.constant 2 : i32
    %dma_start3A_159 = arith.constant 0 : i32
    %dma_start3A_160 = arith.constant 0 : i32
    %dma_start3A_161 = tpu.memref_slice %arg9[%dma_start3A_157, %dma_start3A_159, %dma_start3A_160] : memref<4x128x64xf32, #tpu.memory_space<vmem>> -> memref<1x128x64xf32, #tpu.memory_space<vmem>>
    %dma_start3A_162 = tpu.memref_squeeze %dma_start3A_161 : memref<1x128x64xf32, #tpu.memory_space<vmem>> -> memref<128x64xf32, #tpu.memory_space<vmem>>
    %dma_start3A_163 = arith.constant 0 : i32
    %dma_start3A_164 = tpu.memref_slice %arg8[%dma_start3A_158, %dma_start3A_163] : memref<79x128xi32, #tpu.memory_space<vmem>> -> memref<1x128xi32, #tpu.memory_space<vmem>>
    %dma_start3A_165 = tpu.memref_squeeze %dma_start3A_164 : memref<1x128xi32, #tpu.memory_space<vmem>> -> memref<128xi32, #tpu.memory_space<vmem>>
    %dma_start3A_166 = arith.constant 0 : i32
    %dma_start3A_167 = arith.constant 0 : i32
    %dma_start3A_168 = tpu.memref_slice %arg10[%dma_start3A_166, %dma_start3A_167] : memref<10240x64xf32, #tpu.memory_space<vmem_shared>> -> memref<10240x64xf32, #tpu.memory_space<vmem_shared>>
    tpu.enqueue_indirect_dma source(%dma_start3A_162 : memref<128x64xf32, #tpu.memory_space<vmem>>) target(%dma_start3A_168 : memref<10240x64xf32, #tpu.memory_space<vmem_shared>>) offsets(%dma_start3A_165 : memref<128xi32, #tpu.memory_space<vmem>>) semaphore(%arg12 : memref<!tpu.dma_semaphore, #tpu.memory_space<semaphore_mem>>) {add = true}
    %dma_wait3A_169 = arith.constant 0 : i32
    %dma_wait3A_170 = arith.constant 0 : i32
    %dma_wait3A_171 = arith.constant 0 : i32
    %dma_wait3A_172 = arith.constant 0 : i32
    %dma_wait3A_173 = tpu.memref_slice %arg9[%dma_wait3A_170, %dma_wait3A_171, %dma_wait3A_172] : memref<4x128x64xf32, #tpu.memory_space<vmem>> -> memref<1x128x64xf32, #tpu.memory_space<vmem>>
    %dma_wait3A_174 = tpu.memref_squeeze %dma_wait3A_173 : memref<1x128x64xf32, #tpu.memory_space<vmem>> -> memref<128x64xf32, #tpu.memory_space<vmem>>
    %dma_wait3A_175 = arith.constant 0 : i32
    %dma_wait3A_176 = tpu.memref_slice %arg7[%dma_wait3A_169, %dma_wait3A_175] : memref<79x128xi32, #tpu.memory_space<vmem>> -> memref<1x128xi32, #tpu.memory_space<vmem>>
    %dma_wait3A_177 = tpu.memref_squeeze %dma_wait3A_176 : memref<1x128xi32, #tpu.memory_space<vmem>> -> memref<128xi32, #tpu.memory_space<vmem>>
    %dma_wait3A_178 = arith.constant 0 : i32
    %dma_wait3A_179 = arith.constant 0 : i32
    %dma_wait3A_180 = tpu.memref_slice %arg2[%dma_wait3A_178, %dma_wait3A_179] : memref<10240x64xf32, #tpu.memory_space<hbm>> -> memref<10240x64xf32, #tpu.memory_space<hbm>>
    tpu.wait_indirect_dma semaphore(%arg11 : memref<!tpu.dma_semaphore, #tpu.memory_space<semaphore_mem>>) src(%dma_wait3A_180 : memref<10240x64xf32, #tpu.memory_space<hbm>>) dst(%dma_wait3A_174 : memref<128x64xf32, #tpu.memory_space<vmem>>)
    %dma_start3A_181 = arith.constant 3 : i32
    %dma_start3A_182 = arith.constant 3 : i32
    %dma_start3A_183 = arith.constant 0 : i32
    %dma_start3A_184 = arith.constant 0 : i32
    %dma_start3A_185 = tpu.memref_slice %arg9[%dma_start3A_181, %dma_start3A_183, %dma_start3A_184] : memref<4x128x64xf32, #tpu.memory_space<vmem>> -> memref<1x128x64xf32, #tpu.memory_space<vmem>>
    %dma_start3A_186 = tpu.memref_squeeze %dma_start3A_185 : memref<1x128x64xf32, #tpu.memory_space<vmem>> -> memref<128x64xf32, #tpu.memory_space<vmem>>
    %dma_start3A_187 = arith.constant 0 : i32
    %dma_start3A_188 = tpu.memref_slice %arg8[%dma_start3A_182, %dma_start3A_187] : memref<79x128xi32, #tpu.memory_space<vmem>> -> memref<1x128xi32, #tpu.memory_space<vmem>>
    %dma_start3A_189 = tpu.memref_squeeze %dma_start3A_188 : memref<1x128xi32, #tpu.memory_space<vmem>> -> memref<128xi32, #tpu.memory_space<vmem>>
    %dma_start3A_190 = arith.constant 0 : i32
    %dma_start3A_191 = arith.constant 0 : i32
    %dma_start3A_192 = tpu.memref_slice %arg10[%dma_start3A_190, %dma_start3A_191] : memref<10240x64xf32, #tpu.memory_space<vmem_shared>> -> memref<10240x64xf32, #tpu.memory_space<vmem_shared>>
    tpu.enqueue_indirect_dma source(%dma_start3A_186 : memref<128x64xf32, #tpu.memory_space<vmem>>) target(%dma_start3A_192 : memref<10240x64xf32, #tpu.memory_space<vmem_shared>>) offsets(%dma_start3A_189 : memref<128xi32, #tpu.memory_space<vmem>>) semaphore(%arg12 : memref<!tpu.dma_semaphore, #tpu.memory_space<semaphore_mem>>) {add = true}
    %scan3A = arith.constant 0 : i32
    %scan3A_193 = arith.constant 0 : i32
    %scan3A_194 = arith.constant 0 : i32
    %scan3A_195 = arith.constant 0 : i32
    %scan3A_196 = arith.constant 0 : i32
    %scan3A_197 = arith.constant 1 : i32
    %scan3A_198 = arith.constant 18 : i32
    %scan3A_199 = arith.addi %scan3A_197, %scan3A_198 : i32
    %scan3A_200 = arith.constant 1 : i32
    scf.for %scan3A_347 = %scan3A_197 to %scan3A_199 step %scan3A_200  : i32 {
      %mul3A_348 = arith.constant 4 : i32
      %mul3A_349 = arith.muli %mul3A_348, %scan3A_347 : i32
      %dma_wait3A_350 = arith.constant 0 : i32
      %dma_wait3A_351 = arith.constant 0 : i32
      %dma_wait3A_352 = tpu.memref_slice %arg9[%scan3A_193, %dma_wait3A_350, %dma_wait3A_351] : memref<4x128x64xf32, #tpu.memory_space<vmem>> -> memref<1x128x64xf32, #tpu.memory_space<vmem>>
      %dma_wait3A_353 = tpu.memref_squeeze %dma_wait3A_352 : memref<1x128x64xf32, #tpu.memory_space<vmem>> -> memref<128x64xf32, #tpu.memory_space<vmem>>
      %dma_wait3A_354 = arith.constant 0 : i32
      %dma_wait3A_355 = tpu.memref_slice %arg8[%scan3A_194, %dma_wait3A_354] : memref<79x128xi32, #tpu.memory_space<vmem>> -> memref<1x128xi32, #tpu.memory_space<vmem>>
      %dma_wait3A_356 = tpu.memref_squeeze %dma_wait3A_355 : memref<1x128xi32, #tpu.memory_space<vmem>> -> memref<128xi32, #tpu.memory_space<vmem>>
      %dma_wait3A_357 = arith.constant 0 : i32
      %dma_wait3A_358 = arith.constant 0 : i32
      %dma_wait3A_359 = tpu.memref_slice %arg10[%dma_wait3A_357, %dma_wait3A_358] : memref<10240x64xf32, #tpu.memory_space<vmem_shared>> -> memref<10240x64xf32, #tpu.memory_space<vmem_shared>>
      tpu.wait_indirect_dma semaphore(%arg12 : memref<!tpu.dma_semaphore, #tpu.memory_space<semaphore_mem>>) src(%dma_wait3A_353 : memref<128x64xf32, #tpu.memory_space<vmem>>) dst(%dma_wait3A_359 : memref<10240x64xf32, #tpu.memory_space<vmem_shared>>)
      %dma_wait3A_360 = arith.constant 0 : i32
      %dma_wait3A_361 = arith.constant 0 : i32
      %dma_wait3A_362 = tpu.memref_slice %arg9[%scan3A_193, %dma_wait3A_360, %dma_wait3A_361] : memref<4x128x64xf32, #tpu.memory_space<vmem>> -> memref<1x128x64xf32, #tpu.memory_space<vmem>>
      %dma_wait3A_363 = tpu.memref_squeeze %dma_wait3A_362 : memref<1x128x64xf32, #tpu.memory_space<vmem>> -> memref<128x64xf32, #tpu.memory_space<vmem>>
      %dma_wait3A_364 = arith.constant 0 : i32
      %dma_wait3A_365 = tpu.memref_slice %arg8[%scan3A_194, %dma_wait3A_364] : memref<79x128xi32, #tpu.memory_space<vmem>> -> memref<1x128xi32, #tpu.memory_space<vmem>>
      %dma_wait3A_366 = tpu.memref_squeeze %dma_wait3A_365 : memref<1x128xi32, #tpu.memory_space<vmem>> -> memref<128xi32, #tpu.memory_space<vmem>>
      %dma_wait3A_367 = arith.constant 0 : i32
      %dma_wait3A_368 = arith.constant 0 : i32
      %dma_wait3A_369 = tpu.memref_slice %arg10[%dma_wait3A_367, %dma_wait3A_368] : memref<10240x64xf32, #tpu.memory_space<vmem_shared>> -> memref<10240x64xf32, #tpu.memory_space<vmem_shared>>
      tpu.wait_indirect_dma semaphore(%arg12 : memref<!tpu.dma_semaphore, #tpu.memory_space<semaphore_mem>>) src(%dma_wait3A_363 : memref<128x64xf32, #tpu.memory_space<vmem>>) dst(%dma_wait3A_369 : memref<10240x64xf32, #tpu.memory_space<vmem_shared>>)
      %add3A_370 = arith.constant 2 : i32
      %add3A_371 = arith.addi %mul3A_349, %add3A_370 : i32
      %dma_start3A_372 = arith.constant 2 : i32
      %dma_start3A_373 = arith.constant 0 : i32
      %dma_start3A_374 = arith.constant 0 : i32
      %dma_start3A_375 = tpu.memref_slice %arg9[%dma_start3A_372, %dma_start3A_373, %dma_start3A_374] : memref<4x128x64xf32, #tpu.memory_space<vmem>> -> memref<1x128x64xf32, #tpu.memory_space<vmem>>
      %dma_start3A_376 = tpu.memref_squeeze %dma_start3A_375 : memref<1x128x64xf32, #tpu.memory_space<vmem>> -> memref<128x64xf32, #tpu.memory_space<vmem>>
      %dma_start3A_377 = arith.constant 0 : i32
      %dma_start3A_378 = tpu.memref_slice %arg7[%add3A_371, %dma_start3A_377] : memref<79x128xi32, #tpu.memory_space<vmem>> -> memref<1x128xi32, #tpu.memory_space<vmem>>
      %dma_start3A_379 = tpu.memref_squeeze %dma_start3A_378 : memref<1x128xi32, #tpu.memory_space<vmem>> -> memref<128xi32, #tpu.memory_space<vmem>>
      %dma_start3A_380 = arith.constant 0 : i32
      %dma_start3A_381 = arith.constant 0 : i32
      %dma_start3A_382 = tpu.memref_slice %arg2[%dma_start3A_380, %dma_start3A_381] : memref<10240x64xf32, #tpu.memory_space<hbm>> -> memref<10240x64xf32, #tpu.memory_space<hbm>>
      tpu.enqueue_indirect_dma source(%dma_start3A_382 : memref<10240x64xf32, #tpu.memory_space<hbm>>) target(%dma_start3A_376 : memref<128x64xf32, #tpu.memory_space<vmem>>) offsets(%dma_start3A_379 : memref<128xi32, #tpu.memory_space<vmem>>) semaphore(%arg11 : memref<!tpu.dma_semaphore, #tpu.memory_space<semaphore_mem>>)
      %add3A_383 = arith.constant 3 : i32
      %add3A_384 = arith.addi %mul3A_349, %add3A_383 : i32
      %dma_start3A_385 = arith.constant 3 : i32
      %dma_start3A_386 = arith.constant 0 : i32
      %dma_start3A_387 = arith.constant 0 : i32
      %dma_start3A_388 = tpu.memref_slice %arg9[%dma_start3A_385, %dma_start3A_386, %dma_start3A_387] : memref<4x128x64xf32, #tpu.memory_space<vmem>> -> memref<1x128x64xf32, #tpu.memory_space<vmem>>
      %dma_start3A_389 = tpu.memref_squeeze %dma_start3A_388 : memref<1x128x64xf32, #tpu.memory_space<vmem>> -> memref<128x64xf32, #tpu.memory_space<vmem>>
      %dma_start3A_390 = arith.constant 0 : i32
      %dma_start3A_391 = tpu.memref_slice %arg7[%add3A_384, %dma_start3A_390] : memref<79x128xi32, #tpu.memory_space<vmem>> -> memref<1x128xi32, #tpu.memory_space<vmem>>
      %dma_start3A_392 = tpu.memref_squeeze %dma_start3A_391 : memref<1x128xi32, #tpu.memory_space<vmem>> -> memref<128xi32, #tpu.memory_space<vmem>>
      %dma_start3A_393 = arith.constant 0 : i32
      %dma_start3A_394 = arith.constant 0 : i32
      %dma_start3A_395 = tpu.memref_slice %arg2[%dma_start3A_393, %dma_start3A_394] : memref<10240x64xf32, #tpu.memory_space<hbm>> -> memref<10240x64xf32, #tpu.memory_space<hbm>>
      tpu.enqueue_indirect_dma source(%dma_start3A_395 : memref<10240x64xf32, #tpu.memory_space<hbm>>) target(%dma_start3A_389 : memref<128x64xf32, #tpu.memory_space<vmem>>) offsets(%dma_start3A_392 : memref<128xi32, #tpu.memory_space<vmem>>) semaphore(%arg11 : memref<!tpu.dma_semaphore, #tpu.memory_space<semaphore_mem>>)
      %dma_wait3A_396 = arith.constant 0 : i32
      %dma_wait3A_397 = arith.constant 0 : i32
      %dma_wait3A_398 = tpu.memref_slice %arg9[%scan3A_196, %dma_wait3A_396, %dma_wait3A_397] : memref<4x128x64xf32, #tpu.memory_space<vmem>> -> memref<1x128x64xf32, #tpu.memory_space<vmem>>
      %dma_wait3A_399 = tpu.memref_squeeze %dma_wait3A_398 : memref<1x128x64xf32, #tpu.memory_space<vmem>> -> memref<128x64xf32, #tpu.memory_space<vmem>>
      %dma_wait3A_400 = arith.constant 0 : i32
      %dma_wait3A_401 = tpu.memref_slice %arg7[%scan3A_195, %dma_wait3A_400] : memref<79x128xi32, #tpu.memory_space<vmem>> -> memref<1x128xi32, #tpu.memory_space<vmem>>
      %dma_wait3A_402 = tpu.memref_squeeze %dma_wait3A_401 : memref<1x128xi32, #tpu.memory_space<vmem>> -> memref<128xi32, #tpu.memory_space<vmem>>
      %dma_wait3A_403 = arith.constant 0 : i32
      %dma_wait3A_404 = arith.constant 0 : i32
      %dma_wait3A_405 = tpu.memref_slice %arg2[%dma_wait3A_403, %dma_wait3A_404] : memref<10240x64xf32, #tpu.memory_space<hbm>> -> memref<10240x64xf32, #tpu.memory_space<hbm>>
      tpu.wait_indirect_dma semaphore(%arg11 : memref<!tpu.dma_semaphore, #tpu.memory_space<semaphore_mem>>) src(%dma_wait3A_405 : memref<10240x64xf32, #tpu.memory_space<hbm>>) dst(%dma_wait3A_399 : memref<128x64xf32, #tpu.memory_space<vmem>>)
      %dma_start3A_406 = arith.constant 0 : i32
      %dma_start3A_407 = arith.constant 0 : i32
      %dma_start3A_408 = arith.constant 0 : i32
      %dma_start3A_409 = tpu.memref_slice %arg9[%dma_start3A_406, %dma_start3A_407, %dma_start3A_408] : memref<4x128x64xf32, #tpu.memory_space<vmem>> -> memref<1x128x64xf32, #tpu.memory_space<vmem>>
      %dma_start3A_410 = tpu.memref_squeeze %dma_start3A_409 : memref<1x128x64xf32, #tpu.memory_space<vmem>> -> memref<128x64xf32, #tpu.memory_space<vmem>>
      %dma_start3A_411 = arith.constant 0 : i32
      %dma_start3A_412 = tpu.memref_slice %arg8[%mul3A_349, %dma_start3A_411] : memref<79x128xi32, #tpu.memory_space<vmem>> -> memref<1x128xi32, #tpu.memory_space<vmem>>
      %dma_start3A_413 = tpu.memref_squeeze %dma_start3A_412 : memref<1x128xi32, #tpu.memory_space<vmem>> -> memref<128xi32, #tpu.memory_space<vmem>>
      %dma_start3A_414 = arith.constant 0 : i32
      %dma_start3A_415 = arith.constant 0 : i32
      %dma_start3A_416 = tpu.memref_slice %arg10[%dma_start3A_414, %dma_start3A_415] : memref<10240x64xf32, #tpu.memory_space<vmem_shared>> -> memref<10240x64xf32, #tpu.memory_space<vmem_shared>>
      tpu.enqueue_indirect_dma source(%dma_start3A_410 : memref<128x64xf32, #tpu.memory_space<vmem>>) target(%dma_start3A_416 : memref<10240x64xf32, #tpu.memory_space<vmem_shared>>) offsets(%dma_start3A_413 : memref<128xi32, #tpu.memory_space<vmem>>) semaphore(%arg12 : memref<!tpu.dma_semaphore, #tpu.memory_space<semaphore_mem>>) {add = true}
      %dma_wait3A_417 = arith.constant 0 : i32
      %dma_wait3A_418 = arith.constant 0 : i32
      %dma_wait3A_419 = tpu.memref_slice %arg9[%scan3A_196, %dma_wait3A_417, %dma_wait3A_418] : memref<4x128x64xf32, #tpu.memory_space<vmem>> -> memref<1x128x64xf32, #tpu.memory_space<vmem>>
      %dma_wait3A_420 = tpu.memref_squeeze %dma_wait3A_419 : memref<1x128x64xf32, #tpu.memory_space<vmem>> -> memref<128x64xf32, #tpu.memory_space<vmem>>
      %dma_wait3A_421 = arith.constant 0 : i32
      %dma_wait3A_422 = tpu.memref_slice %arg7[%scan3A_195, %dma_wait3A_421] : memref<79x128xi32, #tpu.memory_space<vmem>> -> memref<1x128xi32, #tpu.memory_space<vmem>>
      %dma_wait3A_423 = tpu.memref_squeeze %dma_wait3A_422 : memref<1x128xi32, #tpu.memory_space<vmem>> -> memref<128xi32, #tpu.memory_space<vmem>>
      %dma_wait3A_424 = arith.constant 0 : i32
      %dma_wait3A_425 = arith.constant 0 : i32
      %dma_wait3A_426 = tpu.memref_slice %arg2[%dma_wait3A_424, %dma_wait3A_425] : memref<10240x64xf32, #tpu.memory_space<hbm>> -> memref<10240x64xf32, #tpu.memory_space<hbm>>
      tpu.wait_indirect_dma semaphore(%arg11 : memref<!tpu.dma_semaphore, #tpu.memory_space<semaphore_mem>>) src(%dma_wait3A_426 : memref<10240x64xf32, #tpu.memory_space<hbm>>) dst(%dma_wait3A_420 : memref<128x64xf32, #tpu.memory_space<vmem>>)
      %add3A_427 = arith.constant 1 : i32
      %add3A_428 = arith.addi %mul3A_349, %add3A_427 : i32
      %dma_start3A_429 = arith.constant 1 : i32
      %dma_start3A_430 = arith.constant 0 : i32
      %dma_start3A_431 = arith.constant 0 : i32
      %dma_start3A_432 = tpu.memref_slice %arg9[%dma_start3A_429, %dma_start3A_430, %dma_start3A_431] : memref<4x128x64xf32, #tpu.memory_space<vmem>> -> memref<1x128x64xf32, #tpu.memory_space<vmem>>
      %dma_start3A_433 = tpu.memref_squeeze %dma_start3A_432 : memref<1x128x64xf32, #tpu.memory_space<vmem>> -> memref<128x64xf32, #tpu.memory_space<vmem>>
      %dma_start3A_434 = arith.constant 0 : i32
      %dma_start3A_435 = tpu.memref_slice %arg8[%add3A_428, %dma_start3A_434] : memref<79x128xi32, #tpu.memory_space<vmem>> -> memref<1x128xi32, #tpu.memory_space<vmem>>
      %dma_start3A_436 = tpu.memref_squeeze %dma_start3A_435 : memref<1x128xi32, #tpu.memory_space<vmem>> -> memref<128xi32, #tpu.memory_space<vmem>>
      %dma_start3A_437 = arith.constant 0 : i32
      %dma_start3A_438 = arith.constant 0 : i32
      %dma_start3A_439 = tpu.memref_slice %arg10[%dma_start3A_437, %dma_start3A_438] : memref<10240x64xf32, #tpu.memory_space<vmem_shared>> -> memref<10240x64xf32, #tpu.memory_space<vmem_shared>>
      tpu.enqueue_indirect_dma source(%dma_start3A_433 : memref<128x64xf32, #tpu.memory_space<vmem>>) target(%dma_start3A_439 : memref<10240x64xf32, #tpu.memory_space<vmem_shared>>) offsets(%dma_start3A_436 : memref<128xi32, #tpu.memory_space<vmem>>) semaphore(%arg12 : memref<!tpu.dma_semaphore, #tpu.memory_space<semaphore_mem>>) {add = true}
      %dma_wait3A_440 = arith.constant 0 : i32
      %dma_wait3A_441 = arith.constant 0 : i32
      %dma_wait3A_442 = tpu.memref_slice %arg9[%scan3A_193, %dma_wait3A_440, %dma_wait3A_441] : memref<4x128x64xf32, #tpu.memory_space<vmem>> -> memref<1x128x64xf32, #tpu.memory_space<vmem>>
      %dma_wait3A_443 = tpu.memref_squeeze %dma_wait3A_442 : memref<1x128x64xf32, #tpu.memory_space<vmem>> -> memref<128x64xf32, #tpu.memory_space<vmem>>
      %dma_wait3A_444 = arith.constant 0 : i32
      %dma_wait3A_445 = tpu.memref_slice %arg8[%scan3A_194, %dma_wait3A_444] : memref<79x128xi32, #tpu.memory_space<vmem>> -> memref<1x128xi32, #tpu.memory_space<vmem>>
      %dma_wait3A_446 = tpu.memref_squeeze %dma_wait3A_445 : memref<1x128xi32, #tpu.memory_space<vmem>> -> memref<128xi32, #tpu.memory_space<vmem>>
      %dma_wait3A_447 = arith.constant 0 : i32
      %dma_wait3A_448 = arith.constant 0 : i32
      %dma_wait3A_449 = tpu.memref_slice %arg10[%dma_wait3A_447, %dma_wait3A_448] : memref<10240x64xf32, #tpu.memory_space<vmem_shared>> -> memref<10240x64xf32, #tpu.memory_space<vmem_shared>>
      tpu.wait_indirect_dma semaphore(%arg12 : memref<!tpu.dma_semaphore, #tpu.memory_space<semaphore_mem>>) src(%dma_wait3A_443 : memref<128x64xf32, #tpu.memory_space<vmem>>) dst(%dma_wait3A_449 : memref<10240x64xf32, #tpu.memory_space<vmem_shared>>)
      %dma_wait3A_450 = arith.constant 0 : i32
      %dma_wait3A_451 = arith.constant 0 : i32
      %dma_wait3A_452 = tpu.memref_slice %arg9[%scan3A_193, %dma_wait3A_450, %dma_wait3A_451] : memref<4x128x64xf32, #tpu.memory_space<vmem>> -> memref<1x128x64xf32, #tpu.memory_space<vmem>>
      %dma_wait3A_453 = tpu.memref_squeeze %dma_wait3A_452 : memref<1x128x64xf32, #tpu.memory_space<vmem>> -> memref<128x64xf32, #tpu.memory_space<vmem>>
      %dma_wait3A_454 = arith.constant 0 : i32
      %dma_wait3A_455 = tpu.memref_slice %arg8[%scan3A_194, %dma_wait3A_454] : memref<79x128xi32, #tpu.memory_space<vmem>> -> memref<1x128xi32, #tpu.memory_space<vmem>>
      %dma_wait3A_456 = tpu.memref_squeeze %dma_wait3A_455 : memref<1x128xi32, #tpu.memory_space<vmem>> -> memref<128xi32, #tpu.memory_space<vmem>>
      %dma_wait3A_457 = arith.constant 0 : i32
      %dma_wait3A_458 = arith.constant 0 : i32
      %dma_wait3A_459 = tpu.memref_slice %arg10[%dma_wait3A_457, %dma_wait3A_458] : memref<10240x64xf32, #tpu.memory_space<vmem_shared>> -> memref<10240x64xf32, #tpu.memory_space<vmem_shared>>
      tpu.wait_indirect_dma semaphore(%arg12 : memref<!tpu.dma_semaphore, #tpu.memory_space<semaphore_mem>>) src(%dma_wait3A_453 : memref<128x64xf32, #tpu.memory_space<vmem>>) dst(%dma_wait3A_459 : memref<10240x64xf32, #tpu.memory_space<vmem_shared>>)
      %add3A_460 = arith.constant 4 : i32
      %add3A_461 = arith.addi %mul3A_349, %add3A_460 : i32
      %dma_start3A_462 = arith.constant 0 : i32
      %dma_start3A_463 = arith.constant 0 : i32
      %dma_start3A_464 = arith.constant 0 : i32
      %dma_start3A_465 = tpu.memref_slice %arg9[%dma_start3A_462, %dma_start3A_463, %dma_start3A_464] : memref<4x128x64xf32, #tpu.memory_space<vmem>> -> memref<1x128x64xf32, #tpu.memory_space<vmem>>
      %dma_start3A_466 = tpu.memref_squeeze %dma_start3A_465 : memref<1x128x64xf32, #tpu.memory_space<vmem>> -> memref<128x64xf32, #tpu.memory_space<vmem>>
      %dma_start3A_467 = arith.constant 0 : i32
      %dma_start3A_468 = tpu.memref_slice %arg7[%add3A_461, %dma_start3A_467] : memref<79x128xi32, #tpu.memory_space<vmem>> -> memref<1x128xi32, #tpu.memory_space<vmem>>
      %dma_start3A_469 = tpu.memref_squeeze %dma_start3A_468 : memref<1x128xi32, #tpu.memory_space<vmem>> -> memref<128xi32, #tpu.memory_space<vmem>>
      %dma_start3A_470 = arith.constant 0 : i32
      %dma_start3A_471 = arith.constant 0 : i32
      %dma_start3A_472 = tpu.memref_slice %arg2[%dma_start3A_470, %dma_start3A_471] : memref<10240x64xf32, #tpu.memory_space<hbm>> -> memref<10240x64xf32, #tpu.memory_space<hbm>>
      tpu.enqueue_indirect_dma source(%dma_start3A_472 : memref<10240x64xf32, #tpu.memory_space<hbm>>) target(%dma_start3A_466 : memref<128x64xf32, #tpu.memory_space<vmem>>) offsets(%dma_start3A_469 : memref<128xi32, #tpu.memory_space<vmem>>) semaphore(%arg11 : memref<!tpu.dma_semaphore, #tpu.memory_space<semaphore_mem>>)
      %add3A_473 = arith.constant 5 : i32
      %add3A_474 = arith.addi %mul3A_349, %add3A_473 : i32
      %dma_start3A_475 = arith.constant 1 : i32
      %dma_start3A_476 = arith.constant 0 : i32
      %dma_start3A_477 = arith.constant 0 : i32
      %dma_start3A_478 = tpu.memref_slice %arg9[%dma_start3A_475, %dma_start3A_476, %dma_start3A_477] : memref<4x128x64xf32, #tpu.memory_space<vmem>> -> memref<1x128x64xf32, #tpu.memory_space<vmem>>
      %dma_start3A_479 = tpu.memref_squeeze %dma_start3A_478 : memref<1x128x64xf32, #tpu.memory_space<vmem>> -> memref<128x64xf32, #tpu.memory_space<vmem>>
      %dma_start3A_480 = arith.constant 0 : i32
      %dma_start3A_481 = tpu.memref_slice %arg7[%add3A_474, %dma_start3A_480] : memref<79x128xi32, #tpu.memory_space<vmem>> -> memref<1x128xi32, #tpu.memory_space<vmem>>
      %dma_start3A_482 = tpu.memref_squeeze %dma_start3A_481 : memref<1x128xi32, #tpu.memory_space<vmem>> -> memref<128xi32, #tpu.memory_space<vmem>>
      %dma_start3A_483 = arith.constant 0 : i32
      %dma_start3A_484 = arith.constant 0 : i32
      %dma_start3A_485 = tpu.memref_slice %arg2[%dma_start3A_483, %dma_start3A_484] : memref<10240x64xf32, #tpu.memory_space<hbm>> -> memref<10240x64xf32, #tpu.memory_space<hbm>>
      tpu.enqueue_indirect_dma source(%dma_start3A_485 : memref<10240x64xf32, #tpu.memory_space<hbm>>) target(%dma_start3A_479 : memref<128x64xf32, #tpu.memory_space<vmem>>) offsets(%dma_start3A_482 : memref<128xi32, #tpu.memory_space<vmem>>) semaphore(%arg11 : memref<!tpu.dma_semaphore, #tpu.memory_space<semaphore_mem>>)
      %dma_wait3A_486 = arith.constant 0 : i32
      %dma_wait3A_487 = arith.constant 0 : i32
      %dma_wait3A_488 = tpu.memref_slice %arg9[%scan3A_196, %dma_wait3A_486, %dma_wait3A_487] : memref<4x128x64xf32, #tpu.memory_space<vmem>> -> memref<1x128x64xf32, #tpu.memory_space<vmem>>
      %dma_wait3A_489 = tpu.memref_squeeze %dma_wait3A_488 : memref<1x128x64xf32, #tpu.memory_space<vmem>> -> memref<128x64xf32, #tpu.memory_space<vmem>>
      %dma_wait3A_490 = arith.constant 0 : i32
      %dma_wait3A_491 = tpu.memref_slice %arg7[%scan3A_195, %dma_wait3A_490] : memref<79x128xi32, #tpu.memory_space<vmem>> -> memref<1x128xi32, #tpu.memory_space<vmem>>
      %dma_wait3A_492 = tpu.memref_squeeze %dma_wait3A_491 : memref<1x128xi32, #tpu.memory_space<vmem>> -> memref<128xi32, #tpu.memory_space<vmem>>
      %dma_wait3A_493 = arith.constant 0 : i32
      %dma_wait3A_494 = arith.constant 0 : i32
      %dma_wait3A_495 = tpu.memref_slice %arg2[%dma_wait3A_493, %dma_wait3A_494] : memref<10240x64xf32, #tpu.memory_space<hbm>> -> memref<10240x64xf32, #tpu.memory_space<hbm>>
      tpu.wait_indirect_dma semaphore(%arg11 : memref<!tpu.dma_semaphore, #tpu.memory_space<semaphore_mem>>) src(%dma_wait3A_495 : memref<10240x64xf32, #tpu.memory_space<hbm>>) dst(%dma_wait3A_489 : memref<128x64xf32, #tpu.memory_space<vmem>>)
      %add3A_496 = arith.constant 2 : i32
      %add3A_497 = arith.addi %mul3A_349, %add3A_496 : i32
      %dma_start3A_498 = arith.constant 2 : i32
      %dma_start3A_499 = arith.constant 0 : i32
      %dma_start3A_500 = arith.constant 0 : i32
      %dma_start3A_501 = tpu.memref_slice %arg9[%dma_start3A_498, %dma_start3A_499, %dma_start3A_500] : memref<4x128x64xf32, #tpu.memory_space<vmem>> -> memref<1x128x64xf32, #tpu.memory_space<vmem>>
      %dma_start3A_502 = tpu.memref_squeeze %dma_start3A_501 : memref<1x128x64xf32, #tpu.memory_space<vmem>> -> memref<128x64xf32, #tpu.memory_space<vmem>>
      %dma_start3A_503 = arith.constant 0 : i32
      %dma_start3A_504 = tpu.memref_slice %arg8[%add3A_497, %dma_start3A_503] : memref<79x128xi32, #tpu.memory_space<vmem>> -> memref<1x128xi32, #tpu.memory_space<vmem>>
      %dma_start3A_505 = tpu.memref_squeeze %dma_start3A_504 : memref<1x128xi32, #tpu.memory_space<vmem>> -> memref<128xi32, #tpu.memory_space<vmem>>
      %dma_start3A_506 = arith.constant 0 : i32
      %dma_start3A_507 = arith.constant 0 : i32
      %dma_start3A_508 = tpu.memref_slice %arg10[%dma_start3A_506, %dma_start3A_507] : memref<10240x64xf32, #tpu.memory_space<vmem_shared>> -> memref<10240x64xf32, #tpu.memory_space<vmem_shared>>
      tpu.enqueue_indirect_dma source(%dma_start3A_502 : memref<128x64xf32, #tpu.memory_space<vmem>>) target(%dma_start3A_508 : memref<10240x64xf32, #tpu.memory_space<vmem_shared>>) offsets(%dma_start3A_505 : memref<128xi32, #tpu.memory_space<vmem>>) semaphore(%arg12 : memref<!tpu.dma_semaphore, #tpu.memory_space<semaphore_mem>>) {add = true}
      %dma_wait3A_509 = arith.constant 0 : i32
      %dma_wait3A_510 = arith.constant 0 : i32
      %dma_wait3A_511 = tpu.memref_slice %arg9[%scan3A_196, %dma_wait3A_509, %dma_wait3A_510] : memref<4x128x64xf32, #tpu.memory_space<vmem>> -> memref<1x128x64xf32, #tpu.memory_space<vmem>>
      %dma_wait3A_512 = tpu.memref_squeeze %dma_wait3A_511 : memref<1x128x64xf32, #tpu.memory_space<vmem>> -> memref<128x64xf32, #tpu.memory_space<vmem>>
      %dma_wait3A_513 = arith.constant 0 : i32
      %dma_wait3A_514 = tpu.memref_slice %arg7[%scan3A_195, %dma_wait3A_513] : memref<79x128xi32, #tpu.memory_space<vmem>> -> memref<1x128xi32, #tpu.memory_space<vmem>>
      %dma_wait3A_515 = tpu.memref_squeeze %dma_wait3A_514 : memref<1x128xi32, #tpu.memory_space<vmem>> -> memref<128xi32, #tpu.memory_space<vmem>>
      %dma_wait3A_516 = arith.constant 0 : i32
      %dma_wait3A_517 = arith.constant 0 : i32
      %dma_wait3A_518 = tpu.memref_slice %arg2[%dma_wait3A_516, %dma_wait3A_517] : memref<10240x64xf32, #tpu.memory_space<hbm>> -> memref<10240x64xf32, #tpu.memory_space<hbm>>
      tpu.wait_indirect_dma semaphore(%arg11 : memref<!tpu.dma_semaphore, #tpu.memory_space<semaphore_mem>>) src(%dma_wait3A_518 : memref<10240x64xf32, #tpu.memory_space<hbm>>) dst(%dma_wait3A_512 : memref<128x64xf32, #tpu.memory_space<vmem>>)
      %add3A_519 = arith.constant 3 : i32
      %add3A_520 = arith.addi %mul3A_349, %add3A_519 : i32
      %dma_start3A_521 = arith.constant 3 : i32
      %dma_start3A_522 = arith.constant 0 : i32
      %dma_start3A_523 = arith.constant 0 : i32
      %dma_start3A_524 = tpu.memref_slice %arg9[%dma_start3A_521, %dma_start3A_522, %dma_start3A_523] : memref<4x128x64xf32, #tpu.memory_space<vmem>> -> memref<1x128x64xf32, #tpu.memory_space<vmem>>
      %dma_start3A_525 = tpu.memref_squeeze %dma_start3A_524 : memref<1x128x64xf32, #tpu.memory_space<vmem>> -> memref<128x64xf32, #tpu.memory_space<vmem>>
      %dma_start3A_526 = arith.constant 0 : i32
      %dma_start3A_527 = tpu.memref_slice %arg8[%add3A_520, %dma_start3A_526] : memref<79x128xi32, #tpu.memory_space<vmem>> -> memref<1x128xi32, #tpu.memory_space<vmem>>
      %dma_start3A_528 = tpu.memref_squeeze %dma_start3A_527 : memref<1x128xi32, #tpu.memory_space<vmem>> -> memref<128xi32, #tpu.memory_space<vmem>>
      %dma_start3A_529 = arith.constant 0 : i32
      %dma_start3A_530 = arith.constant 0 : i32
      %dma_start3A_531 = tpu.memref_slice %arg10[%dma_start3A_529, %dma_start3A_530] : memref<10240x64xf32, #tpu.memory_space<vmem_shared>> -> memref<10240x64xf32, #tpu.memory_space<vmem_shared>>
      tpu.enqueue_indirect_dma source(%dma_start3A_525 : memref<128x64xf32, #tpu.memory_space<vmem>>) target(%dma_start3A_531 : memref<10240x64xf32, #tpu.memory_space<vmem_shared>>) offsets(%dma_start3A_528 : memref<128xi32, #tpu.memory_space<vmem>>) semaphore(%arg12 : memref<!tpu.dma_semaphore, #tpu.memory_space<semaphore_mem>>) {add = true}
    }
    %scan3A_201 = arith.constant 18 : i32
    %dma_wait3A_202 = arith.constant 0 : i32
    %dma_wait3A_203 = arith.constant 0 : i32
    %dma_wait3A_204 = arith.constant 0 : i32
    %dma_wait3A_205 = arith.constant 0 : i32
    %dma_wait3A_206 = tpu.memref_slice %arg9[%dma_wait3A_202, %dma_wait3A_204, %dma_wait3A_205] : memref<4x128x64xf32, #tpu.memory_space<vmem>> -> memref<1x128x64xf32, #tpu.memory_space<vmem>>
    %dma_wait3A_207 = tpu.memref_squeeze %dma_wait3A_206 : memref<1x128x64xf32, #tpu.memory_space<vmem>> -> memref<128x64xf32, #tpu.memory_space<vmem>>
    %dma_wait3A_208 = arith.constant 0 : i32
    %dma_wait3A_209 = tpu.memref_slice %arg8[%dma_wait3A_203, %dma_wait3A_208] : memref<79x128xi32, #tpu.memory_space<vmem>> -> memref<1x128xi32, #tpu.memory_space<vmem>>
    %dma_wait3A_210 = tpu.memref_squeeze %dma_wait3A_209 : memref<1x128xi32, #tpu.memory_space<vmem>> -> memref<128xi32, #tpu.memory_space<vmem>>
    %dma_wait3A_211 = arith.constant 0 : i32
    %dma_wait3A_212 = arith.constant 0 : i32
    %dma_wait3A_213 = tpu.memref_slice %arg10[%dma_wait3A_211, %dma_wait3A_212] : memref<10240x64xf32, #tpu.memory_space<vmem_shared>> -> memref<10240x64xf32, #tpu.memory_space<vmem_shared>>
    tpu.wait_indirect_dma semaphore(%arg12 : memref<!tpu.dma_semaphore, #tpu.memory_space<semaphore_mem>>) src(%dma_wait3A_207 : memref<128x64xf32, #tpu.memory_space<vmem>>) dst(%dma_wait3A_213 : memref<10240x64xf32, #tpu.memory_space<vmem_shared>>)
    %dma_wait3A_214 = arith.constant 0 : i32
    %dma_wait3A_215 = arith.constant 0 : i32
    %dma_wait3A_216 = arith.constant 0 : i32
    %dma_wait3A_217 = arith.constant 0 : i32
    %dma_wait3A_218 = tpu.memref_slice %arg9[%dma_wait3A_214, %dma_wait3A_216, %dma_wait3A_217] : memref<4x128x64xf32, #tpu.memory_space<vmem>> -> memref<1x128x64xf32, #tpu.memory_space<vmem>>
    %dma_wait3A_219 = tpu.memref_squeeze %dma_wait3A_218 : memref<1x128x64xf32, #tpu.memory_space<vmem>> -> memref<128x64xf32, #tpu.memory_space<vmem>>
    %dma_wait3A_220 = arith.constant 0 : i32
    %dma_wait3A_221 = tpu.memref_slice %arg8[%dma_wait3A_215, %dma_wait3A_220] : memref<79x128xi32, #tpu.memory_space<vmem>> -> memref<1x128xi32, #tpu.memory_space<vmem>>
    %dma_wait3A_222 = tpu.memref_squeeze %dma_wait3A_221 : memref<1x128xi32, #tpu.memory_space<vmem>> -> memref<128xi32, #tpu.memory_space<vmem>>
    %dma_wait3A_223 = arith.constant 0 : i32
    %dma_wait3A_224 = arith.constant 0 : i32
    %dma_wait3A_225 = tpu.memref_slice %arg10[%dma_wait3A_223, %dma_wait3A_224] : memref<10240x64xf32, #tpu.memory_space<vmem_shared>> -> memref<10240x64xf32, #tpu.memory_space<vmem_shared>>
    tpu.wait_indirect_dma semaphore(%arg12 : memref<!tpu.dma_semaphore, #tpu.memory_space<semaphore_mem>>) src(%dma_wait3A_219 : memref<128x64xf32, #tpu.memory_space<vmem>>) dst(%dma_wait3A_225 : memref<10240x64xf32, #tpu.memory_space<vmem_shared>>)
    %dma_start3A_226 = arith.constant 78 : i32
    %dma_start3A_227 = arith.constant 2 : i32
    %dma_start3A_228 = arith.constant 0 : i32
    %dma_start3A_229 = arith.constant 0 : i32
    %dma_start3A_230 = tpu.memref_slice %arg9[%dma_start3A_227, %dma_start3A_228, %dma_start3A_229] : memref<4x128x64xf32, #tpu.memory_space<vmem>> -> memref<1x128x64xf32, #tpu.memory_space<vmem>>
    %dma_start3A_231 = tpu.memref_squeeze %dma_start3A_230 : memref<1x128x64xf32, #tpu.memory_space<vmem>> -> memref<128x64xf32, #tpu.memory_space<vmem>>
    %dma_start3A_232 = arith.constant 0 : i32
    %dma_start3A_233 = tpu.memref_slice %arg7[%dma_start3A_226, %dma_start3A_232] : memref<79x128xi32, #tpu.memory_space<vmem>> -> memref<1x128xi32, #tpu.memory_space<vmem>>
    %dma_start3A_234 = tpu.memref_squeeze %dma_start3A_233 : memref<1x128xi32, #tpu.memory_space<vmem>> -> memref<128xi32, #tpu.memory_space<vmem>>
    %dma_start3A_235 = arith.constant 0 : i32
    %dma_start3A_236 = arith.constant 0 : i32
    %dma_start3A_237 = tpu.memref_slice %arg2[%dma_start3A_235, %dma_start3A_236] : memref<10240x64xf32, #tpu.memory_space<hbm>> -> memref<10240x64xf32, #tpu.memory_space<hbm>>
    tpu.enqueue_indirect_dma source(%dma_start3A_237 : memref<10240x64xf32, #tpu.memory_space<hbm>>) target(%dma_start3A_231 : memref<128x64xf32, #tpu.memory_space<vmem>>) offsets(%dma_start3A_234 : memref<128xi32, #tpu.memory_space<vmem>>) semaphore(%arg11 : memref<!tpu.dma_semaphore, #tpu.memory_space<semaphore_mem>>)
    %dma_wait3A_238 = arith.constant 0 : i32
    %dma_wait3A_239 = arith.constant 0 : i32
    %dma_wait3A_240 = arith.constant 0 : i32
    %dma_wait3A_241 = arith.constant 0 : i32
    %dma_wait3A_242 = tpu.memref_slice %arg9[%dma_wait3A_239, %dma_wait3A_240, %dma_wait3A_241] : memref<4x128x64xf32, #tpu.memory_space<vmem>> -> memref<1x128x64xf32, #tpu.memory_space<vmem>>
    %dma_wait3A_243 = tpu.memref_squeeze %dma_wait3A_242 : memref<1x128x64xf32, #tpu.memory_space<vmem>> -> memref<128x64xf32, #tpu.memory_space<vmem>>
    %dma_wait3A_244 = arith.constant 0 : i32
    %dma_wait3A_245 = tpu.memref_slice %arg7[%dma_wait3A_238, %dma_wait3A_244] : memref<79x128xi32, #tpu.memory_space<vmem>> -> memref<1x128xi32, #tpu.memory_space<vmem>>
    %dma_wait3A_246 = tpu.memref_squeeze %dma_wait3A_245 : memref<1x128xi32, #tpu.memory_space<vmem>> -> memref<128xi32, #tpu.memory_space<vmem>>
    %dma_wait3A_247 = arith.constant 0 : i32
    %dma_wait3A_248 = arith.constant 0 : i32
    %dma_wait3A_249 = tpu.memref_slice %arg2[%dma_wait3A_247, %dma_wait3A_248] : memref<10240x64xf32, #tpu.memory_space<hbm>> -> memref<10240x64xf32, #tpu.memory_space<hbm>>
    tpu.wait_indirect_dma semaphore(%arg11 : memref<!tpu.dma_semaphore, #tpu.memory_space<semaphore_mem>>) src(%dma_wait3A_249 : memref<10240x64xf32, #tpu.memory_space<hbm>>) dst(%dma_wait3A_243 : memref<128x64xf32, #tpu.memory_space<vmem>>)
    %dma_start3A_250 = arith.constant 0 : i32
    %dma_start3A_251 = arith.constant 76 : i32
    %dma_start3A_252 = arith.constant 0 : i32
    %dma_start3A_253 = arith.constant 0 : i32
    %dma_start3A_254 = tpu.memref_slice %arg9[%dma_start3A_250, %dma_start3A_252, %dma_start3A_253] : memref<4x128x64xf32, #tpu.memory_space<vmem>> -> memref<1x128x64xf32, #tpu.memory_space<vmem>>
    %dma_start3A_255 = tpu.memref_squeeze %dma_start3A_254 : memref<1x128x64xf32, #tpu.memory_space<vmem>> -> memref<128x64xf32, #tpu.memory_space<vmem>>
    %dma_start3A_256 = arith.constant 0 : i32
    %dma_start3A_257 = tpu.memref_slice %arg8[%dma_start3A_251, %dma_start3A_256] : memref<79x128xi32, #tpu.memory_space<vmem>> -> memref<1x128xi32, #tpu.memory_space<vmem>>
    %dma_start3A_258 = tpu.memref_squeeze %dma_start3A_257 : memref<1x128xi32, #tpu.memory_space<vmem>> -> memref<128xi32, #tpu.memory_space<vmem>>
    %dma_start3A_259 = arith.constant 0 : i32
    %dma_start3A_260 = arith.constant 0 : i32
    %dma_start3A_261 = tpu.memref_slice %arg10[%dma_start3A_259, %dma_start3A_260] : memref<10240x64xf32, #tpu.memory_space<vmem_shared>> -> memref<10240x64xf32, #tpu.memory_space<vmem_shared>>
    tpu.enqueue_indirect_dma source(%dma_start3A_255 : memref<128x64xf32, #tpu.memory_space<vmem>>) target(%dma_start3A_261 : memref<10240x64xf32, #tpu.memory_space<vmem_shared>>) offsets(%dma_start3A_258 : memref<128xi32, #tpu.memory_space<vmem>>) semaphore(%arg12 : memref<!tpu.dma_semaphore, #tpu.memory_space<semaphore_mem>>) {add = true}
    %dma_wait3A_262 = arith.constant 0 : i32
    %dma_wait3A_263 = arith.constant 0 : i32
    %dma_wait3A_264 = arith.constant 0 : i32
    %dma_wait3A_265 = arith.constant 0 : i32
    %dma_wait3A_266 = tpu.memref_slice %arg9[%dma_wait3A_263, %dma_wait3A_264, %dma_wait3A_265] : memref<4x128x64xf32, #tpu.memory_space<vmem>> -> memref<1x128x64xf32, #tpu.memory_space<vmem>>
    %dma_wait3A_267 = tpu.memref_squeeze %dma_wait3A_266 : memref<1x128x64xf32, #tpu.memory_space<vmem>> -> memref<128x64xf32, #tpu.memory_space<vmem>>
    %dma_wait3A_268 = arith.constant 0 : i32
    %dma_wait3A_269 = tpu.memref_slice %arg7[%dma_wait3A_262, %dma_wait3A_268] : memref<79x128xi32, #tpu.memory_space<vmem>> -> memref<1x128xi32, #tpu.memory_space<vmem>>
    %dma_wait3A_270 = tpu.memref_squeeze %dma_wait3A_269 : memref<1x128xi32, #tpu.memory_space<vmem>> -> memref<128xi32, #tpu.memory_space<vmem>>
    %dma_wait3A_271 = arith.constant 0 : i32
    %dma_wait3A_272 = arith.constant 0 : i32
    %dma_wait3A_273 = tpu.memref_slice %arg2[%dma_wait3A_271, %dma_wait3A_272] : memref<10240x64xf32, #tpu.memory_space<hbm>> -> memref<10240x64xf32, #tpu.memory_space<hbm>>
    tpu.wait_indirect_dma semaphore(%arg11 : memref<!tpu.dma_semaphore, #tpu.memory_space<semaphore_mem>>) src(%dma_wait3A_273 : memref<10240x64xf32, #tpu.memory_space<hbm>>) dst(%dma_wait3A_267 : memref<128x64xf32, #tpu.memory_space<vmem>>)
    %dma_start3A_274 = arith.constant 1 : i32
    %dma_start3A_275 = arith.constant 77 : i32
    %dma_start3A_276 = arith.constant 0 : i32
    %dma_start3A_277 = arith.constant 0 : i32
    %dma_start3A_278 = tpu.memref_slice %arg9[%dma_start3A_274, %dma_start3A_276, %dma_start3A_277] : memref<4x128x64xf32, #tpu.memory_space<vmem>> -> memref<1x128x64xf32, #tpu.memory_space<vmem>>
    %dma_start3A_279 = tpu.memref_squeeze %dma_start3A_278 : memref<1x128x64xf32, #tpu.memory_space<vmem>> -> memref<128x64xf32, #tpu.memory_space<vmem>>
    %dma_start3A_280 = arith.constant 0 : i32
    %dma_start3A_281 = tpu.memref_slice %arg8[%dma_start3A_275, %dma_start3A_280] : memref<79x128xi32, #tpu.memory_space<vmem>> -> memref<1x128xi32, #tpu.memory_space<vmem>>
    %dma_start3A_282 = tpu.memref_squeeze %dma_start3A_281 : memref<1x128xi32, #tpu.memory_space<vmem>> -> memref<128xi32, #tpu.memory_space<vmem>>
    %dma_start3A_283 = arith.constant 0 : i32
    %dma_start3A_284 = arith.constant 0 : i32
    %dma_start3A_285 = tpu.memref_slice %arg10[%dma_start3A_283, %dma_start3A_284] : memref<10240x64xf32, #tpu.memory_space<vmem_shared>> -> memref<10240x64xf32, #tpu.memory_space<vmem_shared>>
    tpu.enqueue_indirect_dma source(%dma_start3A_279 : memref<128x64xf32, #tpu.memory_space<vmem>>) target(%dma_start3A_285 : memref<10240x64xf32, #tpu.memory_space<vmem_shared>>) offsets(%dma_start3A_282 : memref<128xi32, #tpu.memory_space<vmem>>) semaphore(%arg12 : memref<!tpu.dma_semaphore, #tpu.memory_space<semaphore_mem>>) {add = true}
    %dma_wait3A_286 = arith.constant 0 : i32
    %dma_wait3A_287 = arith.constant 0 : i32
    %dma_wait3A_288 = arith.constant 0 : i32
    %dma_wait3A_289 = arith.constant 0 : i32
    %dma_wait3A_290 = tpu.memref_slice %arg9[%dma_wait3A_286, %dma_wait3A_288, %dma_wait3A_289] : memref<4x128x64xf32, #tpu.memory_space<vmem>> -> memref<1x128x64xf32, #tpu.memory_space<vmem>>
    %dma_wait3A_291 = tpu.memref_squeeze %dma_wait3A_290 : memref<1x128x64xf32, #tpu.memory_space<vmem>> -> memref<128x64xf32, #tpu.memory_space<vmem>>
    %dma_wait3A_292 = arith.constant 0 : i32
    %dma_wait3A_293 = tpu.memref_slice %arg8[%dma_wait3A_287, %dma_wait3A_292] : memref<79x128xi32, #tpu.memory_space<vmem>> -> memref<1x128xi32, #tpu.memory_space<vmem>>
    %dma_wait3A_294 = tpu.memref_squeeze %dma_wait3A_293 : memref<1x128xi32, #tpu.memory_space<vmem>> -> memref<128xi32, #tpu.memory_space<vmem>>
    %dma_wait3A_295 = arith.constant 0 : i32
    %dma_wait3A_296 = arith.constant 0 : i32
    %dma_wait3A_297 = tpu.memref_slice %arg10[%dma_wait3A_295, %dma_wait3A_296] : memref<10240x64xf32, #tpu.memory_space<vmem_shared>> -> memref<10240x64xf32, #tpu.memory_space<vmem_shared>>
    tpu.wait_indirect_dma semaphore(%arg12 : memref<!tpu.dma_semaphore, #tpu.memory_space<semaphore_mem>>) src(%dma_wait3A_291 : memref<128x64xf32, #tpu.memory_space<vmem>>) dst(%dma_wait3A_297 : memref<10240x64xf32, #tpu.memory_space<vmem_shared>>)
    %dma_wait3A_298 = arith.constant 0 : i32
    %dma_wait3A_299 = arith.constant 0 : i32
    %dma_wait3A_300 = arith.constant 0 : i32
    %dma_wait3A_301 = arith.constant 0 : i32
    %dma_wait3A_302 = tpu.memref_slice %arg9[%dma_wait3A_298, %dma_wait3A_300, %dma_wait3A_301] : memref<4x128x64xf32, #tpu.memory_space<vmem>> -> memref<1x128x64xf32, #tpu.memory_space<vmem>>
    %dma_wait3A_303 = tpu.memref_squeeze %dma_wait3A_302 : memref<1x128x64xf32, #tpu.memory_space<vmem>> -> memref<128x64xf32, #tpu.memory_space<vmem>>
    %dma_wait3A_304 = arith.constant 0 : i32
    %dma_wait3A_305 = tpu.memref_slice %arg8[%dma_wait3A_299, %dma_wait3A_304] : memref<79x128xi32, #tpu.memory_space<vmem>> -> memref<1x128xi32, #tpu.memory_space<vmem>>
    %dma_wait3A_306 = tpu.memref_squeeze %dma_wait3A_305 : memref<1x128xi32, #tpu.memory_space<vmem>> -> memref<128xi32, #tpu.memory_space<vmem>>
    %dma_wait3A_307 = arith.constant 0 : i32
    %dma_wait3A_308 = arith.constant 0 : i32
    %dma_wait3A_309 = tpu.memref_slice %arg10[%dma_wait3A_307, %dma_wait3A_308] : memref<10240x64xf32, #tpu.memory_space<vmem_shared>> -> memref<10240x64xf32, #tpu.memory_space<vmem_shared>>
    tpu.wait_indirect_dma semaphore(%arg12 : memref<!tpu.dma_semaphore, #tpu.memory_space<semaphore_mem>>) src(%dma_wait3A_303 : memref<128x64xf32, #tpu.memory_space<vmem>>) dst(%dma_wait3A_309 : memref<10240x64xf32, #tpu.memory_space<vmem_shared>>)
    %dma_wait3A_310 = arith.constant 0 : i32
    %dma_wait3A_311 = arith.constant 0 : i32
    %dma_wait3A_312 = arith.constant 0 : i32
    %dma_wait3A_313 = arith.constant 0 : i32
    %dma_wait3A_314 = tpu.memref_slice %arg9[%dma_wait3A_311, %dma_wait3A_312, %dma_wait3A_313] : memref<4x128x64xf32, #tpu.memory_space<vmem>> -> memref<1x128x64xf32, #tpu.memory_space<vmem>>
    %dma_wait3A_315 = tpu.memref_squeeze %dma_wait3A_314 : memref<1x128x64xf32, #tpu.memory_space<vmem>> -> memref<128x64xf32, #tpu.memory_space<vmem>>
    %dma_wait3A_316 = arith.constant 0 : i32
    %dma_wait3A_317 = tpu.memref_slice %arg7[%dma_wait3A_310, %dma_wait3A_316] : memref<79x128xi32, #tpu.memory_space<vmem>> -> memref<1x128xi32, #tpu.memory_space<vmem>>
    %dma_wait3A_318 = tpu.memref_squeeze %dma_wait3A_317 : memref<1x128xi32, #tpu.memory_space<vmem>> -> memref<128xi32, #tpu.memory_space<vmem>>
    %dma_wait3A_319 = arith.constant 0 : i32
    %dma_wait3A_320 = arith.constant 0 : i32
    %dma_wait3A_321 = tpu.memref_slice %arg2[%dma_wait3A_319, %dma_wait3A_320] : memref<10240x64xf32, #tpu.memory_space<hbm>> -> memref<10240x64xf32, #tpu.memory_space<hbm>>
    tpu.wait_indirect_dma semaphore(%arg11 : memref<!tpu.dma_semaphore, #tpu.memory_space<semaphore_mem>>) src(%dma_wait3A_321 : memref<10240x64xf32, #tpu.memory_space<hbm>>) dst(%dma_wait3A_315 : memref<128x64xf32, #tpu.memory_space<vmem>>)
    %dma_start3A_322 = arith.constant 2 : i32
    %dma_start3A_323 = arith.constant 78 : i32
    %dma_start3A_324 = arith.constant 0 : i32
    %dma_start3A_325 = arith.constant 0 : i32
    %dma_start3A_326 = tpu.memref_slice %arg9[%dma_start3A_322, %dma_start3A_324, %dma_start3A_325] : memref<4x128x64xf32, #tpu.memory_space<vmem>> -> memref<1x128x64xf32, #tpu.memory_space<vmem>>
    %dma_start3A_327 = tpu.memref_squeeze %dma_start3A_326 : memref<1x128x64xf32, #tpu.memory_space<vmem>> -> memref<128x64xf32, #tpu.memory_space<vmem>>
    %dma_start3A_328 = arith.constant 0 : i32
    %dma_start3A_329 = tpu.memref_slice %arg8[%dma_start3A_323, %dma_start3A_328] : memref<79x128xi32, #tpu.memory_space<vmem>> -> memref<1x128xi32, #tpu.memory_space<vmem>>
    %dma_start3A_330 = tpu.memref_squeeze %dma_start3A_329 : memref<1x128xi32, #tpu.memory_space<vmem>> -> memref<128xi32, #tpu.memory_space<vmem>>
    %dma_start3A_331 = arith.constant 0 : i32
    %dma_start3A_332 = arith.constant 0 : i32
    %dma_start3A_333 = tpu.memref_slice %arg10[%dma_start3A_331, %dma_start3A_332] : memref<10240x64xf32, #tpu.memory_space<vmem_shared>> -> memref<10240x64xf32, #tpu.memory_space<vmem_shared>>
    tpu.enqueue_indirect_dma source(%dma_start3A_327 : memref<128x64xf32, #tpu.memory_space<vmem>>) target(%dma_start3A_333 : memref<10240x64xf32, #tpu.memory_space<vmem_shared>>) offsets(%dma_start3A_330 : memref<128xi32, #tpu.memory_space<vmem>>) semaphore(%arg12 : memref<!tpu.dma_semaphore, #tpu.memory_space<semaphore_mem>>) {add = true}
    %dma_wait3A_334 = arith.constant 0 : i32
    %dma_wait3A_335 = arith.constant 0 : i32
    %dma_wait3A_336 = arith.constant 0 : i32
    %dma_wait3A_337 = arith.constant 0 : i32
    %dma_wait3A_338 = tpu.memref_slice %arg9[%dma_wait3A_334, %dma_wait3A_336, %dma_wait3A_337] : memref<4x128x64xf32, #tpu.memory_space<vmem>> -> memref<1x128x64xf32, #tpu.memory_space<vmem>>
    %dma_wait3A_339 = tpu.memref_squeeze %dma_wait3A_338 : memref<1x128x64xf32, #tpu.memory_space<vmem>> -> memref<128x64xf32, #tpu.memory_space<vmem>>
    %dma_wait3A_340 = arith.constant 0 : i32
    %dma_wait3A_341 = tpu.memref_slice %arg8[%dma_wait3A_335, %dma_wait3A_340] : memref<79x128xi32, #tpu.memory_space<vmem>> -> memref<1x128xi32, #tpu.memory_space<vmem>>
    %dma_wait3A_342 = tpu.memref_squeeze %dma_wait3A_341 : memref<1x128xi32, #tpu.memory_space<vmem>> -> memref<128xi32, #tpu.memory_space<vmem>>
    %dma_wait3A_343 = arith.constant 0 : i32
    %dma_wait3A_344 = arith.constant 0 : i32
    %dma_wait3A_345 = tpu.memref_slice %arg10[%dma_wait3A_343, %dma_wait3A_344] : memref<10240x64xf32, #tpu.memory_space<vmem_shared>> -> memref<10240x64xf32, #tpu.memory_space<vmem_shared>>
    tpu.wait_indirect_dma semaphore(%arg12 : memref<!tpu.dma_semaphore, #tpu.memory_space<semaphore_mem>>) src(%dma_wait3A_339 : memref<128x64xf32, #tpu.memory_space<vmem>>) dst(%dma_wait3A_345 : memref<10240x64xf32, #tpu.memory_space<vmem_shared>>)
    %barrier3A_346 = arith.constant 0 : index
    tpu.barrier barrier_id(%barrier3A_346)
    "tpu.region"() ({
      %run_scoped3A = tpu.sem_alloc : memref<!tpu.dma_semaphore, #tpu.memory_space<semaphore_mem>>
      %dma_start3A_347 = arith.constant 0 : i32
      %dma_start3A_348 = tpu.memref_slice %arg6[%arg0, %mul3A_2, %dma_start3A_347] : memref<2x10240x64xf32, #tpu.memory_space<hbm>> -> memref<1x640x64xf32, #tpu.memory_space<hbm>>
      %dma_start3A_349 = tpu.memref_squeeze %dma_start3A_348 : memref<1x640x64xf32, #tpu.memory_space<hbm>> -> memref<640x64xf32, #tpu.memory_space<hbm>>
      %dma_start3A_350 = arith.constant 0 : i32
      %dma_start3A_351 = tpu.memref_slice %arg10[%mul3A_2, %dma_start3A_350] : memref<10240x64xf32, #tpu.memory_space<vmem_shared>> -> memref<640x64xf32, #tpu.memory_space<vmem_shared>>
      tpu.enqueue_dma source(%dma_start3A_351 : memref<640x64xf32, #tpu.memory_space<vmem_shared>>) target(%dma_start3A_349 : memref<640x64xf32, #tpu.memory_space<hbm>>) target_semaphore(%run_scoped3A : memref<!tpu.dma_semaphore, #tpu.memory_space<semaphore_mem>>)
      %dma_wait3A_352 = arith.constant 0 : i32
      %dma_wait3A_353 = tpu.memref_slice %arg6[%arg0, %mul3A_2, %dma_wait3A_352] : memref<2x10240x64xf32, #tpu.memory_space<hbm>> -> memref<1x640x64xf32, #tpu.memory_space<hbm>>
      %dma_wait3A_354 = tpu.memref_squeeze %dma_wait3A_353 : memref<1x640x64xf32, #tpu.memory_space<hbm>> -> memref<640x64xf32, #tpu.memory_space<hbm>>
      %dma_wait3A_355 = arith.constant 0 : i32
      %dma_wait3A_356 = tpu.memref_slice %arg10[%mul3A_2, %dma_wait3A_355] : memref<10240x64xf32, #tpu.memory_space<vmem_shared>> -> memref<640x64xf32, #tpu.memory_space<vmem_shared>>
      tpu.wait_dma2 semaphore(%run_scoped3A : memref<!tpu.dma_semaphore, #tpu.memory_space<semaphore_mem>>) src(%dma_wait3A_356 : memref<640x64xf32, #tpu.memory_space<vmem_shared>>) dst(%dma_wait3A_354 : memref<640x64xf32, #tpu.memory_space<hbm>>)
      tpu.yield
    }) : () -> ()
    return
  }
}

#map = affine_map<(d0, d1) -> (0, 0, 0)>
#map1 = affine_map<(d0, d1) -> (0, 0)>
module attributes {stable_mosaic.version = 14 : i64} {
  func.func @_deg_body(%arg0: i32, %arg1: i32, %arg2: memref<32x79x128xi32, #tpu.memory_space<hbm>>, %arg3: memref<128x16xf32, #tpu.memory_space<hbm>>, %arg4: memref<10240x16xf32, #tpu.memory_space<hbm>>, %arg5: memref<2x10240x16xf32, #tpu.memory_space<hbm>>, %arg6: memref<79x128xi32, #tpu.memory_space<vmem>>, %arg7: memref<128x16xf32, #tpu.memory_space<vmem>>, %arg8: memref<10240x16xf32, #tpu.memory_space<vmem_shared>>, %arg9: memref<!tpu.dma_semaphore, #tpu.memory_space<semaphore_mem>>) attributes {dimension_semantics = [#tpu.dimension_semantics<core_parallel>, #tpu.dimension_semantics<subcore_parallel>], iteration_bounds = array<i64: 2, 16>, scalar_prefetch = 0 : i64, scratch_operands = 4 : i64, tpu.core_type = #tpu.core_type<sc_vector_subcore>, window_params = [{transform_indices = #map}, {transform_indices = #map1}, {transform_indices = #map1}, {transform_indices = #map}]} {
    %mul3A = arith.constant 16 : i32
    %mul3A_0 = arith.muli %arg0, %mul3A : i32
    %add3A = arith.addi %mul3A_0, %arg1 : i32
    %mul3A_1 = arith.constant 640 : i32
    %mul3A_2 = arith.muli %arg1, %mul3A_1 : i32
    "tpu.region"() ({
      %run_scoped3A = tpu.sem_alloc : memref<!tpu.dma_semaphore, #tpu.memory_space<semaphore_mem>>
      %dma_start3A_64 = arith.constant 0 : i32
      %dma_start3A_65 = tpu.memref_slice %arg8[%mul3A_2, %dma_start3A_64] : memref<10240x16xf32, #tpu.memory_space<vmem_shared>> -> memref<640x16xf32, #tpu.memory_space<vmem_shared>>
      %dma_start3A_66 = arith.constant 0 : i32
      %dma_start3A_67 = tpu.memref_slice %arg4[%mul3A_2, %dma_start3A_66] : memref<10240x16xf32, #tpu.memory_space<hbm>> -> memref<640x16xf32, #tpu.memory_space<hbm>>
      tpu.enqueue_dma source(%dma_start3A_67 : memref<640x16xf32, #tpu.memory_space<hbm>>) target(%dma_start3A_65 : memref<640x16xf32, #tpu.memory_space<vmem_shared>>) target_semaphore(%run_scoped3A : memref<!tpu.dma_semaphore, #tpu.memory_space<semaphore_mem>>)
      %dma_wait3A_68 = arith.constant 0 : i32
      %dma_wait3A_69 = tpu.memref_slice %arg8[%mul3A_2, %dma_wait3A_68] : memref<10240x16xf32, #tpu.memory_space<vmem_shared>> -> memref<640x16xf32, #tpu.memory_space<vmem_shared>>
      %dma_wait3A_70 = arith.constant 0 : i32
      %dma_wait3A_71 = tpu.memref_slice %arg4[%mul3A_2, %dma_wait3A_70] : memref<10240x16xf32, #tpu.memory_space<hbm>> -> memref<640x16xf32, #tpu.memory_space<hbm>>
      tpu.wait_dma2 semaphore(%run_scoped3A : memref<!tpu.dma_semaphore, #tpu.memory_space<semaphore_mem>>) src(%dma_wait3A_71 : memref<640x16xf32, #tpu.memory_space<hbm>>) dst(%dma_wait3A_69 : memref<640x16xf32, #tpu.memory_space<vmem_shared>>)
      tpu.yield
    }) : () -> ()
    "tpu.region"() ({
      %run_scoped3A = tpu.sem_alloc : memref<!tpu.dma_semaphore, #tpu.memory_space<semaphore_mem>>
      tpu.enqueue_dma source(%arg3 : memref<128x16xf32, #tpu.memory_space<hbm>>) target(%arg7 : memref<128x16xf32, #tpu.memory_space<vmem>>) target_semaphore(%run_scoped3A : memref<!tpu.dma_semaphore, #tpu.memory_space<semaphore_mem>>)
      tpu.wait_dma2 semaphore(%run_scoped3A : memref<!tpu.dma_semaphore, #tpu.memory_space<semaphore_mem>>) src(%arg3 : memref<128x16xf32, #tpu.memory_space<hbm>>) dst(%arg7 : memref<128x16xf32, #tpu.memory_space<vmem>>)
      tpu.yield
    }) : () -> ()
    "tpu.region"() ({
      %run_scoped3A = tpu.sem_alloc : memref<!tpu.dma_semaphore, #tpu.memory_space<semaphore_mem>>
      %dma_start3A_64 = arith.constant 0 : i32
      %dma_start3A_65 = arith.constant 0 : i32
      %dma_start3A_66 = tpu.memref_slice %arg2[%add3A, %dma_start3A_64, %dma_start3A_65] : memref<32x79x128xi32, #tpu.memory_space<hbm>> -> memref<1x79x128xi32, #tpu.memory_space<hbm>>
      %dma_start3A_67 = tpu.memref_squeeze %dma_start3A_66 : memref<1x79x128xi32, #tpu.memory_space<hbm>> -> memref<79x128xi32, #tpu.memory_space<hbm>>
      %dma_start3A_68 = arith.constant 0 : i32
      %dma_start3A_69 = arith.constant 0 : i32
      %dma_start3A_70 = tpu.memref_slice %arg2[%add3A, %dma_start3A_68, %dma_start3A_69] : memref<32x79x128xi32, #tpu.memory_space<hbm>> -> memref<1x79x128xi32, #tpu.memory_space<hbm>>
      %dma_start3A_71 = tpu.memref_squeeze %dma_start3A_70 : memref<1x79x128xi32, #tpu.memory_space<hbm>> -> memref<79x128xi32, #tpu.memory_space<hbm>>
      tpu.enqueue_dma source(%dma_start3A_71 : memref<79x128xi32, #tpu.memory_space<hbm>>) target(%arg6 : memref<79x128xi32, #tpu.memory_space<vmem>>) target_semaphore(%run_scoped3A : memref<!tpu.dma_semaphore, #tpu.memory_space<semaphore_mem>>)
      %dma_wait3A_72 = arith.constant 0 : i32
      %dma_wait3A_73 = arith.constant 0 : i32
      %dma_wait3A_74 = tpu.memref_slice %arg2[%add3A, %dma_wait3A_72, %dma_wait3A_73] : memref<32x79x128xi32, #tpu.memory_space<hbm>> -> memref<1x79x128xi32, #tpu.memory_space<hbm>>
      %dma_wait3A_75 = tpu.memref_squeeze %dma_wait3A_74 : memref<1x79x128xi32, #tpu.memory_space<hbm>> -> memref<79x128xi32, #tpu.memory_space<hbm>>
      %dma_wait3A_76 = arith.constant 0 : i32
      %dma_wait3A_77 = arith.constant 0 : i32
      %dma_wait3A_78 = tpu.memref_slice %arg2[%add3A, %dma_wait3A_76, %dma_wait3A_77] : memref<32x79x128xi32, #tpu.memory_space<hbm>> -> memref<1x79x128xi32, #tpu.memory_space<hbm>>
      %dma_wait3A_79 = tpu.memref_squeeze %dma_wait3A_78 : memref<1x79x128xi32, #tpu.memory_space<hbm>> -> memref<79x128xi32, #tpu.memory_space<hbm>>
      tpu.wait_dma2 semaphore(%run_scoped3A : memref<!tpu.dma_semaphore, #tpu.memory_space<semaphore_mem>>) src(%dma_wait3A_79 : memref<79x128xi32, #tpu.memory_space<hbm>>) dst(%arg6 : memref<79x128xi32, #tpu.memory_space<vmem>>)
      tpu.yield
    }) : () -> ()
    %barrier3A = arith.constant 0 : index
    tpu.barrier barrier_id(%barrier3A)
    %dma_start3A = arith.constant 0 : i32
    %dma_start3A_3 = arith.constant 0 : i32
    %dma_start3A_4 = tpu.memref_slice %arg6[%dma_start3A, %dma_start3A_3] : memref<79x128xi32, #tpu.memory_space<vmem>> -> memref<1x128xi32, #tpu.memory_space<vmem>>
    %dma_start3A_5 = tpu.memref_squeeze %dma_start3A_4 : memref<1x128xi32, #tpu.memory_space<vmem>> -> memref<128xi32, #tpu.memory_space<vmem>>
    %dma_start3A_6 = arith.constant 0 : i32
    %dma_start3A_7 = arith.constant 0 : i32
    %dma_start3A_8 = tpu.memref_slice %arg8[%dma_start3A_6, %dma_start3A_7] : memref<10240x16xf32, #tpu.memory_space<vmem_shared>> -> memref<10240x16xf32, #tpu.memory_space<vmem_shared>>
    tpu.enqueue_indirect_dma source(%arg7 : memref<128x16xf32, #tpu.memory_space<vmem>>) target(%dma_start3A_8 : memref<10240x16xf32, #tpu.memory_space<vmem_shared>>) offsets(%dma_start3A_5 : memref<128xi32, #tpu.memory_space<vmem>>) semaphore(%arg9 : memref<!tpu.dma_semaphore, #tpu.memory_space<semaphore_mem>>) {add = true}
    %dma_start3A_9 = arith.constant 1 : i32
    %dma_start3A_10 = arith.constant 0 : i32
    %dma_start3A_11 = tpu.memref_slice %arg6[%dma_start3A_9, %dma_start3A_10] : memref<79x128xi32, #tpu.memory_space<vmem>> -> memref<1x128xi32, #tpu.memory_space<vmem>>
    %dma_start3A_12 = tpu.memref_squeeze %dma_start3A_11 : memref<1x128xi32, #tpu.memory_space<vmem>> -> memref<128xi32, #tpu.memory_space<vmem>>
    %dma_start3A_13 = arith.constant 0 : i32
    %dma_start3A_14 = arith.constant 0 : i32
    %dma_start3A_15 = tpu.memref_slice %arg8[%dma_start3A_13, %dma_start3A_14] : memref<10240x16xf32, #tpu.memory_space<vmem_shared>> -> memref<10240x16xf32, #tpu.memory_space<vmem_shared>>
    tpu.enqueue_indirect_dma source(%arg7 : memref<128x16xf32, #tpu.memory_space<vmem>>) target(%dma_start3A_15 : memref<10240x16xf32, #tpu.memory_space<vmem_shared>>) offsets(%dma_start3A_12 : memref<128xi32, #tpu.memory_space<vmem>>) semaphore(%arg9 : memref<!tpu.dma_semaphore, #tpu.memory_space<semaphore_mem>>) {add = true}
    %dma_start3A_16 = arith.constant 2 : i32
    %dma_start3A_17 = arith.constant 0 : i32
    %dma_start3A_18 = tpu.memref_slice %arg6[%dma_start3A_16, %dma_start3A_17] : memref<79x128xi32, #tpu.memory_space<vmem>> -> memref<1x128xi32, #tpu.memory_space<vmem>>
    %dma_start3A_19 = tpu.memref_squeeze %dma_start3A_18 : memref<1x128xi32, #tpu.memory_space<vmem>> -> memref<128xi32, #tpu.memory_space<vmem>>
    %dma_start3A_20 = arith.constant 0 : i32
    %dma_start3A_21 = arith.constant 0 : i32
    %dma_start3A_22 = tpu.memref_slice %arg8[%dma_start3A_20, %dma_start3A_21] : memref<10240x16xf32, #tpu.memory_space<vmem_shared>> -> memref<10240x16xf32, #tpu.memory_space<vmem_shared>>
    tpu.enqueue_indirect_dma source(%arg7 : memref<128x16xf32, #tpu.memory_space<vmem>>) target(%dma_start3A_22 : memref<10240x16xf32, #tpu.memory_space<vmem_shared>>) offsets(%dma_start3A_19 : memref<128xi32, #tpu.memory_space<vmem>>) semaphore(%arg9 : memref<!tpu.dma_semaphore, #tpu.memory_space<semaphore_mem>>) {add = true}
    %dma_start3A_23 = arith.constant 3 : i32
    %dma_start3A_24 = arith.constant 0 : i32
    %dma_start3A_25 = tpu.memref_slice %arg6[%dma_start3A_23, %dma_start3A_24] : memref<79x128xi32, #tpu.memory_space<vmem>> -> memref<1x128xi32, #tpu.memory_space<vmem>>
    %dma_start3A_26 = tpu.memref_squeeze %dma_start3A_25 : memref<1x128xi32, #tpu.memory_space<vmem>> -> memref<128xi32, #tpu.memory_space<vmem>>
    %dma_start3A_27 = arith.constant 0 : i32
    %dma_start3A_28 = arith.constant 0 : i32
    %dma_start3A_29 = tpu.memref_slice %arg8[%dma_start3A_27, %dma_start3A_28] : memref<10240x16xf32, #tpu.memory_space<vmem_shared>> -> memref<10240x16xf32, #tpu.memory_space<vmem_shared>>
    tpu.enqueue_indirect_dma source(%arg7 : memref<128x16xf32, #tpu.memory_space<vmem>>) target(%dma_start3A_29 : memref<10240x16xf32, #tpu.memory_space<vmem_shared>>) offsets(%dma_start3A_26 : memref<128xi32, #tpu.memory_space<vmem>>) semaphore(%arg9 : memref<!tpu.dma_semaphore, #tpu.memory_space<semaphore_mem>>) {add = true}
    %scan3A = arith.constant 0 : i32
    %scan3A_30 = arith.constant 0 : i32
    %scan3A_31 = arith.constant 0 : i32
    %scan3A_32 = arith.constant 75 : i32
    %scan3A_33 = arith.addi %scan3A_31, %scan3A_32 : i32
    %scan3A_34 = arith.constant 1 : i32
    scf.for %scan3A_64 = %scan3A_31 to %scan3A_33 step %scan3A_34  : i32 {
      %dma_wait3A_65 = arith.constant 0 : i32
      %dma_wait3A_66 = tpu.memref_slice %arg6[%scan3A_30, %dma_wait3A_65] : memref<79x128xi32, #tpu.memory_space<vmem>> -> memref<1x128xi32, #tpu.memory_space<vmem>>
      %dma_wait3A_67 = tpu.memref_squeeze %dma_wait3A_66 : memref<1x128xi32, #tpu.memory_space<vmem>> -> memref<128xi32, #tpu.memory_space<vmem>>
      %dma_wait3A_68 = arith.constant 0 : i32
      %dma_wait3A_69 = arith.constant 0 : i32
      %dma_wait3A_70 = tpu.memref_slice %arg8[%dma_wait3A_68, %dma_wait3A_69] : memref<10240x16xf32, #tpu.memory_space<vmem_shared>> -> memref<10240x16xf32, #tpu.memory_space<vmem_shared>>
      tpu.wait_indirect_dma semaphore(%arg9 : memref<!tpu.dma_semaphore, #tpu.memory_space<semaphore_mem>>) src(%arg7 : memref<128x16xf32, #tpu.memory_space<vmem>>) dst(%dma_wait3A_70 : memref<10240x16xf32, #tpu.memory_space<vmem_shared>>)
      %add3A_71 = arith.constant 4 : i32
      %add3A_72 = arith.addi %scan3A_64, %add3A_71 : i32
      %dma_start3A_73 = arith.constant 0 : i32
      %dma_start3A_74 = tpu.memref_slice %arg6[%add3A_72, %dma_start3A_73] : memref<79x128xi32, #tpu.memory_space<vmem>> -> memref<1x128xi32, #tpu.memory_space<vmem>>
      %dma_start3A_75 = tpu.memref_squeeze %dma_start3A_74 : memref<1x128xi32, #tpu.memory_space<vmem>> -> memref<128xi32, #tpu.memory_space<vmem>>
      %dma_start3A_76 = arith.constant 0 : i32
      %dma_start3A_77 = arith.constant 0 : i32
      %dma_start3A_78 = tpu.memref_slice %arg8[%dma_start3A_76, %dma_start3A_77] : memref<10240x16xf32, #tpu.memory_space<vmem_shared>> -> memref<10240x16xf32, #tpu.memory_space<vmem_shared>>
      tpu.enqueue_indirect_dma source(%arg7 : memref<128x16xf32, #tpu.memory_space<vmem>>) target(%dma_start3A_78 : memref<10240x16xf32, #tpu.memory_space<vmem_shared>>) offsets(%dma_start3A_75 : memref<128xi32, #tpu.memory_space<vmem>>) semaphore(%arg9 : memref<!tpu.dma_semaphore, #tpu.memory_space<semaphore_mem>>) {add = true}
    }
    %scan3A_35 = arith.constant 75 : i32
    %dma_wait3A = arith.constant 0 : i32
    %dma_wait3A_36 = arith.constant 0 : i32
    %dma_wait3A_37 = tpu.memref_slice %arg6[%dma_wait3A, %dma_wait3A_36] : memref<79x128xi32, #tpu.memory_space<vmem>> -> memref<1x128xi32, #tpu.memory_space<vmem>>
    %dma_wait3A_38 = tpu.memref_squeeze %dma_wait3A_37 : memref<1x128xi32, #tpu.memory_space<vmem>> -> memref<128xi32, #tpu.memory_space<vmem>>
    %dma_wait3A_39 = arith.constant 0 : i32
    %dma_wait3A_40 = arith.constant 0 : i32
    %dma_wait3A_41 = tpu.memref_slice %arg8[%dma_wait3A_39, %dma_wait3A_40] : memref<10240x16xf32, #tpu.memory_space<vmem_shared>> -> memref<10240x16xf32, #tpu.memory_space<vmem_shared>>
    tpu.wait_indirect_dma semaphore(%arg9 : memref<!tpu.dma_semaphore, #tpu.memory_space<semaphore_mem>>) src(%arg7 : memref<128x16xf32, #tpu.memory_space<vmem>>) dst(%dma_wait3A_41 : memref<10240x16xf32, #tpu.memory_space<vmem_shared>>)
    %dma_wait3A_42 = arith.constant 0 : i32
    %dma_wait3A_43 = arith.constant 0 : i32
    %dma_wait3A_44 = tpu.memref_slice %arg6[%dma_wait3A_42, %dma_wait3A_43] : memref<79x128xi32, #tpu.memory_space<vmem>> -> memref<1x128xi32, #tpu.memory_space<vmem>>
    %dma_wait3A_45 = tpu.memref_squeeze %dma_wait3A_44 : memref<1x128xi32, #tpu.memory_space<vmem>> -> memref<128xi32, #tpu.memory_space<vmem>>
    %dma_wait3A_46 = arith.constant 0 : i32
    %dma_wait3A_47 = arith.constant 0 : i32
    %dma_wait3A_48 = tpu.memref_slice %arg8[%dma_wait3A_46, %dma_wait3A_47] : memref<10240x16xf32, #tpu.memory_space<vmem_shared>> -> memref<10240x16xf32, #tpu.memory_space<vmem_shared>>
    tpu.wait_indirect_dma semaphore(%arg9 : memref<!tpu.dma_semaphore, #tpu.memory_space<semaphore_mem>>) src(%arg7 : memref<128x16xf32, #tpu.memory_space<vmem>>) dst(%dma_wait3A_48 : memref<10240x16xf32, #tpu.memory_space<vmem_shared>>)
    %dma_wait3A_49 = arith.constant 0 : i32
    %dma_wait3A_50 = arith.constant 0 : i32
    %dma_wait3A_51 = tpu.memref_slice %arg6[%dma_wait3A_49, %dma_wait3A_50] : memref<79x128xi32, #tpu.memory_space<vmem>> -> memref<1x128xi32, #tpu.memory_space<vmem>>
    %dma_wait3A_52 = tpu.memref_squeeze %dma_wait3A_51 : memref<1x128xi32, #tpu.memory_space<vmem>> -> memref<128xi32, #tpu.memory_space<vmem>>
    %dma_wait3A_53 = arith.constant 0 : i32
    %dma_wait3A_54 = arith.constant 0 : i32
    %dma_wait3A_55 = tpu.memref_slice %arg8[%dma_wait3A_53, %dma_wait3A_54] : memref<10240x16xf32, #tpu.memory_space<vmem_shared>> -> memref<10240x16xf32, #tpu.memory_space<vmem_shared>>
    tpu.wait_indirect_dma semaphore(%arg9 : memref<!tpu.dma_semaphore, #tpu.memory_space<semaphore_mem>>) src(%arg7 : memref<128x16xf32, #tpu.memory_space<vmem>>) dst(%dma_wait3A_55 : memref<10240x16xf32, #tpu.memory_space<vmem_shared>>)
    %dma_wait3A_56 = arith.constant 0 : i32
    %dma_wait3A_57 = arith.constant 0 : i32
    %dma_wait3A_58 = tpu.memref_slice %arg6[%dma_wait3A_56, %dma_wait3A_57] : memref<79x128xi32, #tpu.memory_space<vmem>> -> memref<1x128xi32, #tpu.memory_space<vmem>>
    %dma_wait3A_59 = tpu.memref_squeeze %dma_wait3A_58 : memref<1x128xi32, #tpu.memory_space<vmem>> -> memref<128xi32, #tpu.memory_space<vmem>>
    %dma_wait3A_60 = arith.constant 0 : i32
    %dma_wait3A_61 = arith.constant 0 : i32
    %dma_wait3A_62 = tpu.memref_slice %arg8[%dma_wait3A_60, %dma_wait3A_61] : memref<10240x16xf32, #tpu.memory_space<vmem_shared>> -> memref<10240x16xf32, #tpu.memory_space<vmem_shared>>
    tpu.wait_indirect_dma semaphore(%arg9 : memref<!tpu.dma_semaphore, #tpu.memory_space<semaphore_mem>>) src(%arg7 : memref<128x16xf32, #tpu.memory_space<vmem>>) dst(%dma_wait3A_62 : memref<10240x16xf32, #tpu.memory_space<vmem_shared>>)
    %barrier3A_63 = arith.constant 0 : index
    tpu.barrier barrier_id(%barrier3A_63)
    "tpu.region"() ({
      %run_scoped3A = tpu.sem_alloc : memref<!tpu.dma_semaphore, #tpu.memory_space<semaphore_mem>>
      %dma_start3A_64 = arith.constant 0 : i32
      %dma_start3A_65 = tpu.memref_slice %arg5[%arg0, %mul3A_2, %dma_start3A_64] : memref<2x10240x16xf32, #tpu.memory_space<hbm>> -> memref<1x640x16xf32, #tpu.memory_space<hbm>>
      %dma_start3A_66 = tpu.memref_squeeze %dma_start3A_65 : memref<1x640x16xf32, #tpu.memory_space<hbm>> -> memref<640x16xf32, #tpu.memory_space<hbm>>
      %dma_start3A_67 = arith.constant 0 : i32
      %dma_start3A_68 = tpu.memref_slice %arg8[%mul3A_2, %dma_start3A_67] : memref<10240x16xf32, #tpu.memory_space<vmem_shared>> -> memref<640x16xf32, #tpu.memory_space<vmem_shared>>
      tpu.enqueue_dma source(%dma_start3A_68 : memref<640x16xf32, #tpu.memory_space<vmem_shared>>) target(%dma_start3A_66 : memref<640x16xf32, #tpu.memory_space<hbm>>) target_semaphore(%run_scoped3A : memref<!tpu.dma_semaphore, #tpu.memory_space<semaphore_mem>>)
      %dma_wait3A_69 = arith.constant 0 : i32
      %dma_wait3A_70 = tpu.memref_slice %arg5[%arg0, %mul3A_2, %dma_wait3A_69] : memref<2x10240x16xf32, #tpu.memory_space<hbm>> -> memref<1x640x16xf32, #tpu.memory_space<hbm>>
      %dma_wait3A_71 = tpu.memref_squeeze %dma_wait3A_70 : memref<1x640x16xf32, #tpu.memory_space<hbm>> -> memref<640x16xf32, #tpu.memory_space<hbm>>
      %dma_wait3A_72 = arith.constant 0 : i32
      %dma_wait3A_73 = tpu.memref_slice %arg8[%mul3A_2, %dma_wait3A_72] : memref<10240x16xf32, #tpu.memory_space<vmem_shared>> -> memref<640x16xf32, #tpu.memory_space<vmem_shared>>
      tpu.wait_dma2 semaphore(%run_scoped3A : memref<!tpu.dma_semaphore, #tpu.memory_space<semaphore_mem>>) src(%dma_wait3A_73 : memref<640x16xf32, #tpu.memory_space<vmem_shared>>) dst(%dma_wait3A_71 : memref<640x16xf32, #tpu.memory_space<hbm>>)
      tpu.yield
    }) : () -> ()
    return
  }
}

#map = affine_map<(d0, d1) -> (0, 0)>
#map1 = affine_map<(d0, d1) -> (0, 0, 0)>
module attributes {stable_mosaic.version = 14 : i64} {
  func.func @_agg_body(%arg0: i32, %arg1: i32, %arg2: memref<10240x64xf32, #tpu.memory_space<hbm>>, %arg3: memref<32x79x128xi32, #tpu.memory_space<hbm>>, %arg4: memref<32x79x128xi32, #tpu.memory_space<hbm>>, %arg5: memref<10240x64xf32, #tpu.memory_space<hbm>>, %arg6: memref<2x10240x64xf32, #tpu.memory_space<hbm>>, %arg7: memref<79x128xi32, #tpu.memory_space<vmem>>, %arg8: memref<79x128xi32, #tpu.memory_space<vmem>>, %arg9: memref<4x128x64xf32, #tpu.memory_space<vmem>>, %arg10: memref<10240x64xf32, #tpu.memory_space<vmem_shared>>, %arg11: memref<!tpu.dma_semaphore, #tpu.memory_space<semaphore_mem>>, %arg12: memref<!tpu.dma_semaphore, #tpu.memory_space<semaphore_mem>>) attributes {dimension_semantics = [#tpu.dimension_semantics<core_parallel>, #tpu.dimension_semantics<subcore_parallel>], iteration_bounds = array<i64: 2, 16>, scalar_prefetch = 0 : i64, scratch_operands = 6 : i64, tpu.core_type = #tpu.core_type<sc_vector_subcore>, window_params = [{transform_indices = #map}, {transform_indices = #map1}, {transform_indices = #map1}, {transform_indices = #map}, {transform_indices = #map1}]} {
    %mul3A = arith.constant 16 : i32
    %mul3A_0 = arith.muli %arg0, %mul3A : i32
    %add3A = arith.addi %mul3A_0, %arg1 : i32
    %mul3A_1 = arith.constant 640 : i32
    %mul3A_2 = arith.muli %arg1, %mul3A_1 : i32
    "tpu.region"() ({
      %run_scoped3A = tpu.sem_alloc : memref<!tpu.dma_semaphore, #tpu.memory_space<semaphore_mem>>
      %dma_start3A_347 = arith.constant 0 : i32
      %dma_start3A_348 = tpu.memref_slice %arg10[%mul3A_2, %dma_start3A_347] : memref<10240x64xf32, #tpu.memory_space<vmem_shared>> -> memref<640x64xf32, #tpu.memory_space<vmem_shared>>
      %dma_start3A_349 = arith.constant 0 : i32
      %dma_start3A_350 = tpu.memref_slice %arg5[%mul3A_2, %dma_start3A_349] : memref<10240x64xf32, #tpu.memory_space<hbm>> -> memref<640x64xf32, #tpu.memory_space<hbm>>
      tpu.enqueue_dma source(%dma_start3A_350 : memref<640x64xf32, #tpu.memory_space<hbm>>) target(%dma_start3A_348 : memref<640x64xf32, #tpu.memory_space<vmem_shared>>) target_semaphore(%run_scoped3A : memref<!tpu.dma_semaphore, #tpu.memory_space<semaphore_mem>>)
      %dma_wait3A_351 = arith.constant 0 : i32
      %dma_wait3A_352 = tpu.memref_slice %arg10[%mul3A_2, %dma_wait3A_351] : memref<10240x64xf32, #tpu.memory_space<vmem_shared>> -> memref<640x64xf32, #tpu.memory_space<vmem_shared>>
      %dma_wait3A_353 = arith.constant 0 : i32
      %dma_wait3A_354 = tpu.memref_slice %arg5[%mul3A_2, %dma_wait3A_353] : memref<10240x64xf32, #tpu.memory_space<hbm>> -> memref<640x64xf32, #tpu.memory_space<hbm>>
      tpu.wait_dma2 semaphore(%run_scoped3A : memref<!tpu.dma_semaphore, #tpu.memory_space<semaphore_mem>>) src(%dma_wait3A_354 : memref<640x64xf32, #tpu.memory_space<hbm>>) dst(%dma_wait3A_352 : memref<640x64xf32, #tpu.memory_space<vmem_shared>>)
      tpu.yield
    }) : () -> ()
    "tpu.region"() ({
      %run_scoped3A = tpu.sem_alloc : memref<!tpu.dma_semaphore, #tpu.memory_space<semaphore_mem>>
      %dma_start3A_347 = arith.constant 0 : i32
      %dma_start3A_348 = arith.constant 0 : i32
      %dma_start3A_349 = tpu.memref_slice %arg3[%add3A, %dma_start3A_347, %dma_start3A_348] : memref<32x79x128xi32, #tpu.memory_space<hbm>> -> memref<1x79x128xi32, #tpu.memory_space<hbm>>
      %dma_start3A_350 = tpu.memref_squeeze %dma_start3A_349 : memref<1x79x128xi32, #tpu.memory_space<hbm>> -> memref<79x128xi32, #tpu.memory_space<hbm>>
      %dma_start3A_351 = arith.constant 0 : i32
      %dma_start3A_352 = arith.constant 0 : i32
      %dma_start3A_353 = tpu.memref_slice %arg3[%add3A, %dma_start3A_351, %dma_start3A_352] : memref<32x79x128xi32, #tpu.memory_space<hbm>> -> memref<1x79x128xi32, #tpu.memory_space<hbm>>
      %dma_start3A_354 = tpu.memref_squeeze %dma_start3A_353 : memref<1x79x128xi32, #tpu.memory_space<hbm>> -> memref<79x128xi32, #tpu.memory_space<hbm>>
      tpu.enqueue_dma source(%dma_start3A_354 : memref<79x128xi32, #tpu.memory_space<hbm>>) target(%arg7 : memref<79x128xi32, #tpu.memory_space<vmem>>) target_semaphore(%run_scoped3A : memref<!tpu.dma_semaphore, #tpu.memory_space<semaphore_mem>>)
      %dma_wait3A_355 = arith.constant 0 : i32
      %dma_wait3A_356 = arith.constant 0 : i32
      %dma_wait3A_357 = tpu.memref_slice %arg3[%add3A, %dma_wait3A_355, %dma_wait3A_356] : memref<32x79x128xi32, #tpu.memory_space<hbm>> -> memref<1x79x128xi32, #tpu.memory_space<hbm>>
      %dma_wait3A_358 = tpu.memref_squeeze %dma_wait3A_357 : memref<1x79x128xi32, #tpu.memory_space<hbm>> -> memref<79x128xi32, #tpu.memory_space<hbm>>
      %dma_wait3A_359 = arith.constant 0 : i32
      %dma_wait3A_360 = arith.constant 0 : i32
      %dma_wait3A_361 = tpu.memref_slice %arg3[%add3A, %dma_wait3A_359, %dma_wait3A_360] : memref<32x79x128xi32, #tpu.memory_space<hbm>> -> memref<1x79x128xi32, #tpu.memory_space<hbm>>
      %dma_wait3A_362 = tpu.memref_squeeze %dma_wait3A_361 : memref<1x79x128xi32, #tpu.memory_space<hbm>> -> memref<79x128xi32, #tpu.memory_space<hbm>>
      tpu.wait_dma2 semaphore(%run_scoped3A : memref<!tpu.dma_semaphore, #tpu.memory_space<semaphore_mem>>) src(%dma_wait3A_362 : memref<79x128xi32, #tpu.memory_space<hbm>>) dst(%arg7 : memref<79x128xi32, #tpu.memory_space<vmem>>)
      tpu.yield
    }) : () -> ()
    "tpu.region"() ({
      %run_scoped3A = tpu.sem_alloc : memref<!tpu.dma_semaphore, #tpu.memory_space<semaphore_mem>>
      %dma_start3A_347 = arith.constant 0 : i32
      %dma_start3A_348 = arith.constant 0 : i32
      %dma_start3A_349 = tpu.memref_slice %arg4[%add3A, %dma_start3A_347, %dma_start3A_348] : memref<32x79x128xi32, #tpu.memory_space<hbm>> -> memref<1x79x128xi32, #tpu.memory_space<hbm>>
      %dma_start3A_350 = tpu.memref_squeeze %dma_start3A_349 : memref<1x79x128xi32, #tpu.memory_space<hbm>> -> memref<79x128xi32, #tpu.memory_space<hbm>>
      %dma_start3A_351 = arith.constant 0 : i32
      %dma_start3A_352 = arith.constant 0 : i32
      %dma_start3A_353 = tpu.memref_slice %arg4[%add3A, %dma_start3A_351, %dma_start3A_352] : memref<32x79x128xi32, #tpu.memory_space<hbm>> -> memref<1x79x128xi32, #tpu.memory_space<hbm>>
      %dma_start3A_354 = tpu.memref_squeeze %dma_start3A_353 : memref<1x79x128xi32, #tpu.memory_space<hbm>> -> memref<79x128xi32, #tpu.memory_space<hbm>>
      tpu.enqueue_dma source(%dma_start3A_354 : memref<79x128xi32, #tpu.memory_space<hbm>>) target(%arg8 : memref<79x128xi32, #tpu.memory_space<vmem>>) target_semaphore(%run_scoped3A : memref<!tpu.dma_semaphore, #tpu.memory_space<semaphore_mem>>)
      %dma_wait3A_355 = arith.constant 0 : i32
      %dma_wait3A_356 = arith.constant 0 : i32
      %dma_wait3A_357 = tpu.memref_slice %arg4[%add3A, %dma_wait3A_355, %dma_wait3A_356] : memref<32x79x128xi32, #tpu.memory_space<hbm>> -> memref<1x79x128xi32, #tpu.memory_space<hbm>>
      %dma_wait3A_358 = tpu.memref_squeeze %dma_wait3A_357 : memref<1x79x128xi32, #tpu.memory_space<hbm>> -> memref<79x128xi32, #tpu.memory_space<hbm>>
      %dma_wait3A_359 = arith.constant 0 : i32
      %dma_wait3A_360 = arith.constant 0 : i32
      %dma_wait3A_361 = tpu.memref_slice %arg4[%add3A, %dma_wait3A_359, %dma_wait3A_360] : memref<32x79x128xi32, #tpu.memory_space<hbm>> -> memref<1x79x128xi32, #tpu.memory_space<hbm>>
      %dma_wait3A_362 = tpu.memref_squeeze %dma_wait3A_361 : memref<1x79x128xi32, #tpu.memory_space<hbm>> -> memref<79x128xi32, #tpu.memory_space<hbm>>
      tpu.wait_dma2 semaphore(%run_scoped3A : memref<!tpu.dma_semaphore, #tpu.memory_space<semaphore_mem>>) src(%dma_wait3A_362 : memref<79x128xi32, #tpu.memory_space<hbm>>) dst(%arg8 : memref<79x128xi32, #tpu.memory_space<vmem>>)
      tpu.yield
    }) : () -> ()
    %barrier3A = arith.constant 0 : index
    tpu.barrier barrier_id(%barrier3A)
    %dma_start3A = arith.constant 0 : i32
    %dma_start3A_3 = arith.constant 0 : i32
    %dma_start3A_4 = arith.constant 0 : i32
    %dma_start3A_5 = arith.constant 0 : i32
    %dma_start3A_6 = tpu.memref_slice %arg9[%dma_start3A_3, %dma_start3A_4, %dma_start3A_5] : memref<4x128x64xf32, #tpu.memory_space<vmem>> -> memref<1x128x64xf32, #tpu.memory_space<vmem>>
    %dma_start3A_7 = tpu.memref_squeeze %dma_start3A_6 : memref<1x128x64xf32, #tpu.memory_space<vmem>> -> memref<128x64xf32, #tpu.memory_space<vmem>>
    %dma_start3A_8 = arith.constant 0 : i32
    %dma_start3A_9 = tpu.memref_slice %arg7[%dma_start3A, %dma_start3A_8] : memref<79x128xi32, #tpu.memory_space<vmem>> -> memref<1x128xi32, #tpu.memory_space<vmem>>
    %dma_start3A_10 = tpu.memref_squeeze %dma_start3A_9 : memref<1x128xi32, #tpu.memory_space<vmem>> -> memref<128xi32, #tpu.memory_space<vmem>>
    %dma_start3A_11 = arith.constant 0 : i32
    %dma_start3A_12 = arith.constant 0 : i32
    %dma_start3A_13 = tpu.memref_slice %arg2[%dma_start3A_11, %dma_start3A_12] : memref<10240x64xf32, #tpu.memory_space<hbm>> -> memref<10240x64xf32, #tpu.memory_space<hbm>>
    tpu.enqueue_indirect_dma source(%dma_start3A_13 : memref<10240x64xf32, #tpu.memory_space<hbm>>) target(%dma_start3A_7 : memref<128x64xf32, #tpu.memory_space<vmem>>) offsets(%dma_start3A_10 : memref<128xi32, #tpu.memory_space<vmem>>) semaphore(%arg11 : memref<!tpu.dma_semaphore, #tpu.memory_space<semaphore_mem>>)
    %dma_start3A_14 = arith.constant 1 : i32
    %dma_start3A_15 = arith.constant 1 : i32
    %dma_start3A_16 = arith.constant 0 : i32
    %dma_start3A_17 = arith.constant 0 : i32
    %dma_start3A_18 = tpu.memref_slice %arg9[%dma_start3A_15, %dma_start3A_16, %dma_start3A_17] : memref<4x128x64xf32, #tpu.memory_space<vmem>> -> memref<1x128x64xf32, #tpu.memory_space<vmem>>
    %dma_start3A_19 = tpu.memref_squeeze %dma_start3A_18 : memref<1x128x64xf32, #tpu.memory_space<vmem>> -> memref<128x64xf32, #tpu.memory_space<vmem>>
    %dma_start3A_20 = arith.constant 0 : i32
    %dma_start3A_21 = tpu.memref_slice %arg7[%dma_start3A_14, %dma_start3A_20] : memref<79x128xi32, #tpu.memory_space<vmem>> -> memref<1x128xi32, #tpu.memory_space<vmem>>
    %dma_start3A_22 = tpu.memref_squeeze %dma_start3A_21 : memref<1x128xi32, #tpu.memory_space<vmem>> -> memref<128xi32, #tpu.memory_space<vmem>>
    %dma_start3A_23 = arith.constant 0 : i32
    %dma_start3A_24 = arith.constant 0 : i32
    %dma_start3A_25 = tpu.memref_slice %arg2[%dma_start3A_23, %dma_start3A_24] : memref<10240x64xf32, #tpu.memory_space<hbm>> -> memref<10240x64xf32, #tpu.memory_space<hbm>>
    tpu.enqueue_indirect_dma source(%dma_start3A_25 : memref<10240x64xf32, #tpu.memory_space<hbm>>) target(%dma_start3A_19 : memref<128x64xf32, #tpu.memory_space<vmem>>) offsets(%dma_start3A_22 : memref<128xi32, #tpu.memory_space<vmem>>) semaphore(%arg11 : memref<!tpu.dma_semaphore, #tpu.memory_space<semaphore_mem>>)
    %dma_start3A_26 = arith.constant 2 : i32
    %dma_start3A_27 = arith.constant 2 : i32
    %dma_start3A_28 = arith.constant 0 : i32
    %dma_start3A_29 = arith.constant 0 : i32
    %dma_start3A_30 = tpu.memref_slice %arg9[%dma_start3A_27, %dma_start3A_28, %dma_start3A_29] : memref<4x128x64xf32, #tpu.memory_space<vmem>> -> memref<1x128x64xf32, #tpu.memory_space<vmem>>
    %dma_start3A_31 = tpu.memref_squeeze %dma_start3A_30 : memref<1x128x64xf32, #tpu.memory_space<vmem>> -> memref<128x64xf32, #tpu.memory_space<vmem>>
    %dma_start3A_32 = arith.constant 0 : i32
    %dma_start3A_33 = tpu.memref_slice %arg7[%dma_start3A_26, %dma_start3A_32] : memref<79x128xi32, #tpu.memory_space<vmem>> -> memref<1x128xi32, #tpu.memory_space<vmem>>
    %dma_start3A_34 = tpu.memref_squeeze %dma_start3A_33 : memref<1x128xi32, #tpu.memory_space<vmem>> -> memref<128xi32, #tpu.memory_space<vmem>>
    %dma_start3A_35 = arith.constant 0 : i32
    %dma_start3A_36 = arith.constant 0 : i32
    %dma_start3A_37 = tpu.memref_slice %arg2[%dma_start3A_35, %dma_start3A_36] : memref<10240x64xf32, #tpu.memory_space<hbm>> -> memref<10240x64xf32, #tpu.memory_space<hbm>>
    tpu.enqueue_indirect_dma source(%dma_start3A_37 : memref<10240x64xf32, #tpu.memory_space<hbm>>) target(%dma_start3A_31 : memref<128x64xf32, #tpu.memory_space<vmem>>) offsets(%dma_start3A_34 : memref<128xi32, #tpu.memory_space<vmem>>) semaphore(%arg11 : memref<!tpu.dma_semaphore, #tpu.memory_space<semaphore_mem>>)
    %dma_start3A_38 = arith.constant 3 : i32
    %dma_start3A_39 = arith.constant 3 : i32
    %dma_start3A_40 = arith.constant 0 : i32
    %dma_start3A_41 = arith.constant 0 : i32
    %dma_start3A_42 = tpu.memref_slice %arg9[%dma_start3A_39, %dma_start3A_40, %dma_start3A_41] : memref<4x128x64xf32, #tpu.memory_space<vmem>> -> memref<1x128x64xf32, #tpu.memory_space<vmem>>
    %dma_start3A_43 = tpu.memref_squeeze %dma_start3A_42 : memref<1x128x64xf32, #tpu.memory_space<vmem>> -> memref<128x64xf32, #tpu.memory_space<vmem>>
    %dma_start3A_44 = arith.constant 0 : i32
    %dma_start3A_45 = tpu.memref_slice %arg7[%dma_start3A_38, %dma_start3A_44] : memref<79x128xi32, #tpu.memory_space<vmem>> -> memref<1x128xi32, #tpu.memory_space<vmem>>
    %dma_start3A_46 = tpu.memref_squeeze %dma_start3A_45 : memref<1x128xi32, #tpu.memory_space<vmem>> -> memref<128xi32, #tpu.memory_space<vmem>>
    %dma_start3A_47 = arith.constant 0 : i32
    %dma_start3A_48 = arith.constant 0 : i32
    %dma_start3A_49 = tpu.memref_slice %arg2[%dma_start3A_47, %dma_start3A_48] : memref<10240x64xf32, #tpu.memory_space<hbm>> -> memref<10240x64xf32, #tpu.memory_space<hbm>>
    tpu.enqueue_indirect_dma source(%dma_start3A_49 : memref<10240x64xf32, #tpu.memory_space<hbm>>) target(%dma_start3A_43 : memref<128x64xf32, #tpu.memory_space<vmem>>) offsets(%dma_start3A_46 : memref<128xi32, #tpu.memory_space<vmem>>) semaphore(%arg11 : memref<!tpu.dma_semaphore, #tpu.memory_space<semaphore_mem>>)
    %dma_wait3A = arith.constant 0 : i32
    %dma_wait3A_50 = arith.constant 0 : i32
    %dma_wait3A_51 = arith.constant 0 : i32
    %dma_wait3A_52 = arith.constant 0 : i32
    %dma_wait3A_53 = tpu.memref_slice %arg9[%dma_wait3A_50, %dma_wait3A_51, %dma_wait3A_52] : memref<4x128x64xf32, #tpu.memory_space<vmem>> -> memref<1x128x64xf32, #tpu.memory_space<vmem>>
    %dma_wait3A_54 = tpu.memref_squeeze %dma_wait3A_53 : memref<1x128x64xf32, #tpu.memory_space<vmem>> -> memref<128x64xf32, #tpu.memory_space<vmem>>
    %dma_wait3A_55 = arith.constant 0 : i32
    %dma_wait3A_56 = tpu.memref_slice %arg7[%dma_wait3A, %dma_wait3A_55] : memref<79x128xi32, #tpu.memory_space<vmem>> -> memref<1x128xi32, #tpu.memory_space<vmem>>
    %dma_wait3A_57 = tpu.memref_squeeze %dma_wait3A_56 : memref<1x128xi32, #tpu.memory_space<vmem>> -> memref<128xi32, #tpu.memory_space<vmem>>
    %dma_wait3A_58 = arith.constant 0 : i32
    %dma_wait3A_59 = arith.constant 0 : i32
    %dma_wait3A_60 = tpu.memref_slice %arg2[%dma_wait3A_58, %dma_wait3A_59] : memref<10240x64xf32, #tpu.memory_space<hbm>> -> memref<10240x64xf32, #tpu.memory_space<hbm>>
    tpu.wait_indirect_dma semaphore(%arg11 : memref<!tpu.dma_semaphore, #tpu.memory_space<semaphore_mem>>) src(%dma_wait3A_60 : memref<10240x64xf32, #tpu.memory_space<hbm>>) dst(%dma_wait3A_54 : memref<128x64xf32, #tpu.memory_space<vmem>>)
    %dma_start3A_61 = arith.constant 0 : i32
    %dma_start3A_62 = arith.constant 0 : i32
    %dma_start3A_63 = arith.constant 0 : i32
    %dma_start3A_64 = arith.constant 0 : i32
    %dma_start3A_65 = tpu.memref_slice %arg9[%dma_start3A_61, %dma_start3A_63, %dma_start3A_64] : memref<4x128x64xf32, #tpu.memory_space<vmem>> -> memref<1x128x64xf32, #tpu.memory_space<vmem>>
    %dma_start3A_66 = tpu.memref_squeeze %dma_start3A_65 : memref<1x128x64xf32, #tpu.memory_space<vmem>> -> memref<128x64xf32, #tpu.memory_space<vmem>>
    %dma_start3A_67 = arith.constant 0 : i32
    %dma_start3A_68 = tpu.memref_slice %arg8[%dma_start3A_62, %dma_start3A_67] : memref<79x128xi32, #tpu.memory_space<vmem>> -> memref<1x128xi32, #tpu.memory_space<vmem>>
    %dma_start3A_69 = tpu.memref_squeeze %dma_start3A_68 : memref<1x128xi32, #tpu.memory_space<vmem>> -> memref<128xi32, #tpu.memory_space<vmem>>
    %dma_start3A_70 = arith.constant 0 : i32
    %dma_start3A_71 = arith.constant 0 : i32
    %dma_start3A_72 = tpu.memref_slice %arg10[%dma_start3A_70, %dma_start3A_71] : memref<10240x64xf32, #tpu.memory_space<vmem_shared>> -> memref<10240x64xf32, #tpu.memory_space<vmem_shared>>
    tpu.enqueue_indirect_dma source(%dma_start3A_66 : memref<128x64xf32, #tpu.memory_space<vmem>>) target(%dma_start3A_72 : memref<10240x64xf32, #tpu.memory_space<vmem_shared>>) offsets(%dma_start3A_69 : memref<128xi32, #tpu.memory_space<vmem>>) semaphore(%arg12 : memref<!tpu.dma_semaphore, #tpu.memory_space<semaphore_mem>>) {add = true}
    %dma_wait3A_73 = arith.constant 0 : i32
    %dma_wait3A_74 = arith.constant 0 : i32
    %dma_wait3A_75 = arith.constant 0 : i32
    %dma_wait3A_76 = arith.constant 0 : i32
    %dma_wait3A_77 = tpu.memref_slice %arg9[%dma_wait3A_74, %dma_wait3A_75, %dma_wait3A_76] : memref<4x128x64xf32, #tpu.memory_space<vmem>> -> memref<1x128x64xf32, #tpu.memory_space<vmem>>
    %dma_wait3A_78 = tpu.memref_squeeze %dma_wait3A_77 : memref<1x128x64xf32, #tpu.memory_space<vmem>> -> memref<128x64xf32, #tpu.memory_space<vmem>>
    %dma_wait3A_79 = arith.constant 0 : i32
    %dma_wait3A_80 = tpu.memref_slice %arg7[%dma_wait3A_73, %dma_wait3A_79] : memref<79x128xi32, #tpu.memory_space<vmem>> -> memref<1x128xi32, #tpu.memory_space<vmem>>
    %dma_wait3A_81 = tpu.memref_squeeze %dma_wait3A_80 : memref<1x128xi32, #tpu.memory_space<vmem>> -> memref<128xi32, #tpu.memory_space<vmem>>
    %dma_wait3A_82 = arith.constant 0 : i32
    %dma_wait3A_83 = arith.constant 0 : i32
    %dma_wait3A_84 = tpu.memref_slice %arg2[%dma_wait3A_82, %dma_wait3A_83] : memref<10240x64xf32, #tpu.memory_space<hbm>> -> memref<10240x64xf32, #tpu.memory_space<hbm>>
    tpu.wait_indirect_dma semaphore(%arg11 : memref<!tpu.dma_semaphore, #tpu.memory_space<semaphore_mem>>) src(%dma_wait3A_84 : memref<10240x64xf32, #tpu.memory_space<hbm>>) dst(%dma_wait3A_78 : memref<128x64xf32, #tpu.memory_space<vmem>>)
    %dma_start3A_85 = arith.constant 1 : i32
    %dma_start3A_86 = arith.constant 1 : i32
    %dma_start3A_87 = arith.constant 0 : i32
    %dma_start3A_88 = arith.constant 0 : i32
    %dma_start3A_89 = tpu.memref_slice %arg9[%dma_start3A_85, %dma_start3A_87, %dma_start3A_88] : memref<4x128x64xf32, #tpu.memory_space<vmem>> -> memref<1x128x64xf32, #tpu.memory_space<vmem>>
    %dma_start3A_90 = tpu.memref_squeeze %dma_start3A_89 : memref<1x128x64xf32, #tpu.memory_space<vmem>> -> memref<128x64xf32, #tpu.memory_space<vmem>>
    %dma_start3A_91 = arith.constant 0 : i32
    %dma_start3A_92 = tpu.memref_slice %arg8[%dma_start3A_86, %dma_start3A_91] : memref<79x128xi32, #tpu.memory_space<vmem>> -> memref<1x128xi32, #tpu.memory_space<vmem>>
    %dma_start3A_93 = tpu.memref_squeeze %dma_start3A_92 : memref<1x128xi32, #tpu.memory_space<vmem>> -> memref<128xi32, #tpu.memory_space<vmem>>
    %dma_start3A_94 = arith.constant 0 : i32
    %dma_start3A_95 = arith.constant 0 : i32
    %dma_start3A_96 = tpu.memref_slice %arg10[%dma_start3A_94, %dma_start3A_95] : memref<10240x64xf32, #tpu.memory_space<vmem_shared>> -> memref<10240x64xf32, #tpu.memory_space<vmem_shared>>
    tpu.enqueue_indirect_dma source(%dma_start3A_90 : memref<128x64xf32, #tpu.memory_space<vmem>>) target(%dma_start3A_96 : memref<10240x64xf32, #tpu.memory_space<vmem_shared>>) offsets(%dma_start3A_93 : memref<128xi32, #tpu.memory_space<vmem>>) semaphore(%arg12 : memref<!tpu.dma_semaphore, #tpu.memory_space<semaphore_mem>>) {add = true}
    %dma_wait3A_97 = arith.constant 0 : i32
    %dma_wait3A_98 = arith.constant 0 : i32
    %dma_wait3A_99 = arith.constant 0 : i32
    %dma_wait3A_100 = arith.constant 0 : i32
    %dma_wait3A_101 = tpu.memref_slice %arg9[%dma_wait3A_97, %dma_wait3A_99, %dma_wait3A_100] : memref<4x128x64xf32, #tpu.memory_space<vmem>> -> memref<1x128x64xf32, #tpu.memory_space<vmem>>
    %dma_wait3A_102 = tpu.memref_squeeze %dma_wait3A_101 : memref<1x128x64xf32, #tpu.memory_space<vmem>> -> memref<128x64xf32, #tpu.memory_space<vmem>>
    %dma_wait3A_103 = arith.constant 0 : i32
    %dma_wait3A_104 = tpu.memref_slice %arg8[%dma_wait3A_98, %dma_wait3A_103] : memref<79x128xi32, #tpu.memory_space<vmem>> -> memref<1x128xi32, #tpu.memory_space<vmem>>
    %dma_wait3A_105 = tpu.memref_squeeze %dma_wait3A_104 : memref<1x128xi32, #tpu.memory_space<vmem>> -> memref<128xi32, #tpu.memory_space<vmem>>
    %dma_wait3A_106 = arith.constant 0 : i32
    %dma_wait3A_107 = arith.constant 0 : i32
    %dma_wait3A_108 = tpu.memref_slice %arg10[%dma_wait3A_106, %dma_wait3A_107] : memref<10240x64xf32, #tpu.memory_space<vmem_shared>> -> memref<10240x64xf32, #tpu.memory_space<vmem_shared>>
    tpu.wait_indirect_dma semaphore(%arg12 : memref<!tpu.dma_semaphore, #tpu.memory_space<semaphore_mem>>) src(%dma_wait3A_102 : memref<128x64xf32, #tpu.memory_space<vmem>>) dst(%dma_wait3A_108 : memref<10240x64xf32, #tpu.memory_space<vmem_shared>>)
    %dma_wait3A_109 = arith.constant 0 : i32
    %dma_wait3A_110 = arith.constant 0 : i32
    %dma_wait3A_111 = arith.constant 0 : i32
    %dma_wait3A_112 = arith.constant 0 : i32
    %dma_wait3A_113 = tpu.memref_slice %arg9[%dma_wait3A_109, %dma_wait3A_111, %dma_wait3A_112] : memref<4x128x64xf32, #tpu.memory_space<vmem>> -> memref<1x128x64xf32, #tpu.memory_space<vmem>>
    %dma_wait3A_114 = tpu.memref_squeeze %dma_wait3A_113 : memref<1x128x64xf32, #tpu.memory_space<vmem>> -> memref<128x64xf32, #tpu.memory_space<vmem>>
    %dma_wait3A_115 = arith.constant 0 : i32
    %dma_wait3A_116 = tpu.memref_slice %arg8[%dma_wait3A_110, %dma_wait3A_115] : memref<79x128xi32, #tpu.memory_space<vmem>> -> memref<1x128xi32, #tpu.memory_space<vmem>>
    %dma_wait3A_117 = tpu.memref_squeeze %dma_wait3A_116 : memref<1x128xi32, #tpu.memory_space<vmem>> -> memref<128xi32, #tpu.memory_space<vmem>>
    %dma_wait3A_118 = arith.constant 0 : i32
    %dma_wait3A_119 = arith.constant 0 : i32
    %dma_wait3A_120 = tpu.memref_slice %arg10[%dma_wait3A_118, %dma_wait3A_119] : memref<10240x64xf32, #tpu.memory_space<vmem_shared>> -> memref<10240x64xf32, #tpu.memory_space<vmem_shared>>
    tpu.wait_indirect_dma semaphore(%arg12 : memref<!tpu.dma_semaphore, #tpu.memory_space<semaphore_mem>>) src(%dma_wait3A_114 : memref<128x64xf32, #tpu.memory_space<vmem>>) dst(%dma_wait3A_120 : memref<10240x64xf32, #tpu.memory_space<vmem_shared>>)
    %dma_start3A_121 = arith.constant 4 : i32
    %dma_start3A_122 = arith.constant 0 : i32
    %dma_start3A_123 = arith.constant 0 : i32
    %dma_start3A_124 = arith.constant 0 : i32
    %dma_start3A_125 = tpu.memref_slice %arg9[%dma_start3A_122, %dma_start3A_123, %dma_start3A_124] : memref<4x128x64xf32, #tpu.memory_space<vmem>> -> memref<1x128x64xf32, #tpu.memory_space<vmem>>
    %dma_start3A_126 = tpu.memref_squeeze %dma_start3A_125 : memref<1x128x64xf32, #tpu.memory_space<vmem>> -> memref<128x64xf32, #tpu.memory_space<vmem>>
    %dma_start3A_127 = arith.constant 0 : i32
    %dma_start3A_128 = tpu.memref_slice %arg7[%dma_start3A_121, %dma_start3A_127] : memref<79x128xi32, #tpu.memory_space<vmem>> -> memref<1x128xi32, #tpu.memory_space<vmem>>
    %dma_start3A_129 = tpu.memref_squeeze %dma_start3A_128 : memref<1x128xi32, #tpu.memory_space<vmem>> -> memref<128xi32, #tpu.memory_space<vmem>>
    %dma_start3A_130 = arith.constant 0 : i32
    %dma_start3A_131 = arith.constant 0 : i32
    %dma_start3A_132 = tpu.memref_slice %arg2[%dma_start3A_130, %dma_start3A_131] : memref<10240x64xf32, #tpu.memory_space<hbm>> -> memref<10240x64xf32, #tpu.memory_space<hbm>>
    tpu.enqueue_indirect_dma source(%dma_start3A_132 : memref<10240x64xf32, #tpu.memory_space<hbm>>) target(%dma_start3A_126 : memref<128x64xf32, #tpu.memory_space<vmem>>) offsets(%dma_start3A_129 : memref<128xi32, #tpu.memory_space<vmem>>) semaphore(%arg11 : memref<!tpu.dma_semaphore, #tpu.memory_space<semaphore_mem>>)
    %dma_start3A_133 = arith.constant 5 : i32
    %dma_start3A_134 = arith.constant 1 : i32
    %dma_start3A_135 = arith.constant 0 : i32
    %dma_start3A_136 = arith.constant 0 : i32
    %dma_start3A_137 = tpu.memref_slice %arg9[%dma_start3A_134, %dma_start3A_135, %dma_start3A_136] : memref<4x128x64xf32, #tpu.memory_space<vmem>> -> memref<1x128x64xf32, #tpu.memory_space<vmem>>
    %dma_start3A_138 = tpu.memref_squeeze %dma_start3A_137 : memref<1x128x64xf32, #tpu.memory_space<vmem>> -> memref<128x64xf32, #tpu.memory_space<vmem>>
    %dma_start3A_139 = arith.constant 0 : i32
    %dma_start3A_140 = tpu.memref_slice %arg7[%dma_start3A_133, %dma_start3A_139] : memref<79x128xi32, #tpu.memory_space<vmem>> -> memref<1x128xi32, #tpu.memory_space<vmem>>
    %dma_start3A_141 = tpu.memref_squeeze %dma_start3A_140 : memref<1x128xi32, #tpu.memory_space<vmem>> -> memref<128xi32, #tpu.memory_space<vmem>>
    %dma_start3A_142 = arith.constant 0 : i32
    %dma_start3A_143 = arith.constant 0 : i32
    %dma_start3A_144 = tpu.memref_slice %arg2[%dma_start3A_142, %dma_start3A_143] : memref<10240x64xf32, #tpu.memory_space<hbm>> -> memref<10240x64xf32, #tpu.memory_space<hbm>>
    tpu.enqueue_indirect_dma source(%dma_start3A_144 : memref<10240x64xf32, #tpu.memory_space<hbm>>) target(%dma_start3A_138 : memref<128x64xf32, #tpu.memory_space<vmem>>) offsets(%dma_start3A_141 : memref<128xi32, #tpu.memory_space<vmem>>) semaphore(%arg11 : memref<!tpu.dma_semaphore, #tpu.memory_space<semaphore_mem>>)
    %dma_wait3A_145 = arith.constant 0 : i32
    %dma_wait3A_146 = arith.constant 0 : i32
    %dma_wait3A_147 = arith.constant 0 : i32
    %dma_wait3A_148 = arith.constant 0 : i32
    %dma_wait3A_149 = tpu.memref_slice %arg9[%dma_wait3A_146, %dma_wait3A_147, %dma_wait3A_148] : memref<4x128x64xf32, #tpu.memory_space<vmem>> -> memref<1x128x64xf32, #tpu.memory_space<vmem>>
    %dma_wait3A_150 = tpu.memref_squeeze %dma_wait3A_149 : memref<1x128x64xf32, #tpu.memory_space<vmem>> -> memref<128x64xf32, #tpu.memory_space<vmem>>
    %dma_wait3A_151 = arith.constant 0 : i32
    %dma_wait3A_152 = tpu.memref_slice %arg7[%dma_wait3A_145, %dma_wait3A_151] : memref<79x128xi32, #tpu.memory_space<vmem>> -> memref<1x128xi32, #tpu.memory_space<vmem>>
    %dma_wait3A_153 = tpu.memref_squeeze %dma_wait3A_152 : memref<1x128xi32, #tpu.memory_space<vmem>> -> memref<128xi32, #tpu.memory_space<vmem>>
    %dma_wait3A_154 = arith.constant 0 : i32
    %dma_wait3A_155 = arith.constant 0 : i32
    %dma_wait3A_156 = tpu.memref_slice %arg2[%dma_wait3A_154, %dma_wait3A_155] : memref<10240x64xf32, #tpu.memory_space<hbm>> -> memref<10240x64xf32, #tpu.memory_space<hbm>>
    tpu.wait_indirect_dma semaphore(%arg11 : memref<!tpu.dma_semaphore, #tpu.memory_space<semaphore_mem>>) src(%dma_wait3A_156 : memref<10240x64xf32, #tpu.memory_space<hbm>>) dst(%dma_wait3A_150 : memref<128x64xf32, #tpu.memory_space<vmem>>)
    %dma_start3A_157 = arith.constant 2 : i32
    %dma_start3A_158 = arith.constant 2 : i32
    %dma_start3A_159 = arith.constant 0 : i32
    %dma_start3A_160 = arith.constant 0 : i32
    %dma_start3A_161 = tpu.memref_slice %arg9[%dma_start3A_157, %dma_start3A_159, %dma_start3A_160] : memref<4x128x64xf32, #tpu.memory_space<vmem>> -> memref<1x128x64xf32, #tpu.memory_space<vmem>>
    %dma_start3A_162 = tpu.memref_squeeze %dma_start3A_161 : memref<1x128x64xf32, #tpu.memory_space<vmem>> -> memref<128x64xf32, #tpu.memory_space<vmem>>
    %dma_start3A_163 = arith.constant 0 : i32
    %dma_start3A_164 = tpu.memref_slice %arg8[%dma_start3A_158, %dma_start3A_163] : memref<79x128xi32, #tpu.memory_space<vmem>> -> memref<1x128xi32, #tpu.memory_space<vmem>>
    %dma_start3A_165 = tpu.memref_squeeze %dma_start3A_164 : memref<1x128xi32, #tpu.memory_space<vmem>> -> memref<128xi32, #tpu.memory_space<vmem>>
    %dma_start3A_166 = arith.constant 0 : i32
    %dma_start3A_167 = arith.constant 0 : i32
    %dma_start3A_168 = tpu.memref_slice %arg10[%dma_start3A_166, %dma_start3A_167] : memref<10240x64xf32, #tpu.memory_space<vmem_shared>> -> memref<10240x64xf32, #tpu.memory_space<vmem_shared>>
    tpu.enqueue_indirect_dma source(%dma_start3A_162 : memref<128x64xf32, #tpu.memory_space<vmem>>) target(%dma_start3A_168 : memref<10240x64xf32, #tpu.memory_space<vmem_shared>>) offsets(%dma_start3A_165 : memref<128xi32, #tpu.memory_space<vmem>>) semaphore(%arg12 : memref<!tpu.dma_semaphore, #tpu.memory_space<semaphore_mem>>) {add = true}
    %dma_wait3A_169 = arith.constant 0 : i32
    %dma_wait3A_170 = arith.constant 0 : i32
    %dma_wait3A_171 = arith.constant 0 : i32
    %dma_wait3A_172 = arith.constant 0 : i32
    %dma_wait3A_173 = tpu.memref_slice %arg9[%dma_wait3A_170, %dma_wait3A_171, %dma_wait3A_172] : memref<4x128x64xf32, #tpu.memory_space<vmem>> -> memref<1x128x64xf32, #tpu.memory_space<vmem>>
    %dma_wait3A_174 = tpu.memref_squeeze %dma_wait3A_173 : memref<1x128x64xf32, #tpu.memory_space<vmem>> -> memref<128x64xf32, #tpu.memory_space<vmem>>
    %dma_wait3A_175 = arith.constant 0 : i32
    %dma_wait3A_176 = tpu.memref_slice %arg7[%dma_wait3A_169, %dma_wait3A_175] : memref<79x128xi32, #tpu.memory_space<vmem>> -> memref<1x128xi32, #tpu.memory_space<vmem>>
    %dma_wait3A_177 = tpu.memref_squeeze %dma_wait3A_176 : memref<1x128xi32, #tpu.memory_space<vmem>> -> memref<128xi32, #tpu.memory_space<vmem>>
    %dma_wait3A_178 = arith.constant 0 : i32
    %dma_wait3A_179 = arith.constant 0 : i32
    %dma_wait3A_180 = tpu.memref_slice %arg2[%dma_wait3A_178, %dma_wait3A_179] : memref<10240x64xf32, #tpu.memory_space<hbm>> -> memref<10240x64xf32, #tpu.memory_space<hbm>>
    tpu.wait_indirect_dma semaphore(%arg11 : memref<!tpu.dma_semaphore, #tpu.memory_space<semaphore_mem>>) src(%dma_wait3A_180 : memref<10240x64xf32, #tpu.memory_space<hbm>>) dst(%dma_wait3A_174 : memref<128x64xf32, #tpu.memory_space<vmem>>)
    %dma_start3A_181 = arith.constant 3 : i32
    %dma_start3A_182 = arith.constant 3 : i32
    %dma_start3A_183 = arith.constant 0 : i32
    %dma_start3A_184 = arith.constant 0 : i32
    %dma_start3A_185 = tpu.memref_slice %arg9[%dma_start3A_181, %dma_start3A_183, %dma_start3A_184] : memref<4x128x64xf32, #tpu.memory_space<vmem>> -> memref<1x128x64xf32, #tpu.memory_space<vmem>>
    %dma_start3A_186 = tpu.memref_squeeze %dma_start3A_185 : memref<1x128x64xf32, #tpu.memory_space<vmem>> -> memref<128x64xf32, #tpu.memory_space<vmem>>
    %dma_start3A_187 = arith.constant 0 : i32
    %dma_start3A_188 = tpu.memref_slice %arg8[%dma_start3A_182, %dma_start3A_187] : memref<79x128xi32, #tpu.memory_space<vmem>> -> memref<1x128xi32, #tpu.memory_space<vmem>>
    %dma_start3A_189 = tpu.memref_squeeze %dma_start3A_188 : memref<1x128xi32, #tpu.memory_space<vmem>> -> memref<128xi32, #tpu.memory_space<vmem>>
    %dma_start3A_190 = arith.constant 0 : i32
    %dma_start3A_191 = arith.constant 0 : i32
    %dma_start3A_192 = tpu.memref_slice %arg10[%dma_start3A_190, %dma_start3A_191] : memref<10240x64xf32, #tpu.memory_space<vmem_shared>> -> memref<10240x64xf32, #tpu.memory_space<vmem_shared>>
    tpu.enqueue_indirect_dma source(%dma_start3A_186 : memref<128x64xf32, #tpu.memory_space<vmem>>) target(%dma_start3A_192 : memref<10240x64xf32, #tpu.memory_space<vmem_shared>>) offsets(%dma_start3A_189 : memref<128xi32, #tpu.memory_space<vmem>>) semaphore(%arg12 : memref<!tpu.dma_semaphore, #tpu.memory_space<semaphore_mem>>) {add = true}
    %scan3A = arith.constant 0 : i32
    %scan3A_193 = arith.constant 0 : i32
    %scan3A_194 = arith.constant 0 : i32
    %scan3A_195 = arith.constant 0 : i32
    %scan3A_196 = arith.constant 0 : i32
    %scan3A_197 = arith.constant 1 : i32
    %scan3A_198 = arith.constant 18 : i32
    %scan3A_199 = arith.addi %scan3A_197, %scan3A_198 : i32
    %scan3A_200 = arith.constant 1 : i32
    scf.for %scan3A_347 = %scan3A_197 to %scan3A_199 step %scan3A_200  : i32 {
      %mul3A_348 = arith.constant 4 : i32
      %mul3A_349 = arith.muli %mul3A_348, %scan3A_347 : i32
      %dma_wait3A_350 = arith.constant 0 : i32
      %dma_wait3A_351 = arith.constant 0 : i32
      %dma_wait3A_352 = tpu.memref_slice %arg9[%scan3A_193, %dma_wait3A_350, %dma_wait3A_351] : memref<4x128x64xf32, #tpu.memory_space<vmem>> -> memref<1x128x64xf32, #tpu.memory_space<vmem>>
      %dma_wait3A_353 = tpu.memref_squeeze %dma_wait3A_352 : memref<1x128x64xf32, #tpu.memory_space<vmem>> -> memref<128x64xf32, #tpu.memory_space<vmem>>
      %dma_wait3A_354 = arith.constant 0 : i32
      %dma_wait3A_355 = tpu.memref_slice %arg8[%scan3A_194, %dma_wait3A_354] : memref<79x128xi32, #tpu.memory_space<vmem>> -> memref<1x128xi32, #tpu.memory_space<vmem>>
      %dma_wait3A_356 = tpu.memref_squeeze %dma_wait3A_355 : memref<1x128xi32, #tpu.memory_space<vmem>> -> memref<128xi32, #tpu.memory_space<vmem>>
      %dma_wait3A_357 = arith.constant 0 : i32
      %dma_wait3A_358 = arith.constant 0 : i32
      %dma_wait3A_359 = tpu.memref_slice %arg10[%dma_wait3A_357, %dma_wait3A_358] : memref<10240x64xf32, #tpu.memory_space<vmem_shared>> -> memref<10240x64xf32, #tpu.memory_space<vmem_shared>>
      tpu.wait_indirect_dma semaphore(%arg12 : memref<!tpu.dma_semaphore, #tpu.memory_space<semaphore_mem>>) src(%dma_wait3A_353 : memref<128x64xf32, #tpu.memory_space<vmem>>) dst(%dma_wait3A_359 : memref<10240x64xf32, #tpu.memory_space<vmem_shared>>)
      %dma_wait3A_360 = arith.constant 0 : i32
      %dma_wait3A_361 = arith.constant 0 : i32
      %dma_wait3A_362 = tpu.memref_slice %arg9[%scan3A_193, %dma_wait3A_360, %dma_wait3A_361] : memref<4x128x64xf32, #tpu.memory_space<vmem>> -> memref<1x128x64xf32, #tpu.memory_space<vmem>>
      %dma_wait3A_363 = tpu.memref_squeeze %dma_wait3A_362 : memref<1x128x64xf32, #tpu.memory_space<vmem>> -> memref<128x64xf32, #tpu.memory_space<vmem>>
      %dma_wait3A_364 = arith.constant 0 : i32
      %dma_wait3A_365 = tpu.memref_slice %arg8[%scan3A_194, %dma_wait3A_364] : memref<79x128xi32, #tpu.memory_space<vmem>> -> memref<1x128xi32, #tpu.memory_space<vmem>>
      %dma_wait3A_366 = tpu.memref_squeeze %dma_wait3A_365 : memref<1x128xi32, #tpu.memory_space<vmem>> -> memref<128xi32, #tpu.memory_space<vmem>>
      %dma_wait3A_367 = arith.constant 0 : i32
      %dma_wait3A_368 = arith.constant 0 : i32
      %dma_wait3A_369 = tpu.memref_slice %arg10[%dma_wait3A_367, %dma_wait3A_368] : memref<10240x64xf32, #tpu.memory_space<vmem_shared>> -> memref<10240x64xf32, #tpu.memory_space<vmem_shared>>
      tpu.wait_indirect_dma semaphore(%arg12 : memref<!tpu.dma_semaphore, #tpu.memory_space<semaphore_mem>>) src(%dma_wait3A_363 : memref<128x64xf32, #tpu.memory_space<vmem>>) dst(%dma_wait3A_369 : memref<10240x64xf32, #tpu.memory_space<vmem_shared>>)
      %add3A_370 = arith.constant 2 : i32
      %add3A_371 = arith.addi %mul3A_349, %add3A_370 : i32
      %dma_start3A_372 = arith.constant 2 : i32
      %dma_start3A_373 = arith.constant 0 : i32
      %dma_start3A_374 = arith.constant 0 : i32
      %dma_start3A_375 = tpu.memref_slice %arg9[%dma_start3A_372, %dma_start3A_373, %dma_start3A_374] : memref<4x128x64xf32, #tpu.memory_space<vmem>> -> memref<1x128x64xf32, #tpu.memory_space<vmem>>
      %dma_start3A_376 = tpu.memref_squeeze %dma_start3A_375 : memref<1x128x64xf32, #tpu.memory_space<vmem>> -> memref<128x64xf32, #tpu.memory_space<vmem>>
      %dma_start3A_377 = arith.constant 0 : i32
      %dma_start3A_378 = tpu.memref_slice %arg7[%add3A_371, %dma_start3A_377] : memref<79x128xi32, #tpu.memory_space<vmem>> -> memref<1x128xi32, #tpu.memory_space<vmem>>
      %dma_start3A_379 = tpu.memref_squeeze %dma_start3A_378 : memref<1x128xi32, #tpu.memory_space<vmem>> -> memref<128xi32, #tpu.memory_space<vmem>>
      %dma_start3A_380 = arith.constant 0 : i32
      %dma_start3A_381 = arith.constant 0 : i32
      %dma_start3A_382 = tpu.memref_slice %arg2[%dma_start3A_380, %dma_start3A_381] : memref<10240x64xf32, #tpu.memory_space<hbm>> -> memref<10240x64xf32, #tpu.memory_space<hbm>>
      tpu.enqueue_indirect_dma source(%dma_start3A_382 : memref<10240x64xf32, #tpu.memory_space<hbm>>) target(%dma_start3A_376 : memref<128x64xf32, #tpu.memory_space<vmem>>) offsets(%dma_start3A_379 : memref<128xi32, #tpu.memory_space<vmem>>) semaphore(%arg11 : memref<!tpu.dma_semaphore, #tpu.memory_space<semaphore_mem>>)
      %add3A_383 = arith.constant 3 : i32
      %add3A_384 = arith.addi %mul3A_349, %add3A_383 : i32
      %dma_start3A_385 = arith.constant 3 : i32
      %dma_start3A_386 = arith.constant 0 : i32
      %dma_start3A_387 = arith.constant 0 : i32
      %dma_start3A_388 = tpu.memref_slice %arg9[%dma_start3A_385, %dma_start3A_386, %dma_start3A_387] : memref<4x128x64xf32, #tpu.memory_space<vmem>> -> memref<1x128x64xf32, #tpu.memory_space<vmem>>
      %dma_start3A_389 = tpu.memref_squeeze %dma_start3A_388 : memref<1x128x64xf32, #tpu.memory_space<vmem>> -> memref<128x64xf32, #tpu.memory_space<vmem>>
      %dma_start3A_390 = arith.constant 0 : i32
      %dma_start3A_391 = tpu.memref_slice %arg7[%add3A_384, %dma_start3A_390] : memref<79x128xi32, #tpu.memory_space<vmem>> -> memref<1x128xi32, #tpu.memory_space<vmem>>
      %dma_start3A_392 = tpu.memref_squeeze %dma_start3A_391 : memref<1x128xi32, #tpu.memory_space<vmem>> -> memref<128xi32, #tpu.memory_space<vmem>>
      %dma_start3A_393 = arith.constant 0 : i32
      %dma_start3A_394 = arith.constant 0 : i32
      %dma_start3A_395 = tpu.memref_slice %arg2[%dma_start3A_393, %dma_start3A_394] : memref<10240x64xf32, #tpu.memory_space<hbm>> -> memref<10240x64xf32, #tpu.memory_space<hbm>>
      tpu.enqueue_indirect_dma source(%dma_start3A_395 : memref<10240x64xf32, #tpu.memory_space<hbm>>) target(%dma_start3A_389 : memref<128x64xf32, #tpu.memory_space<vmem>>) offsets(%dma_start3A_392 : memref<128xi32, #tpu.memory_space<vmem>>) semaphore(%arg11 : memref<!tpu.dma_semaphore, #tpu.memory_space<semaphore_mem>>)
      %dma_wait3A_396 = arith.constant 0 : i32
      %dma_wait3A_397 = arith.constant 0 : i32
      %dma_wait3A_398 = tpu.memref_slice %arg9[%scan3A_196, %dma_wait3A_396, %dma_wait3A_397] : memref<4x128x64xf32, #tpu.memory_space<vmem>> -> memref<1x128x64xf32, #tpu.memory_space<vmem>>
      %dma_wait3A_399 = tpu.memref_squeeze %dma_wait3A_398 : memref<1x128x64xf32, #tpu.memory_space<vmem>> -> memref<128x64xf32, #tpu.memory_space<vmem>>
      %dma_wait3A_400 = arith.constant 0 : i32
      %dma_wait3A_401 = tpu.memref_slice %arg7[%scan3A_195, %dma_wait3A_400] : memref<79x128xi32, #tpu.memory_space<vmem>> -> memref<1x128xi32, #tpu.memory_space<vmem>>
      %dma_wait3A_402 = tpu.memref_squeeze %dma_wait3A_401 : memref<1x128xi32, #tpu.memory_space<vmem>> -> memref<128xi32, #tpu.memory_space<vmem>>
      %dma_wait3A_403 = arith.constant 0 : i32
      %dma_wait3A_404 = arith.constant 0 : i32
      %dma_wait3A_405 = tpu.memref_slice %arg2[%dma_wait3A_403, %dma_wait3A_404] : memref<10240x64xf32, #tpu.memory_space<hbm>> -> memref<10240x64xf32, #tpu.memory_space<hbm>>
      tpu.wait_indirect_dma semaphore(%arg11 : memref<!tpu.dma_semaphore, #tpu.memory_space<semaphore_mem>>) src(%dma_wait3A_405 : memref<10240x64xf32, #tpu.memory_space<hbm>>) dst(%dma_wait3A_399 : memref<128x64xf32, #tpu.memory_space<vmem>>)
      %dma_start3A_406 = arith.constant 0 : i32
      %dma_start3A_407 = arith.constant 0 : i32
      %dma_start3A_408 = arith.constant 0 : i32
      %dma_start3A_409 = tpu.memref_slice %arg9[%dma_start3A_406, %dma_start3A_407, %dma_start3A_408] : memref<4x128x64xf32, #tpu.memory_space<vmem>> -> memref<1x128x64xf32, #tpu.memory_space<vmem>>
      %dma_start3A_410 = tpu.memref_squeeze %dma_start3A_409 : memref<1x128x64xf32, #tpu.memory_space<vmem>> -> memref<128x64xf32, #tpu.memory_space<vmem>>
      %dma_start3A_411 = arith.constant 0 : i32
      %dma_start3A_412 = tpu.memref_slice %arg8[%mul3A_349, %dma_start3A_411] : memref<79x128xi32, #tpu.memory_space<vmem>> -> memref<1x128xi32, #tpu.memory_space<vmem>>
      %dma_start3A_413 = tpu.memref_squeeze %dma_start3A_412 : memref<1x128xi32, #tpu.memory_space<vmem>> -> memref<128xi32, #tpu.memory_space<vmem>>
      %dma_start3A_414 = arith.constant 0 : i32
      %dma_start3A_415 = arith.constant 0 : i32
      %dma_start3A_416 = tpu.memref_slice %arg10[%dma_start3A_414, %dma_start3A_415] : memref<10240x64xf32, #tpu.memory_space<vmem_shared>> -> memref<10240x64xf32, #tpu.memory_space<vmem_shared>>
      tpu.enqueue_indirect_dma source(%dma_start3A_410 : memref<128x64xf32, #tpu.memory_space<vmem>>) target(%dma_start3A_416 : memref<10240x64xf32, #tpu.memory_space<vmem_shared>>) offsets(%dma_start3A_413 : memref<128xi32, #tpu.memory_space<vmem>>) semaphore(%arg12 : memref<!tpu.dma_semaphore, #tpu.memory_space<semaphore_mem>>) {add = true}
      %dma_wait3A_417 = arith.constant 0 : i32
      %dma_wait3A_418 = arith.constant 0 : i32
      %dma_wait3A_419 = tpu.memref_slice %arg9[%scan3A_196, %dma_wait3A_417, %dma_wait3A_418] : memref<4x128x64xf32, #tpu.memory_space<vmem>> -> memref<1x128x64xf32, #tpu.memory_space<vmem>>
      %dma_wait3A_420 = tpu.memref_squeeze %dma_wait3A_419 : memref<1x128x64xf32, #tpu.memory_space<vmem>> -> memref<128x64xf32, #tpu.memory_space<vmem>>
      %dma_wait3A_421 = arith.constant 0 : i32
      %dma_wait3A_422 = tpu.memref_slice %arg7[%scan3A_195, %dma_wait3A_421] : memref<79x128xi32, #tpu.memory_space<vmem>> -> memref<1x128xi32, #tpu.memory_space<vmem>>
      %dma_wait3A_423 = tpu.memref_squeeze %dma_wait3A_422 : memref<1x128xi32, #tpu.memory_space<vmem>> -> memref<128xi32, #tpu.memory_space<vmem>>
      %dma_wait3A_424 = arith.constant 0 : i32
      %dma_wait3A_425 = arith.constant 0 : i32
      %dma_wait3A_426 = tpu.memref_slice %arg2[%dma_wait3A_424, %dma_wait3A_425] : memref<10240x64xf32, #tpu.memory_space<hbm>> -> memref<10240x64xf32, #tpu.memory_space<hbm>>
      tpu.wait_indirect_dma semaphore(%arg11 : memref<!tpu.dma_semaphore, #tpu.memory_space<semaphore_mem>>) src(%dma_wait3A_426 : memref<10240x64xf32, #tpu.memory_space<hbm>>) dst(%dma_wait3A_420 : memref<128x64xf32, #tpu.memory_space<vmem>>)
      %add3A_427 = arith.constant 1 : i32
      %add3A_428 = arith.addi %mul3A_349, %add3A_427 : i32
      %dma_start3A_429 = arith.constant 1 : i32
      %dma_start3A_430 = arith.constant 0 : i32
      %dma_start3A_431 = arith.constant 0 : i32
      %dma_start3A_432 = tpu.memref_slice %arg9[%dma_start3A_429, %dma_start3A_430, %dma_start3A_431] : memref<4x128x64xf32, #tpu.memory_space<vmem>> -> memref<1x128x64xf32, #tpu.memory_space<vmem>>
      %dma_start3A_433 = tpu.memref_squeeze %dma_start3A_432 : memref<1x128x64xf32, #tpu.memory_space<vmem>> -> memref<128x64xf32, #tpu.memory_space<vmem>>
      %dma_start3A_434 = arith.constant 0 : i32
      %dma_start3A_435 = tpu.memref_slice %arg8[%add3A_428, %dma_start3A_434] : memref<79x128xi32, #tpu.memory_space<vmem>> -> memref<1x128xi32, #tpu.memory_space<vmem>>
      %dma_start3A_436 = tpu.memref_squeeze %dma_start3A_435 : memref<1x128xi32, #tpu.memory_space<vmem>> -> memref<128xi32, #tpu.memory_space<vmem>>
      %dma_start3A_437 = arith.constant 0 : i32
      %dma_start3A_438 = arith.constant 0 : i32
      %dma_start3A_439 = tpu.memref_slice %arg10[%dma_start3A_437, %dma_start3A_438] : memref<10240x64xf32, #tpu.memory_space<vmem_shared>> -> memref<10240x64xf32, #tpu.memory_space<vmem_shared>>
      tpu.enqueue_indirect_dma source(%dma_start3A_433 : memref<128x64xf32, #tpu.memory_space<vmem>>) target(%dma_start3A_439 : memref<10240x64xf32, #tpu.memory_space<vmem_shared>>) offsets(%dma_start3A_436 : memref<128xi32, #tpu.memory_space<vmem>>) semaphore(%arg12 : memref<!tpu.dma_semaphore, #tpu.memory_space<semaphore_mem>>) {add = true}
      %dma_wait3A_440 = arith.constant 0 : i32
      %dma_wait3A_441 = arith.constant 0 : i32
      %dma_wait3A_442 = tpu.memref_slice %arg9[%scan3A_193, %dma_wait3A_440, %dma_wait3A_441] : memref<4x128x64xf32, #tpu.memory_space<vmem>> -> memref<1x128x64xf32, #tpu.memory_space<vmem>>
      %dma_wait3A_443 = tpu.memref_squeeze %dma_wait3A_442 : memref<1x128x64xf32, #tpu.memory_space<vmem>> -> memref<128x64xf32, #tpu.memory_space<vmem>>
      %dma_wait3A_444 = arith.constant 0 : i32
      %dma_wait3A_445 = tpu.memref_slice %arg8[%scan3A_194, %dma_wait3A_444] : memref<79x128xi32, #tpu.memory_space<vmem>> -> memref<1x128xi32, #tpu.memory_space<vmem>>
      %dma_wait3A_446 = tpu.memref_squeeze %dma_wait3A_445 : memref<1x128xi32, #tpu.memory_space<vmem>> -> memref<128xi32, #tpu.memory_space<vmem>>
      %dma_wait3A_447 = arith.constant 0 : i32
      %dma_wait3A_448 = arith.constant 0 : i32
      %dma_wait3A_449 = tpu.memref_slice %arg10[%dma_wait3A_447, %dma_wait3A_448] : memref<10240x64xf32, #tpu.memory_space<vmem_shared>> -> memref<10240x64xf32, #tpu.memory_space<vmem_shared>>
      tpu.wait_indirect_dma semaphore(%arg12 : memref<!tpu.dma_semaphore, #tpu.memory_space<semaphore_mem>>) src(%dma_wait3A_443 : memref<128x64xf32, #tpu.memory_space<vmem>>) dst(%dma_wait3A_449 : memref<10240x64xf32, #tpu.memory_space<vmem_shared>>)
      %dma_wait3A_450 = arith.constant 0 : i32
      %dma_wait3A_451 = arith.constant 0 : i32
      %dma_wait3A_452 = tpu.memref_slice %arg9[%scan3A_193, %dma_wait3A_450, %dma_wait3A_451] : memref<4x128x64xf32, #tpu.memory_space<vmem>> -> memref<1x128x64xf32, #tpu.memory_space<vmem>>
      %dma_wait3A_453 = tpu.memref_squeeze %dma_wait3A_452 : memref<1x128x64xf32, #tpu.memory_space<vmem>> -> memref<128x64xf32, #tpu.memory_space<vmem>>
      %dma_wait3A_454 = arith.constant 0 : i32
      %dma_wait3A_455 = tpu.memref_slice %arg8[%scan3A_194, %dma_wait3A_454] : memref<79x128xi32, #tpu.memory_space<vmem>> -> memref<1x128xi32, #tpu.memory_space<vmem>>
      %dma_wait3A_456 = tpu.memref_squeeze %dma_wait3A_455 : memref<1x128xi32, #tpu.memory_space<vmem>> -> memref<128xi32, #tpu.memory_space<vmem>>
      %dma_wait3A_457 = arith.constant 0 : i32
      %dma_wait3A_458 = arith.constant 0 : i32
      %dma_wait3A_459 = tpu.memref_slice %arg10[%dma_wait3A_457, %dma_wait3A_458] : memref<10240x64xf32, #tpu.memory_space<vmem_shared>> -> memref<10240x64xf32, #tpu.memory_space<vmem_shared>>
      tpu.wait_indirect_dma semaphore(%arg12 : memref<!tpu.dma_semaphore, #tpu.memory_space<semaphore_mem>>) src(%dma_wait3A_453 : memref<128x64xf32, #tpu.memory_space<vmem>>) dst(%dma_wait3A_459 : memref<10240x64xf32, #tpu.memory_space<vmem_shared>>)
      %add3A_460 = arith.constant 4 : i32
      %add3A_461 = arith.addi %mul3A_349, %add3A_460 : i32
      %dma_start3A_462 = arith.constant 0 : i32
      %dma_start3A_463 = arith.constant 0 : i32
      %dma_start3A_464 = arith.constant 0 : i32
      %dma_start3A_465 = tpu.memref_slice %arg9[%dma_start3A_462, %dma_start3A_463, %dma_start3A_464] : memref<4x128x64xf32, #tpu.memory_space<vmem>> -> memref<1x128x64xf32, #tpu.memory_space<vmem>>
      %dma_start3A_466 = tpu.memref_squeeze %dma_start3A_465 : memref<1x128x64xf32, #tpu.memory_space<vmem>> -> memref<128x64xf32, #tpu.memory_space<vmem>>
      %dma_start3A_467 = arith.constant 0 : i32
      %dma_start3A_468 = tpu.memref_slice %arg7[%add3A_461, %dma_start3A_467] : memref<79x128xi32, #tpu.memory_space<vmem>> -> memref<1x128xi32, #tpu.memory_space<vmem>>
      %dma_start3A_469 = tpu.memref_squeeze %dma_start3A_468 : memref<1x128xi32, #tpu.memory_space<vmem>> -> memref<128xi32, #tpu.memory_space<vmem>>
      %dma_start3A_470 = arith.constant 0 : i32
      %dma_start3A_471 = arith.constant 0 : i32
      %dma_start3A_472 = tpu.memref_slice %arg2[%dma_start3A_470, %dma_start3A_471] : memref<10240x64xf32, #tpu.memory_space<hbm>> -> memref<10240x64xf32, #tpu.memory_space<hbm>>
      tpu.enqueue_indirect_dma source(%dma_start3A_472 : memref<10240x64xf32, #tpu.memory_space<hbm>>) target(%dma_start3A_466 : memref<128x64xf32, #tpu.memory_space<vmem>>) offsets(%dma_start3A_469 : memref<128xi32, #tpu.memory_space<vmem>>) semaphore(%arg11 : memref<!tpu.dma_semaphore, #tpu.memory_space<semaphore_mem>>)
      %add3A_473 = arith.constant 5 : i32
      %add3A_474 = arith.addi %mul3A_349, %add3A_473 : i32
      %dma_start3A_475 = arith.constant 1 : i32
      %dma_start3A_476 = arith.constant 0 : i32
      %dma_start3A_477 = arith.constant 0 : i32
      %dma_start3A_478 = tpu.memref_slice %arg9[%dma_start3A_475, %dma_start3A_476, %dma_start3A_477] : memref<4x128x64xf32, #tpu.memory_space<vmem>> -> memref<1x128x64xf32, #tpu.memory_space<vmem>>
      %dma_start3A_479 = tpu.memref_squeeze %dma_start3A_478 : memref<1x128x64xf32, #tpu.memory_space<vmem>> -> memref<128x64xf32, #tpu.memory_space<vmem>>
      %dma_start3A_480 = arith.constant 0 : i32
      %dma_start3A_481 = tpu.memref_slice %arg7[%add3A_474, %dma_start3A_480] : memref<79x128xi32, #tpu.memory_space<vmem>> -> memref<1x128xi32, #tpu.memory_space<vmem>>
      %dma_start3A_482 = tpu.memref_squeeze %dma_start3A_481 : memref<1x128xi32, #tpu.memory_space<vmem>> -> memref<128xi32, #tpu.memory_space<vmem>>
      %dma_start3A_483 = arith.constant 0 : i32
      %dma_start3A_484 = arith.constant 0 : i32
      %dma_start3A_485 = tpu.memref_slice %arg2[%dma_start3A_483, %dma_start3A_484] : memref<10240x64xf32, #tpu.memory_space<hbm>> -> memref<10240x64xf32, #tpu.memory_space<hbm>>
      tpu.enqueue_indirect_dma source(%dma_start3A_485 : memref<10240x64xf32, #tpu.memory_space<hbm>>) target(%dma_start3A_479 : memref<128x64xf32, #tpu.memory_space<vmem>>) offsets(%dma_start3A_482 : memref<128xi32, #tpu.memory_space<vmem>>) semaphore(%arg11 : memref<!tpu.dma_semaphore, #tpu.memory_space<semaphore_mem>>)
      %dma_wait3A_486 = arith.constant 0 : i32
      %dma_wait3A_487 = arith.constant 0 : i32
      %dma_wait3A_488 = tpu.memref_slice %arg9[%scan3A_196, %dma_wait3A_486, %dma_wait3A_487] : memref<4x128x64xf32, #tpu.memory_space<vmem>> -> memref<1x128x64xf32, #tpu.memory_space<vmem>>
      %dma_wait3A_489 = tpu.memref_squeeze %dma_wait3A_488 : memref<1x128x64xf32, #tpu.memory_space<vmem>> -> memref<128x64xf32, #tpu.memory_space<vmem>>
      %dma_wait3A_490 = arith.constant 0 : i32
      %dma_wait3A_491 = tpu.memref_slice %arg7[%scan3A_195, %dma_wait3A_490] : memref<79x128xi32, #tpu.memory_space<vmem>> -> memref<1x128xi32, #tpu.memory_space<vmem>>
      %dma_wait3A_492 = tpu.memref_squeeze %dma_wait3A_491 : memref<1x128xi32, #tpu.memory_space<vmem>> -> memref<128xi32, #tpu.memory_space<vmem>>
      %dma_wait3A_493 = arith.constant 0 : i32
      %dma_wait3A_494 = arith.constant 0 : i32
      %dma_wait3A_495 = tpu.memref_slice %arg2[%dma_wait3A_493, %dma_wait3A_494] : memref<10240x64xf32, #tpu.memory_space<hbm>> -> memref<10240x64xf32, #tpu.memory_space<hbm>>
      tpu.wait_indirect_dma semaphore(%arg11 : memref<!tpu.dma_semaphore, #tpu.memory_space<semaphore_mem>>) src(%dma_wait3A_495 : memref<10240x64xf32, #tpu.memory_space<hbm>>) dst(%dma_wait3A_489 : memref<128x64xf32, #tpu.memory_space<vmem>>)
      %add3A_496 = arith.constant 2 : i32
      %add3A_497 = arith.addi %mul3A_349, %add3A_496 : i32
      %dma_start3A_498 = arith.constant 2 : i32
      %dma_start3A_499 = arith.constant 0 : i32
      %dma_start3A_500 = arith.constant 0 : i32
      %dma_start3A_501 = tpu.memref_slice %arg9[%dma_start3A_498, %dma_start3A_499, %dma_start3A_500] : memref<4x128x64xf32, #tpu.memory_space<vmem>> -> memref<1x128x64xf32, #tpu.memory_space<vmem>>
      %dma_start3A_502 = tpu.memref_squeeze %dma_start3A_501 : memref<1x128x64xf32, #tpu.memory_space<vmem>> -> memref<128x64xf32, #tpu.memory_space<vmem>>
      %dma_start3A_503 = arith.constant 0 : i32
      %dma_start3A_504 = tpu.memref_slice %arg8[%add3A_497, %dma_start3A_503] : memref<79x128xi32, #tpu.memory_space<vmem>> -> memref<1x128xi32, #tpu.memory_space<vmem>>
      %dma_start3A_505 = tpu.memref_squeeze %dma_start3A_504 : memref<1x128xi32, #tpu.memory_space<vmem>> -> memref<128xi32, #tpu.memory_space<vmem>>
      %dma_start3A_506 = arith.constant 0 : i32
      %dma_start3A_507 = arith.constant 0 : i32
      %dma_start3A_508 = tpu.memref_slice %arg10[%dma_start3A_506, %dma_start3A_507] : memref<10240x64xf32, #tpu.memory_space<vmem_shared>> -> memref<10240x64xf32, #tpu.memory_space<vmem_shared>>
      tpu.enqueue_indirect_dma source(%dma_start3A_502 : memref<128x64xf32, #tpu.memory_space<vmem>>) target(%dma_start3A_508 : memref<10240x64xf32, #tpu.memory_space<vmem_shared>>) offsets(%dma_start3A_505 : memref<128xi32, #tpu.memory_space<vmem>>) semaphore(%arg12 : memref<!tpu.dma_semaphore, #tpu.memory_space<semaphore_mem>>) {add = true}
      %dma_wait3A_509 = arith.constant 0 : i32
      %dma_wait3A_510 = arith.constant 0 : i32
      %dma_wait3A_511 = tpu.memref_slice %arg9[%scan3A_196, %dma_wait3A_509, %dma_wait3A_510] : memref<4x128x64xf32, #tpu.memory_space<vmem>> -> memref<1x128x64xf32, #tpu.memory_space<vmem>>
      %dma_wait3A_512 = tpu.memref_squeeze %dma_wait3A_511 : memref<1x128x64xf32, #tpu.memory_space<vmem>> -> memref<128x64xf32, #tpu.memory_space<vmem>>
      %dma_wait3A_513 = arith.constant 0 : i32
      %dma_wait3A_514 = tpu.memref_slice %arg7[%scan3A_195, %dma_wait3A_513] : memref<79x128xi32, #tpu.memory_space<vmem>> -> memref<1x128xi32, #tpu.memory_space<vmem>>
      %dma_wait3A_515 = tpu.memref_squeeze %dma_wait3A_514 : memref<1x128xi32, #tpu.memory_space<vmem>> -> memref<128xi32, #tpu.memory_space<vmem>>
      %dma_wait3A_516 = arith.constant 0 : i32
      %dma_wait3A_517 = arith.constant 0 : i32
      %dma_wait3A_518 = tpu.memref_slice %arg2[%dma_wait3A_516, %dma_wait3A_517] : memref<10240x64xf32, #tpu.memory_space<hbm>> -> memref<10240x64xf32, #tpu.memory_space<hbm>>
      tpu.wait_indirect_dma semaphore(%arg11 : memref<!tpu.dma_semaphore, #tpu.memory_space<semaphore_mem>>) src(%dma_wait3A_518 : memref<10240x64xf32, #tpu.memory_space<hbm>>) dst(%dma_wait3A_512 : memref<128x64xf32, #tpu.memory_space<vmem>>)
      %add3A_519 = arith.constant 3 : i32
      %add3A_520 = arith.addi %mul3A_349, %add3A_519 : i32
      %dma_start3A_521 = arith.constant 3 : i32
      %dma_start3A_522 = arith.constant 0 : i32
      %dma_start3A_523 = arith.constant 0 : i32
      %dma_start3A_524 = tpu.memref_slice %arg9[%dma_start3A_521, %dma_start3A_522, %dma_start3A_523] : memref<4x128x64xf32, #tpu.memory_space<vmem>> -> memref<1x128x64xf32, #tpu.memory_space<vmem>>
      %dma_start3A_525 = tpu.memref_squeeze %dma_start3A_524 : memref<1x128x64xf32, #tpu.memory_space<vmem>> -> memref<128x64xf32, #tpu.memory_space<vmem>>
      %dma_start3A_526 = arith.constant 0 : i32
      %dma_start3A_527 = tpu.memref_slice %arg8[%add3A_520, %dma_start3A_526] : memref<79x128xi32, #tpu.memory_space<vmem>> -> memref<1x128xi32, #tpu.memory_space<vmem>>
      %dma_start3A_528 = tpu.memref_squeeze %dma_start3A_527 : memref<1x128xi32, #tpu.memory_space<vmem>> -> memref<128xi32, #tpu.memory_space<vmem>>
      %dma_start3A_529 = arith.constant 0 : i32
      %dma_start3A_530 = arith.constant 0 : i32
      %dma_start3A_531 = tpu.memref_slice %arg10[%dma_start3A_529, %dma_start3A_530] : memref<10240x64xf32, #tpu.memory_space<vmem_shared>> -> memref<10240x64xf32, #tpu.memory_space<vmem_shared>>
      tpu.enqueue_indirect_dma source(%dma_start3A_525 : memref<128x64xf32, #tpu.memory_space<vmem>>) target(%dma_start3A_531 : memref<10240x64xf32, #tpu.memory_space<vmem_shared>>) offsets(%dma_start3A_528 : memref<128xi32, #tpu.memory_space<vmem>>) semaphore(%arg12 : memref<!tpu.dma_semaphore, #tpu.memory_space<semaphore_mem>>) {add = true}
    }
    %scan3A_201 = arith.constant 18 : i32
    %dma_wait3A_202 = arith.constant 0 : i32
    %dma_wait3A_203 = arith.constant 0 : i32
    %dma_wait3A_204 = arith.constant 0 : i32
    %dma_wait3A_205 = arith.constant 0 : i32
    %dma_wait3A_206 = tpu.memref_slice %arg9[%dma_wait3A_202, %dma_wait3A_204, %dma_wait3A_205] : memref<4x128x64xf32, #tpu.memory_space<vmem>> -> memref<1x128x64xf32, #tpu.memory_space<vmem>>
    %dma_wait3A_207 = tpu.memref_squeeze %dma_wait3A_206 : memref<1x128x64xf32, #tpu.memory_space<vmem>> -> memref<128x64xf32, #tpu.memory_space<vmem>>
    %dma_wait3A_208 = arith.constant 0 : i32
    %dma_wait3A_209 = tpu.memref_slice %arg8[%dma_wait3A_203, %dma_wait3A_208] : memref<79x128xi32, #tpu.memory_space<vmem>> -> memref<1x128xi32, #tpu.memory_space<vmem>>
    %dma_wait3A_210 = tpu.memref_squeeze %dma_wait3A_209 : memref<1x128xi32, #tpu.memory_space<vmem>> -> memref<128xi32, #tpu.memory_space<vmem>>
    %dma_wait3A_211 = arith.constant 0 : i32
    %dma_wait3A_212 = arith.constant 0 : i32
    %dma_wait3A_213 = tpu.memref_slice %arg10[%dma_wait3A_211, %dma_wait3A_212] : memref<10240x64xf32, #tpu.memory_space<vmem_shared>> -> memref<10240x64xf32, #tpu.memory_space<vmem_shared>>
    tpu.wait_indirect_dma semaphore(%arg12 : memref<!tpu.dma_semaphore, #tpu.memory_space<semaphore_mem>>) src(%dma_wait3A_207 : memref<128x64xf32, #tpu.memory_space<vmem>>) dst(%dma_wait3A_213 : memref<10240x64xf32, #tpu.memory_space<vmem_shared>>)
    %dma_wait3A_214 = arith.constant 0 : i32
    %dma_wait3A_215 = arith.constant 0 : i32
    %dma_wait3A_216 = arith.constant 0 : i32
    %dma_wait3A_217 = arith.constant 0 : i32
    %dma_wait3A_218 = tpu.memref_slice %arg9[%dma_wait3A_214, %dma_wait3A_216, %dma_wait3A_217] : memref<4x128x64xf32, #tpu.memory_space<vmem>> -> memref<1x128x64xf32, #tpu.memory_space<vmem>>
    %dma_wait3A_219 = tpu.memref_squeeze %dma_wait3A_218 : memref<1x128x64xf32, #tpu.memory_space<vmem>> -> memref<128x64xf32, #tpu.memory_space<vmem>>
    %dma_wait3A_220 = arith.constant 0 : i32
    %dma_wait3A_221 = tpu.memref_slice %arg8[%dma_wait3A_215, %dma_wait3A_220] : memref<79x128xi32, #tpu.memory_space<vmem>> -> memref<1x128xi32, #tpu.memory_space<vmem>>
    %dma_wait3A_222 = tpu.memref_squeeze %dma_wait3A_221 : memref<1x128xi32, #tpu.memory_space<vmem>> -> memref<128xi32, #tpu.memory_space<vmem>>
    %dma_wait3A_223 = arith.constant 0 : i32
    %dma_wait3A_224 = arith.constant 0 : i32
    %dma_wait3A_225 = tpu.memref_slice %arg10[%dma_wait3A_223, %dma_wait3A_224] : memref<10240x64xf32, #tpu.memory_space<vmem_shared>> -> memref<10240x64xf32, #tpu.memory_space<vmem_shared>>
    tpu.wait_indirect_dma semaphore(%arg12 : memref<!tpu.dma_semaphore, #tpu.memory_space<semaphore_mem>>) src(%dma_wait3A_219 : memref<128x64xf32, #tpu.memory_space<vmem>>) dst(%dma_wait3A_225 : memref<10240x64xf32, #tpu.memory_space<vmem_shared>>)
    %dma_start3A_226 = arith.constant 78 : i32
    %dma_start3A_227 = arith.constant 2 : i32
    %dma_start3A_228 = arith.constant 0 : i32
    %dma_start3A_229 = arith.constant 0 : i32
    %dma_start3A_230 = tpu.memref_slice %arg9[%dma_start3A_227, %dma_start3A_228, %dma_start3A_229] : memref<4x128x64xf32, #tpu.memory_space<vmem>> -> memref<1x128x64xf32, #tpu.memory_space<vmem>>
    %dma_start3A_231 = tpu.memref_squeeze %dma_start3A_230 : memref<1x128x64xf32, #tpu.memory_space<vmem>> -> memref<128x64xf32, #tpu.memory_space<vmem>>
    %dma_start3A_232 = arith.constant 0 : i32
    %dma_start3A_233 = tpu.memref_slice %arg7[%dma_start3A_226, %dma_start3A_232] : memref<79x128xi32, #tpu.memory_space<vmem>> -> memref<1x128xi32, #tpu.memory_space<vmem>>
    %dma_start3A_234 = tpu.memref_squeeze %dma_start3A_233 : memref<1x128xi32, #tpu.memory_space<vmem>> -> memref<128xi32, #tpu.memory_space<vmem>>
    %dma_start3A_235 = arith.constant 0 : i32
    %dma_start3A_236 = arith.constant 0 : i32
    %dma_start3A_237 = tpu.memref_slice %arg2[%dma_start3A_235, %dma_start3A_236] : memref<10240x64xf32, #tpu.memory_space<hbm>> -> memref<10240x64xf32, #tpu.memory_space<hbm>>
    tpu.enqueue_indirect_dma source(%dma_start3A_237 : memref<10240x64xf32, #tpu.memory_space<hbm>>) target(%dma_start3A_231 : memref<128x64xf32, #tpu.memory_space<vmem>>) offsets(%dma_start3A_234 : memref<128xi32, #tpu.memory_space<vmem>>) semaphore(%arg11 : memref<!tpu.dma_semaphore, #tpu.memory_space<semaphore_mem>>)
    %dma_wait3A_238 = arith.constant 0 : i32
    %dma_wait3A_239 = arith.constant 0 : i32
    %dma_wait3A_240 = arith.constant 0 : i32
    %dma_wait3A_241 = arith.constant 0 : i32
    %dma_wait3A_242 = tpu.memref_slice %arg9[%dma_wait3A_239, %dma_wait3A_240, %dma_wait3A_241] : memref<4x128x64xf32, #tpu.memory_space<vmem>> -> memref<1x128x64xf32, #tpu.memory_space<vmem>>
    %dma_wait3A_243 = tpu.memref_squeeze %dma_wait3A_242 : memref<1x128x64xf32, #tpu.memory_space<vmem>> -> memref<128x64xf32, #tpu.memory_space<vmem>>
    %dma_wait3A_244 = arith.constant 0 : i32
    %dma_wait3A_245 = tpu.memref_slice %arg7[%dma_wait3A_238, %dma_wait3A_244] : memref<79x128xi32, #tpu.memory_space<vmem>> -> memref<1x128xi32, #tpu.memory_space<vmem>>
    %dma_wait3A_246 = tpu.memref_squeeze %dma_wait3A_245 : memref<1x128xi32, #tpu.memory_space<vmem>> -> memref<128xi32, #tpu.memory_space<vmem>>
    %dma_wait3A_247 = arith.constant 0 : i32
    %dma_wait3A_248 = arith.constant 0 : i32
    %dma_wait3A_249 = tpu.memref_slice %arg2[%dma_wait3A_247, %dma_wait3A_248] : memref<10240x64xf32, #tpu.memory_space<hbm>> -> memref<10240x64xf32, #tpu.memory_space<hbm>>
    tpu.wait_indirect_dma semaphore(%arg11 : memref<!tpu.dma_semaphore, #tpu.memory_space<semaphore_mem>>) src(%dma_wait3A_249 : memref<10240x64xf32, #tpu.memory_space<hbm>>) dst(%dma_wait3A_243 : memref<128x64xf32, #tpu.memory_space<vmem>>)
    %dma_start3A_250 = arith.constant 0 : i32
    %dma_start3A_251 = arith.constant 76 : i32
    %dma_start3A_252 = arith.constant 0 : i32
    %dma_start3A_253 = arith.constant 0 : i32
    %dma_start3A_254 = tpu.memref_slice %arg9[%dma_start3A_250, %dma_start3A_252, %dma_start3A_253] : memref<4x128x64xf32, #tpu.memory_space<vmem>> -> memref<1x128x64xf32, #tpu.memory_space<vmem>>
    %dma_start3A_255 = tpu.memref_squeeze %dma_start3A_254 : memref<1x128x64xf32, #tpu.memory_space<vmem>> -> memref<128x64xf32, #tpu.memory_space<vmem>>
    %dma_start3A_256 = arith.constant 0 : i32
    %dma_start3A_257 = tpu.memref_slice %arg8[%dma_start3A_251, %dma_start3A_256] : memref<79x128xi32, #tpu.memory_space<vmem>> -> memref<1x128xi32, #tpu.memory_space<vmem>>
    %dma_start3A_258 = tpu.memref_squeeze %dma_start3A_257 : memref<1x128xi32, #tpu.memory_space<vmem>> -> memref<128xi32, #tpu.memory_space<vmem>>
    %dma_start3A_259 = arith.constant 0 : i32
    %dma_start3A_260 = arith.constant 0 : i32
    %dma_start3A_261 = tpu.memref_slice %arg10[%dma_start3A_259, %dma_start3A_260] : memref<10240x64xf32, #tpu.memory_space<vmem_shared>> -> memref<10240x64xf32, #tpu.memory_space<vmem_shared>>
    tpu.enqueue_indirect_dma source(%dma_start3A_255 : memref<128x64xf32, #tpu.memory_space<vmem>>) target(%dma_start3A_261 : memref<10240x64xf32, #tpu.memory_space<vmem_shared>>) offsets(%dma_start3A_258 : memref<128xi32, #tpu.memory_space<vmem>>) semaphore(%arg12 : memref<!tpu.dma_semaphore, #tpu.memory_space<semaphore_mem>>) {add = true}
    %dma_wait3A_262 = arith.constant 0 : i32
    %dma_wait3A_263 = arith.constant 0 : i32
    %dma_wait3A_264 = arith.constant 0 : i32
    %dma_wait3A_265 = arith.constant 0 : i32
    %dma_wait3A_266 = tpu.memref_slice %arg9[%dma_wait3A_263, %dma_wait3A_264, %dma_wait3A_265] : memref<4x128x64xf32, #tpu.memory_space<vmem>> -> memref<1x128x64xf32, #tpu.memory_space<vmem>>
    %dma_wait3A_267 = tpu.memref_squeeze %dma_wait3A_266 : memref<1x128x64xf32, #tpu.memory_space<vmem>> -> memref<128x64xf32, #tpu.memory_space<vmem>>
    %dma_wait3A_268 = arith.constant 0 : i32
    %dma_wait3A_269 = tpu.memref_slice %arg7[%dma_wait3A_262, %dma_wait3A_268] : memref<79x128xi32, #tpu.memory_space<vmem>> -> memref<1x128xi32, #tpu.memory_space<vmem>>
    %dma_wait3A_270 = tpu.memref_squeeze %dma_wait3A_269 : memref<1x128xi32, #tpu.memory_space<vmem>> -> memref<128xi32, #tpu.memory_space<vmem>>
    %dma_wait3A_271 = arith.constant 0 : i32
    %dma_wait3A_272 = arith.constant 0 : i32
    %dma_wait3A_273 = tpu.memref_slice %arg2[%dma_wait3A_271, %dma_wait3A_272] : memref<10240x64xf32, #tpu.memory_space<hbm>> -> memref<10240x64xf32, #tpu.memory_space<hbm>>
    tpu.wait_indirect_dma semaphore(%arg11 : memref<!tpu.dma_semaphore, #tpu.memory_space<semaphore_mem>>) src(%dma_wait3A_273 : memref<10240x64xf32, #tpu.memory_space<hbm>>) dst(%dma_wait3A_267 : memref<128x64xf32, #tpu.memory_space<vmem>>)
    %dma_start3A_274 = arith.constant 1 : i32
    %dma_start3A_275 = arith.constant 77 : i32
    %dma_start3A_276 = arith.constant 0 : i32
    %dma_start3A_277 = arith.constant 0 : i32
    %dma_start3A_278 = tpu.memref_slice %arg9[%dma_start3A_274, %dma_start3A_276, %dma_start3A_277] : memref<4x128x64xf32, #tpu.memory_space<vmem>> -> memref<1x128x64xf32, #tpu.memory_space<vmem>>
    %dma_start3A_279 = tpu.memref_squeeze %dma_start3A_278 : memref<1x128x64xf32, #tpu.memory_space<vmem>> -> memref<128x64xf32, #tpu.memory_space<vmem>>
    %dma_start3A_280 = arith.constant 0 : i32
    %dma_start3A_281 = tpu.memref_slice %arg8[%dma_start3A_275, %dma_start3A_280] : memref<79x128xi32, #tpu.memory_space<vmem>> -> memref<1x128xi32, #tpu.memory_space<vmem>>
    %dma_start3A_282 = tpu.memref_squeeze %dma_start3A_281 : memref<1x128xi32, #tpu.memory_space<vmem>> -> memref<128xi32, #tpu.memory_space<vmem>>
    %dma_start3A_283 = arith.constant 0 : i32
    %dma_start3A_284 = arith.constant 0 : i32
    %dma_start3A_285 = tpu.memref_slice %arg10[%dma_start3A_283, %dma_start3A_284] : memref<10240x64xf32, #tpu.memory_space<vmem_shared>> -> memref<10240x64xf32, #tpu.memory_space<vmem_shared>>
    tpu.enqueue_indirect_dma source(%dma_start3A_279 : memref<128x64xf32, #tpu.memory_space<vmem>>) target(%dma_start3A_285 : memref<10240x64xf32, #tpu.memory_space<vmem_shared>>) offsets(%dma_start3A_282 : memref<128xi32, #tpu.memory_space<vmem>>) semaphore(%arg12 : memref<!tpu.dma_semaphore, #tpu.memory_space<semaphore_mem>>) {add = true}
    %dma_wait3A_286 = arith.constant 0 : i32
    %dma_wait3A_287 = arith.constant 0 : i32
    %dma_wait3A_288 = arith.constant 0 : i32
    %dma_wait3A_289 = arith.constant 0 : i32
    %dma_wait3A_290 = tpu.memref_slice %arg9[%dma_wait3A_286, %dma_wait3A_288, %dma_wait3A_289] : memref<4x128x64xf32, #tpu.memory_space<vmem>> -> memref<1x128x64xf32, #tpu.memory_space<vmem>>
    %dma_wait3A_291 = tpu.memref_squeeze %dma_wait3A_290 : memref<1x128x64xf32, #tpu.memory_space<vmem>> -> memref<128x64xf32, #tpu.memory_space<vmem>>
    %dma_wait3A_292 = arith.constant 0 : i32
    %dma_wait3A_293 = tpu.memref_slice %arg8[%dma_wait3A_287, %dma_wait3A_292] : memref<79x128xi32, #tpu.memory_space<vmem>> -> memref<1x128xi32, #tpu.memory_space<vmem>>
    %dma_wait3A_294 = tpu.memref_squeeze %dma_wait3A_293 : memref<1x128xi32, #tpu.memory_space<vmem>> -> memref<128xi32, #tpu.memory_space<vmem>>
    %dma_wait3A_295 = arith.constant 0 : i32
    %dma_wait3A_296 = arith.constant 0 : i32
    %dma_wait3A_297 = tpu.memref_slice %arg10[%dma_wait3A_295, %dma_wait3A_296] : memref<10240x64xf32, #tpu.memory_space<vmem_shared>> -> memref<10240x64xf32, #tpu.memory_space<vmem_shared>>
    tpu.wait_indirect_dma semaphore(%arg12 : memref<!tpu.dma_semaphore, #tpu.memory_space<semaphore_mem>>) src(%dma_wait3A_291 : memref<128x64xf32, #tpu.memory_space<vmem>>) dst(%dma_wait3A_297 : memref<10240x64xf32, #tpu.memory_space<vmem_shared>>)
    %dma_wait3A_298 = arith.constant 0 : i32
    %dma_wait3A_299 = arith.constant 0 : i32
    %dma_wait3A_300 = arith.constant 0 : i32
    %dma_wait3A_301 = arith.constant 0 : i32
    %dma_wait3A_302 = tpu.memref_slice %arg9[%dma_wait3A_298, %dma_wait3A_300, %dma_wait3A_301] : memref<4x128x64xf32, #tpu.memory_space<vmem>> -> memref<1x128x64xf32, #tpu.memory_space<vmem>>
    %dma_wait3A_303 = tpu.memref_squeeze %dma_wait3A_302 : memref<1x128x64xf32, #tpu.memory_space<vmem>> -> memref<128x64xf32, #tpu.memory_space<vmem>>
    %dma_wait3A_304 = arith.constant 0 : i32
    %dma_wait3A_305 = tpu.memref_slice %arg8[%dma_wait3A_299, %dma_wait3A_304] : memref<79x128xi32, #tpu.memory_space<vmem>> -> memref<1x128xi32, #tpu.memory_space<vmem>>
    %dma_wait3A_306 = tpu.memref_squeeze %dma_wait3A_305 : memref<1x128xi32, #tpu.memory_space<vmem>> -> memref<128xi32, #tpu.memory_space<vmem>>
    %dma_wait3A_307 = arith.constant 0 : i32
    %dma_wait3A_308 = arith.constant 0 : i32
    %dma_wait3A_309 = tpu.memref_slice %arg10[%dma_wait3A_307, %dma_wait3A_308] : memref<10240x64xf32, #tpu.memory_space<vmem_shared>> -> memref<10240x64xf32, #tpu.memory_space<vmem_shared>>
    tpu.wait_indirect_dma semaphore(%arg12 : memref<!tpu.dma_semaphore, #tpu.memory_space<semaphore_mem>>) src(%dma_wait3A_303 : memref<128x64xf32, #tpu.memory_space<vmem>>) dst(%dma_wait3A_309 : memref<10240x64xf32, #tpu.memory_space<vmem_shared>>)
    %dma_wait3A_310 = arith.constant 0 : i32
    %dma_wait3A_311 = arith.constant 0 : i32
    %dma_wait3A_312 = arith.constant 0 : i32
    %dma_wait3A_313 = arith.constant 0 : i32
    %dma_wait3A_314 = tpu.memref_slice %arg9[%dma_wait3A_311, %dma_wait3A_312, %dma_wait3A_313] : memref<4x128x64xf32, #tpu.memory_space<vmem>> -> memref<1x128x64xf32, #tpu.memory_space<vmem>>
    %dma_wait3A_315 = tpu.memref_squeeze %dma_wait3A_314 : memref<1x128x64xf32, #tpu.memory_space<vmem>> -> memref<128x64xf32, #tpu.memory_space<vmem>>
    %dma_wait3A_316 = arith.constant 0 : i32
    %dma_wait3A_317 = tpu.memref_slice %arg7[%dma_wait3A_310, %dma_wait3A_316] : memref<79x128xi32, #tpu.memory_space<vmem>> -> memref<1x128xi32, #tpu.memory_space<vmem>>
    %dma_wait3A_318 = tpu.memref_squeeze %dma_wait3A_317 : memref<1x128xi32, #tpu.memory_space<vmem>> -> memref<128xi32, #tpu.memory_space<vmem>>
    %dma_wait3A_319 = arith.constant 0 : i32
    %dma_wait3A_320 = arith.constant 0 : i32
    %dma_wait3A_321 = tpu.memref_slice %arg2[%dma_wait3A_319, %dma_wait3A_320] : memref<10240x64xf32, #tpu.memory_space<hbm>> -> memref<10240x64xf32, #tpu.memory_space<hbm>>
    tpu.wait_indirect_dma semaphore(%arg11 : memref<!tpu.dma_semaphore, #tpu.memory_space<semaphore_mem>>) src(%dma_wait3A_321 : memref<10240x64xf32, #tpu.memory_space<hbm>>) dst(%dma_wait3A_315 : memref<128x64xf32, #tpu.memory_space<vmem>>)
    %dma_start3A_322 = arith.constant 2 : i32
    %dma_start3A_323 = arith.constant 78 : i32
    %dma_start3A_324 = arith.constant 0 : i32
    %dma_start3A_325 = arith.constant 0 : i32
    %dma_start3A_326 = tpu.memref_slice %arg9[%dma_start3A_322, %dma_start3A_324, %dma_start3A_325] : memref<4x128x64xf32, #tpu.memory_space<vmem>> -> memref<1x128x64xf32, #tpu.memory_space<vmem>>
    %dma_start3A_327 = tpu.memref_squeeze %dma_start3A_326 : memref<1x128x64xf32, #tpu.memory_space<vmem>> -> memref<128x64xf32, #tpu.memory_space<vmem>>
    %dma_start3A_328 = arith.constant 0 : i32
    %dma_start3A_329 = tpu.memref_slice %arg8[%dma_start3A_323, %dma_start3A_328] : memref<79x128xi32, #tpu.memory_space<vmem>> -> memref<1x128xi32, #tpu.memory_space<vmem>>
    %dma_start3A_330 = tpu.memref_squeeze %dma_start3A_329 : memref<1x128xi32, #tpu.memory_space<vmem>> -> memref<128xi32, #tpu.memory_space<vmem>>
    %dma_start3A_331 = arith.constant 0 : i32
    %dma_start3A_332 = arith.constant 0 : i32
    %dma_start3A_333 = tpu.memref_slice %arg10[%dma_start3A_331, %dma_start3A_332] : memref<10240x64xf32, #tpu.memory_space<vmem_shared>> -> memref<10240x64xf32, #tpu.memory_space<vmem_shared>>
    tpu.enqueue_indirect_dma source(%dma_start3A_327 : memref<128x64xf32, #tpu.memory_space<vmem>>) target(%dma_start3A_333 : memref<10240x64xf32, #tpu.memory_space<vmem_shared>>) offsets(%dma_start3A_330 : memref<128xi32, #tpu.memory_space<vmem>>) semaphore(%arg12 : memref<!tpu.dma_semaphore, #tpu.memory_space<semaphore_mem>>) {add = true}
    %dma_wait3A_334 = arith.constant 0 : i32
    %dma_wait3A_335 = arith.constant 0 : i32
    %dma_wait3A_336 = arith.constant 0 : i32
    %dma_wait3A_337 = arith.constant 0 : i32
    %dma_wait3A_338 = tpu.memref_slice %arg9[%dma_wait3A_334, %dma_wait3A_336, %dma_wait3A_337] : memref<4x128x64xf32, #tpu.memory_space<vmem>> -> memref<1x128x64xf32, #tpu.memory_space<vmem>>
    %dma_wait3A_339 = tpu.memref_squeeze %dma_wait3A_338 : memref<1x128x64xf32, #tpu.memory_space<vmem>> -> memref<128x64xf32, #tpu.memory_space<vmem>>
    %dma_wait3A_340 = arith.constant 0 : i32
    %dma_wait3A_341 = tpu.memref_slice %arg8[%dma_wait3A_335, %dma_wait3A_340] : memref<79x128xi32, #tpu.memory_space<vmem>> -> memref<1x128xi32, #tpu.memory_space<vmem>>
    %dma_wait3A_342 = tpu.memref_squeeze %dma_wait3A_341 : memref<1x128xi32, #tpu.memory_space<vmem>> -> memref<128xi32, #tpu.memory_space<vmem>>
    %dma_wait3A_343 = arith.constant 0 : i32
    %dma_wait3A_344 = arith.constant 0 : i32
    %dma_wait3A_345 = tpu.memref_slice %arg10[%dma_wait3A_343, %dma_wait3A_344] : memref<10240x64xf32, #tpu.memory_space<vmem_shared>> -> memref<10240x64xf32, #tpu.memory_space<vmem_shared>>
    tpu.wait_indirect_dma semaphore(%arg12 : memref<!tpu.dma_semaphore, #tpu.memory_space<semaphore_mem>>) src(%dma_wait3A_339 : memref<128x64xf32, #tpu.memory_space<vmem>>) dst(%dma_wait3A_345 : memref<10240x64xf32, #tpu.memory_space<vmem_shared>>)
    %barrier3A_346 = arith.constant 0 : index
    tpu.barrier barrier_id(%barrier3A_346)
    "tpu.region"() ({
      %run_scoped3A = tpu.sem_alloc : memref<!tpu.dma_semaphore, #tpu.memory_space<semaphore_mem>>
      %dma_start3A_347 = arith.constant 0 : i32
      %dma_start3A_348 = tpu.memref_slice %arg6[%arg0, %mul3A_2, %dma_start3A_347] : memref<2x10240x64xf32, #tpu.memory_space<hbm>> -> memref<1x640x64xf32, #tpu.memory_space<hbm>>
      %dma_start3A_349 = tpu.memref_squeeze %dma_start3A_348 : memref<1x640x64xf32, #tpu.memory_space<hbm>> -> memref<640x64xf32, #tpu.memory_space<hbm>>
      %dma_start3A_350 = arith.constant 0 : i32
      %dma_start3A_351 = tpu.memref_slice %arg10[%mul3A_2, %dma_start3A_350] : memref<10240x64xf32, #tpu.memory_space<vmem_shared>> -> memref<640x64xf32, #tpu.memory_space<vmem_shared>>
      tpu.enqueue_dma source(%dma_start3A_351 : memref<640x64xf32, #tpu.memory_space<vmem_shared>>) target(%dma_start3A_349 : memref<640x64xf32, #tpu.memory_space<hbm>>) target_semaphore(%run_scoped3A : memref<!tpu.dma_semaphore, #tpu.memory_space<semaphore_mem>>)
      %dma_wait3A_352 = arith.constant 0 : i32
      %dma_wait3A_353 = tpu.memref_slice %arg6[%arg0, %mul3A_2, %dma_wait3A_352] : memref<2x10240x64xf32, #tpu.memory_space<hbm>> -> memref<1x640x64xf32, #tpu.memory_space<hbm>>
      %dma_wait3A_354 = tpu.memref_squeeze %dma_wait3A_353 : memref<1x640x64xf32, #tpu.memory_space<hbm>> -> memref<640x64xf32, #tpu.memory_space<hbm>>
      %dma_wait3A_355 = arith.constant 0 : i32
      %dma_wait3A_356 = tpu.memref_slice %arg10[%mul3A_2, %dma_wait3A_355] : memref<10240x64xf32, #tpu.memory_space<vmem_shared>> -> memref<640x64xf32, #tpu.memory_space<vmem_shared>>
      tpu.wait_dma2 semaphore(%run_scoped3A : memref<!tpu.dma_semaphore, #tpu.memory_space<semaphore_mem>>) src(%dma_wait3A_356 : memref<640x64xf32, #tpu.memory_space<vmem_shared>>) dst(%dma_wait3A_354 : memref<640x64xf32, #tpu.memory_space<hbm>>)
      tpu.yield
    }) : () -> ()
    return
  }
}

module attributes {stable_mosaic.version = 14 : i64} {
  func.func @_tc_first_body(%arg0: i32, %arg1: memref<1024x128xf32, #tpu.memory_space<vmem>>, %arg2: memref<2x1024x16xf32, #tpu.memory_space<vmem>>, %arg3: memref<128x64xf32, #tpu.memory_space<vmem>>, %arg4: memref<64xf32, #tpu.memory_space<vmem>>, %arg5: memref<64x64xf32, #tpu.memory_space<vmem>>, %arg6: memref<1024x64xf32, #tpu.memory_space<vmem>>) attributes {dimension_semantics = [#tpu.dimension_semantics<arbitrary>], iteration_bounds = array<i64: 10>, scalar_prefetch = 0 : i64, scratch_operands = 0 : i64, tpu.core_type = #tpu.core_type<tc>, window_params = [{transform_indices = @transform_0, window_bounds = array<i64: 1024, 128>}, {transform_indices = @transform_1, window_bounds = array<i64: 2, 1024, 16>}, {pipeline_mode = #tpu.pipeline_mode<synchronous>, transform_indices = @transform_2, window_bounds = array<i64: 128, 64>}, {pipeline_mode = #tpu.pipeline_mode<synchronous>, transform_indices = @transform_3, window_bounds = array<i64: 64>}, {pipeline_mode = #tpu.pipeline_mode<synchronous>, transform_indices = @transform_4, window_bounds = array<i64: 64, 64>}, {transform_indices = @transform_5, window_bounds = array<i64: 1024, 64>}]} {
    %get3A = arith.constant 0 : index
    %get3A_0 = arith.constant 0 : index
    %get3A_1 = arith.constant 0 : index
    %get3A_2 = vector.load %arg2[%get3A, %get3A_0, %get3A_1] : memref<2x1024x16xf32, #tpu.memory_space<vmem>>, vector<2x1024x16xf32>
    %slice3A = vector.extract_strided_slice %get3A_2 {offsets = [0, 0, 0], sizes = [1, 1024, 1], strides = [1, 1, 1]} : vector<2x1024x16xf32> to vector<1x1024x1xf32>
    %squeeze3A = vector.shape_cast %slice3A : vector<1x1024x1xf32> to vector<1024xf32>
    %slice3A_3 = vector.extract_strided_slice %get3A_2 {offsets = [1, 0, 0], sizes = [1, 1024, 1], strides = [1, 1, 1]} : vector<2x1024x16xf32> to vector<1x1024x1xf32>
    %squeeze3A_4 = vector.shape_cast %slice3A_3 : vector<1x1024x1xf32> to vector<1024xf32>
    %add3A = arith.addf %squeeze3A, %squeeze3A_4 : vector<1024xf32>
    %add3A_5 = arith.constant 1.000000e+00 : f32
    %add3A_6 = vector.broadcast %add3A_5 : f32 to vector<1024xf32>
    %add3A_7 = arith.addf %add3A, %add3A_6 : vector<1024xf32>
    %max3A = arith.constant 1.000000e+00 : f32
    %max3A_8 = vector.broadcast %max3A : f32 to vector<1024xf32>
    %max3A_9 = arith.maximumf %add3A_7, %max3A_8 : vector<1024xf32>
    %rsqrt3A = math.rsqrt %max3A_9 : vector<1024xf32>
    %get3A_10 = arith.constant 0 : index
    %get3A_11 = arith.constant 0 : index
    %get3A_12 = vector.load %arg1[%get3A_10, %get3A_11] : memref<1024x128xf32, #tpu.memory_space<vmem>>, vector<1024x128xf32>
    %get3A_13 = arith.constant 0 : index
    %get3A_14 = arith.constant 0 : index
    %get3A_15 = vector.load %arg3[%get3A_13, %get3A_14] : memref<128x64xf32, #tpu.memory_space<vmem>>, vector<128x64xf32>
    %dot_general3A = arith.constant dense<0.000000e+00> : vector<1024x64xf32>
    %dot_general3A_16 = tpu.matmul %get3A_12, %get3A_15, %dot_general3A {dimension_numbers = #tpu.dot_dimension_numbers<[1], [0], [0], [1], [0, 0, 1, 1], [], []>, transpose_lhs_hint = false} : vector<1024x128xf32>, vector<128x64xf32>, vector<1024x64xf32> -> vector<1024x64xf32>
    %get3A_17 = arith.constant 0 : index
    %get3A_18 = vector.load %arg4[%get3A_17] : memref<64xf32, #tpu.memory_space<vmem>>, vector<64xf32>
    %broadcast_in_dim3A = vector.shape_cast %get3A_18 : vector<64xf32> to vector<1x64xf32>
    %add3A_19 = vector.broadcast %broadcast_in_dim3A : vector<1x64xf32> to vector<1024x64xf32>
    %add3A_20 = arith.addf %dot_general3A_16, %add3A_19 : vector<1024x64xf32>
    %max3A_21 = arith.constant 0.000000e+00 : f32
    %max3A_22 = vector.broadcast %max3A_21 : f32 to vector<1024x64xf32>
    %max3A_23 = arith.maximumf %add3A_20, %max3A_22 : vector<1024x64xf32>
    %get3A_24 = arith.constant 0 : index
    %get3A_25 = arith.constant 0 : index
    %get3A_26 = vector.load %arg5[%get3A_24, %get3A_25] : memref<64x64xf32, #tpu.memory_space<vmem>>, vector<64x64xf32>
    %dot_general3A_27 = arith.constant dense<0.000000e+00> : vector<1024x64xf32>
    %dot_general3A_28 = tpu.matmul %max3A_23, %get3A_26, %dot_general3A_27 {dimension_numbers = #tpu.dot_dimension_numbers<[1], [0], [0], [1], [0, 0, 1, 1], [], []>, transpose_lhs_hint = false} : vector<1024x64xf32>, vector<64x64xf32>, vector<1024x64xf32> -> vector<1024x64xf32>
    %broadcast_in_dim3A_29 = vector.shape_cast %rsqrt3A : vector<1024xf32> to vector<1024x1xf32>
    %mul3A = vector.broadcast %broadcast_in_dim3A_29 : vector<1024x1xf32> to vector<1024x64xf32>
    %mul3A_30 = arith.mulf %dot_general3A_28, %mul3A : vector<1024x64xf32>
    %swap3A = arith.constant 0 : index
    %swap3A_31 = arith.constant 0 : index
    %swap3A_32 = vector.load %arg6[%swap3A, %swap3A_31] : memref<1024x64xf32, #tpu.memory_space<vmem>>, vector<1024x64xf32>
    tpu.vector_store %arg6[%swap3A, %swap3A_31], %mul3A_30 {strides = array<i32>} : memref<1024x64xf32, #tpu.memory_space<vmem>>, vector<1024x64xf32>,
    return
  }
  func.func @transform_0(%arg0: i32) -> (i32, i32) {
    %c0_i32 = arith.constant 0 : i32
    %c0_i32_0 = arith.constant 0 : i32
    return %arg0, %c0_i32 : i32, i32
  }
  func.func @transform_1(%arg0: i32) -> (i32, i32, i32) {
    %c0_i32 = arith.constant 0 : i32
    %c0_i32_0 = arith.constant 0 : i32
    %c0_i32_1 = arith.constant 0 : i32
    return %c0_i32, %arg0, %c0_i32_0 : i32, i32, i32
  }
  func.func @transform_2(%arg0: i32) -> (i32, i32) {
    %c0_i32 = arith.constant 0 : i32
    %c0_i32_0 = arith.constant 0 : i32
    %c0_i32_1 = arith.constant 0 : i32
    return %c0_i32, %c0_i32_0 : i32, i32
  }
  func.func @transform_3(%arg0: i32) -> i32 {
    %c0_i32 = arith.constant 0 : i32
    %c0_i32_0 = arith.constant 0 : i32
    return %c0_i32 : i32
  }
  func.func @transform_4(%arg0: i32) -> (i32, i32) {
    %c0_i32 = arith.constant 0 : i32
    %c0_i32_0 = arith.constant 0 : i32
    %c0_i32_1 = arith.constant 0 : i32
    return %c0_i32, %c0_i32_0 : i32, i32
  }
  func.func @transform_5(%arg0: i32) -> (i32, i32) {
    %c0_i32 = arith.constant 0 : i32
    %c0_i32_0 = arith.constant 0 : i32
    return %arg0, %c0_i32 : i32, i32
  }
}

module attributes {stable_mosaic.version = 14 : i64} {
  func.func @_tc_mid_body(%arg0: i32, %arg1: memref<2x1024x64xf32, #tpu.memory_space<vmem>>, %arg2: memref<1024x64xf32, #tpu.memory_space<vmem>>, %arg3: memref<2x1024x16xf32, #tpu.memory_space<vmem>>, %arg4: memref<64xf32, #tpu.memory_space<vmem>>, %arg5: memref<64xf32, #tpu.memory_space<vmem>>, %arg6: memref<64xf32, #tpu.memory_space<vmem>>, %arg7: memref<64x64xf32, #tpu.memory_space<vmem>>, %arg8: memref<1024x64xf32, #tpu.memory_space<vmem>>) attributes {dimension_semantics = [#tpu.dimension_semantics<arbitrary>], iteration_bounds = array<i64: 10>, scalar_prefetch = 0 : i64, scratch_operands = 0 : i64, tpu.core_type = #tpu.core_type<tc>, window_params = [{transform_indices = @transform_0, window_bounds = array<i64: 2, 1024, 64>}, {transform_indices = @transform_1, window_bounds = array<i64: 1024, 64>}, {transform_indices = @transform_2, window_bounds = array<i64: 2, 1024, 16>}, {pipeline_mode = #tpu.pipeline_mode<synchronous>, transform_indices = @transform_3, window_bounds = array<i64: 64>}, {pipeline_mode = #tpu.pipeline_mode<synchronous>, transform_indices = @transform_4, window_bounds = array<i64: 64>}, {pipeline_mode = #tpu.pipeline_mode<synchronous>, transform_indices = @transform_5, window_bounds = array<i64: 64>}, {pipeline_mode = #tpu.pipeline_mode<synchronous>, transform_indices = @transform_6, window_bounds = array<i64: 64, 64>}, {transform_indices = @transform_7, window_bounds = array<i64: 1024, 64>}]} {
    %get3A = arith.constant 0 : index
    %get3A_0 = arith.constant 0 : index
    %get3A_1 = arith.constant 0 : index
    %get3A_2 = vector.load %arg3[%get3A, %get3A_0, %get3A_1] : memref<2x1024x16xf32, #tpu.memory_space<vmem>>, vector<2x1024x16xf32>
    %slice3A = vector.extract_strided_slice %get3A_2 {offsets = [0, 0, 0], sizes = [1, 1024, 1], strides = [1, 1, 1]} : vector<2x1024x16xf32> to vector<1x1024x1xf32>
    %squeeze3A = vector.shape_cast %slice3A : vector<1x1024x1xf32> to vector<1024xf32>
    %slice3A_3 = vector.extract_strided_slice %get3A_2 {offsets = [1, 0, 0], sizes = [1, 1024, 1], strides = [1, 1, 1]} : vector<2x1024x16xf32> to vector<1x1024x1xf32>
    %squeeze3A_4 = vector.shape_cast %slice3A_3 : vector<1x1024x1xf32> to vector<1024xf32>
    %add3A = arith.addf %squeeze3A, %squeeze3A_4 : vector<1024xf32>
    %add3A_5 = arith.constant 1.000000e+00 : f32
    %add3A_6 = vector.broadcast %add3A_5 : f32 to vector<1024xf32>
    %add3A_7 = arith.addf %add3A, %add3A_6 : vector<1024xf32>
    %max3A = arith.constant 1.000000e+00 : f32
    %max3A_8 = vector.broadcast %max3A : f32 to vector<1024xf32>
    %max3A_9 = arith.maximumf %add3A_7, %max3A_8 : vector<1024xf32>
    %rsqrt3A = math.rsqrt %max3A_9 : vector<1024xf32>
    %get3A_10 = arith.constant 0 : index
    %get3A_11 = arith.constant 0 : index
    %get3A_12 = arith.constant 0 : index
    %get3A_13 = vector.load %arg1[%get3A_10, %get3A_11, %get3A_12] : memref<2x1024x64xf32, #tpu.memory_space<vmem>>, vector<2x1024x64xf32>
    %slice3A_14 = vector.extract_strided_slice %get3A_13 {offsets = [0, 0, 0], sizes = [1, 1024, 64], strides = [1, 1, 1]} : vector<2x1024x64xf32> to vector<1x1024x64xf32>
    %squeeze3A_15 = vector.shape_cast %slice3A_14 : vector<1x1024x64xf32> to vector<1024x64xf32>
    %slice3A_16 = vector.extract_strided_slice %get3A_13 {offsets = [1, 0, 0], sizes = [1, 1024, 64], strides = [1, 1, 1]} : vector<2x1024x64xf32> to vector<1x1024x64xf32>
    %squeeze3A_17 = vector.shape_cast %slice3A_16 : vector<1x1024x64xf32> to vector<1024x64xf32>
    %add3A_18 = arith.addf %squeeze3A_15, %squeeze3A_17 : vector<1024x64xf32>
    %get3A_19 = arith.constant 0 : index
    %get3A_20 = arith.constant 0 : index
    %get3A_21 = vector.load %arg2[%get3A_19, %get3A_20] : memref<1024x64xf32, #tpu.memory_space<vmem>>, vector<1024x64xf32>
    %add3A_22 = arith.addf %add3A_18, %get3A_21 : vector<1024x64xf32>
    %broadcast_in_dim3A = vector.shape_cast %rsqrt3A : vector<1024xf32> to vector<1024x1xf32>
    %mul3A = vector.broadcast %broadcast_in_dim3A : vector<1024x1xf32> to vector<1024x64xf32>
    %mul3A_23 = arith.mulf %add3A_22, %mul3A : vector<1024x64xf32>
    %get3A_24 = arith.constant 0 : index
    %get3A_25 = vector.load %arg4[%get3A_24] : memref<64xf32, #tpu.memory_space<vmem>>, vector<64xf32>
    %broadcast_in_dim3A_26 = vector.shape_cast %get3A_25 : vector<64xf32> to vector<1x64xf32>
    %add3A_27 = vector.broadcast %broadcast_in_dim3A_26 : vector<1x64xf32> to vector<1024x64xf32>
    %add3A_28 = arith.addf %mul3A_23, %add3A_27 : vector<1024x64xf32>
    %max3A_29 = arith.constant 0.000000e+00 : f32
    %max3A_30 = vector.broadcast %max3A_29 : f32 to vector<1024x64xf32>
    %max3A_31 = arith.maximumf %add3A_28, %max3A_30 : vector<1024x64xf32>
    %get3A_32 = arith.constant 0 : index
    %get3A_33 = vector.load %arg5[%get3A_32] : memref<64xf32, #tpu.memory_space<vmem>>, vector<64xf32>
    %get3A_34 = arith.constant 0 : index
    %get3A_35 = vector.load %arg6[%get3A_34] : memref<64xf32, #tpu.memory_space<vmem>>, vector<64xf32>
    %reduce_sum3A = arith.constant dense<0.000000e+00> : vector<1024xf32>
    %reduce_sum3A_36 = vector.multi_reduction <add>, %max3A_31, %reduce_sum3A [1] : vector<1024x64xf32> to vector<1024xf32>
    %broadcast_in_dim3A_37 = vector.shape_cast %reduce_sum3A_36 : vector<1024xf32> to vector<1024x1xf32>
    %div3A = arith.constant 6.400000e+01 : f32
    %div3A_38 = vector.broadcast %div3A : f32 to vector<1024x1xf32>
    %div3A_39 = arith.divf %broadcast_in_dim3A_37, %div3A_38 : vector<1024x1xf32>
    %sub3A = vector.broadcast %div3A_39 : vector<1024x1xf32> to vector<1024x64xf32>
    %sub3A_40 = arith.subf %max3A_31, %sub3A : vector<1024x64xf32>
    %integer_pow3A = arith.mulf %sub3A_40, %sub3A_40 : vector<1024x64xf32>
    %reduce_sum3A_41 = arith.constant dense<0.000000e+00> : vector<1024xf32>
    %reduce_sum3A_42 = vector.multi_reduction <add>, %integer_pow3A, %reduce_sum3A_41 [1] : vector<1024x64xf32> to vector<1024xf32>
    %broadcast_in_dim3A_43 = vector.shape_cast %reduce_sum3A_42 : vector<1024xf32> to vector<1024x1xf32>
    %div3A_44 = arith.constant 6.400000e+01 : f32
    %div3A_45 = vector.broadcast %div3A_44 : f32 to vector<1024x1xf32>
    %div3A_46 = arith.divf %broadcast_in_dim3A_43, %div3A_45 : vector<1024x1xf32>
    %sub3A_47 = vector.broadcast %div3A_39 : vector<1024x1xf32> to vector<1024x64xf32>
    %sub3A_48 = arith.subf %max3A_31, %sub3A_47 : vector<1024x64xf32>
    %add3A_49 = arith.constant 9.99999974E-6 : f32
    %add3A_50 = vector.broadcast %add3A_49 : f32 to vector<1024x1xf32>
    %add3A_51 = arith.addf %div3A_46, %add3A_50 : vector<1024x1xf32>
    %rsqrt3A_52 = math.rsqrt %add3A_51 : vector<1024x1xf32>
    %mul3A_53 = vector.broadcast %rsqrt3A_52 : vector<1024x1xf32> to vector<1024x64xf32>
    %mul3A_54 = arith.mulf %sub3A_48, %mul3A_53 : vector<1024x64xf32>
    %broadcast_in_dim3A_55 = vector.shape_cast %get3A_33 : vector<64xf32> to vector<1x64xf32>
    %mul3A_56 = vector.broadcast %broadcast_in_dim3A_55 : vector<1x64xf32> to vector<1024x64xf32>
    %mul3A_57 = arith.mulf %mul3A_54, %mul3A_56 : vector<1024x64xf32>
    %broadcast_in_dim3A_58 = vector.shape_cast %get3A_35 : vector<64xf32> to vector<1x64xf32>
    %add3A_59 = vector.broadcast %broadcast_in_dim3A_58 : vector<1x64xf32> to vector<1024x64xf32>
    %add3A_60 = arith.addf %mul3A_57, %add3A_59 : vector<1024x64xf32>
    %get3A_61 = arith.constant 0 : index
    %get3A_62 = arith.constant 0 : index
    %get3A_63 = vector.load %arg7[%get3A_61, %get3A_62] : memref<64x64xf32, #tpu.memory_space<vmem>>, vector<64x64xf32>
    %dot_general3A = arith.constant dense<0.000000e+00> : vector<1024x64xf32>
    %dot_general3A_64 = tpu.matmul %add3A_60, %get3A_63, %dot_general3A {dimension_numbers = #tpu.dot_dimension_numbers<[1], [0], [0], [1], [0, 0, 1, 1], [], []>, transpose_lhs_hint = false} : vector<1024x64xf32>, vector<64x64xf32>, vector<1024x64xf32> -> vector<1024x64xf32>
    %broadcast_in_dim3A_65 = vector.shape_cast %rsqrt3A : vector<1024xf32> to vector<1024x1xf32>
    %mul3A_66 = vector.broadcast %broadcast_in_dim3A_65 : vector<1024x1xf32> to vector<1024x64xf32>
    %mul3A_67 = arith.mulf %dot_general3A_64, %mul3A_66 : vector<1024x64xf32>
    %swap3A = arith.constant 0 : index
    %swap3A_68 = arith.constant 0 : index
    %swap3A_69 = vector.load %arg8[%swap3A, %swap3A_68] : memref<1024x64xf32, #tpu.memory_space<vmem>>, vector<1024x64xf32>
    tpu.vector_store %arg8[%swap3A, %swap3A_68], %mul3A_67 {strides = array<i32>} : memref<1024x64xf32, #tpu.memory_space<vmem>>, vector<1024x64xf32>,
    return
  }
  func.func @transform_0(%arg0: i32) -> (i32, i32, i32) {
    %c0_i32 = arith.constant 0 : i32
    %c0_i32_0 = arith.constant 0 : i32
    %c0_i32_1 = arith.constant 0 : i32
    return %c0_i32, %arg0, %c0_i32_0 : i32, i32, i32
  }
  func.func @transform_1(%arg0: i32) -> (i32, i32) {
    %c0_i32 = arith.constant 0 : i32
    %c0_i32_0 = arith.constant 0 : i32
    return %arg0, %c0_i32 : i32, i32
  }
  func.func @transform_2(%arg0: i32) -> (i32, i32, i32) {
    %c0_i32 = arith.constant 0 : i32
    %c0_i32_0 = arith.constant 0 : i32
    %c0_i32_1 = arith.constant 0 : i32
    return %c0_i32, %arg0, %c0_i32_0 : i32, i32, i32
  }
  func.func @transform_3(%arg0: i32) -> i32 {
    %c0_i32 = arith.constant 0 : i32
    %c0_i32_0 = arith.constant 0 : i32
    return %c0_i32 : i32
  }
  func.func @transform_4(%arg0: i32) -> i32 {
    %c0_i32 = arith.constant 0 : i32
    %c0_i32_0 = arith.constant 0 : i32
    return %c0_i32 : i32
  }
  func.func @transform_5(%arg0: i32) -> i32 {
    %c0_i32 = arith.constant 0 : i32
    %c0_i32_0 = arith.constant 0 : i32
    return %c0_i32 : i32
  }
  func.func @transform_6(%arg0: i32) -> (i32, i32) {
    %c0_i32 = arith.constant 0 : i32
    %c0_i32_0 = arith.constant 0 : i32
    %c0_i32_1 = arith.constant 0 : i32
    return %c0_i32, %c0_i32_0 : i32, i32
  }
  func.func @transform_7(%arg0: i32) -> (i32, i32) {
    %c0_i32 = arith.constant 0 : i32
    %c0_i32_0 = arith.constant 0 : i32
    return %arg0, %c0_i32 : i32, i32
  }
}

module attributes {stable_mosaic.version = 14 : i64} {
  func.func @_tc_last_body(%arg0: i32, %arg1: memref<2x1024x64xf32, #tpu.memory_space<vmem>>, %arg2: memref<1024x64xf32, #tpu.memory_space<vmem>>, %arg3: memref<2x1024x16xf32, #tpu.memory_space<vmem>>, %arg4: memref<64xf32, #tpu.memory_space<vmem>>, %arg5: memref<64xf32, #tpu.memory_space<vmem>>, %arg6: memref<64xf32, #tpu.memory_space<vmem>>, %arg7: memref<64x40xf32, #tpu.memory_space<vmem>>, %arg8: memref<40xf32, #tpu.memory_space<vmem>>, %arg9: memref<1024x40xf32, #tpu.memory_space<vmem>>) attributes {dimension_semantics = [#tpu.dimension_semantics<arbitrary>], iteration_bounds = array<i64: 10>, scalar_prefetch = 0 : i64, scratch_operands = 0 : i64, tpu.core_type = #tpu.core_type<tc>, window_params = [{transform_indices = @transform_0, window_bounds = array<i64: 2, 1024, 64>}, {transform_indices = @transform_1, window_bounds = array<i64: 1024, 64>}, {transform_indices = @transform_2, window_bounds = array<i64: 2, 1024, 16>}, {pipeline_mode = #tpu.pipeline_mode<synchronous>, transform_indices = @transform_3, window_bounds = array<i64: 64>}, {pipeline_mode = #tpu.pipeline_mode<synchronous>, transform_indices = @transform_4, window_bounds = array<i64: 64>}, {pipeline_mode = #tpu.pipeline_mode<synchronous>, transform_indices = @transform_5, window_bounds = array<i64: 64>}, {pipeline_mode = #tpu.pipeline_mode<synchronous>, transform_indices = @transform_6, window_bounds = array<i64: 64, 40>}, {pipeline_mode = #tpu.pipeline_mode<synchronous>, transform_indices = @transform_7, window_bounds = array<i64: 40>}, {transform_indices = @transform_8, window_bounds = array<i64: 1024, 40>}]} {
    %get3A = arith.constant 0 : index
    %get3A_0 = arith.constant 0 : index
    %get3A_1 = arith.constant 0 : index
    %get3A_2 = vector.load %arg3[%get3A, %get3A_0, %get3A_1] : memref<2x1024x16xf32, #tpu.memory_space<vmem>>, vector<2x1024x16xf32>
    %slice3A = vector.extract_strided_slice %get3A_2 {offsets = [0, 0, 0], sizes = [1, 1024, 1], strides = [1, 1, 1]} : vector<2x1024x16xf32> to vector<1x1024x1xf32>
    %squeeze3A = vector.shape_cast %slice3A : vector<1x1024x1xf32> to vector<1024xf32>
    %slice3A_3 = vector.extract_strided_slice %get3A_2 {offsets = [1, 0, 0], sizes = [1, 1024, 1], strides = [1, 1, 1]} : vector<2x1024x16xf32> to vector<1x1024x1xf32>
    %squeeze3A_4 = vector.shape_cast %slice3A_3 : vector<1x1024x1xf32> to vector<1024xf32>
    %add3A = arith.addf %squeeze3A, %squeeze3A_4 : vector<1024xf32>
    %add3A_5 = arith.constant 1.000000e+00 : f32
    %add3A_6 = vector.broadcast %add3A_5 : f32 to vector<1024xf32>
    %add3A_7 = arith.addf %add3A, %add3A_6 : vector<1024xf32>
    %max3A = arith.constant 1.000000e+00 : f32
    %max3A_8 = vector.broadcast %max3A : f32 to vector<1024xf32>
    %max3A_9 = arith.maximumf %add3A_7, %max3A_8 : vector<1024xf32>
    %rsqrt3A = math.rsqrt %max3A_9 : vector<1024xf32>
    %get3A_10 = arith.constant 0 : index
    %get3A_11 = arith.constant 0 : index
    %get3A_12 = arith.constant 0 : index
    %get3A_13 = vector.load %arg1[%get3A_10, %get3A_11, %get3A_12] : memref<2x1024x64xf32, #tpu.memory_space<vmem>>, vector<2x1024x64xf32>
    %slice3A_14 = vector.extract_strided_slice %get3A_13 {offsets = [0, 0, 0], sizes = [1, 1024, 64], strides = [1, 1, 1]} : vector<2x1024x64xf32> to vector<1x1024x64xf32>
    %squeeze3A_15 = vector.shape_cast %slice3A_14 : vector<1x1024x64xf32> to vector<1024x64xf32>
    %slice3A_16 = vector.extract_strided_slice %get3A_13 {offsets = [1, 0, 0], sizes = [1, 1024, 64], strides = [1, 1, 1]} : vector<2x1024x64xf32> to vector<1x1024x64xf32>
    %squeeze3A_17 = vector.shape_cast %slice3A_16 : vector<1x1024x64xf32> to vector<1024x64xf32>
    %add3A_18 = arith.addf %squeeze3A_15, %squeeze3A_17 : vector<1024x64xf32>
    %get3A_19 = arith.constant 0 : index
    %get3A_20 = arith.constant 0 : index
    %get3A_21 = vector.load %arg2[%get3A_19, %get3A_20] : memref<1024x64xf32, #tpu.memory_space<vmem>>, vector<1024x64xf32>
    %add3A_22 = arith.addf %add3A_18, %get3A_21 : vector<1024x64xf32>
    %broadcast_in_dim3A = vector.shape_cast %rsqrt3A : vector<1024xf32> to vector<1024x1xf32>
    %mul3A = vector.broadcast %broadcast_in_dim3A : vector<1024x1xf32> to vector<1024x64xf32>
    %mul3A_23 = arith.mulf %add3A_22, %mul3A : vector<1024x64xf32>
    %get3A_24 = arith.constant 0 : index
    %get3A_25 = vector.load %arg4[%get3A_24] : memref<64xf32, #tpu.memory_space<vmem>>, vector<64xf32>
    %broadcast_in_dim3A_26 = vector.shape_cast %get3A_25 : vector<64xf32> to vector<1x64xf32>
    %add3A_27 = vector.broadcast %broadcast_in_dim3A_26 : vector<1x64xf32> to vector<1024x64xf32>
    %add3A_28 = arith.addf %mul3A_23, %add3A_27 : vector<1024x64xf32>
    %max3A_29 = arith.constant 0.000000e+00 : f32
    %max3A_30 = vector.broadcast %max3A_29 : f32 to vector<1024x64xf32>
    %max3A_31 = arith.maximumf %add3A_28, %max3A_30 : vector<1024x64xf32>
    %get3A_32 = arith.constant 0 : index
    %get3A_33 = vector.load %arg5[%get3A_32] : memref<64xf32, #tpu.memory_space<vmem>>, vector<64xf32>
    %get3A_34 = arith.constant 0 : index
    %get3A_35 = vector.load %arg6[%get3A_34] : memref<64xf32, #tpu.memory_space<vmem>>, vector<64xf32>
    %reduce_sum3A = arith.constant dense<0.000000e+00> : vector<1024xf32>
    %reduce_sum3A_36 = vector.multi_reduction <add>, %max3A_31, %reduce_sum3A [1] : vector<1024x64xf32> to vector<1024xf32>
    %broadcast_in_dim3A_37 = vector.shape_cast %reduce_sum3A_36 : vector<1024xf32> to vector<1024x1xf32>
    %div3A = arith.constant 6.400000e+01 : f32
    %div3A_38 = vector.broadcast %div3A : f32 to vector<1024x1xf32>
    %div3A_39 = arith.divf %broadcast_in_dim3A_37, %div3A_38 : vector<1024x1xf32>
    %sub3A = vector.broadcast %div3A_39 : vector<1024x1xf32> to vector<1024x64xf32>
    %sub3A_40 = arith.subf %max3A_31, %sub3A : vector<1024x64xf32>
    %integer_pow3A = arith.mulf %sub3A_40, %sub3A_40 : vector<1024x64xf32>
    %reduce_sum3A_41 = arith.constant dense<0.000000e+00> : vector<1024xf32>
    %reduce_sum3A_42 = vector.multi_reduction <add>, %integer_pow3A, %reduce_sum3A_41 [1] : vector<1024x64xf32> to vector<1024xf32>
    %broadcast_in_dim3A_43 = vector.shape_cast %reduce_sum3A_42 : vector<1024xf32> to vector<1024x1xf32>
    %div3A_44 = arith.constant 6.400000e+01 : f32
    %div3A_45 = vector.broadcast %div3A_44 : f32 to vector<1024x1xf32>
    %div3A_46 = arith.divf %broadcast_in_dim3A_43, %div3A_45 : vector<1024x1xf32>
    %sub3A_47 = vector.broadcast %div3A_39 : vector<1024x1xf32> to vector<1024x64xf32>
    %sub3A_48 = arith.subf %max3A_31, %sub3A_47 : vector<1024x64xf32>
    %add3A_49 = arith.constant 9.99999974E-6 : f32
    %add3A_50 = vector.broadcast %add3A_49 : f32 to vector<1024x1xf32>
    %add3A_51 = arith.addf %div3A_46, %add3A_50 : vector<1024x1xf32>
    %rsqrt3A_52 = math.rsqrt %add3A_51 : vector<1024x1xf32>
    %mul3A_53 = vector.broadcast %rsqrt3A_52 : vector<1024x1xf32> to vector<1024x64xf32>
    %mul3A_54 = arith.mulf %sub3A_48, %mul3A_53 : vector<1024x64xf32>
    %broadcast_in_dim3A_55 = vector.shape_cast %get3A_33 : vector<64xf32> to vector<1x64xf32>
    %mul3A_56 = vector.broadcast %broadcast_in_dim3A_55 : vector<1x64xf32> to vector<1024x64xf32>
    %mul3A_57 = arith.mulf %mul3A_54, %mul3A_56 : vector<1024x64xf32>
    %broadcast_in_dim3A_58 = vector.shape_cast %get3A_35 : vector<64xf32> to vector<1x64xf32>
    %add3A_59 = vector.broadcast %broadcast_in_dim3A_58 : vector<1x64xf32> to vector<1024x64xf32>
    %add3A_60 = arith.addf %mul3A_57, %add3A_59 : vector<1024x64xf32>
    %get3A_61 = arith.constant 0 : index
    %get3A_62 = arith.constant 0 : index
    %get3A_63 = vector.load %arg7[%get3A_61, %get3A_62] : memref<64x40xf32, #tpu.memory_space<vmem>>, vector<64x40xf32>
    %dot_general3A = arith.constant dense<0.000000e+00> : vector<1024x40xf32>
    %dot_general3A_64 = tpu.matmul %add3A_60, %get3A_63, %dot_general3A {dimension_numbers = #tpu.dot_dimension_numbers<[1], [0], [0], [1], [0, 0, 1, 1], [], []>, transpose_lhs_hint = false} : vector<1024x64xf32>, vector<64x40xf32>, vector<1024x40xf32> -> vector<1024x40xf32>
    %get3A_65 = arith.constant 0 : index
    %get3A_66 = vector.load %arg8[%get3A_65] : memref<40xf32, #tpu.memory_space<vmem>>, vector<40xf32>
    %broadcast_in_dim3A_67 = vector.shape_cast %get3A_66 : vector<40xf32> to vector<1x40xf32>
    %add3A_68 = vector.broadcast %broadcast_in_dim3A_67 : vector<1x40xf32> to vector<1024x40xf32>
    %add3A_69 = arith.addf %dot_general3A_64, %add3A_68 : vector<1024x40xf32>
    %swap3A = arith.constant 0 : index
    %swap3A_70 = arith.constant 0 : index
    %swap3A_71 = vector.load %arg9[%swap3A, %swap3A_70] : memref<1024x40xf32, #tpu.memory_space<vmem>>, vector<1024x40xf32>
    tpu.vector_store %arg9[%swap3A, %swap3A_70], %add3A_69 {strides = array<i32>} : memref<1024x40xf32, #tpu.memory_space<vmem>>, vector<1024x40xf32>,
    return
  }
  func.func @transform_0(%arg0: i32) -> (i32, i32, i32) {
    %c0_i32 = arith.constant 0 : i32
    %c0_i32_0 = arith.constant 0 : i32
    %c0_i32_1 = arith.constant 0 : i32
    return %c0_i32, %arg0, %c0_i32_0 : i32, i32, i32
  }
  func.func @transform_1(%arg0: i32) -> (i32, i32) {
    %c0_i32 = arith.constant 0 : i32
    %c0_i32_0 = arith.constant 0 : i32
    return %arg0, %c0_i32 : i32, i32
  }
  func.func @transform_2(%arg0: i32) -> (i32, i32, i32) {
    %c0_i32 = arith.constant 0 : i32
    %c0_i32_0 = arith.constant 0 : i32
    %c0_i32_1 = arith.constant 0 : i32
    return %c0_i32, %arg0, %c0_i32_0 : i32, i32, i32
  }
  func.func @transform_3(%arg0: i32) -> i32 {
    %c0_i32 = arith.constant 0 : i32
    %c0_i32_0 = arith.constant 0 : i32
    return %c0_i32 : i32
  }
  func.func @transform_4(%arg0: i32) -> i32 {
    %c0_i32 = arith.constant 0 : i32
    %c0_i32_0 = arith.constant 0 : i32
    return %c0_i32 : i32
  }
  func.func @transform_5(%arg0: i32) -> i32 {
    %c0_i32 = arith.constant 0 : i32
    %c0_i32_0 = arith.constant 0 : i32
    return %c0_i32 : i32
  }
  func.func @transform_6(%arg0: i32) -> (i32, i32) {
    %c0_i32 = arith.constant 0 : i32
    %c0_i32_0 = arith.constant 0 : i32
    %c0_i32_1 = arith.constant 0 : i32
    return %c0_i32, %c0_i32_0 : i32, i32
  }
  func.func @transform_7(%arg0: i32) -> i32 {
    %c0_i32 = arith.constant 0 : i32
    %c0_i32_0 = arith.constant 0 : i32
    return %c0_i32 : i32
  }
  func.func @transform_8(%arg0: i32) -> (i32, i32) {
    %c0_i32 = arith.constant 0 : i32
    %c0_i32_0 = arith.constant 0 : i32
    return %arg0, %c0_i32 : i32, i32
  }
}

</mosaic_0001>

<sc_bundles>
// kernel: kernel.10.cloned.1.call-start
scs
__scs_entry_jumppad:
0x0: {  	(pc) =	sbr.rel $0x88, $3  }
0x1: {  	(tag) =	ssettag $0x0;
	lr =	simm.s32 $0x1  }
0x2: {  	[smem:$0x3F8F] =	sst lr;
	_ =	strace $0xD0000000  }
0x3: {  	_ = 	snop  }
0x4: {  	_ = 	snop  }
0x5: {  	_ = 	snop  }
0x6: {  	_ = 	snop  }
0x7: {  	_ = 	snop  }
__scs_overlays_trampoline_lowered:
0x8: {  	[smem:$0x3F9E] =	sst s0  }
0x9: {  	[smem:$0x3F9F] =	sst s1  }
0xa: {  	[smem:$0x3FA0] =	sst s2  }
0xb: {  	[smem:$0x3FA1] =	sst s3  }
0xc: {  	[smem:$0x3FA2] =	sst s4  }
0xd: {  	[smem:$0x3FA3] =	sst s5  }
0xe: {  	[smem:$0x3FA4] =	sst s6  }
0xf: {  	[smem:$0x3FA5] =	sst s7  }
0x10: {  	[smem:$0x3FA6] =	sst s8  }
0x11: {  	[smem:$0x3FA7] =	sst s9;
	s0 =	simm.s32 @!p0 $0x0  }
0x12: {  	s1 =	sld [smem:$0x3F8D];
	s0 =	simm.s32 @p0 $0x1  }
0x13: {  	[smem:$0x3FA8] =	sst s0;
	s0 =	simm.s32 @!p1 $0x0  }
0x14: {  	s2 =	sld [smem:$0x3F8C];
	s0 =	simm.s32 @p1 $0x1  }
0x15: {  	[smem:$0x3FA9] =	sst s0;
	s0 =	simm.s32 @!p2 $0x0  }
0x16: {  	s3 =	sld [smem:$0x3FDB];
	s0 =	simm.s32 @p2 $0x1  }
0x17: {  	s4 =	simm.s32 $0x1BF5;
	[smem:$0x3FAB] =	sst s0  }
0x18: {  	s0 =	sld [smem:$0x3F8E];
	_ =	swait.ge [sflag:s4], $0x0  }
0x19: {  	s7 =	sld [smem:$0x3F8F]  }
0x1a: {  	s8 =	sadd.s32 $0xFFFFE003, lr  }
0x1b: {  	s9 =	sadd.s32 $0xFFFFFEF7, lr;
	s5 =	simm.s32 $0xFFFFFFFF;
	p2 =	slt.u32 s8, $0xFFFFF086  }
0x1c: {  	p1 =	slt.u32 s9, $0xF7A;
	s5 =	simm.s32 @!p2 $0x0  }
0x1d: {  	s5 =	simm.s32 @p1 $0x1;
	p0 =	seq.s32 s7, s2  }
0x1e: {  	s7 =	smul.u32 @!p0 $0xF7A, s2;
	p2 =	seq.s32 @!p0 s5, $0x0  }
0x1f: {  	s9 =	smul.u32 $0xF7A, s1;
	s8 =	simm.s32 @!p0 $0x1BF5;
	p2 =	por !p2, p0  }
0x20: {  	[sflag:s8] =	ssyncset.s32 @!p0 $0xFFFFF086;
	s6 =	sadd.s32 @!p0 s3, s7;
	s7 =	simm.s32 @!p0 $0x108  }
0x21: {  	s3 =	sadd.s32 s3, s9;
	s6 =	sadd.s32 @!p0 $0x88, s6;
	s7 =	simm.s32 @p2 $0x1082  }
0x22: {  	[simem:s7], [sflag:s8] =	dma.local @!p0 [hbm:s6], $0xF7A  }
0x23: {  	s9 =	sor.u32 $0xD0000000, s2;
	s6 =	simm.s32 $0x108;
	_ =	swait.ge @!p0 [sflag:s8], $0x0  }
0x24: {  	s3 =	sadd.s32 $0x88, s3;
	s6 =	simm.s32 @!p1 $0x1082;
	[sflag:s4] =	ssyncset.s32 $0xFFFFF086  }
0x25: {  	[simem:s6], [sflag:s4] =	dma.local [hbm:s3], $0xF7A  }
0x26: {  	[smem:$0x3F8F] =	sst s1;
	(tag) =	ssettag s2;
	_ =	strace s9  }
0x27: {  	s1 =	sld [smem:$0x3F9F]  }
0x28: {  	s2 =	sld [smem:$0x3FA0]  }
0x29: {  	s4 =	sld [smem:$0x3FA2]  }
0x2a: {  	p0 =	seq.s32 s5, $0x0;
	s5 =	sld [smem:$0x3FA3]  }
0x2b: {  	s6 =	sld [smem:$0x3FA4]  }
0x2c: {  	s7 =	sld [smem:$0x3FA5]  }
0x2d: {  	s3 =	simm.s32 $0x108;
	s8 =	sld [smem:$0x3FA6]  }
0x2e: {  	s3 =	simm.s32 @!p0 $0x1082;
	s9 =	sld [smem:$0x3FA7]  }
0x2f: {  	lr =	sadd.s32 s0, s3;
	s0 =	sld [smem:$0x3F9E]  }
0x30: {  	s3 =	sld [smem:$0x3FA1]  }
0x31: {  	[smem:$0x3FAA] =	sst s10  }
0x32: {  	s10 =	sld [smem:$0x3FA8];
	_ =	sdelay $0x3  }
0x33: {  	p0 =	seq.s32 s10, $0x1;
	s10 =	sld [smem:$0x3FAA];
	_ =	sdelay $0x3  }
0x34: {  	[smem:$0x3FAA] =	sst s10  }
0x35: {  	s10 =	sld [smem:$0x3FA9];
	_ =	sdelay $0x3  }
0x36: {  	p1 =	seq.s32 s10, $0x1;
	s10 =	sld [smem:$0x3FAA];
	_ =	sdelay $0x3  }
0x37: {  	[smem:$0x3FAA] =	sst s10  }
0x38: {  	s10 =	sld [smem:$0x3FAB]  }
0x39: {  	_ = 	snop;
	(pc) =	sbr.ind lr, $3  }
0x3a: {  	_ = 	snop  }
0x3b: {  	_ = 	snop  }
0x3c: {  	p2 =	seq.s32 s10, $0x1;
	s10 =	sld [smem:$0x3FAA]  }
0x3d: {  	_ =	shalt  }
0x3e: {  	_ =	shalt  }
0x3f: {  	_ =	shalt  }
0x40: {  	_ =	shalt  }
0x41: {  	_ =	shalt  }
0x42: {  	_ =	shalt  }
0x43: {  	_ =	shalt  }
0x44: {  	_ =	shalt  }
0x45: {  	_ =	shalt  }
0x46: {  	_ =	shalt  }
0x47: {  	_ =	shalt  }
0x48: {  	_ =	shalt  }
0x49: {  	_ =	shalt  }
0x4a: {  	_ =	shalt  }
0x4b: {  	_ =	shalt  }
0x4c: {  	_ =	shalt  }
0x4d: {  	_ =	shalt  }
0x4e: {  	_ =	shalt  }
0x4f: {  	_ =	shalt  }
0x50: {  	_ =	shalt  }
0x51: {  	_ =	shalt  }
0x52: {  	_ =	shalt  }
0x53: {  	_ =	shalt  }
0x54: {  	_ =	shalt  }
0x55: {  	_ =	shalt  }
0x56: {  	_ =	shalt  }
0x57: {  	_ =	shalt  }
0x58: {  	_ =	shalt  }
0x59: {  	_ =	shalt  }
0x5a: {  	_ =	shalt  }
0x5b: {  	_ =	shalt  }
0x5c: {  	_ =	shalt  }
0x5d: {  	_ =	shalt  }
0x5e: {  	_ =	shalt  }
0x5f: {  	_ =	shalt  }
0x60: {  	_ =	shalt  }
0x61: {  	_ =	shalt  }
0x62: {  	_ =	shalt  }
0x63: {  	_ =	shalt  }
0x64: {  	_ =	shalt  }
0x65: {  	_ =	shalt  }
0x66: {  	_ =	shalt  }
0x67: {  	_ =	shalt  }
0x68: {  	_ =	shalt  }
0x69: {  	_ =	shalt  }
0x6a: {  	_ =	shalt  }
0x6b: {  	_ =	shalt  }
0x6c: {  	_ =	shalt  }
0x6d: {  	_ =	shalt  }
0x6e: {  	_ =	shalt  }
0x6f: {  	_ =	shalt  }
0x70: {  	_ =	shalt  }
0x71: {  	_ =	shalt  }
0x72: {  	_ =	shalt  }
0x73: {  	_ =	shalt  }
0x74: {  	_ =	shalt  }
0x75: {  	_ =	shalt  }
0x76: {  	_ =	shalt  }
0x77: {  	_ =	shalt  }
0x78: {  	_ =	shalt  }
0x79: {  	_ =	shalt  }
0x7a: {  	_ =	shalt  }
0x7b: {  	_ =	shalt  }
0x7c: {  	_ =	shalt  }
0x7d: {  	_ =	shalt  }
0x7e: {  	_ =	shalt  }
0x7f: {  	_ =	shalt  }
0x80: {  	_ =	shalt  }
0x81: {  	_ =	shalt  }
0x82: {  	_ =	shalt  }
0x83: {  	_ =	shalt  }
0x84: {  	_ =	shalt  }
0x85: {  	_ =	shalt  }
0x86: {  	_ =	shalt  }
0x87: {  	_ =	shalt  }
.Lfunc_end0:
.L_simem_size_0:
called_computation_lowered:
.L_overlay_start_0:
0x88: {  	s2 =	sld [smem:$0x3FD9]  }
0x89: {  	s3 =	sld [smem:$0x3FFE];
	_ =	sdelay $0x1  }
0x8a: {  	s1 =	srdreg.scid  }
0x8b: {  	s0 =	sand.u32 $0x1, s1  }
0x8c: {  	s17 =	sshll.u32 s0, $0xA;
	s2 =	sadd.s32 s3, s2  }
0x8d: {  	s2 =	sadd.s32 s2, s17  }
0x8e: {  	[smem:$0x3FB6] =	sst s2  }
0x8f: {  	_ = 	snop  }
0x90: {  	s2 =	sld [smem:$0x3FD0];
	(tm) =	ssettm $0x1  }
0x91: {  	s18 =	sld [smem:$0x3FFB];
	_ =	sdelay $0x3  }
0x92: {  	_ =	strace s18  }
0x93: {  	s3 =	sld [smem:$0x3FFC];
	_ =	sdelay $0x3  }
0x94: {  	_ =	strace s3  }
0x95: {  	s3 =	sld [smem:$0x3FFD];
	_ =	sdelay $0x3  }
0x96: {  	_ =	strace s3  }
0x97: {  	_ =	strace $0x8FFFFFFF  }
0x98: {  	s19 =	sld [smem:$0x3FDB];
	_ =	sdelay $0x1  }
0x99: {  	s4 =	simm.s32 $_scs_section_size  }
0x9a: {  	s5 =	simm.s32 $_size__tile_overlayer_lowered;
	s6 =	simm.s32 $_tile_overlayer_lowered  }
0x9b: {  	s22 =	simm.s32 $0x1BFF;
	s21 =	sshll.u32 s6, $0x1;
	s3 =	sadd.s32 s4, s19  }
0x9c: {  	s7 =	simm.s32 $0x0;
	s20 =	sshll.u32 s5, $0x1;
	s5 =	sadd.s32 s21, s3  }
0x9d: {  	[timem:s7], [sflag:s22] =	dma.local [hbm:s5], s20  }
0x9e: {  	_ =	swait.ge [sflag:s22], s20  }
0x9f: {  	s4 =	ssub.s32 $0x0, s20;
	[sflag:s22] =	ssyncset.done $0x0  }
0xa0: {  	[sflag:s22] =	ssyncadd.s32 s4;
	_ =	sdelay $0x1  }
0xa1: {  	s23 =	simm.s32 $0x1B8B  }
0xa2: {  	_ =	swait.ge [sflag:s23], $0x1  }
0xa3: {  	[sflag:s23] =	ssyncset.done $0x0  }
0xa4: {  	s25 =	simm.s32 $0x1B8E;
	s24 =	sld [smem:$0x3FFE];
	[sflag:s23] =	ssyncadd.s32 $0xFFFFFFFF  }
0xa5: {  	s26 =	simm.s32 $execute0_lowered;
	[smem:$0x3FD2] =	sst s25  }
0xa6: {  	s5 =	sshll.u32 s26, $0x1;
	_ =	strace $0x80000046;
	[dreg:$0x1] =	wrdreg $0xFFFFFFFF  }
0xa7: {  	s28 =	simm.s32 $_size_execute0_lowered;
	s3 =	sadd.s32 s3, s5;
	[dreg:$0x0] =	wrdreg $0x0  }
0xa8: {  	s5 =	sshll.u32 s28, $0x1;
	[dreg:$0x2] =	wrdreg s3  }
0xa9: {  	[dreg:$0x3] =	wrdreg s5  }
0xaa: {  	[dreg:$0x4] =	wrdreg $0xC0  }
0xab: {  	_ =	task [dreg:s7], $0x5FFFF  }
0xac: {  	[dreg:$0x1] =	wrdreg $0xFFFFFFFF  }
0xad: {  	[dreg:$0x0] =	wrdreg $0x60  }
0xae: {  	[dreg:$0x2] =	wrdreg s24  }
0xaf: {  	[dreg:$0x3] =	wrdreg s2  }
0xb0: {  	[dreg:$0x4] =	wrdreg $0x2F800  }
0xb1: {  	[dreg:$0x5] =	wrdreg $0x9  }
0xb2: {  	_ =	task.clear_ibuf [dreg:s7], $0x6FFFF;
	_ =	strace $0x90000046  }
0xb3: {  	s29 =	simm.s32 $0x9;
	_ =	strace $0x80000048  }
0xb4: {  	_ =	swait.ge [sflag:s29], $0x1  }
0xb5: {  	[sflag:s29] =	ssyncadd.s32 $0xFFFFFFFF  }
0xb6: {  	_ =	strace $0x90000048  }
0xb7: {  	_ =	sfence  }
0xb8: {  	s30 =	sld [smem:$0x0];
	_ =	sdelay $0x2  }
0xb9: {  	s31 =	sshll.u32 s1, $0xD;
	s1 =	sshrl.u32 s1, $0x2  }
0xba: {  	s3 =	sand.u32 $0x4000, s31;
	s1 =	sadd.s32 s1, s30  }
0xbb: {  	s0 =	sor.u32 s3, s0;
	s1 =	sshll.u32 s1, $0x11  }
0xbc: {  	s0 =	sor.u32 s1, s0  }
0xbd: {  	s0 =	sadd.s32 $0x8F2B, s0  }
0xbe: {  	[sflag:s0] =	ssyncadd.remote.s32 $0x1  }
0xbf: {  	_ =	sfence.sel $0xFFFF  }
0xc0: {  	[dreg:$0x0] =	wrdreg $0xFFFFFFFF;
	(pc) =	sbr.abs _section_cstart, $3  }
0xc1: {  	[dreg:$0x1] =	wrdreg $0xFFFFFFFF  }
0xc2: {  	_ =	task.clear_ibuf [dreg:s7], $0x2FFFF;
	_ =	strace $0x9FFFFFFF  }
0xc3: {  	(tm) =	ssettm $0x7FFFFFFF  }
tec
execute0_lowered:
.L_overlay_start_1:
0x0: {  	(tag) =	ssettag $0x1  }
0x1: {  	s5 =	rddreg [dreg:$0x0]  }
0x2: {  	s0 =	srdreg.scid;
	s8 =	rddreg [dreg:$0x1]  }
0x3: {  	s2 =	rddreg [dreg:$0x2];
	s3 =	simm.s32 $0x0;
	s13 =	simm.s32 $0x80  }
0x4: {  	s14 =	simm.s32 $0x100;
	s15 =	simm.s32 $0x180;
	s16 =	simm.s32 $0x1  }
0x5: {  	s17 =	simm.s32 $0x0;
	s4 =	sand.u32 $0x1, s0;
	s0 =	stileid.u32  }
0x6: {  	[smem:$0x7FF] =	sst s3;
	s1 =	sshll.u32 s4, $0x4;
	s7 =	smul.u32 $0x2800, s0  }
0x7: {  	s10 =	ssub.s32 $0x2, s4;
	s11 =	smul.u32 $0x28000, s4;
	s4 =	sadd.s32 $0x1CA00, s5  }
0x8: {  	s31 =	sshll.u32 s0, $0x6;
	s6 =	sor.u32 s0, s1;
	s1 =	rddreg [dreg:$0x3]  }
0x9: {  	_ =	strace $0x80000047;
	s29 =	sshrl.u32 s10, $0x1;
	s6 =	smul.u32 $0x4F0, s6  }
0xa: {  	s28 =	sshrl.u32 s7, $0x3;
	s10 =	ssub.s32 s10, s29;
	s30 =	sadd.s32 s7, s11  }
0xb: {  	s12 =	sadd.s32 s7, s2;
	s11 =	sshrl.u32 s30, $0x3;
	s9 =	sadd.s32 s6, s5  }
0xc: {  	s5 =	sadd.s32 s28, s5;
	s6 =	sor.u32 $0x1C02, s31;
	s8 =	sadd.s32 s8, s11  }
0xd: {  	s11 =	simm.s32 $0x2;
	s5 =	sadd.s32 $0x17A00, s5;
	s7 =	sadd.s32 $0xDC00, s9  }
0xe: {  	s9 =	smax.u32 s10, $0x1;
	s10 =	sshrl.u32 s12, $0x3;
	s12 =	simm.s32 $0x2780  }
.LBB2_1:
0xf: {  	[spmem:s10], [sflag:s6] =	dma.local [hbm:s5], $0x500  }
0x10: {  	_ =	swait.ge [sflag:s11], $0x500  }
0x11: {  	[sflag:s11] =	ssyncset.done $0x0  }
0x12: {  	[sflag:s11] =	ssyncadd.s32 $0xFFFFFB00  }
0x13: {  	[tilespmem:s12], [sflag:$0x2] =	stream.linear.gather [hbm4b:s4+s3], $0x800, $0x38;
	[tilespmem:$0x5780] =	vst v63  }
0x14: {  	_ =	swait.ge [sflag:s11], $0x800  }
0x15: {  	[sflag:s11] =	ssyncset.done $0x0  }
0x16: {  	[sflag:s11] =	ssyncadd.s32 $0xFFFFF800  }
0x17: {  	[tilespmem:s3], [sflag:$0x2] =	stream.linear.gather [hbm4b:s7+s3], $0x2780, $0x38;
	[tilespmem:$0x5780] =	vst v63  }
0x18: {  	_ =	swait.ge [sflag:s11], $0x2780  }
0x19: {  	[sflag:s11] =	ssyncset.done $0x0  }
0x1a: {  	[sflag:s11] =	ssyncadd.s32 $0xFFFFD880  }
0x1b: {  	[bflag:$0x0] =	sbarrier.arrive $0xFFFF  }
0x1c: {  	[spmem:s2] =	stream.indirect.scatter.add.f32 [tilespmem:s12], [sflag:$0x1], $0x10, s3, s13, $0xb8;
	[tilespmem:$0x5780] =	vst v63  }
0x1d: {  	_ = 	snop  }
0x1e: {  	[spmem:s2] =	stream.indirect.scatter.add.f32 [tilespmem:s12], [sflag:$0x1], $0x10, s13, s13, $0xb8;
	[tilespmem:$0x5780] =	vst v63  }
0x1f: {  	_ = 	snop  }
0x20: {  	[spmem:s2] =	stream.indirect.scatter.add.f32 [tilespmem:s12], [sflag:$0x1], $0x10, s14, s13, $0xb8;
	[tilespmem:$0x5780] =	vst v63  }
0x21: {  	_ = 	snop  }
0x22: {  	[spmem:s2] =	stream.indirect.scatter.add.f32 [tilespmem:s12], [sflag:$0x1], $0x10, s15, s13, $0xb8;
	[tilespmem:$0x5780] =	vst v63  }
0x23: {  	_ =	swait.ge [sflag:s16], $0x800  }
0x24: {  	[sflag:s16] =	ssyncset.done $0x0  }
0x25: {  	s18 =	simm.s32 $0xA00;
	s19 =	simm.s32 $0x200;
	[sflag:s16] =	ssyncadd.s32 $0xFFFFF800  }
.LBB2_2:
0x26: {  	[spmem:s2] =	stream.indirect.scatter.add.f32 [tilespmem:s12], [sflag:$0x1], $0x10, s19, s13, $0xb8;
	[tilespmem:$0x5780] =	vst v63  }
0x27: {  	s19 =	smov.u32 s18;
	p0 =	sne.s32 s18, $0x9C00  }
.Ltmp0:
0x28: {  	s18 =	sadd.s32 $0x200, s18;
	(pc) =	sbr.rel @p0 .LBB2_2-.Ltmp0, $4  }
0x29: {  	_ = 	snop  }
0x2a: {  	_ =	swait.ge [sflag:s16], $0x800  }
0x2b: {  	[sflag:s16] =	ssyncset.done $0x0  }
0x2c: {  	s19 =	sshra.s32 s19, $0x2;
	[sflag:s16] =	ssyncadd.s32 $0xFFFFF800  }
0x2d: {  	[spmem:s2] =	stream.indirect.scatter.add.f32 [tilespmem:s12], [sflag:$0x1], $0x10, s19, s13, $0xb8;
	[tilespmem:$0x5780] =	vst v63  }
0x2e: {  	_ =	swait.ge [sflag:s16], $0x800  }
0x2f: {  	[sflag:s16] =	ssyncset.done $0x0  }
0x30: {  	[sflag:s16] =	ssyncadd.s32 $0xFFFFF800  }
0x31: {  	_ =	swait.ge [sflag:s16], $0x800  }
0x32: {  	[sflag:s16] =	ssyncset.done $0x0  }
0x33: {  	[sflag:s16] =	ssyncadd.s32 $0xFFFFF800  }
0x34: {  	_ =	swait.ge [sflag:s16], $0x800  }
0x35: {  	[sflag:s16] =	ssyncset.done $0x0  }
0x36: {  	[sflag:s16] =	ssyncadd.s32 $0xFFFFF800  }
0x37: {  	_ =	swait.ge [sflag:s16], $0x800  }
0x38: {  	s17 =	sadd.s32 $0x1, s17;
	[sflag:s16] =	ssyncset.done $0x0  }
0x39: {  	p0 =	sne.s32 s17, s9;
	[sflag:s16] =	ssyncadd.s32 $0xFFFFF800  }
.Ltmp1:
0x3a: {  	[bflag:$0x0] =	sbarrier.arrive $0xFFFF;
	(pc) =	sbr.rel @p0 .LBB2_1-.Ltmp1, $4  }
0x3b: {  	[hbm:s8], [sflag:s6] =	dma.local [spmem:s10], $0x500  }
0x3c: {  	_ =	swait.ge [sflag:s11], $0x500  }
0x3d: {  	[sflag:s11] =	ssyncset.done $0x0  }
0x3e: {  	[sflag:s11] =	ssyncadd.s32 $0xFFFFFB00  }
0x3f: {  	_ =	sfence.sel $0x180000  }
0x40: {  	[bflag:$0x0] =	sbarrier.arrive $0xFFFF  }
0x41: {  	p0 =	sne.s32 s0, $0x0;
	_ =	strace $0x90000047  }
0x42: {  	s0 =	sadd.s32 @!p0 $0x100000, s1;
	[bflag:$0x2] =	sbarrier.arrive $0xFFFF  }
0x43: {  	[sflag:s0] =	ssyncadd.tile.s32 @!p0 $0x1;
	_ =	shalt  }
.Lfunc_end2:
_tile_overlayer_lowered:
.L_overlay_start_2:
0x44: {  	(tag) =	ssettag $0x2  }
0x45: {  	s0 =	rddreg [dreg:$0x0];
	s2 =	stileid.u32  }
0x46: {  	s1 =	rddreg [dreg:$0x1];
	p0 =	sne.s32 s2, $0x0  }
0x47: {  	s3 =	rddreg [dreg:$0x2];
	[bflag:$0x3] =	sbarrier.arrive $0xFFFF;
	s2 =	simm.s32 @!p0 $0x1C02  }
0x48: {  	[timem:s3], [sflag:s2] =	dma.local @!p0 [hbm:s0], s1  }
0x49: {  	s0 =	simm.s32 @!p0 $0x2  }
0x4a: {  	_ =	swait.ge @!p0 [sflag:s0], s1  }
0x4b: {  	s1 =	ssub.s32 @!p0 $0x0, s1;
	[sflag:s0] =	ssyncset.done @!p0 $0x0  }
0x4c: {  	[sflag:s0] =	ssyncadd.s32 @!p0 s1  }
0x4d: {  	[bflag:$0x3] =	sbarrier.arrive $0xFFFF  }
0x4e: {  	_ =	shalt  }

// kernel: kernel.13.cloned.1.call-start
scs
__scs_entry_jumppad:
0x0: {  	(pc) =	sbr.rel $0x88, $3  }
0x1: {  	(tag) =	ssettag $0x0;
	lr =	simm.s32 $0x1  }
0x2: {  	[smem:$0x3F8F] =	sst lr;
	_ =	strace $0xD0000000  }
0x3: {  	_ = 	snop  }
0x4: {  	_ = 	snop  }
0x5: {  	_ = 	snop  }
0x6: {  	_ = 	snop  }
0x7: {  	_ = 	snop  }
__scs_overlays_trampoline_lowered:
0x8: {  	[smem:$0x3F9E] =	sst s0  }
0x9: {  	[smem:$0x3F9F] =	sst s1  }
0xa: {  	[smem:$0x3FA0] =	sst s2  }
0xb: {  	[smem:$0x3FA1] =	sst s3  }
0xc: {  	[smem:$0x3FA2] =	sst s4  }
0xd: {  	[smem:$0x3FA3] =	sst s5  }
0xe: {  	[smem:$0x3FA4] =	sst s6  }
0xf: {  	[smem:$0x3FA5] =	sst s7  }
0x10: {  	[smem:$0x3FA6] =	sst s8  }
0x11: {  	[smem:$0x3FA7] =	sst s9;
	s0 =	simm.s32 @!p0 $0x0  }
0x12: {  	s1 =	sld [smem:$0x3F8D];
	s0 =	simm.s32 @p0 $0x1  }
0x13: {  	[smem:$0x3FA8] =	sst s0;
	s0 =	simm.s32 @!p1 $0x0  }
0x14: {  	s2 =	sld [smem:$0x3F8C];
	s0 =	simm.s32 @p1 $0x1  }
0x15: {  	[smem:$0x3FA9] =	sst s0;
	s0 =	simm.s32 @!p2 $0x0  }
0x16: {  	s3 =	sld [smem:$0x3FDB];
	s0 =	simm.s32 @p2 $0x1  }
0x17: {  	s4 =	simm.s32 $0x1BF5;
	[smem:$0x3FAB] =	sst s0  }
0x18: {  	s0 =	sld [smem:$0x3F8E];
	_ =	swait.ge [sflag:s4], $0x0  }
0x19: {  	s7 =	sld [smem:$0x3F8F]  }
0x1a: {  	s8 =	sadd.s32 $0xFFFFE003, lr  }
0x1b: {  	s9 =	sadd.s32 $0xFFFFFEF7, lr;
	s5 =	simm.s32 $0xFFFFFFFF;
	p2 =	slt.u32 s8, $0xFFFFF086  }
0x1c: {  	p1 =	slt.u32 s9, $0xF7A;
	s5 =	simm.s32 @!p2 $0x0  }
0x1d: {  	s5 =	simm.s32 @p1 $0x1;
	p0 =	seq.s32 s7, s2  }
0x1e: {  	s7 =	smul.u32 @!p0 $0xF7A, s2;
	p2 =	seq.s32 @!p0 s5, $0x0  }
0x1f: {  	s9 =	smul.u32 $0xF7A, s1;
	s8 =	simm.s32 @!p0 $0x1BF5;
	p2 =	por !p2, p0  }
0x20: {  	[sflag:s8] =	ssyncset.s32 @!p0 $0xFFFFF086;
	s6 =	sadd.s32 @!p0 s3, s7;
	s7 =	simm.s32 @!p0 $0x108  }
0x21: {  	s3 =	sadd.s32 s3, s9;
	s6 =	sadd.s32 @!p0 $0x88, s6;
	s7 =	simm.s32 @p2 $0x1082  }
0x22: {  	[simem:s7], [sflag:s8] =	dma.local @!p0 [hbm:s6], $0xF7A  }
0x23: {  	s9 =	sor.u32 $0xD0000000, s2;
	s6 =	simm.s32 $0x108;
	_ =	swait.ge @!p0 [sflag:s8], $0x0  }
0x24: {  	s3 =	sadd.s32 $0x88, s3;
	s6 =	simm.s32 @!p1 $0x1082;
	[sflag:s4] =	ssyncset.s32 $0xFFFFF086  }
0x25: {  	[simem:s6], [sflag:s4] =	dma.local [hbm:s3], $0xF7A  }
0x26: {  	[smem:$0x3F8F] =	sst s1;
	(tag) =	ssettag s2;
	_ =	strace s9  }
0x27: {  	s1 =	sld [smem:$0x3F9F]  }
0x28: {  	s2 =	sld [smem:$0x3FA0]  }
0x29: {  	s4 =	sld [smem:$0x3FA2]  }
0x2a: {  	p0 =	seq.s32 s5, $0x0;
	s5 =	sld [smem:$0x3FA3]  }
0x2b: {  	s6 =	sld [smem:$0x3FA4]  }
0x2c: {  	s7 =	sld [smem:$0x3FA5]  }
0x2d: {  	s3 =	simm.s32 $0x108;
	s8 =	sld [smem:$0x3FA6]  }
0x2e: {  	s3 =	simm.s32 @!p0 $0x1082;
	s9 =	sld [smem:$0x3FA7]  }
0x2f: {  	lr =	sadd.s32 s0, s3;
	s0 =	sld [smem:$0x3F9E]  }
0x30: {  	s3 =	sld [smem:$0x3FA1]  }
0x31: {  	[smem:$0x3FAA] =	sst s10  }
0x32: {  	s10 =	sld [smem:$0x3FA8];
	_ =	sdelay $0x3  }
0x33: {  	p0 =	seq.s32 s10, $0x1;
	s10 =	sld [smem:$0x3FAA];
	_ =	sdelay $0x3  }
0x34: {  	[smem:$0x3FAA] =	sst s10  }
0x35: {  	s10 =	sld [smem:$0x3FA9];
	_ =	sdelay $0x3  }
0x36: {  	p1 =	seq.s32 s10, $0x1;
	s10 =	sld [smem:$0x3FAA];
	_ =	sdelay $0x3  }
0x37: {  	[smem:$0x3FAA] =	sst s10  }
0x38: {  	s10 =	sld [smem:$0x3FAB]  }
0x39: {  	_ = 	snop;
	(pc) =	sbr.ind lr, $3  }
0x3a: {  	_ = 	snop  }
0x3b: {  	_ = 	snop  }
0x3c: {  	p2 =	seq.s32 s10, $0x1;
	s10 =	sld [smem:$0x3FAA]  }
0x3d: {  	_ =	shalt  }
0x3e: {  	_ =	shalt  }
0x3f: {  	_ =	shalt  }
0x40: {  	_ =	shalt  }
0x41: {  	_ =	shalt  }
0x42: {  	_ =	shalt  }
0x43: {  	_ =	shalt  }
0x44: {  	_ =	shalt  }
0x45: {  	_ =	shalt  }
0x46: {  	_ =	shalt  }
0x47: {  	_ =	shalt  }
0x48: {  	_ =	shalt  }
0x49: {  	_ =	shalt  }
0x4a: {  	_ =	shalt  }
0x4b: {  	_ =	shalt  }
0x4c: {  	_ =	shalt  }
0x4d: {  	_ =	shalt  }
0x4e: {  	_ =	shalt  }
0x4f: {  	_ =	shalt  }
0x50: {  	_ =	shalt  }
0x51: {  	_ =	shalt  }
0x52: {  	_ =	shalt  }
0x53: {  	_ =	shalt  }
0x54: {  	_ =	shalt  }
0x55: {  	_ =	shalt  }
0x56: {  	_ =	shalt  }
0x57: {  	_ =	shalt  }
0x58: {  	_ =	shalt  }
0x59: {  	_ =	shalt  }
0x5a: {  	_ =	shalt  }
0x5b: {  	_ =	shalt  }
0x5c: {  	_ =	shalt  }
0x5d: {  	_ =	shalt  }
0x5e: {  	_ =	shalt  }
0x5f: {  	_ =	shalt  }
0x60: {  	_ =	shalt  }
0x61: {  	_ =	shalt  }
0x62: {  	_ =	shalt  }
0x63: {  	_ =	shalt  }
0x64: {  	_ =	shalt  }
0x65: {  	_ =	shalt  }
0x66: {  	_ =	shalt  }
0x67: {  	_ =	shalt  }
0x68: {  	_ =	shalt  }
0x69: {  	_ =	shalt  }
0x6a: {  	_ =	shalt  }
0x6b: {  	_ =	shalt  }
0x6c: {  	_ =	shalt  }
0x6d: {  	_ =	shalt  }
0x6e: {  	_ =	shalt  }
0x6f: {  	_ =	shalt  }
0x70: {  	_ =	shalt  }
0x71: {  	_ =	shalt  }
0x72: {  	_ =	shalt  }
0x73: {  	_ =	shalt  }
0x74: {  	_ =	shalt  }
0x75: {  	_ =	shalt  }
0x76: {  	_ =	shalt  }
0x77: {  	_ =	shalt  }
0x78: {  	_ =	shalt  }
0x79: {  	_ =	shalt  }
0x7a: {  	_ =	shalt  }
0x7b: {  	_ =	shalt  }
0x7c: {  	_ =	shalt  }
0x7d: {  	_ =	shalt  }
0x7e: {  	_ =	shalt  }
0x7f: {  	_ =	shalt  }
0x80: {  	_ =	shalt  }
0x81: {  	_ =	shalt  }
0x82: {  	_ =	shalt  }
0x83: {  	_ =	shalt  }
0x84: {  	_ =	shalt  }
0x85: {  	_ =	shalt  }
0x86: {  	_ =	shalt  }
0x87: {  	_ =	shalt  }
.Lfunc_end0:
.L_simem_size_0:
called_computation.1_lowered:
.L_overlay_start_0:
0x88: {  	s2 =	sld [smem:$0x3FD9]  }
0x89: {  	s3 =	sld [smem:$0x3FFE];
	_ =	sdelay $0x1  }
0x8a: {  	s1 =	srdreg.scid  }
0x8b: {  	s0 =	sand.u32 $0x1, s1  }
0x8c: {  	s16 =	sshll.u32 s0, $0xA;
	s2 =	sadd.s32 s3, s2  }
0x8d: {  	s2 =	sadd.s32 s2, s16  }
0x8e: {  	[smem:$0x3FB6] =	sst s2  }
0x8f: {  	_ = 	snop  }
0x90: {  	(tm) =	ssettm $0x1  }
0x91: {  	s17 =	sld [smem:$0x3FFB];
	_ =	sdelay $0x3  }
0x92: {  	_ =	strace s17  }
0x93: {  	s2 =	sld [smem:$0x3FFC];
	_ =	sdelay $0x3  }
0x94: {  	_ =	strace s2  }
0x95: {  	s2 =	sld [smem:$0x3FFD];
	_ =	sdelay $0x3  }
0x96: {  	_ =	strace s2  }
0x97: {  	_ =	strace $0x8FFFFFFF  }
0x98: {  	s18 =	sld [smem:$0x3FDB];
	_ =	sdelay $0x1  }
0x99: {  	s19 =	simm.s32 $_scs_section_size  }
0x9a: {  	s4 =	simm.s32 $_size__tile_overlayer_lowered;
	s5 =	simm.s32 $_tile_overlayer_lowered  }
0x9b: {  	s22 =	simm.s32 $0x1BFF;
	s21 =	sshll.u32 s5, $0x1;
	s2 =	sadd.s32 s19, s18  }
0x9c: {  	s6 =	simm.s32 $0x0;
	s20 =	sshll.u32 s4, $0x1;
	s4 =	sadd.s32 s21, s2  }
0x9d: {  	[timem:s6], [sflag:s22] =	dma.local [hbm:s4], s20  }
0x9e: {  	_ =	swait.ge [sflag:s22], s20  }
0x9f: {  	s3 =	ssub.s32 $0x0, s20;
	[sflag:s22] =	ssyncset.done $0x0  }
0xa0: {  	[sflag:s22] =	ssyncadd.s32 s3;
	_ =	sdelay $0x1  }
0xa1: {  	s23 =	simm.s32 $0x1B8B  }
0xa2: {  	_ =	swait.ge [sflag:s23], $0x1  }
0xa3: {  	[sflag:s23] =	ssyncset.done $0x0  }
0xa4: {  	s25 =	simm.s32 $0x1B8E;
	s24 =	sld [smem:$0x3FFE];
	[sflag:s23] =	ssyncadd.s32 $0xFFFFFFFF  }
0xa5: {  	s26 =	simm.s32 $execute0_lowered;
	[smem:$0x3FD2] =	sst s25  }
0xa6: {  	s4 =	sshll.u32 s26, $0x1;
	_ =	strace $0x80000049;
	[dreg:$0x1] =	wrdreg $0xFFFFFFFF  }
0xa7: {  	s28 =	simm.s32 $_size_execute0_lowered;
	s2 =	sadd.s32 s2, s4;
	[dreg:$0x0] =	wrdreg $0x0  }
0xa8: {  	s4 =	sshll.u32 s28, $0x1;
	[dreg:$0x2] =	wrdreg s2  }
0xa9: {  	[dreg:$0x3] =	wrdreg s4  }
0xaa: {  	[dreg:$0x4] =	wrdreg $0xC0  }
0xab: {  	_ =	task [dreg:s6], $0x5FFFF  }
0xac: {  	[dreg:$0x1] =	wrdreg $0xFFFFFFFF  }
0xad: {  	[dreg:$0x0] =	wrdreg $0x60  }
0xae: {  	[dreg:$0x2] =	wrdreg s24  }
0xaf: {  	[dreg:$0x3] =	wrdreg $0xCF000  }
0xb0: {  	[dreg:$0x4] =	wrdreg $0x9  }
0xb1: {  	_ =	task.clear_ibuf [dreg:s6], $0x5FFFF;
	_ =	strace $0x90000049  }
0xb2: {  	s29 =	simm.s32 $0x9;
	_ =	strace $0x8000004B  }
0xb3: {  	_ =	swait.ge [sflag:s29], $0x1  }
0xb4: {  	[sflag:s29] =	ssyncadd.s32 $0xFFFFFFFF  }
0xb5: {  	_ =	strace $0x9000004B  }
0xb6: {  	_ =	sfence  }
0xb7: {  	s30 =	sld [smem:$0x0];
	_ =	sdelay $0x2  }
0xb8: {  	s31 =	sshll.u32 s1, $0xD;
	s1 =	sshrl.u32 s1, $0x2  }
0xb9: {  	s3 =	sand.u32 $0x4000, s31;
	s1 =	sadd.s32 s1, s30  }
0xba: {  	s0 =	sor.u32 s3, s0;
	s1 =	sshll.u32 s1, $0x11  }
0xbb: {  	s0 =	sor.u32 s1, s0  }
0xbc: {  	s0 =	sadd.s32 $0x8F2B, s0  }
0xbd: {  	[sflag:s0] =	ssyncadd.remote.s32 $0x1  }
0xbe: {  	_ =	sfence.sel $0xFFFF  }
0xbf: {  	[dreg:$0x0] =	wrdreg $0xFFFFFFFF;
	(pc) =	sbr.abs _section_cstart, $3  }
0xc0: {  	[dreg:$0x1] =	wrdreg $0xFFFFFFFF  }
0xc1: {  	_ =	task.clear_ibuf [dreg:s6], $0x2FFFF;
	_ =	strace $0x9FFFFFFF  }
0xc2: {  	(tm) =	ssettm $0x7FFFFFFF  }
0xc3: {  	_ =	shalt  }
tec
execute0_lowered:
.L_overlay_start_1:
0x0: {  	(tag) =	ssettag $0x1  }
0x1: {  	s0 =	srdreg.scid;
	s5 =	rddreg [dreg:$0x0]  }
0x2: {  	s12 =	stileid.u32;
	s2 =	rddreg [dreg:$0x1];
	s3 =	simm.s32 $0x0  }
0x3: {  	s13 =	simm.s32 $0x2780;
	s14 =	simm.s32 $0x80;
	s15 =	simm.s32 $0x4F00  }
0x4: {  	s16 =	simm.s32 $0x6F00;
	s18 =	simm.s32 $0x8F00;
	s20 =	simm.s32 $0xAF00  }
0x5: {  	s21 =	simm.s32 $0x1;
	s23 =	simm.s32 $0x2;
	s24 =	simm.s32 $0x200  }
0x6: {  	s25 =	simm.s32 $0x280;
	s28 =	simm.s32 $0x2900;
	s29 =	simm.s32 $0x2700  }
0x7: {  	s30 =	simm.s32 $0x4D80;
	s31 =	simm.s32 $0x4E00;
	s0 =	sand.u32 $0x1, s0  }
0x8: {  	s6 =	smul.u32 $0xA000, s12;
	[smem:$0x7FF] =	sst s3;
	s4 =	sadd.s32 $0x8FA00, s5  }
0x9: {  	s26 =	sshll.u32 s12, $0x6;
	s1 =	sshll.u32 s0, $0x4;
	s7 =	smul.u32 $0xA0000, s0  }
0xa: {  	_ =	strace $0x8000004A;
	s0 =	ssub.s32 $0x2, s0;
	s1 =	sor.u32 s12, s1  }
0xb: {  	s8 =	sshrl.u32 s6, $0x3;
	s9 =	sshrl.u32 s0, $0x1;
	s11 =	sadd.s32 s6, s2  }
0xc: {  	s12 =	simm.s32 $0x3;
	s1 =	smul.u32 $0x4F0, s1;
	s7 =	sadd.s32 s6, s7  }
0xd: {  	s8 =	sadd.s32 s8, s5;
	s0 =	ssub.s32 s0, s9;
	s6 =	sor.u32 $0x1C03, s26  }
0xe: {  	s11 =	sshrl.u32 s11, $0x3;
	s26 =	simm.s32 $0x2880;
	s7 =	sshrl.u32 s7, $0x3  }
0xf: {  	s1 =	sadd.s32 s1, s5;
	s10 =	sadd.s32 s7, s5;
	s5 =	sadd.s32 $0xA3A00, s8  }
0x10: {  	s7 =	sadd.s32 $0x3E00, s1;
	s8 =	sadd.s32 $0xDC00, s1;
	s9 =	sadd.s32 $0xB7A00, s10  }
0x11: {  	s10 =	smax.u32 s0, $0x1;
	s1 =	simm.s32 $0x4E80;
	s0 =	simm.s32 $0x0  }
.LBB2_1:
0x12: {  	[spmem:s11], [sflag:s6] =	dma.local [hbm:s5], $0x1400  }
0x13: {  	_ =	swait.ge [sflag:s12], $0x1400  }
0x14: {  	[sflag:s12] =	ssyncset.done $0x0  }
0x15: {  	[sflag:s12] =	ssyncadd.s32 $0xFFFFEC00  }
0x16: {  	[tilespmem:s3], [sflag:$0x3] =	stream.linear.gather [hbm4b:s7+s3], $0x2780, $0x38;
	[tilespmem:$0x16F00] =	vst v63  }
0x17: {  	_ =	swait.ge [sflag:s12], $0x2780  }
0x18: {  	[sflag:s12] =	ssyncset.done $0x0  }
0x19: {  	[sflag:s12] =	ssyncadd.s32 $0xFFFFD880  }
0x1a: {  	[tilespmem:s13], [sflag:$0x3] =	stream.linear.gather [hbm4b:s8+s3], $0x2780, $0x38;
	[tilespmem:$0x16F00] =	vst v63  }
0x1b: {  	_ =	swait.ge [sflag:s12], $0x2780  }
0x1c: {  	[sflag:s12] =	ssyncset.done $0x0  }
0x1d: {  	[sflag:s12] =	ssyncadd.s32 $0xFFFFD880  }
0x1e: {  	[bflag:$0x0] =	sbarrier.arrive $0xFFFF  }
0x1f: {  	[tilespmem:s15], [sflag:$0x1] =	stream.indirect.gather [hbm4b:s4+s14], $0x40, s3, s14, $0xb8;
	[tilespmem:$0x16F00] =	vst v63  }
0x20: {  	_ = 	snop  }
0x21: {  	[tilespmem:s16], [sflag:$0x1] =	stream.indirect.gather [hbm4b:s4+s14], $0x40, s14, s14, $0xb8;
	[tilespmem:$0x16F00] =	vst v63  }
0x22: {  	s17 =	simm.s32 $0x100  }
0x23: {  	[tilespmem:s18], [sflag:$0x1] =	stream.indirect.gather [hbm4b:s4+s14], $0x40, s17, s14, $0xb8;
	[tilespmem:$0x16F00] =	vst v63  }
0x24: {  	s22 =	simm.s32 $0x180  }
0x25: {  	[tilespmem:s20], [sflag:$0x1] =	stream.indirect.gather [hbm4b:s4+s14], $0x40, s22, s14, $0xb8;
	[tilespmem:$0x16F00] =	vst v63  }
0x26: {  	_ =	swait.ge [sflag:s21], $0x2000  }
0x27: {  	[sflag:s21] =	ssyncset.done $0x0  }
0x28: {  	[sflag:s21] =	ssyncadd.s32 $0xFFFFE000  }
0x29: {  	[spmem:s2] =	stream.indirect.scatter.add.f32 [tilespmem:s15], [sflag:$0x2], $0x40, s13, s14, $0xb8;
	[tilespmem:$0x16F00] =	vst v63  }
0x2a: {  	_ =	swait.ge [sflag:s21], $0x2000  }
0x2b: {  	[sflag:s21] =	ssyncset.done $0x0  }
0x2c: {  	s19 =	simm.s32 $0x2800;
	[sflag:s21] =	ssyncadd.s32 $0xFFFFE000  }
0x2d: {  	[spmem:s2] =	stream.indirect.scatter.add.f32 [tilespmem:s16], [sflag:$0x2], $0x40, s19, s14, $0xb8;
	[tilespmem:$0x16F00] =	vst v63  }
0x2e: {  	_ =	swait.ge [sflag:s23], $0x2000  }
0x2f: {  	[sflag:s23] =	ssyncset.done $0x0  }
0x30: {  	[sflag:s23] =	ssyncadd.s32 $0xFFFFE000  }
0x31: {  	_ =	swait.ge [sflag:s23], $0x2000  }
0x32: {  	[sflag:s23] =	ssyncset.done $0x0  }
0x33: {  	[sflag:s23] =	ssyncadd.s32 $0xFFFFE000  }
0x34: {  	[tilespmem:s15], [sflag:$0x1] =	stream.indirect.gather [hbm4b:s4+s14], $0x40, s24, s14, $0xb8;
	[tilespmem:$0x16F00] =	vst v63  }
0x35: {  	_ = 	snop  }
0x36: {  	[tilespmem:s16], [sflag:$0x1] =	stream.indirect.gather [hbm4b:s4+s14], $0x40, s25, s14, $0xb8;
	[tilespmem:$0x16F00] =	vst v63  }
0x37: {  	_ =	swait.ge [sflag:s21], $0x2000  }
0x38: {  	[sflag:s21] =	ssyncset.done $0x0  }
0x39: {  	[sflag:s21] =	ssyncadd.s32 $0xFFFFE000  }
0x3a: {  	[spmem:s2] =	stream.indirect.scatter.add.f32 [tilespmem:s18], [sflag:$0x2], $0x40, s26, s14, $0xb8;
	[tilespmem:$0x16F00] =	vst v63  }
0x3b: {  	_ =	swait.ge [sflag:s21], $0x2000  }
0x3c: {  	[sflag:s21] =	ssyncset.done $0x0  }
0x3d: {  	[sflag:s21] =	ssyncadd.s32 $0xFFFFE000  }
0x3e: {  	[spmem:s2] =	stream.indirect.scatter.add.f32 [tilespmem:s20], [sflag:$0x2], $0x40, s28, s14, $0xb8;
	[tilespmem:$0x16F00] =	vst v63  }
0x3f: {  	_ =	swait.ge [sflag:s23], $0x2000  }
0x40: {  	[sflag:s23] =	ssyncset.done $0x0  }
0x41: {  	[sflag:s23] =	ssyncadd.s32 $0xFFFFE000  }
0x42: {  	_ =	swait.ge [sflag:s23], $0x2000  }
0x43: {  	[sflag:s23] =	ssyncset.done $0x0  }
0x44: {  	s22 =	simm.s32 $0x300;
	[sflag:s23] =	ssyncadd.s32 $0xFFFFE000  }
0x45: {  	[tilespmem:s18], [sflag:$0x1] =	stream.indirect.gather [hbm4b:s4+s14], $0x40, s22, s14, $0xb8;
	[tilespmem:$0x16F00] =	vst v63  }
0x46: {  	s19 =	simm.s32 $0x380  }
0x47: {  	[tilespmem:s20], [sflag:$0x1] =	stream.indirect.gather [hbm4b:s4+s14], $0x40, s19, s14, $0xb8;
	[tilespmem:$0x16F00] =	vst v63  }
0x48: {  	_ =	swait.ge [sflag:s21], $0x2000  }
0x49: {  	[sflag:s21] =	ssyncset.done $0x0  }
0x4a: {  	s22 =	simm.s32 $0x2980;
	[sflag:s21] =	ssyncadd.s32 $0xFFFFE000  }
0x4b: {  	[spmem:s2] =	stream.indirect.scatter.add.f32 [tilespmem:s15], [sflag:$0x2], $0x40, s22, s14, $0xb8;
	[tilespmem:$0x16F00] =	vst v63  }
0x4c: {  	_ =	swait.ge [sflag:s21], $0x2000  }
0x4d: {  	[sflag:s21] =	ssyncset.done $0x0  }
0x4e: {  	s19 =	simm.s32 $0x2A00;
	[sflag:s21] =	ssyncadd.s32 $0xFFFFE000  }
0x4f: {  	[spmem:s2] =	stream.indirect.scatter.add.f32 [tilespmem:s16], [sflag:$0x2], $0x40, s19, s14, $0xb8;
	[tilespmem:$0x16F00] =	vst v63  }
0x50: {  	_ =	swait.ge [sflag:s23], $0x2000  }
0x51: {  	[sflag:s23] =	ssyncset.done $0x0  }
0x52: {  	[sflag:s23] =	ssyncadd.s32 $0xFFFFE000  }
0x53: {  	_ =	swait.ge [sflag:s23], $0x2000  }
0x54: {  	[sflag:s23] =	ssyncset.done $0x0  }
0x55: {  	s22 =	simm.s32 $0x400;
	[sflag:s23] =	ssyncadd.s32 $0xFFFFE000  }
0x56: {  	[tilespmem:s15], [sflag:$0x1] =	stream.indirect.gather [hbm4b:s4+s14], $0x40, s22, s14, $0xb8;
	[tilespmem:$0x16F00] =	vst v63  }
0x57: {  	s19 =	simm.s32 $0x480  }
0x58: {  	[tilespmem:s16], [sflag:$0x1] =	stream.indirect.gather [hbm4b:s4+s14], $0x40, s19, s14, $0xb8;
	[tilespmem:$0x16F00] =	vst v63  }
0x59: {  	_ =	swait.ge [sflag:s21], $0x2000  }
0x5a: {  	[sflag:s21] =	ssyncset.done $0x0  }
0x5b: {  	s22 =	simm.s32 $0x2A80;
	[sflag:s21] =	ssyncadd.s32 $0xFFFFE000  }
0x5c: {  	[spmem:s2] =	stream.indirect.scatter.add.f32 [tilespmem:s18], [sflag:$0x2], $0x40, s22, s14, $0xb8;
	[tilespmem:$0x16F00] =	vst v63  }
0x5d: {  	_ =	swait.ge [sflag:s21], $0x2000  }
0x5e: {  	[sflag:s21] =	ssyncset.done $0x0  }
0x5f: {  	s17 =	simm.s32 $0x800;
	s19 =	simm.s32 $0x2B00;
	[sflag:s21] =	ssyncadd.s32 $0xFFFFE000  }
.LBB2_2:
0x60: {  	[spmem:s2] =	stream.indirect.scatter.add.f32 [tilespmem:s20], [sflag:$0x2], $0x40, s19, s14, $0xb8;
	[tilespmem:$0x16F00] =	vst v63  }
0x61: {  	s19 =	smov.u32 s17  }
0x62: {  	p0 =	sne.s32 s17, $0x8800;
	s17 =	sadd.s32 $0x800, s17;
	_ =	swait.ge [sflag:s23], $0x2000  }
0x63: {  	[sflag:s23] =	ssyncset.done $0x0  }
0x64: {  	[sflag:s23] =	ssyncadd.s32 $0xFFFFE000  }
0x65: {  	_ =	swait.ge [sflag:s23], $0x2000  }
0x66: {  	s19 =	sshra.s32 s19, $0x2;
	[sflag:s23] =	ssyncset.done $0x0  }
0x67: {  	s22 =	sadd.s32 $0x300, s19;
	[sflag:s23] =	ssyncadd.s32 $0xFFFFE000  }
0x68: {  	[tilespmem:s18], [sflag:$0x1] =	stream.indirect.gather [hbm4b:s4+s14], $0x40, s22, s14, $0xb8;
	[tilespmem:$0x16F00] =	vst v63  }
0x69: {  	s22 =	sadd.s32 $0x380, s19  }
0x6a: {  	[tilespmem:s20], [sflag:$0x1] =	stream.indirect.gather [hbm4b:s4+s14], $0x40, s22, s14, $0xb8;
	[tilespmem:$0x16F00] =	vst v63  }
0x6b: {  	_ =	swait.ge [sflag:s21], $0x2000  }
0x6c: {  	[sflag:s21] =	ssyncset.done $0x0  }
0x6d: {  	s22 =	sadd.s32 $0x2980, s19;
	[sflag:s21] =	ssyncadd.s32 $0xFFFFE000  }
0x6e: {  	[spmem:s2] =	stream.indirect.scatter.add.f32 [tilespmem:s15], [sflag:$0x2], $0x40, s22, s14, $0xb8;
	[tilespmem:$0x16F00] =	vst v63  }
0x6f: {  	_ =	swait.ge [sflag:s21], $0x2000  }
0x70: {  	[sflag:s21] =	ssyncset.done $0x0  }
0x71: {  	s22 =	sadd.s32 $0x2A00, s19;
	[sflag:s21] =	ssyncadd.s32 $0xFFFFE000  }
0x72: {  	[spmem:s2] =	stream.indirect.scatter.add.f32 [tilespmem:s16], [sflag:$0x2], $0x40, s22, s14, $0xb8;
	[tilespmem:$0x16F00] =	vst v63  }
0x73: {  	_ =	swait.ge [sflag:s23], $0x2000  }
0x74: {  	[sflag:s23] =	ssyncset.done $0x0  }
0x75: {  	[sflag:s23] =	ssyncadd.s32 $0xFFFFE000  }
0x76: {  	_ =	swait.ge [sflag:s23], $0x2000  }
0x77: {  	[sflag:s23] =	ssyncset.done $0x0  }
0x78: {  	s22 =	sadd.s32 $0x400, s19;
	[sflag:s23] =	ssyncadd.s32 $0xFFFFE000  }
0x79: {  	[tilespmem:s15], [sflag:$0x1] =	stream.indirect.gather [hbm4b:s4+s14], $0x40, s22, s14, $0xb8;
	[tilespmem:$0x16F00] =	vst v63  }
0x7a: {  	s22 =	sadd.s32 $0x480, s19  }
0x7b: {  	[tilespmem:s16], [sflag:$0x1] =	stream.indirect.gather [hbm4b:s4+s14], $0x40, s22, s14, $0xb8;
	[tilespmem:$0x16F00] =	vst v63  }
0x7c: {  	_ =	swait.ge [sflag:s21], $0x2000  }
0x7d: {  	[sflag:s21] =	ssyncset.done $0x0  }
.Ltmp0:
0x7e: {  	s22 =	sadd.s32 $0x2A80, s19;
	[sflag:s21] =	ssyncadd.s32 $0xFFFFE000;
	(pc) =	sbr.rel @p0 .LBB2_2-.Ltmp0, $4  }
0x7f: {  	[spmem:s2] =	stream.indirect.scatter.add.f32 [tilespmem:s18], [sflag:$0x2], $0x40, s22, s14, $0xb8;
	[tilespmem:$0x16F00] =	vst v63  }
0x80: {  	_ =	swait.ge [sflag:s21], $0x2000  }
0x81: {  	[sflag:s21] =	ssyncset.done $0x0  }
0x82: {  	s19 =	sadd.s32 $0x2B00, s19;
	[sflag:s21] =	ssyncadd.s32 $0xFFFFE000  }
0x83: {  	[spmem:s2] =	stream.indirect.scatter.add.f32 [tilespmem:s20], [sflag:$0x2], $0x40, s19, s14, $0xb8;
	[tilespmem:$0x16F00] =	vst v63  }
0x84: {  	_ =	swait.ge [sflag:s23], $0x2000  }
0x85: {  	[sflag:s23] =	ssyncset.done $0x0  }
0x86: {  	[sflag:s23] =	ssyncadd.s32 $0xFFFFE000  }
0x87: {  	_ =	swait.ge [sflag:s23], $0x2000  }
0x88: {  	[sflag:s23] =	ssyncset.done $0x0  }
0x89: {  	[sflag:s23] =	ssyncadd.s32 $0xFFFFE000  }
0x8a: {  	[tilespmem:s18], [sflag:$0x1] =	stream.indirect.gather [hbm4b:s4+s14], $0x40, s29, s14, $0xb8;
	[tilespmem:$0x16F00] =	vst v63  }
0x8b: {  	_ =	swait.ge [sflag:s21], $0x2000  }
0x8c: {  	[sflag:s21] =	ssyncset.done $0x0  }
0x8d: {  	[sflag:s21] =	ssyncadd.s32 $0xFFFFE000  }
0x8e: {  	[spmem:s2] =	stream.indirect.scatter.add.f32 [tilespmem:s15], [sflag:$0x2], $0x40, s30, s14, $0xb8;
	[tilespmem:$0x16F00] =	vst v63  }
0x8f: {  	_ =	swait.ge [sflag:s21], $0x2000  }
0x90: {  	[sflag:s21] =	ssyncset.done $0x0  }
0x91: {  	[sflag:s21] =	ssyncadd.s32 $0xFFFFE000  }
0x92: {  	[spmem:s2] =	stream.indirect.scatter.add.f32 [tilespmem:s16], [sflag:$0x2], $0x40, s31, s14, $0xb8;
	[tilespmem:$0x16F00] =	vst v63  }
0x93: {  	_ =	swait.ge [sflag:s23], $0x2000  }
0x94: {  	[sflag:s23] =	ssyncset.done $0x0  }
0x95: {  	[sflag:s23] =	ssyncadd.s32 $0xFFFFE000  }
0x96: {  	_ =	swait.ge [sflag:s23], $0x2000  }
0x97: {  	[sflag:s23] =	ssyncset.done $0x0  }
0x98: {  	[sflag:s23] =	ssyncadd.s32 $0xFFFFE000  }
0x99: {  	_ =	swait.ge [sflag:s21], $0x2000  }
0x9a: {  	[sflag:s21] =	ssyncset.done $0x0  }
0x9b: {  	[sflag:s21] =	ssyncadd.s32 $0xFFFFE000  }
0x9c: {  	[spmem:s2] =	stream.indirect.scatter.add.f32 [tilespmem:s18], [sflag:$0x2], $0x40, s1, s14, $0xb8;
	[tilespmem:$0x16F00] =	vst v63  }
0x9d: {  	_ =	swait.ge [sflag:s23], $0x2000  }
0x9e: {  	s0 =	sadd.s32 $0x1, s0;
	[sflag:s23] =	ssyncset.done $0x0  }
0x9f: {  	p0 =	sne.s32 s0, s10;
	[sflag:s23] =	ssyncadd.s32 $0xFFFFE000  }
.Ltmp1:
0xa0: {  	[bflag:$0x0] =	sbarrier.arrive $0xFFFF;
	(pc) =	sbr.rel @p0 .LBB2_1-.Ltmp1, $4  }
0xa1: {  	[hbm:s9], [sflag:s6] =	dma.local [spmem:s11], $0x1400  }
0xa2: {  	_ =	swait.ge [sflag:s12], $0x1400  }
0xa3: {  	[sflag:s12] =	ssyncset.done $0x0  }
0xa4: {  	[sflag:s12] =	ssyncadd.s32 $0xFFFFEC00  }
0xa5: {  	_ =	sfence.sel $0x180000  }
0xa6: {  	[bflag:$0x0] =	sbarrier.arrive $0xFFFF  }
0xa7: {  	_ =	strace $0x9000004A  }
0xa8: {  	s0 =	stileid.u32;
	[bflag:$0x2] =	sbarrier.arrive $0xFFFF  }
0xa9: {  	p0 =	sne.s32 s0, $0x0;
	s0 =	rddreg [dreg:$0x2]  }
0xaa: {  	s0 =	sadd.s32 @!p0 $0x100000, s0  }
0xab: {  	[sflag:s0] =	ssyncadd.tile.s32 @!p0 $0x1;
	_ =	shalt  }
.Lfunc_end2:
_tile_overlayer_lowered:
.L_overlay_start_2:
0xac: {  	(tag) =	ssettag $0x2  }
0xad: {  	s0 =	rddreg [dreg:$0x0];
	s2 =	stileid.u32  }
0xae: {  	s1 =	rddreg [dreg:$0x1];
	p0 =	sne.s32 s2, $0x0  }
0xaf: {  	s3 =	rddreg [dreg:$0x2];
	[bflag:$0x3] =	sbarrier.arrive $0xFFFF;
	s2 =	simm.s32 @!p0 $0x1C03  }
0xb0: {  	[timem:s3], [sflag:s2] =	dma.local @!p0 [hbm:s0], s1  }
0xb1: {  	s0 =	simm.s32 @!p0 $0x3  }
0xb2: {  	_ =	swait.ge @!p0 [sflag:s0], s1  }
0xb3: {  	s1 =	ssub.s32 @!p0 $0x0, s1;
	[sflag:s0] =	ssyncset.done @!p0 $0x0  }
0xb4: {  	[sflag:s0] =	ssyncadd.s32 @!p0 s1  }
0xb5: {  	[bflag:$0x3] =	sbarrier.arrive $0xFFFF  }
0xb6: {  	_ =	shalt  }

// kernel: kernel.16.cloned.1.call-start
scs
__scs_entry_jumppad:
0x0: {  	(pc) =	sbr.rel $0x88, $3  }
0x1: {  	(tag) =	ssettag $0x0;
	lr =	simm.s32 $0x1  }
0x2: {  	[smem:$0x3F8F] =	sst lr;
	_ =	strace $0xD0000000  }
0x3: {  	_ = 	snop  }
0x4: {  	_ = 	snop  }
0x5: {  	_ = 	snop  }
0x6: {  	_ = 	snop  }
0x7: {  	_ = 	snop  }
__scs_overlays_trampoline_lowered:
0x8: {  	[smem:$0x3F9E] =	sst s0  }
0x9: {  	[smem:$0x3F9F] =	sst s1  }
0xa: {  	[smem:$0x3FA0] =	sst s2  }
0xb: {  	[smem:$0x3FA1] =	sst s3  }
0xc: {  	[smem:$0x3FA2] =	sst s4  }
0xd: {  	[smem:$0x3FA3] =	sst s5  }
0xe: {  	[smem:$0x3FA4] =	sst s6  }
0xf: {  	[smem:$0x3FA5] =	sst s7  }
0x10: {  	[smem:$0x3FA6] =	sst s8  }
0x11: {  	[smem:$0x3FA7] =	sst s9;
	s0 =	simm.s32 @!p0 $0x0  }
0x12: {  	s1 =	sld [smem:$0x3F8D];
	s0 =	simm.s32 @p0 $0x1  }
0x13: {  	[smem:$0x3FA8] =	sst s0;
	s0 =	simm.s32 @!p1 $0x0  }
0x14: {  	s2 =	sld [smem:$0x3F8C];
	s0 =	simm.s32 @p1 $0x1  }
0x15: {  	[smem:$0x3FA9] =	sst s0;
	s0 =	simm.s32 @!p2 $0x0  }
0x16: {  	s3 =	sld [smem:$0x3FDB];
	s0 =	simm.s32 @p2 $0x1  }
0x17: {  	s4 =	simm.s32 $0x1BF5;
	[smem:$0x3FAB] =	sst s0  }
0x18: {  	s0 =	sld [smem:$0x3F8E];
	_ =	swait.ge [sflag:s4], $0x0  }
0x19: {  	s7 =	sld [smem:$0x3F8F]  }
0x1a: {  	s8 =	sadd.s32 $0xFFFFE003, lr  }
0x1b: {  	s9 =	sadd.s32 $0xFFFFFEF7, lr;
	s5 =	simm.s32 $0xFFFFFFFF;
	p2 =	slt.u32 s8, $0xFFFFF086  }
0x1c: {  	p1 =	slt.u32 s9, $0xF7A;
	s5 =	simm.s32 @!p2 $0x0  }
0x1d: {  	s5 =	simm.s32 @p1 $0x1;
	p0 =	seq.s32 s7, s2  }
0x1e: {  	s7 =	smul.u32 @!p0 $0xF7A, s2;
	p2 =	seq.s32 @!p0 s5, $0x0  }
0x1f: {  	s9 =	smul.u32 $0xF7A, s1;
	s8 =	simm.s32 @!p0 $0x1BF5;
	p2 =	por !p2, p0  }
0x20: {  	[sflag:s8] =	ssyncset.s32 @!p0 $0xFFFFF086;
	s6 =	sadd.s32 @!p0 s3, s7;
	s7 =	simm.s32 @!p0 $0x108  }
0x21: {  	s3 =	sadd.s32 s3, s9;
	s6 =	sadd.s32 @!p0 $0x88, s6;
	s7 =	simm.s32 @p2 $0x1082  }
0x22: {  	[simem:s7], [sflag:s8] =	dma.local @!p0 [hbm:s6], $0xF7A  }
0x23: {  	s9 =	sor.u32 $0xD0000000, s2;
	s6 =	simm.s32 $0x108;
	_ =	swait.ge @!p0 [sflag:s8], $0x0  }
0x24: {  	s3 =	sadd.s32 $0x88, s3;
	s6 =	simm.s32 @!p1 $0x1082;
	[sflag:s4] =	ssyncset.s32 $0xFFFFF086  }
0x25: {  	[simem:s6], [sflag:s4] =	dma.local [hbm:s3], $0xF7A  }
0x26: {  	[smem:$0x3F8F] =	sst s1;
	(tag) =	ssettag s2;
	_ =	strace s9  }
0x27: {  	s1 =	sld [smem:$0x3F9F]  }
0x28: {  	s2 =	sld [smem:$0x3FA0]  }
0x29: {  	s4 =	sld [smem:$0x3FA2]  }
0x2a: {  	p0 =	seq.s32 s5, $0x0;
	s5 =	sld [smem:$0x3FA3]  }
0x2b: {  	s6 =	sld [smem:$0x3FA4]  }
0x2c: {  	s7 =	sld [smem:$0x3FA5]  }
0x2d: {  	s3 =	simm.s32 $0x108;
	s8 =	sld [smem:$0x3FA6]  }
0x2e: {  	s3 =	simm.s32 @!p0 $0x1082;
	s9 =	sld [smem:$0x3FA7]  }
0x2f: {  	lr =	sadd.s32 s0, s3;
	s0 =	sld [smem:$0x3F9E]  }
0x30: {  	s3 =	sld [smem:$0x3FA1]  }
0x31: {  	[smem:$0x3FAA] =	sst s10  }
0x32: {  	s10 =	sld [smem:$0x3FA8];
	_ =	sdelay $0x3  }
0x33: {  	p0 =	seq.s32 s10, $0x1;
	s10 =	sld [smem:$0x3FAA];
	_ =	sdelay $0x3  }
0x34: {  	[smem:$0x3FAA] =	sst s10  }
0x35: {  	s10 =	sld [smem:$0x3FA9];
	_ =	sdelay $0x3  }
0x36: {  	p1 =	seq.s32 s10, $0x1;
	s10 =	sld [smem:$0x3FAA];
	_ =	sdelay $0x3  }
0x37: {  	[smem:$0x3FAA] =	sst s10  }
0x38: {  	s10 =	sld [smem:$0x3FAB]  }
0x39: {  	_ = 	snop;
	(pc) =	sbr.ind lr, $3  }
0x3a: {  	_ = 	snop  }
0x3b: {  	_ = 	snop  }
0x3c: {  	p2 =	seq.s32 s10, $0x1;
	s10 =	sld [smem:$0x3FAA]  }
0x3d: {  	_ =	shalt  }
0x3e: {  	_ =	shalt  }
0x3f: {  	_ =	shalt  }
0x40: {  	_ =	shalt  }
0x41: {  	_ =	shalt  }
0x42: {  	_ =	shalt  }
0x43: {  	_ =	shalt  }
0x44: {  	_ =	shalt  }
0x45: {  	_ =	shalt  }
0x46: {  	_ =	shalt  }
0x47: {  	_ =	shalt  }
0x48: {  	_ =	shalt  }
0x49: {  	_ =	shalt  }
0x4a: {  	_ =	shalt  }
0x4b: {  	_ =	shalt  }
0x4c: {  	_ =	shalt  }
0x4d: {  	_ =	shalt  }
0x4e: {  	_ =	shalt  }
0x4f: {  	_ =	shalt  }
0x50: {  	_ =	shalt  }
0x51: {  	_ =	shalt  }
0x52: {  	_ =	shalt  }
0x53: {  	_ =	shalt  }
0x54: {  	_ =	shalt  }
0x55: {  	_ =	shalt  }
0x56: {  	_ =	shalt  }
0x57: {  	_ =	shalt  }
0x58: {  	_ =	shalt  }
0x59: {  	_ =	shalt  }
0x5a: {  	_ =	shalt  }
0x5b: {  	_ =	shalt  }
0x5c: {  	_ =	shalt  }
0x5d: {  	_ =	shalt  }
0x5e: {  	_ =	shalt  }
0x5f: {  	_ =	shalt  }
0x60: {  	_ =	shalt  }
0x61: {  	_ =	shalt  }
0x62: {  	_ =	shalt  }
0x63: {  	_ =	shalt  }
0x64: {  	_ =	shalt  }
0x65: {  	_ =	shalt  }
0x66: {  	_ =	shalt  }
0x67: {  	_ =	shalt  }
0x68: {  	_ =	shalt  }
0x69: {  	_ =	shalt  }
0x6a: {  	_ =	shalt  }
0x6b: {  	_ =	shalt  }
0x6c: {  	_ =	shalt  }
0x6d: {  	_ =	shalt  }
0x6e: {  	_ =	shalt  }
0x6f: {  	_ =	shalt  }
0x70: {  	_ =	shalt  }
0x71: {  	_ =	shalt  }
0x72: {  	_ =	shalt  }
0x73: {  	_ =	shalt  }
0x74: {  	_ =	shalt  }
0x75: {  	_ =	shalt  }
0x76: {  	_ =	shalt  }
0x77: {  	_ =	shalt  }
0x78: {  	_ =	shalt  }
0x79: {  	_ =	shalt  }
0x7a: {  	_ =	shalt  }
0x7b: {  	_ =	shalt  }
0x7c: {  	_ =	shalt  }
0x7d: {  	_ =	shalt  }
0x7e: {  	_ =	shalt  }
0x7f: {  	_ =	shalt  }
0x80: {  	_ =	shalt  }
0x81: {  	_ =	shalt  }
0x82: {  	_ =	shalt  }
0x83: {  	_ =	shalt  }
0x84: {  	_ =	shalt  }
0x85: {  	_ =	shalt  }
0x86: {  	_ =	shalt  }
0x87: {  	_ =	shalt  }
.Lfunc_end0:
.L_simem_size_0:
called_computation.2_lowered:
.L_overlay_start_0:
0x88: {  	s2 =	sld [smem:$0x3FD9]  }
0x89: {  	s3 =	sld [smem:$0x3FFE];
	_ =	sdelay $0x1  }
0x8a: {  	s1 =	srdreg.scid  }
0x8b: {  	s0 =	sand.u32 $0x1, s1  }
0x8c: {  	s16 =	sshll.u32 s0, $0xA;
	s2 =	sadd.s32 s3, s2  }
0x8d: {  	s2 =	sadd.s32 s2, s16  }
0x8e: {  	[smem:$0x3FB6] =	sst s2  }
0x8f: {  	_ = 	snop  }
0x90: {  	(tm) =	ssettm $0x1  }
0x91: {  	s17 =	sld [smem:$0x3FFB];
	_ =	sdelay $0x3  }
0x92: {  	_ =	strace s17  }
0x93: {  	s2 =	sld [smem:$0x3FFC];
	_ =	sdelay $0x3  }
0x94: {  	_ =	strace s2  }
0x95: {  	s2 =	sld [smem:$0x3FFD];
	_ =	sdelay $0x3  }
0x96: {  	_ =	strace s2  }
0x97: {  	_ =	strace $0x8FFFFFFF  }
0x98: {  	s18 =	sld [smem:$0x3FDB];
	_ =	sdelay $0x1  }
0x99: {  	s19 =	simm.s32 $_scs_section_size  }
0x9a: {  	s4 =	simm.s32 $_size__tile_overlayer_lowered;
	s5 =	simm.s32 $_tile_overlayer_lowered  }
0x9b: {  	s22 =	simm.s32 $0x1BFF;
	s21 =	sshll.u32 s5, $0x1;
	s2 =	sadd.s32 s19, s18  }
0x9c: {  	s6 =	simm.s32 $0x0;
	s20 =	sshll.u32 s4, $0x1;
	s4 =	sadd.s32 s21, s2  }
0x9d: {  	[timem:s6], [sflag:s22] =	dma.local [hbm:s4], s20  }
0x9e: {  	_ =	swait.ge [sflag:s22], s20  }
0x9f: {  	s3 =	ssub.s32 $0x0, s20;
	[sflag:s22] =	ssyncset.done $0x0  }
0xa0: {  	[sflag:s22] =	ssyncadd.s32 s3;
	_ =	sdelay $0x1  }
0xa1: {  	s23 =	simm.s32 $0x1B8B  }
0xa2: {  	_ =	swait.ge [sflag:s23], $0x1  }
0xa3: {  	[sflag:s23] =	ssyncset.done $0x0  }
0xa4: {  	s25 =	simm.s32 $0x1B8E;
	s24 =	sld [smem:$0x3FFE];
	[sflag:s23] =	ssyncadd.s32 $0xFFFFFFFF  }
0xa5: {  	s26 =	simm.s32 $execute0_lowered;
	[smem:$0x3FD2] =	sst s25  }
0xa6: {  	s4 =	sshll.u32 s26, $0x1;
	_ =	strace $0x8000004C;
	[dreg:$0x1] =	wrdreg $0xFFFFFFFF  }
0xa7: {  	s28 =	simm.s32 $_size_execute0_lowered;
	s2 =	sadd.s32 s2, s4;
	[dreg:$0x0] =	wrdreg $0x0  }
0xa8: {  	s4 =	sshll.u32 s28, $0x1;
	[dreg:$0x2] =	wrdreg s2  }
0xa9: {  	[dreg:$0x3] =	wrdreg s4  }
0xaa: {  	[dreg:$0x4] =	wrdreg $0xC0  }
0xab: {  	_ =	task [dreg:s6], $0x5FFFF  }
0xac: {  	[dreg:$0x1] =	wrdreg $0xFFFFFFFF  }
0xad: {  	[dreg:$0x0] =	wrdreg $0x60  }
0xae: {  	[dreg:$0x2] =	wrdreg s24  }
0xaf: {  	[dreg:$0x3] =	wrdreg $0xCF000  }
0xb0: {  	[dreg:$0x4] =	wrdreg $0x9  }
0xb1: {  	_ =	task.clear_ibuf [dreg:s6], $0x5FFFF;
	_ =	strace $0x9000004C  }
0xb2: {  	s29 =	simm.s32 $0x9;
	_ =	strace $0x8000004E  }
0xb3: {  	_ =	swait.ge [sflag:s29], $0x1  }
0xb4: {  	[sflag:s29] =	ssyncadd.s32 $0xFFFFFFFF  }
0xb5: {  	_ =	strace $0x9000004E  }
0xb6: {  	_ =	sfence  }
0xb7: {  	s30 =	sld [smem:$0x0];
	_ =	sdelay $0x2  }
0xb8: {  	s31 =	sshll.u32 s1, $0xD;
	s1 =	sshrl.u32 s1, $0x2  }
0xb9: {  	s3 =	sand.u32 $0x4000, s31;
	s1 =	sadd.s32 s1, s30  }
0xba: {  	s0 =	sor.u32 s3, s0;
	s1 =	sshll.u32 s1, $0x11  }
0xbb: {  	s0 =	sor.u32 s1, s0  }
0xbc: {  	s0 =	sadd.s32 $0x8F2B, s0  }
0xbd: {  	[sflag:s0] =	ssyncadd.remote.s32 $0x1  }
0xbe: {  	_ =	sfence.sel $0xFFFF  }
0xbf: {  	[dreg:$0x0] =	wrdreg $0xFFFFFFFF;
	(pc) =	sbr.abs _section_cstart, $3  }
0xc0: {  	[dreg:$0x1] =	wrdreg $0xFFFFFFFF  }
0xc1: {  	_ =	task.clear_ibuf [dreg:s6], $0x2FFFF;
	_ =	strace $0x9FFFFFFF  }
0xc2: {  	(tm) =	ssettm $0x7FFFFFFF  }
0xc3: {  	_ =	shalt  }
tec
execute0_lowered:
.L_overlay_start_1:
0x0: {  	(tag) =	ssettag $0x1  }
0x1: {  	s0 =	srdreg.scid;
	s5 =	rddreg [dreg:$0x0]  }
0x2: {  	s12 =	stileid.u32;
	s2 =	rddreg [dreg:$0x1];
	s3 =	simm.s32 $0x0  }
0x3: {  	s13 =	simm.s32 $0x2780;
	s14 =	simm.s32 $0x80;
	s15 =	simm.s32 $0x4F00  }
0x4: {  	s16 =	simm.s32 $0x6F00;
	s18 =	simm.s32 $0x8F00;
	s20 =	simm.s32 $0xAF00  }
0x5: {  	s21 =	simm.s32 $0x1;
	s23 =	simm.s32 $0x2;
	s24 =	simm.s32 $0x200  }
0x6: {  	s25 =	simm.s32 $0x280;
	s28 =	simm.s32 $0x2900;
	s29 =	simm.s32 $0x2700  }
0x7: {  	s30 =	simm.s32 $0x4D80;
	s31 =	simm.s32 $0x4E00;
	s0 =	sand.u32 $0x1, s0  }
0x8: {  	s6 =	smul.u32 $0xA000, s12;
	[smem:$0x7FF] =	sst s3;
	s4 =	sadd.s32 $0x67A00, s5  }
0x9: {  	s26 =	sshll.u32 s12, $0x6;
	s1 =	sshll.u32 s0, $0x4;
	s7 =	smul.u32 $0xA0000, s0  }
0xa: {  	_ =	strace $0x8000004D;
	s0 =	ssub.s32 $0x2, s0;
	s1 =	sor.u32 s12, s1  }
0xb: {  	s8 =	sshrl.u32 s6, $0x3;
	s9 =	sshrl.u32 s0, $0x1;
	s11 =	sadd.s32 s6, s2  }
0xc: {  	s12 =	simm.s32 $0x3;
	s1 =	smul.u32 $0x4F0, s1;
	s7 =	sadd.s32 s6, s7  }
0xd: {  	s8 =	sadd.s32 s8, s5;
	s0 =	ssub.s32 s0, s9;
	s6 =	sor.u32 $0x1C03, s26  }
0xe: {  	s11 =	sshrl.u32 s11, $0x3;
	s26 =	simm.s32 $0x2880;
	s7 =	sshrl.u32 s7, $0x3  }
0xf: {  	s1 =	sadd.s32 s1, s5;
	s10 =	sadd.s32 s7, s5;
	s5 =	sadd.s32 $0xA3A00, s8  }
0x10: {  	s7 =	sadd.s32 $0x3E00, s1;
	s8 =	sadd.s32 $0xDC00, s1;
	s9 =	sadd.s32 $0x7BA00, s10  }
0x11: {  	s10 =	smax.u32 s0, $0x1;
	s1 =	simm.s32 $0x4E80;
	s0 =	simm.s32 $0x0  }
.LBB2_1:
0x12: {  	[spmem:s11], [sflag:s6] =	dma.local [hbm:s5], $0x1400  }
0x13: {  	_ =	swait.ge [sflag:s12], $0x1400  }
0x14: {  	[sflag:s12] =	ssyncset.done $0x0  }
0x15: {  	[sflag:s12] =	ssyncadd.s32 $0xFFFFEC00  }
0x16: {  	[tilespmem:s3], [sflag:$0x3] =	stream.linear.gather [hbm4b:s7+s3], $0x2780, $0x38;
	[tilespmem:$0x16F00] =	vst v63  }
0x17: {  	_ =	swait.ge [sflag:s12], $0x2780  }
0x18: {  	[sflag:s12] =	ssyncset.done $0x0  }
0x19: {  	[sflag:s12] =	ssyncadd.s32 $0xFFFFD880  }
0x1a: {  	[tilespmem:s13], [sflag:$0x3] =	stream.linear.gather [hbm4b:s8+s3], $0x2780, $0x38;
	[tilespmem:$0x16F00] =	vst v63  }
0x1b: {  	_ =	swait.ge [sflag:s12], $0x2780  }
0x1c: {  	[sflag:s12] =	ssyncset.done $0x0  }
0x1d: {  	[sflag:s12] =	ssyncadd.s32 $0xFFFFD880  }
0x1e: {  	[bflag:$0x0] =	sbarrier.arrive $0xFFFF  }
0x1f: {  	[tilespmem:s15], [sflag:$0x1] =	stream.indirect.gather [hbm4b:s4+s14], $0x40, s3, s14, $0xb8;
	[tilespmem:$0x16F00] =	vst v63  }
0x20: {  	_ = 	snop  }
0x21: {  	[tilespmem:s16], [sflag:$0x1] =	stream.indirect.gather [hbm4b:s4+s14], $0x40, s14, s14, $0xb8;
	[tilespmem:$0x16F00] =	vst v63  }
0x22: {  	s17 =	simm.s32 $0x100  }
0x23: {  	[tilespmem:s18], [sflag:$0x1] =	stream.indirect.gather [hbm4b:s4+s14], $0x40, s17, s14, $0xb8;
	[tilespmem:$0x16F00] =	vst v63  }
0x24: {  	s22 =	simm.s32 $0x180  }
0x25: {  	[tilespmem:s20], [sflag:$0x1] =	stream.indirect.gather [hbm4b:s4+s14], $0x40, s22, s14, $0xb8;
	[tilespmem:$0x16F00] =	vst v63  }
0x26: {  	_ =	swait.ge [sflag:s21], $0x2000  }
0x27: {  	[sflag:s21] =	ssyncset.done $0x0  }
0x28: {  	[sflag:s21] =	ssyncadd.s32 $0xFFFFE000  }
0x29: {  	[spmem:s2] =	stream.indirect.scatter.add.f32 [tilespmem:s15], [sflag:$0x2], $0x40, s13, s14, $0xb8;
	[tilespmem:$0x16F00] =	vst v63  }
0x2a: {  	_ =	swait.ge [sflag:s21], $0x2000  }
0x2b: {  	[sflag:s21] =	ssyncset.done $0x0  }
0x2c: {  	s19 =	simm.s32 $0x2800;
	[sflag:s21] =	ssyncadd.s32 $0xFFFFE000  }
0x2d: {  	[spmem:s2] =	stream.indirect.scatter.add.f32 [tilespmem:s16], [sflag:$0x2], $0x40, s19, s14, $0xb8;
	[tilespmem:$0x16F00] =	vst v63  }
0x2e: {  	_ =	swait.ge [sflag:s23], $0x2000  }
0x2f: {  	[sflag:s23] =	ssyncset.done $0x0  }
0x30: {  	[sflag:s23] =	ssyncadd.s32 $0xFFFFE000  }
0x31: {  	_ =	swait.ge [sflag:s23], $0x2000  }
0x32: {  	[sflag:s23] =	ssyncset.done $0x0  }
0x33: {  	[sflag:s23] =	ssyncadd.s32 $0xFFFFE000  }
0x34: {  	[tilespmem:s15], [sflag:$0x1] =	stream.indirect.gather [hbm4b:s4+s14], $0x40, s24, s14, $0xb8;
	[tilespmem:$0x16F00] =	vst v63  }
0x35: {  	_ = 	snop  }
0x36: {  	[tilespmem:s16], [sflag:$0x1] =	stream.indirect.gather [hbm4b:s4+s14], $0x40, s25, s14, $0xb8;
	[tilespmem:$0x16F00] =	vst v63  }
0x37: {  	_ =	swait.ge [sflag:s21], $0x2000  }
0x38: {  	[sflag:s21] =	ssyncset.done $0x0  }
0x39: {  	[sflag:s21] =	ssyncadd.s32 $0xFFFFE000  }
0x3a: {  	[spmem:s2] =	stream.indirect.scatter.add.f32 [tilespmem:s18], [sflag:$0x2], $0x40, s26, s14, $0xb8;
	[tilespmem:$0x16F00] =	vst v63  }
0x3b: {  	_ =	swait.ge [sflag:s21], $0x2000  }
0x3c: {  	[sflag:s21] =	ssyncset.done $0x0  }
0x3d: {  	[sflag:s21] =	ssyncadd.s32 $0xFFFFE000  }
0x3e: {  	[spmem:s2] =	stream.indirect.scatter.add.f32 [tilespmem:s20], [sflag:$0x2], $0x40, s28, s14, $0xb8;
	[tilespmem:$0x16F00] =	vst v63  }
0x3f: {  	_ =	swait.ge [sflag:s23], $0x2000  }
0x40: {  	[sflag:s23] =	ssyncset.done $0x0  }
0x41: {  	[sflag:s23] =	ssyncadd.s32 $0xFFFFE000  }
0x42: {  	_ =	swait.ge [sflag:s23], $0x2000  }
0x43: {  	[sflag:s23] =	ssyncset.done $0x0  }
0x44: {  	s22 =	simm.s32 $0x300;
	[sflag:s23] =	ssyncadd.s32 $0xFFFFE000  }
0x45: {  	[tilespmem:s18], [sflag:$0x1] =	stream.indirect.gather [hbm4b:s4+s14], $0x40, s22, s14, $0xb8;
	[tilespmem:$0x16F00] =	vst v63  }
0x46: {  	s19 =	simm.s32 $0x380  }
0x47: {  	[tilespmem:s20], [sflag:$0x1] =	stream.indirect.gather [hbm4b:s4+s14], $0x40, s19, s14, $0xb8;
	[tilespmem:$0x16F00] =	vst v63  }
0x48: {  	_ =	swait.ge [sflag:s21], $0x2000  }
0x49: {  	[sflag:s21] =	ssyncset.done $0x0  }
0x4a: {  	s22 =	simm.s32 $0x2980;
	[sflag:s21] =	ssyncadd.s32 $0xFFFFE000  }
0x4b: {  	[spmem:s2] =	stream.indirect.scatter.add.f32 [tilespmem:s15], [sflag:$0x2], $0x40, s22, s14, $0xb8;
	[tilespmem:$0x16F00] =	vst v63  }
0x4c: {  	_ =	swait.ge [sflag:s21], $0x2000  }
0x4d: {  	[sflag:s21] =	ssyncset.done $0x0  }
0x4e: {  	s19 =	simm.s32 $0x2A00;
	[sflag:s21] =	ssyncadd.s32 $0xFFFFE000  }
0x4f: {  	[spmem:s2] =	stream.indirect.scatter.add.f32 [tilespmem:s16], [sflag:$0x2], $0x40, s19, s14, $0xb8;
	[tilespmem:$0x16F00] =	vst v63  }
0x50: {  	_ =	swait.ge [sflag:s23], $0x2000  }
0x51: {  	[sflag:s23] =	ssyncset.done $0x0  }
0x52: {  	[sflag:s23] =	ssyncadd.s32 $0xFFFFE000  }
0x53: {  	_ =	swait.ge [sflag:s23], $0x2000  }
0x54: {  	[sflag:s23] =	ssyncset.done $0x0  }
0x55: {  	s22 =	simm.s32 $0x400;
	[sflag:s23] =	ssyncadd.s32 $0xFFFFE000  }
0x56: {  	[tilespmem:s15], [sflag:$0x1] =	stream.indirect.gather [hbm4b:s4+s14], $0x40, s22, s14, $0xb8;
	[tilespmem:$0x16F00] =	vst v63  }
0x57: {  	s19 =	simm.s32 $0x480  }
0x58: {  	[tilespmem:s16], [sflag:$0x1] =	stream.indirect.gather [hbm4b:s4+s14], $0x40, s19, s14, $0xb8;
	[tilespmem:$0x16F00] =	vst v63  }
0x59: {  	_ =	swait.ge [sflag:s21], $0x2000  }
0x5a: {  	[sflag:s21] =	ssyncset.done $0x0  }
0x5b: {  	s22 =	simm.s32 $0x2A80;
	[sflag:s21] =	ssyncadd.s32 $0xFFFFE000  }
0x5c: {  	[spmem:s2] =	stream.indirect.scatter.add.f32 [tilespmem:s18], [sflag:$0x2], $0x40, s22, s14, $0xb8;
	[tilespmem:$0x16F00] =	vst v63  }
0x5d: {  	_ =	swait.ge [sflag:s21], $0x2000  }
0x5e: {  	[sflag:s21] =	ssyncset.done $0x0  }
0x5f: {  	s17 =	simm.s32 $0x800;
	s19 =	simm.s32 $0x2B00;
	[sflag:s21] =	ssyncadd.s32 $0xFFFFE000  }
.LBB2_2:
0x60: {  	[spmem:s2] =	stream.indirect.scatter.add.f32 [tilespmem:s20], [sflag:$0x2], $0x40, s19, s14, $0xb8;
	[tilespmem:$0x16F00] =	vst v63  }
0x61: {  	s19 =	smov.u32 s17  }
0x62: {  	p0 =	sne.s32 s17, $0x8800;
	s17 =	sadd.s32 $0x800, s17;
	_ =	swait.ge [sflag:s23], $0x2000  }
0x63: {  	[sflag:s23] =	ssyncset.done $0x0  }
0x64: {  	[sflag:s23] =	ssyncadd.s32 $0xFFFFE000  }
0x65: {  	_ =	swait.ge [sflag:s23], $0x2000  }
0x66: {  	s19 =	sshra.s32 s19, $0x2;
	[sflag:s23] =	ssyncset.done $0x0  }
0x67: {  	s22 =	sadd.s32 $0x300, s19;
	[sflag:s23] =	ssyncadd.s32 $0xFFFFE000  }
0x68: {  	[tilespmem:s18], [sflag:$0x1] =	stream.indirect.gather [hbm4b:s4+s14], $0x40, s22, s14, $0xb8;
	[tilespmem:$0x16F00] =	vst v63  }
0x69: {  	s22 =	sadd.s32 $0x380, s19  }
0x6a: {  	[tilespmem:s20], [sflag:$0x1] =	stream.indirect.gather [hbm4b:s4+s14], $0x40, s22, s14, $0xb8;
	[tilespmem:$0x16F00] =	vst v63  }
0x6b: {  	_ =	swait.ge [sflag:s21], $0x2000  }
0x6c: {  	[sflag:s21] =	ssyncset.done $0x0  }
0x6d: {  	s22 =	sadd.s32 $0x2980, s19;
	[sflag:s21] =	ssyncadd.s32 $0xFFFFE000  }
0x6e: {  	[spmem:s2] =	stream.indirect.scatter.add.f32 [tilespmem:s15], [sflag:$0x2], $0x40, s22, s14, $0xb8;
	[tilespmem:$0x16F00] =	vst v63  }
0x6f: {  	_ =	swait.ge [sflag:s21], $0x2000  }
0x70: {  	[sflag:s21] =	ssyncset.done $0x0  }
0x71: {  	s22 =	sadd.s32 $0x2A00, s19;
	[sflag:s21] =	ssyncadd.s32 $0xFFFFE000  }
0x72: {  	[spmem:s2] =	stream.indirect.scatter.add.f32 [tilespmem:s16], [sflag:$0x2], $0x40, s22, s14, $0xb8;
	[tilespmem:$0x16F00] =	vst v63  }
0x73: {  	_ =	swait.ge [sflag:s23], $0x2000  }
0x74: {  	[sflag:s23] =	ssyncset.done $0x0  }
0x75: {  	[sflag:s23] =	ssyncadd.s32 $0xFFFFE000  }
0x76: {  	_ =	swait.ge [sflag:s23], $0x2000  }
0x77: {  	[sflag:s23] =	ssyncset.done $0x0  }
0x78: {  	s22 =	sadd.s32 $0x400, s19;
	[sflag:s23] =	ssyncadd.s32 $0xFFFFE000  }
0x79: {  	[tilespmem:s15], [sflag:$0x1] =	stream.indirect.gather [hbm4b:s4+s14], $0x40, s22, s14, $0xb8;
	[tilespmem:$0x16F00] =	vst v63  }
0x7a: {  	s22 =	sadd.s32 $0x480, s19  }
0x7b: {  	[tilespmem:s16], [sflag:$0x1] =	stream.indirect.gather [hbm4b:s4+s14], $0x40, s22, s14, $0xb8;
	[tilespmem:$0x16F00] =	vst v63  }
0x7c: {  	_ =	swait.ge [sflag:s21], $0x2000  }
0x7d: {  	[sflag:s21] =	ssyncset.done $0x0  }
.Ltmp0:
0x7e: {  	s22 =	sadd.s32 $0x2A80, s19;
	[sflag:s21] =	ssyncadd.s32 $0xFFFFE000;
	(pc) =	sbr.rel @p0 .LBB2_2-.Ltmp0, $4  }
0x7f: {  	[spmem:s2] =	stream.indirect.scatter.add.f32 [tilespmem:s18], [sflag:$0x2], $0x40, s22, s14, $0xb8;
	[tilespmem:$0x16F00] =	vst v63  }
0x80: {  	_ =	swait.ge [sflag:s21], $0x2000  }
0x81: {  	[sflag:s21] =	ssyncset.done $0x0  }
0x82: {  	s19 =	sadd.s32 $0x2B00, s19;
	[sflag:s21] =	ssyncadd.s32 $0xFFFFE000  }
0x83: {  	[spmem:s2] =	stream.indirect.scatter.add.f32 [tilespmem:s20], [sflag:$0x2], $0x40, s19, s14, $0xb8;
	[tilespmem:$0x16F00] =	vst v63  }
0x84: {  	_ =	swait.ge [sflag:s23], $0x2000  }
0x85: {  	[sflag:s23] =	ssyncset.done $0x0  }
0x86: {  	[sflag:s23] =	ssyncadd.s32 $0xFFFFE000  }
0x87: {  	_ =	swait.ge [sflag:s23], $0x2000  }
0x88: {  	[sflag:s23] =	ssyncset.done $0x0  }
0x89: {  	[sflag:s23] =	ssyncadd.s32 $0xFFFFE000  }
0x8a: {  	[tilespmem:s18], [sflag:$0x1] =	stream.indirect.gather [hbm4b:s4+s14], $0x40, s29, s14, $0xb8;
	[tilespmem:$0x16F00] =	vst v63  }
0x8b: {  	_ =	swait.ge [sflag:s21], $0x2000  }
0x8c: {  	[sflag:s21] =	ssyncset.done $0x0  }
0x8d: {  	[sflag:s21] =	ssyncadd.s32 $0xFFFFE000  }
0x8e: {  	[spmem:s2] =	stream.indirect.scatter.add.f32 [tilespmem:s15], [sflag:$0x2], $0x40, s30, s14, $0xb8;
	[tilespmem:$0x16F00] =	vst v63  }
0x8f: {  	_ =	swait.ge [sflag:s21], $0x2000  }
0x90: {  	[sflag:s21] =	ssyncset.done $0x0  }
0x91: {  	[sflag:s21] =	ssyncadd.s32 $0xFFFFE000  }
0x92: {  	[spmem:s2] =	stream.indirect.scatter.add.f32 [tilespmem:s16], [sflag:$0x2], $0x40, s31, s14, $0xb8;
	[tilespmem:$0x16F00] =	vst v63  }
0x93: {  	_ =	swait.ge [sflag:s23], $0x2000  }
0x94: {  	[sflag:s23] =	ssyncset.done $0x0  }
0x95: {  	[sflag:s23] =	ssyncadd.s32 $0xFFFFE000  }
0x96: {  	_ =	swait.ge [sflag:s23], $0x2000  }
0x97: {  	[sflag:s23] =	ssyncset.done $0x0  }
0x98: {  	[sflag:s23] =	ssyncadd.s32 $0xFFFFE000  }
0x99: {  	_ =	swait.ge [sflag:s21], $0x2000  }
0x9a: {  	[sflag:s21] =	ssyncset.done $0x0  }
0x9b: {  	[sflag:s21] =	ssyncadd.s32 $0xFFFFE000  }
0x9c: {  	[spmem:s2] =	stream.indirect.scatter.add.f32 [tilespmem:s18], [sflag:$0x2], $0x40, s1, s14, $0xb8;
	[tilespmem:$0x16F00] =	vst v63  }
0x9d: {  	_ =	swait.ge [sflag:s23], $0x2000  }
0x9e: {  	s0 =	sadd.s32 $0x1, s0;
	[sflag:s23] =	ssyncset.done $0x0  }
0x9f: {  	p0 =	sne.s32 s0, s10;
	[sflag:s23] =	ssyncadd.s32 $0xFFFFE000  }
.Ltmp1:
0xa0: {  	[bflag:$0x0] =	sbarrier.arrive $0xFFFF;
	(pc) =	sbr.rel @p0 .LBB2_1-.Ltmp1, $4  }
0xa1: {  	[hbm:s9], [sflag:s6] =	dma.local [spmem:s11], $0x1400  }
0xa2: {  	_ =	swait.ge [sflag:s12], $0x1400  }
0xa3: {  	[sflag:s12] =	ssyncset.done $0x0  }
0xa4: {  	[sflag:s12] =	ssyncadd.s32 $0xFFFFEC00  }
0xa5: {  	_ =	sfence.sel $0x180000  }
0xa6: {  	[bflag:$0x0] =	sbarrier.arrive $0xFFFF  }
0xa7: {  	_ =	strace $0x9000004D  }
0xa8: {  	s0 =	stileid.u32;
	[bflag:$0x2] =	sbarrier.arrive $0xFFFF  }
0xa9: {  	p0 =	sne.s32 s0, $0x0;
	s0 =	rddreg [dreg:$0x2]  }
0xaa: {  	s0 =	sadd.s32 @!p0 $0x100000, s0  }
0xab: {  	[sflag:s0] =	ssyncadd.tile.s32 @!p0 $0x1;
	_ =	shalt  }
.Lfunc_end2:
_tile_overlayer_lowered:
.L_overlay_start_2:
0xac: {  	(tag) =	ssettag $0x2  }
0xad: {  	s0 =	rddreg [dreg:$0x0];
	s2 =	stileid.u32  }
0xae: {  	s1 =	rddreg [dreg:$0x1];
	p0 =	sne.s32 s2, $0x0  }
0xaf: {  	s3 =	rddreg [dreg:$0x2];
	[bflag:$0x3] =	sbarrier.arrive $0xFFFF;
	s2 =	simm.s32 @!p0 $0x1C03  }
0xb0: {  	[timem:s3], [sflag:s2] =	dma.local @!p0 [hbm:s0], s1  }
0xb1: {  	s0 =	simm.s32 @!p0 $0x3  }
0xb2: {  	_ =	swait.ge @!p0 [sflag:s0], s1  }
0xb3: {  	s1 =	ssub.s32 @!p0 $0x0, s1;
	[sflag:s0] =	ssyncset.done @!p0 $0x0  }
0xb4: {  	[sflag:s0] =	ssyncadd.s32 @!p0 s1  }
0xb5: {  	[bflag:$0x3] =	sbarrier.arrive $0xFFFF  }
0xb6: {  	_ =	shalt  }

// kernel: kernel.19.cloned.1.call-start
scs
__scs_entry_jumppad:
0x0: {  	(pc) =	sbr.rel $0x88, $3  }
0x1: {  	(tag) =	ssettag $0x0;
	lr =	simm.s32 $0x1  }
0x2: {  	[smem:$0x3F8F] =	sst lr;
	_ =	strace $0xD0000000  }
0x3: {  	_ = 	snop  }
0x4: {  	_ = 	snop  }
0x5: {  	_ = 	snop  }
0x6: {  	_ = 	snop  }
0x7: {  	_ = 	snop  }
__scs_overlays_trampoline_lowered:
0x8: {  	[smem:$0x3F9E] =	sst s0  }
0x9: {  	[smem:$0x3F9F] =	sst s1  }
0xa: {  	[smem:$0x3FA0] =	sst s2  }
0xb: {  	[smem:$0x3FA1] =	sst s3  }
0xc: {  	[smem:$0x3FA2] =	sst s4  }
0xd: {  	[smem:$0x3FA3] =	sst s5  }
0xe: {  	[smem:$0x3FA4] =	sst s6  }
0xf: {  	[smem:$0x3FA5] =	sst s7  }
0x10: {  	[smem:$0x3FA6] =	sst s8  }
0x11: {  	[smem:$0x3FA7] =	sst s9;
	s0 =	simm.s32 @!p0 $0x0  }
0x12: {  	s1 =	sld [smem:$0x3F8D];
	s0 =	simm.s32 @p0 $0x1  }
0x13: {  	[smem:$0x3FA8] =	sst s0;
	s0 =	simm.s32 @!p1 $0x0  }
0x14: {  	s2 =	sld [smem:$0x3F8C];
	s0 =	simm.s32 @p1 $0x1  }
0x15: {  	[smem:$0x3FA9] =	sst s0;
	s0 =	simm.s32 @!p2 $0x0  }
0x16: {  	s3 =	sld [smem:$0x3FDB];
	s0 =	simm.s32 @p2 $0x1  }
0x17: {  	s4 =	simm.s32 $0x1BF5;
	[smem:$0x3FAB] =	sst s0  }
0x18: {  	s0 =	sld [smem:$0x3F8E];
	_ =	swait.ge [sflag:s4], $0x0  }
0x19: {  	s7 =	sld [smem:$0x3F8F]  }
0x1a: {  	s8 =	sadd.s32 $0xFFFFE003, lr  }
0x1b: {  	s9 =	sadd.s32 $0xFFFFFEF7, lr;
	s5 =	simm.s32 $0xFFFFFFFF;
	p2 =	slt.u32 s8, $0xFFFFF086  }
0x1c: {  	p1 =	slt.u32 s9, $0xF7A;
	s5 =	simm.s32 @!p2 $0x0  }
0x1d: {  	s5 =	simm.s32 @p1 $0x1;
	p0 =	seq.s32 s7, s2  }
0x1e: {  	s7 =	smul.u32 @!p0 $0xF7A, s2;
	p2 =	seq.s32 @!p0 s5, $0x0  }
0x1f: {  	s9 =	smul.u32 $0xF7A, s1;
	s8 =	simm.s32 @!p0 $0x1BF5;
	p2 =	por !p2, p0  }
0x20: {  	[sflag:s8] =	ssyncset.s32 @!p0 $0xFFFFF086;
	s6 =	sadd.s32 @!p0 s3, s7;
	s7 =	simm.s32 @!p0 $0x108  }
0x21: {  	s3 =	sadd.s32 s3, s9;
	s6 =	sadd.s32 @!p0 $0x88, s6;
	s7 =	simm.s32 @p2 $0x1082  }
0x22: {  	[simem:s7], [sflag:s8] =	dma.local @!p0 [hbm:s6], $0xF7A  }
0x23: {  	s9 =	sor.u32 $0xD0000000, s2;
	s6 =	simm.s32 $0x108;
	_ =	swait.ge @!p0 [sflag:s8], $0x0  }
0x24: {  	s3 =	sadd.s32 $0x88, s3;
	s6 =	simm.s32 @!p1 $0x1082;
	[sflag:s4] =	ssyncset.s32 $0xFFFFF086  }
0x25: {  	[simem:s6], [sflag:s4] =	dma.local [hbm:s3], $0xF7A  }
0x26: {  	[smem:$0x3F8F] =	sst s1;
	(tag) =	ssettag s2;
	_ =	strace s9  }
0x27: {  	s1 =	sld [smem:$0x3F9F]  }
0x28: {  	s2 =	sld [smem:$0x3FA0]  }
0x29: {  	s4 =	sld [smem:$0x3FA2]  }
0x2a: {  	p0 =	seq.s32 s5, $0x0;
	s5 =	sld [smem:$0x3FA3]  }
0x2b: {  	s6 =	sld [smem:$0x3FA4]  }
0x2c: {  	s7 =	sld [smem:$0x3FA5]  }
0x2d: {  	s3 =	simm.s32 $0x108;
	s8 =	sld [smem:$0x3FA6]  }
0x2e: {  	s3 =	simm.s32 @!p0 $0x1082;
	s9 =	sld [smem:$0x3FA7]  }
0x2f: {  	lr =	sadd.s32 s0, s3;
	s0 =	sld [smem:$0x3F9E]  }
0x30: {  	s3 =	sld [smem:$0x3FA1]  }
0x31: {  	[smem:$0x3FAA] =	sst s10  }
0x32: {  	s10 =	sld [smem:$0x3FA8];
	_ =	sdelay $0x3  }
0x33: {  	p0 =	seq.s32 s10, $0x1;
	s10 =	sld [smem:$0x3FAA];
	_ =	sdelay $0x3  }
0x34: {  	[smem:$0x3FAA] =	sst s10  }
0x35: {  	s10 =	sld [smem:$0x3FA9];
	_ =	sdelay $0x3  }
0x36: {  	p1 =	seq.s32 s10, $0x1;
	s10 =	sld [smem:$0x3FAA];
	_ =	sdelay $0x3  }
0x37: {  	[smem:$0x3FAA] =	sst s10  }
0x38: {  	s10 =	sld [smem:$0x3FAB]  }
0x39: {  	_ = 	snop;
	(pc) =	sbr.ind lr, $3  }
0x3a: {  	_ = 	snop  }
0x3b: {  	_ = 	snop  }
0x3c: {  	p2 =	seq.s32 s10, $0x1;
	s10 =	sld [smem:$0x3FAA]  }
0x3d: {  	_ =	shalt  }
0x3e: {  	_ =	shalt  }
0x3f: {  	_ =	shalt  }
0x40: {  	_ =	shalt  }
0x41: {  	_ =	shalt  }
0x42: {  	_ =	shalt  }
0x43: {  	_ =	shalt  }
0x44: {  	_ =	shalt  }
0x45: {  	_ =	shalt  }
0x46: {  	_ =	shalt  }
0x47: {  	_ =	shalt  }
0x48: {  	_ =	shalt  }
0x49: {  	_ =	shalt  }
0x4a: {  	_ =	shalt  }
0x4b: {  	_ =	shalt  }
0x4c: {  	_ =	shalt  }
0x4d: {  	_ =	shalt  }
0x4e: {  	_ =	shalt  }
0x4f: {  	_ =	shalt  }
0x50: {  	_ =	shalt  }
0x51: {  	_ =	shalt  }
0x52: {  	_ =	shalt  }
0x53: {  	_ =	shalt  }
0x54: {  	_ =	shalt  }
0x55: {  	_ =	shalt  }
0x56: {  	_ =	shalt  }
0x57: {  	_ =	shalt  }
0x58: {  	_ =	shalt  }
0x59: {  	_ =	shalt  }
0x5a: {  	_ =	shalt  }
0x5b: {  	_ =	shalt  }
0x5c: {  	_ =	shalt  }
0x5d: {  	_ =	shalt  }
0x5e: {  	_ =	shalt  }
0x5f: {  	_ =	shalt  }
0x60: {  	_ =	shalt  }
0x61: {  	_ =	shalt  }
0x62: {  	_ =	shalt  }
0x63: {  	_ =	shalt  }
0x64: {  	_ =	shalt  }
0x65: {  	_ =	shalt  }
0x66: {  	_ =	shalt  }
0x67: {  	_ =	shalt  }
0x68: {  	_ =	shalt  }
0x69: {  	_ =	shalt  }
0x6a: {  	_ =	shalt  }
0x6b: {  	_ =	shalt  }
0x6c: {  	_ =	shalt  }
0x6d: {  	_ =	shalt  }
0x6e: {  	_ =	shalt  }
0x6f: {  	_ =	shalt  }
0x70: {  	_ =	shalt  }
0x71: {  	_ =	shalt  }
0x72: {  	_ =	shalt  }
0x73: {  	_ =	shalt  }
0x74: {  	_ =	shalt  }
0x75: {  	_ =	shalt  }
0x76: {  	_ =	shalt  }
0x77: {  	_ =	shalt  }
0x78: {  	_ =	shalt  }
0x79: {  	_ =	shalt  }
0x7a: {  	_ =	shalt  }
0x7b: {  	_ =	shalt  }
0x7c: {  	_ =	shalt  }
0x7d: {  	_ =	shalt  }
0x7e: {  	_ =	shalt  }
0x7f: {  	_ =	shalt  }
0x80: {  	_ =	shalt  }
0x81: {  	_ =	shalt  }
0x82: {  	_ =	shalt  }
0x83: {  	_ =	shalt  }
0x84: {  	_ =	shalt  }
0x85: {  	_ =	shalt  }
0x86: {  	_ =	shalt  }
0x87: {  	_ =	shalt  }
.Lfunc_end0:
.L_simem_size_0:
called_computation.3_lowered:
.L_overlay_start_0:
0x88: {  	s2 =	sld [smem:$0x3FD9]  }
0x89: {  	s3 =	sld [smem:$0x3FFE];
	_ =	sdelay $0x1  }
0x8a: {  	s1 =	srdreg.scid  }
0x8b: {  	s0 =	sand.u32 $0x1, s1  }
0x8c: {  	s16 =	sshll.u32 s0, $0xA;
	s2 =	sadd.s32 s3, s2  }
0x8d: {  	s2 =	sadd.s32 s2, s16  }
0x8e: {  	[smem:$0x3FB6] =	sst s2  }
0x8f: {  	_ = 	snop  }
0x90: {  	(tm) =	ssettm $0x1  }
0x91: {  	s17 =	sld [smem:$0x3FFB];
	_ =	sdelay $0x3  }
0x92: {  	_ =	strace s17  }
0x93: {  	s2 =	sld [smem:$0x3FFC];
	_ =	sdelay $0x3  }
0x94: {  	_ =	strace s2  }
0x95: {  	s2 =	sld [smem:$0x3FFD];
	_ =	sdelay $0x3  }
0x96: {  	_ =	strace s2  }
0x97: {  	_ =	strace $0x8FFFFFFF  }
0x98: {  	s18 =	sld [smem:$0x3FDB];
	_ =	sdelay $0x1  }
0x99: {  	s19 =	simm.s32 $_scs_section_size  }
0x9a: {  	s4 =	simm.s32 $_size__tile_overlayer_lowered;
	s5 =	simm.s32 $_tile_overlayer_lowered  }
0x9b: {  	s22 =	simm.s32 $0x1BFF;
	s21 =	sshll.u32 s5, $0x1;
	s2 =	sadd.s32 s19, s18  }
0x9c: {  	s6 =	simm.s32 $0x0;
	s20 =	sshll.u32 s4, $0x1;
	s4 =	sadd.s32 s21, s2  }
0x9d: {  	[timem:s6], [sflag:s22] =	dma.local [hbm:s4], s20  }
0x9e: {  	_ =	swait.ge [sflag:s22], s20  }
0x9f: {  	s3 =	ssub.s32 $0x0, s20;
	[sflag:s22] =	ssyncset.done $0x0  }
0xa0: {  	[sflag:s22] =	ssyncadd.s32 s3;
	_ =	sdelay $0x1  }
0xa1: {  	s23 =	simm.s32 $0x1B8B  }
0xa2: {  	_ =	swait.ge [sflag:s23], $0x1  }
0xa3: {  	[sflag:s23] =	ssyncset.done $0x0  }
0xa4: {  	s25 =	simm.s32 $0x1B8E;
	s24 =	sld [smem:$0x3FFE];
	[sflag:s23] =	ssyncadd.s32 $0xFFFFFFFF  }
0xa5: {  	s26 =	simm.s32 $execute0_lowered;
	[smem:$0x3FD2] =	sst s25  }
0xa6: {  	s4 =	sshll.u32 s26, $0x1;
	_ =	strace $0x8000004F;
	[dreg:$0x1] =	wrdreg $0xFFFFFFFF  }
0xa7: {  	s28 =	simm.s32 $_size_execute0_lowered;
	s2 =	sadd.s32 s2, s4;
	[dreg:$0x0] =	wrdreg $0x0  }
0xa8: {  	s4 =	sshll.u32 s28, $0x1;
	[dreg:$0x2] =	wrdreg s2  }
0xa9: {  	[dreg:$0x3] =	wrdreg s4  }
0xaa: {  	[dreg:$0x4] =	wrdreg $0xC0  }
0xab: {  	_ =	task [dreg:s6], $0x5FFFF  }
0xac: {  	[dreg:$0x1] =	wrdreg $0xFFFFFFFF  }
0xad: {  	[dreg:$0x0] =	wrdreg $0x60  }
0xae: {  	[dreg:$0x2] =	wrdreg s24  }
0xaf: {  	[dreg:$0x3] =	wrdreg $0xCF000  }
0xb0: {  	[dreg:$0x4] =	wrdreg $0x9  }
0xb1: {  	_ =	task.clear_ibuf [dreg:s6], $0x5FFFF;
	_ =	strace $0x9000004F  }
0xb2: {  	s29 =	simm.s32 $0x9;
	_ =	strace $0x80000051  }
0xb3: {  	_ =	swait.ge [sflag:s29], $0x1  }
0xb4: {  	[sflag:s29] =	ssyncadd.s32 $0xFFFFFFFF  }
0xb5: {  	_ =	strace $0x90000051  }
0xb6: {  	_ =	sfence  }
0xb7: {  	s30 =	sld [smem:$0x0];
	_ =	sdelay $0x2  }
0xb8: {  	s31 =	sshll.u32 s1, $0xD;
	s1 =	sshrl.u32 s1, $0x2  }
0xb9: {  	s3 =	sand.u32 $0x4000, s31;
	s1 =	sadd.s32 s1, s30  }
0xba: {  	s0 =	sor.u32 s3, s0;
	s1 =	sshll.u32 s1, $0x11  }
0xbb: {  	s0 =	sor.u32 s1, s0  }
0xbc: {  	s0 =	sadd.s32 $0x8F2B, s0  }
0xbd: {  	[sflag:s0] =	ssyncadd.remote.s32 $0x1  }
0xbe: {  	_ =	sfence.sel $0xFFFF  }
0xbf: {  	[dreg:$0x0] =	wrdreg $0xFFFFFFFF;
	(pc) =	sbr.abs _section_cstart, $3  }
0xc0: {  	[dreg:$0x1] =	wrdreg $0xFFFFFFFF  }
0xc1: {  	_ =	task.clear_ibuf [dreg:s6], $0x2FFFF;
	_ =	strace $0x9FFFFFFF  }
0xc2: {  	(tm) =	ssettm $0x7FFFFFFF  }
0xc3: {  	_ =	shalt  }
tec
execute0_lowered:
.L_overlay_start_1:
0x0: {  	(tag) =	ssettag $0x1  }
0x1: {  	s0 =	srdreg.scid;
	s5 =	rddreg [dreg:$0x0]  }
0x2: {  	s12 =	stileid.u32;
	s2 =	rddreg [dreg:$0x1];
	s3 =	simm.s32 $0x0  }
0x3: {  	s13 =	simm.s32 $0x2780;
	s14 =	simm.s32 $0x80;
	s15 =	simm.s32 $0x4F00  }
0x4: {  	s16 =	simm.s32 $0x6F00;
	s18 =	simm.s32 $0x8F00;
	s20 =	simm.s32 $0xAF00  }
0x5: {  	s21 =	simm.s32 $0x1;
	s23 =	simm.s32 $0x2;
	s24 =	simm.s32 $0x200  }
0x6: {  	s25 =	simm.s32 $0x280;
	s28 =	simm.s32 $0x2900;
	s29 =	simm.s32 $0x2700  }
0x7: {  	s30 =	simm.s32 $0x4D80;
	s31 =	simm.s32 $0x4E00;
	s0 =	sand.u32 $0x1, s0  }
0x8: {  	s6 =	smul.u32 $0xA000, s12;
	[smem:$0x7FF] =	sst s3;
	s4 =	sadd.s32 $0x67A00, s5  }
0x9: {  	s26 =	sshll.u32 s12, $0x6;
	s1 =	sshll.u32 s0, $0x4;
	s7 =	smul.u32 $0xA0000, s0  }
0xa: {  	_ =	strace $0x80000050;
	s0 =	ssub.s32 $0x2, s0;
	s1 =	sor.u32 s12, s1  }
0xb: {  	s8 =	sshrl.u32 s6, $0x3;
	s9 =	sshrl.u32 s0, $0x1;
	s11 =	sadd.s32 s6, s2  }
0xc: {  	s12 =	simm.s32 $0x3;
	s1 =	smul.u32 $0x4F0, s1;
	s7 =	sadd.s32 s6, s7  }
0xd: {  	s8 =	sadd.s32 s8, s5;
	s0 =	ssub.s32 s0, s9;
	s6 =	sor.u32 $0x1C03, s26  }
0xe: {  	s11 =	sshrl.u32 s11, $0x3;
	s26 =	simm.s32 $0x2880;
	s7 =	sshrl.u32 s7, $0x3  }
0xf: {  	s1 =	sadd.s32 s1, s5;
	s10 =	sadd.s32 s7, s5;
	s5 =	sadd.s32 $0xA3A00, s8  }
0x10: {  	s7 =	sadd.s32 $0x3E00, s1;
	s8 =	sadd.s32 $0xDC00, s1;
	s9 =	sadd.s32 $0x7BA00, s10  }
0x11: {  	s10 =	smax.u32 s0, $0x1;
	s1 =	simm.s32 $0x4E80;
	s0 =	simm.s32 $0x0  }
.LBB2_1:
0x12: {  	[spmem:s11], [sflag:s6] =	dma.local [hbm:s5], $0x1400  }
0x13: {  	_ =	swait.ge [sflag:s12], $0x1400  }
0x14: {  	[sflag:s12] =	ssyncset.done $0x0  }
0x15: {  	[sflag:s12] =	ssyncadd.s32 $0xFFFFEC00  }
0x16: {  	[tilespmem:s3], [sflag:$0x3] =	stream.linear.gather [hbm4b:s7+s3], $0x2780, $0x38;
	[tilespmem:$0x16F00] =	vst v63  }
0x17: {  	_ =	swait.ge [sflag:s12], $0x2780  }
0x18: {  	[sflag:s12] =	ssyncset.done $0x0  }
0x19: {  	[sflag:s12] =	ssyncadd.s32 $0xFFFFD880  }
0x1a: {  	[tilespmem:s13], [sflag:$0x3] =	stream.linear.gather [hbm4b:s8+s3], $0x2780, $0x38;
	[tilespmem:$0x16F00] =	vst v63  }
0x1b: {  	_ =	swait.ge [sflag:s12], $0x2780  }
0x1c: {  	[sflag:s12] =	ssyncset.done $0x0  }
0x1d: {  	[sflag:s12] =	ssyncadd.s32 $0xFFFFD880  }
0x1e: {  	[bflag:$0x0] =	sbarrier.arrive $0xFFFF  }
0x1f: {  	[tilespmem:s15], [sflag:$0x1] =	stream.indirect.gather [hbm4b:s4+s14], $0x40, s3, s14, $0xb8;
	[tilespmem:$0x16F00] =	vst v63  }
0x20: {  	_ = 	snop  }
0x21: {  	[tilespmem:s16], [sflag:$0x1] =	stream.indirect.gather [hbm4b:s4+s14], $0x40, s14, s14, $0xb8;
	[tilespmem:$0x16F00] =	vst v63  }
0x22: {  	s17 =	simm.s32 $0x100  }
0x23: {  	[tilespmem:s18], [sflag:$0x1] =	stream.indirect.gather [hbm4b:s4+s14], $0x40, s17, s14, $0xb8;
	[tilespmem:$0x16F00] =	vst v63  }
0x24: {  	s22 =	simm.s32 $0x180  }
0x25: {  	[tilespmem:s20], [sflag:$0x1] =	stream.indirect.gather [hbm4b:s4+s14], $0x40, s22, s14, $0xb8;
	[tilespmem:$0x16F00] =	vst v63  }
0x26: {  	_ =	swait.ge [sflag:s21], $0x2000  }
0x27: {  	[sflag:s21] =	ssyncset.done $0x0  }
0x28: {  	[sflag:s21] =	ssyncadd.s32 $0xFFFFE000  }
0x29: {  	[spmem:s2] =	stream.indirect.scatter.add.f32 [tilespmem:s15], [sflag:$0x2], $0x40, s13, s14, $0xb8;
	[tilespmem:$0x16F00] =	vst v63  }
0x2a: {  	_ =	swait.ge [sflag:s21], $0x2000  }
0x2b: {  	[sflag:s21] =	ssyncset.done $0x0  }
0x2c: {  	s19 =	simm.s32 $0x2800;
	[sflag:s21] =	ssyncadd.s32 $0xFFFFE000  }
0x2d: {  	[spmem:s2] =	stream.indirect.scatter.add.f32 [tilespmem:s16], [sflag:$0x2], $0x40, s19, s14, $0xb8;
	[tilespmem:$0x16F00] =	vst v63  }
0x2e: {  	_ =	swait.ge [sflag:s23], $0x2000  }
0x2f: {  	[sflag:s23] =	ssyncset.done $0x0  }
0x30: {  	[sflag:s23] =	ssyncadd.s32 $0xFFFFE000  }
0x31: {  	_ =	swait.ge [sflag:s23], $0x2000  }
0x32: {  	[sflag:s23] =	ssyncset.done $0x0  }
0x33: {  	[sflag:s23] =	ssyncadd.s32 $0xFFFFE000  }
0x34: {  	[tilespmem:s15], [sflag:$0x1] =	stream.indirect.gather [hbm4b:s4+s14], $0x40, s24, s14, $0xb8;
	[tilespmem:$0x16F00] =	vst v63  }
0x35: {  	_ = 	snop  }
0x36: {  	[tilespmem:s16], [sflag:$0x1] =	stream.indirect.gather [hbm4b:s4+s14], $0x40, s25, s14, $0xb8;
	[tilespmem:$0x16F00] =	vst v63  }
0x37: {  	_ =	swait.ge [sflag:s21], $0x2000  }
0x38: {  	[sflag:s21] =	ssyncset.done $0x0  }
0x39: {  	[sflag:s21] =	ssyncadd.s32 $0xFFFFE000  }
0x3a: {  	[spmem:s2] =	stream.indirect.scatter.add.f32 [tilespmem:s18], [sflag:$0x2], $0x40, s26, s14, $0xb8;
	[tilespmem:$0x16F00] =	vst v63  }
0x3b: {  	_ =	swait.ge [sflag:s21], $0x2000  }
0x3c: {  	[sflag:s21] =	ssyncset.done $0x0  }
0x3d: {  	[sflag:s21] =	ssyncadd.s32 $0xFFFFE000  }
0x3e: {  	[spmem:s2] =	stream.indirect.scatter.add.f32 [tilespmem:s20], [sflag:$0x2], $0x40, s28, s14, $0xb8;
	[tilespmem:$0x16F00] =	vst v63  }
0x3f: {  	_ =	swait.ge [sflag:s23], $0x2000  }
0x40: {  	[sflag:s23] =	ssyncset.done $0x0  }
0x41: {  	[sflag:s23] =	ssyncadd.s32 $0xFFFFE000  }
0x42: {  	_ =	swait.ge [sflag:s23], $0x2000  }
0x43: {  	[sflag:s23] =	ssyncset.done $0x0  }
0x44: {  	s22 =	simm.s32 $0x300;
	[sflag:s23] =	ssyncadd.s32 $0xFFFFE000  }
0x45: {  	[tilespmem:s18], [sflag:$0x1] =	stream.indirect.gather [hbm4b:s4+s14], $0x40, s22, s14, $0xb8;
	[tilespmem:$0x16F00] =	vst v63  }
0x46: {  	s19 =	simm.s32 $0x380  }
0x47: {  	[tilespmem:s20], [sflag:$0x1] =	stream.indirect.gather [hbm4b:s4+s14], $0x40, s19, s14, $0xb8;
	[tilespmem:$0x16F00] =	vst v63  }
0x48: {  	_ =	swait.ge [sflag:s21], $0x2000  }
0x49: {  	[sflag:s21] =	ssyncset.done $0x0  }
0x4a: {  	s22 =	simm.s32 $0x2980;
	[sflag:s21] =	ssyncadd.s32 $0xFFFFE000  }
0x4b: {  	[spmem:s2] =	stream.indirect.scatter.add.f32 [tilespmem:s15], [sflag:$0x2], $0x40, s22, s14, $0xb8;
	[tilespmem:$0x16F00] =	vst v63  }
0x4c: {  	_ =	swait.ge [sflag:s21], $0x2000  }
0x4d: {  	[sflag:s21] =	ssyncset.done $0x0  }
0x4e: {  	s19 =	simm.s32 $0x2A00;
	[sflag:s21] =	ssyncadd.s32 $0xFFFFE000  }
0x4f: {  	[spmem:s2] =	stream.indirect.scatter.add.f32 [tilespmem:s16], [sflag:$0x2], $0x40, s19, s14, $0xb8;
	[tilespmem:$0x16F00] =	vst v63  }
0x50: {  	_ =	swait.ge [sflag:s23], $0x2000  }
0x51: {  	[sflag:s23] =	ssyncset.done $0x0  }
0x52: {  	[sflag:s23] =	ssyncadd.s32 $0xFFFFE000  }
0x53: {  	_ =	swait.ge [sflag:s23], $0x2000  }
0x54: {  	[sflag:s23] =	ssyncset.done $0x0  }
0x55: {  	s22 =	simm.s32 $0x400;
	[sflag:s23] =	ssyncadd.s32 $0xFFFFE000  }
0x56: {  	[tilespmem:s15], [sflag:$0x1] =	stream.indirect.gather [hbm4b:s4+s14], $0x40, s22, s14, $0xb8;
	[tilespmem:$0x16F00] =	vst v63  }
0x57: {  	s19 =	simm.s32 $0x480  }
0x58: {  	[tilespmem:s16], [sflag:$0x1] =	stream.indirect.gather [hbm4b:s4+s14], $0x40, s19, s14, $0xb8;
	[tilespmem:$0x16F00] =	vst v63  }
0x59: {  	_ =	swait.ge [sflag:s21], $0x2000  }
0x5a: {  	[sflag:s21] =	ssyncset.done $0x0  }
0x5b: {  	s22 =	simm.s32 $0x2A80;
	[sflag:s21] =	ssyncadd.s32 $0xFFFFE000  }
0x5c: {  	[spmem:s2] =	stream.indirect.scatter.add.f32 [tilespmem:s18], [sflag:$0x2], $0x40, s22, s14, $0xb8;
	[tilespmem:$0x16F00] =	vst v63  }
0x5d: {  	_ =	swait.ge [sflag:s21], $0x2000  }
0x5e: {  	[sflag:s21] =	ssyncset.done $0x0  }
0x5f: {  	s17 =	simm.s32 $0x800;
	s19 =	simm.s32 $0x2B00;
	[sflag:s21] =	ssyncadd.s32 $0xFFFFE000  }
.LBB2_2:
0x60: {  	[spmem:s2] =	stream.indirect.scatter.add.f32 [tilespmem:s20], [sflag:$0x2], $0x40, s19, s14, $0xb8;
	[tilespmem:$0x16F00] =	vst v63  }
0x61: {  	s19 =	smov.u32 s17  }
0x62: {  	p0 =	sne.s32 s17, $0x8800;
	s17 =	sadd.s32 $0x800, s17;
	_ =	swait.ge [sflag:s23], $0x2000  }
0x63: {  	[sflag:s23] =	ssyncset.done $0x0  }
0x64: {  	[sflag:s23] =	ssyncadd.s32 $0xFFFFE000  }
0x65: {  	_ =	swait.ge [sflag:s23], $0x2000  }
0x66: {  	s19 =	sshra.s32 s19, $0x2;
	[sflag:s23] =	ssyncset.done $0x0  }
0x67: {  	s22 =	sadd.s32 $0x300, s19;
	[sflag:s23] =	ssyncadd.s32 $0xFFFFE000  }
0x68: {  	[tilespmem:s18], [sflag:$0x1] =	stream.indirect.gather [hbm4b:s4+s14], $0x40, s22, s14, $0xb8;
	[tilespmem:$0x16F00] =	vst v63  }
0x69: {  	s22 =	sadd.s32 $0x380, s19  }
0x6a: {  	[tilespmem:s20], [sflag:$0x1] =	stream.indirect.gather [hbm4b:s4+s14], $0x40, s22, s14, $0xb8;
	[tilespmem:$0x16F00] =	vst v63  }
0x6b: {  	_ =	swait.ge [sflag:s21], $0x2000  }
0x6c: {  	[sflag:s21] =	ssyncset.done $0x0  }
0x6d: {  	s22 =	sadd.s32 $0x2980, s19;
	[sflag:s21] =	ssyncadd.s32 $0xFFFFE000  }
0x6e: {  	[spmem:s2] =	stream.indirect.scatter.add.f32 [tilespmem:s15], [sflag:$0x2], $0x40, s22, s14, $0xb8;
	[tilespmem:$0x16F00] =	vst v63  }
0x6f: {  	_ =	swait.ge [sflag:s21], $0x2000  }
0x70: {  	[sflag:s21] =	ssyncset.done $0x0  }
0x71: {  	s22 =	sadd.s32 $0x2A00, s19;
	[sflag:s21] =	ssyncadd.s32 $0xFFFFE000  }
0x72: {  	[spmem:s2] =	stream.indirect.scatter.add.f32 [tilespmem:s16], [sflag:$0x2], $0x40, s22, s14, $0xb8;
	[tilespmem:$0x16F00] =	vst v63  }
0x73: {  	_ =	swait.ge [sflag:s23], $0x2000  }
0x74: {  	[sflag:s23] =	ssyncset.done $0x0  }
0x75: {  	[sflag:s23] =	ssyncadd.s32 $0xFFFFE000  }
0x76: {  	_ =	swait.ge [sflag:s23], $0x2000  }
0x77: {  	[sflag:s23] =	ssyncset.done $0x0  }
0x78: {  	s22 =	sadd.s32 $0x400, s19;
	[sflag:s23] =	ssyncadd.s32 $0xFFFFE000  }
0x79: {  	[tilespmem:s15], [sflag:$0x1] =	stream.indirect.gather [hbm4b:s4+s14], $0x40, s22, s14, $0xb8;
	[tilespmem:$0x16F00] =	vst v63  }
0x7a: {  	s22 =	sadd.s32 $0x480, s19  }
0x7b: {  	[tilespmem:s16], [sflag:$0x1] =	stream.indirect.gather [hbm4b:s4+s14], $0x40, s22, s14, $0xb8;
	[tilespmem:$0x16F00] =	vst v63  }
0x7c: {  	_ =	swait.ge [sflag:s21], $0x2000  }
0x7d: {  	[sflag:s21] =	ssyncset.done $0x0  }
.Ltmp0:
0x7e: {  	s22 =	sadd.s32 $0x2A80, s19;
	[sflag:s21] =	ssyncadd.s32 $0xFFFFE000;
	(pc) =	sbr.rel @p0 .LBB2_2-.Ltmp0, $4  }
0x7f: {  	[spmem:s2] =	stream.indirect.scatter.add.f32 [tilespmem:s18], [sflag:$0x2], $0x40, s22, s14, $0xb8;
	[tilespmem:$0x16F00] =	vst v63  }
0x80: {  	_ =	swait.ge [sflag:s21], $0x2000  }
0x81: {  	[sflag:s21] =	ssyncset.done $0x0  }
0x82: {  	s19 =	sadd.s32 $0x2B00, s19;
	[sflag:s21] =	ssyncadd.s32 $0xFFFFE000  }
0x83: {  	[spmem:s2] =	stream.indirect.scatter.add.f32 [tilespmem:s20], [sflag:$0x2], $0x40, s19, s14, $0xb8;
	[tilespmem:$0x16F00] =	vst v63  }
0x84: {  	_ =	swait.ge [sflag:s23], $0x2000  }
0x85: {  	[sflag:s23] =	ssyncset.done $0x0  }
0x86: {  	[sflag:s23] =	ssyncadd.s32 $0xFFFFE000  }
0x87: {  	_ =	swait.ge [sflag:s23], $0x2000  }
0x88: {  	[sflag:s23] =	ssyncset.done $0x0  }
0x89: {  	[sflag:s23] =	ssyncadd.s32 $0xFFFFE000  }
0x8a: {  	[tilespmem:s18], [sflag:$0x1] =	stream.indirect.gather [hbm4b:s4+s14], $0x40, s29, s14, $0xb8;
	[tilespmem:$0x16F00] =	vst v63  }
0x8b: {  	_ =	swait.ge [sflag:s21], $0x2000  }
0x8c: {  	[sflag:s21] =	ssyncset.done $0x0  }
0x8d: {  	[sflag:s21] =	ssyncadd.s32 $0xFFFFE000  }
0x8e: {  	[spmem:s2] =	stream.indirect.scatter.add.f32 [tilespmem:s15], [sflag:$0x2], $0x40, s30, s14, $0xb8;
	[tilespmem:$0x16F00] =	vst v63  }
0x8f: {  	_ =	swait.ge [sflag:s21], $0x2000  }
0x90: {  	[sflag:s21] =	ssyncset.done $0x0  }
0x91: {  	[sflag:s21] =	ssyncadd.s32 $0xFFFFE000  }
0x92: {  	[spmem:s2] =	stream.indirect.scatter.add.f32 [tilespmem:s16], [sflag:$0x2], $0x40, s31, s14, $0xb8;
	[tilespmem:$0x16F00] =	vst v63  }
0x93: {  	_ =	swait.ge [sflag:s23], $0x2000  }
0x94: {  	[sflag:s23] =	ssyncset.done $0x0  }
0x95: {  	[sflag:s23] =	ssyncadd.s32 $0xFFFFE000  }
0x96: {  	_ =	swait.ge [sflag:s23], $0x2000  }
0x97: {  	[sflag:s23] =	ssyncset.done $0x0  }
0x98: {  	[sflag:s23] =	ssyncadd.s32 $0xFFFFE000  }
0x99: {  	_ =	swait.ge [sflag:s21], $0x2000  }
0x9a: {  	[sflag:s21] =	ssyncset.done $0x0  }
0x9b: {  	[sflag:s21] =	ssyncadd.s32 $0xFFFFE000  }
0x9c: {  	[spmem:s2] =	stream.indirect.scatter.add.f32 [tilespmem:s18], [sflag:$0x2], $0x40, s1, s14, $0xb8;
	[tilespmem:$0x16F00] =	vst v63  }
0x9d: {  	_ =	swait.ge [sflag:s23], $0x2000  }
0x9e: {  	s0 =	sadd.s32 $0x1, s0;
	[sflag:s23] =	ssyncset.done $0x0  }
0x9f: {  	p0 =	sne.s32 s0, s10;
	[sflag:s23] =	ssyncadd.s32 $0xFFFFE000  }
.Ltmp1:
0xa0: {  	[bflag:$0x0] =	sbarrier.arrive $0xFFFF;
	(pc) =	sbr.rel @p0 .LBB2_1-.Ltmp1, $4  }
0xa1: {  	[hbm:s9], [sflag:s6] =	dma.local [spmem:s11], $0x1400  }
0xa2: {  	_ =	swait.ge [sflag:s12], $0x1400  }
0xa3: {  	[sflag:s12] =	ssyncset.done $0x0  }
0xa4: {  	[sflag:s12] =	ssyncadd.s32 $0xFFFFEC00  }
0xa5: {  	_ =	sfence.sel $0x180000  }
0xa6: {  	[bflag:$0x0] =	sbarrier.arrive $0xFFFF  }
0xa7: {  	_ =	strace $0x90000050  }
0xa8: {  	s0 =	stileid.u32;
	[bflag:$0x2] =	sbarrier.arrive $0xFFFF  }
0xa9: {  	p0 =	sne.s32 s0, $0x0;
	s0 =	rddreg [dreg:$0x2]  }
0xaa: {  	s0 =	sadd.s32 @!p0 $0x100000, s0  }
0xab: {  	[sflag:s0] =	ssyncadd.tile.s32 @!p0 $0x1;
	_ =	shalt  }
.Lfunc_end2:
_tile_overlayer_lowered:
.L_overlay_start_2:
0xac: {  	(tag) =	ssettag $0x2  }
0xad: {  	s0 =	rddreg [dreg:$0x0];
	s2 =	stileid.u32  }
0xae: {  	s1 =	rddreg [dreg:$0x1];
	p0 =	sne.s32 s2, $0x0  }
0xaf: {  	s3 =	rddreg [dreg:$0x2];
	[bflag:$0x3] =	sbarrier.arrive $0xFFFF;
	s2 =	simm.s32 @!p0 $0x1C03  }
0xb0: {  	[timem:s3], [sflag:s2] =	dma.local @!p0 [hbm:s0], s1  }
0xb1: {  	s0 =	simm.s32 @!p0 $0x3  }
0xb2: {  	_ =	swait.ge @!p0 [sflag:s0], s1  }
0xb3: {  	s1 =	ssub.s32 @!p0 $0x0, s1;
	[sflag:s0] =	ssyncset.done @!p0 $0x0  }
0xb4: {  	[sflag:s0] =	ssyncadd.s32 @!p0 s1  }
0xb5: {  	[bflag:$0x3] =	sbarrier.arrive $0xFFFF  }
0xb6: {  	_ =	shalt  }

</sc_bundles>
